<compile_context>
chip_gen: v7x
topology: tpu7x:2x2x1
jax: 0.10.2.dev20260603
libtpu: 0.0.44.dev20260713+nightly
codegen_flags: <defaults>
</compile_context>

<pallas_src>
import functools

import jax
import jax.numpy as jnp
from jax import lax
from jax.experimental import pallas as pl
from jax.experimental.pallas import tpu as pltpu
from jax.experimental.pallas import tpu_sc as plsc

N = 10000
E = 320000
S = 4
EXT = 32
D = S * EXT

NC = 2
NS = 16
NW = NC * NS
EPW = E // NW

CHUNK = 80
NCHUNK = EPW // CHUNK
RING = 2
IRING = 4
UNROLL = 4
NGRP = (NCHUNK + UNROLL - 1) // UNROLL
BROWS = 80
NBLK = N // BROWS


def _sc_body(x_hbm, ef_hbm, src_hbm, dst_hbm, partial_hbm,
             src_v, dst_v, ef_v, xg_v, acc_sh, sem_idx, sem_ld, sem_g, sem_sc):
    c = lax.axis_index("c")
    s = lax.axis_index("s")
    wid = c * NS + s
    ebase = wid * EPW

    def issue_idx(t, bi):
        pltpu.async_copy(src_hbm.at[pl.ds(ebase + t * CHUNK, CHUNK)],
                         src_v.at[bi], sem_idx.at[bi])
        pltpu.async_copy(dst_hbm.at[pl.ds(ebase + t * CHUNK, CHUNK)],
                         dst_v.at[bi], sem_idx.at[bi])

    def wait_idx(t, bi):
        pltpu.make_async_copy(src_hbm.at[pl.ds(ebase + t * CHUNK, CHUNK)],
                              src_v.at[bi], sem_idx.at[bi]).wait()
        pltpu.make_async_copy(dst_hbm.at[pl.ds(ebase + t * CHUNK, CHUNK)],
                              dst_v.at[bi], sem_idx.at[bi]).wait()

    def issue(t, b, bi):
        pltpu.async_copy(ef_hbm.at[pl.ds(ebase + t * CHUNK, CHUNK)],
                         ef_v.at[b], sem_ld.at[b])
        pltpu.async_copy(x_hbm.at[src_v.at[bi]], xg_v.at[b], sem_g.at[b])

    def drain(t, b, bi):
        pltpu.make_async_copy(ef_hbm.at[pl.ds(ebase + t * CHUNK, CHUNK)],
                              ef_v.at[b], sem_ld.at[b]).wait()
        pltpu.make_async_copy(x_hbm.at[src_v.at[bi]], xg_v.at[b],
                              sem_g.at[b]).wait()

    def issue_sc(b, bi):
        pltpu.async_copy(ef_v.at[b], acc_sh.at[dst_v.at[bi]],
                         sem_sc.at[b], add=True)

    def wait_sc(b, bi):
        pltpu.make_async_copy(ef_v.at[b], acc_sh.at[dst_v.at[bi]],
                              sem_sc.at[b]).wait()

    for tp in range(2):
        issue_idx(tp, tp)
    wait_idx(0, 0)
    issue(0, 0, 0)

    def zero_row(r, _):
        zv = jnp.zeros((16,), jnp.float32)
        for h in range(D // 16):
            xg_v[1, r, pl.ds(h * 16, 16)] = zv
        return _
    lax.fori_loop(0, CHUNK, zero_row, None)
    nblk_mine = (NBLK - s + NS - 1) // NS

    def zero_blk(tz, _):
        off = (s + tz * NS) * BROWS
        pltpu.sync_copy(xg_v.at[1], acc_sh.at[pl.ds(off, BROWS)])
        return _
    lax.fori_loop(0, nblk_mine, zero_blk, None)
    plsc.subcore_barrier()

    def edge_body_for(b):
        def edge_body(e, _):
            xs = [[xg_v[b, e, pl.ds(i * EXT + h * 16, 16)] for h in range(2)]
                  for i in range(S)]
            es = [[ef_v[b, e, pl.ds(j * EXT + h * 16, 16)] for h in range(2)]
                  for j in range(S)]
            conv = [[None, None] for _ in range(2 * S - 1)]
            for i in range(S):
                for j in range(S):
                    sm = i + j
                    for h in range(2):
                        p = xs[i][h] * es[j][h]
                        conv[sm][h] = p if conv[sm][h] is None else conv[sm][h] + p
            msg = [None] * (2 * S)
            for k in range(S):
                for h in range(2):
                    a = (1.0 / (1.0 + k)) * conv[k][h]
                    if k + S <= 2 * S - 2:
                        a = a + (1.0 / (1.0 + k + S)) * conv[k + S][h]
                    msg[2 * k + h] = a
            for k in range(S):
                for h in range(2):
                    ef_v[b, e, pl.ds(k * EXT + h * 16, 16)] = msg[2 * k + h]
            return _
        return edge_body

    def group(g, _):
        for u in range(UNROLL):
            t = g * UNROLL + u

            @pl.when(t + 2 < NCHUNK)
            def _issue_idx():
                issue_idx(t + 2, (u + 2) % IRING)

            @pl.when((t >= 1) & (t - 1 < NCHUNK))
            def _wait_sc():
                wait_sc((u - 1) % RING, (u - 1) % IRING)

            @pl.when(t + 1 < NCHUNK)
            def _issue():
                wait_idx(t + 1, (u + 1) % IRING)
                issue(t + 1, (u + 1) % RING, (u + 1) % IRING)

            @pl.when(t < NCHUNK)
            def _work():
                drain(t, u % RING, u % IRING)
                body = edge_body_for(u % RING)

                @plsc.parallel_loop(0, CHUNK, step=1, unroll=2)
                def _edges(e):
                    body(e, None)
                issue_sc(u % RING, u % IRING)
        return _
    lax.fori_loop(0, NGRP, group, None)

    plsc.subcore_barrier()

    def dump_blk(t, _):
        off = (s + t * NS) * BROWS
        pltpu.async_copy(acc_sh.at[pl.ds(off, BROWS)],
                         partial_hbm.at[c, pl.ds(off, BROWS)], sem_idx.at[0])
        return _
    lax.fori_loop(0, nblk_mine, dump_blk, None)

    def dump_wait(t, _):
        off = (s + t * NS) * BROWS
        pltpu.make_async_copy(acc_sh.at[pl.ds(off, BROWS)],
                              partial_hbm.at[c, pl.ds(off, BROWS)],
                              sem_idx.at[0]).wait()
        return _
    lax.fori_loop(0, nblk_mine, dump_wait, None)


def _combine_kernel(p_ref, o_ref):
    o_ref[...] = p_ref[0] + p_ref[1]


@jax.jit
def kernel(x, edge_feat, src_idx, dst_idx, output_shape0):
    mesh = plsc.VectorSubcoreMesh(core_axis_name="c", subcore_axis_name="s")
    sc = functools.partial(
        pl.kernel,
        mesh=mesh,
        out_type=jax.ShapeDtypeStruct((NC, N, D), jnp.float32),
        scratch_types=[
            pltpu.VMEM((IRING, CHUNK), jnp.int32),
            pltpu.VMEM((IRING, CHUNK), jnp.int32),
            pltpu.VMEM((RING, CHUNK, D), jnp.float32),
            pltpu.VMEM((RING, CHUNK, D), jnp.float32),
            pltpu.VMEM_SHARED((N, D), jnp.float32),
            pltpu.SemaphoreType.DMA((IRING,)),
            pltpu.SemaphoreType.DMA((RING,)),
            pltpu.SemaphoreType.DMA((RING,)),
            pltpu.SemaphoreType.DMA((RING,)),
        ],
    )(_sc_body)
    partial = sc(x, edge_feat,
                 src_idx.astype(jnp.int32), dst_idx.astype(jnp.int32))

    rows = 1000
    out = pl.pallas_call(
        _combine_kernel,
        out_shape=jax.ShapeDtypeStruct((N, D), jnp.float32),
        grid=(N // rows,),
        in_specs=[pl.BlockSpec((NC, rows, D), lambda i: (0, i, 0))],
        out_specs=pl.BlockSpec((rows, D), lambda i: (i, 0)),
    )(partial)
    return out

# --- scband reference (transcript-rebuilt; emitter-appended) ---
"""Pipeline reference for scband-segmented-polynomial-from-uniform1d-jit-49031346651202 (READ-ONLY COPY).

The authoritative reference and input builder live on the scoring server;
editing this copy changes nothing except your own understanding.
"""

import jax, jax.numpy as jnp
import numpy as np

N = 10000      # nodes
E = 320000     # edges
S = 4          # segments per operand (uniform)
EXT = 32       # operand extent (segment shape)

# Deterministic path table of the segmented polynomial:
# for each path (i, j, k, c): out[:, k, :] += c * in0[:, i, :] * in1[:, j, :]
PATHS = [(i, j, (i + j) % S, 1.0 / (1.0 + i + j)) for i in range(S) for j in range(S)]


def setup_inputs(seed: int = 0) -> dict:
    key = jax.random.key(seed)
    k1, k2, k3, k4 = jax.random.split(key, 4)
    x = jax.random.normal(k1, (N, S * EXT), dtype=jnp.float32)
    edge_feat = jax.random.normal(k2, (E, S * EXT), dtype=jnp.float32)
    src_idx = jax.random.randint(k3, (E,), 0, N)
    dst_idx = jax.random.randint(k4, (E,), 0, N)
    output_shape0 = jnp.zeros((N,), dtype=jnp.int32)  # only .shape[0] is used
    return {"x": x, "edge_feat": edge_feat, "src_idx": src_idx,
            "dst_idx": dst_idx, "output_shape0": output_shape0}


def reference(x, edge_feat, src_idx, dst_idx, output_shape0):
    # BATCH_DIM_INDEXED on input 0: gather node features per edge
    num_out = output_shape0.shape[0]
    e = edge_feat.shape[0]
    xg = jnp.take(x, src_idx, axis=0).reshape(e, S, EXT).astype(jnp.float32)
    ef = edge_feat.reshape(e, S, EXT).astype(jnp.float32)
    # uniform-1d segmented tensor product: accumulate paths in math dtype
    msg = jnp.zeros((e, S, EXT), dtype=jnp.float32)
    for (i, j, k, c) in PATHS:
        msg = msg.at[:, k, :].add(c * xg[:, i, :] * ef[:, j, :])
    # BATCH_DIM_INDEXED on output 0: scatter-add messages into node buffer
    out = jnp.zeros((num_out, S, EXT), dtype=jnp.float32).at[dst_idx].add(msg)
    return out.reshape(num_out, S * EXT)

if __name__ == "__main__":
    import jax
    _d = setup_inputs()
    print(jax.jit(kernel)(*tuple(_d.values())))

</pallas_src>

<mosaic_0001>
#map = affine_map<(d0, d1) -> (0, 0)>
#map1 = affine_map<(d0, d1) -> (0)>
#map2 = affine_map<(d0, d1) -> (0, 0, 0)>
module attributes {stable_mosaic.version = 14 : i64} {
  func.func @_sc_body(%arg0: i32, %arg1: i32, %arg2: memref<10000x128xf32, #tpu.memory_space<hbm>>, %arg3: memref<320000x128xf32, #tpu.memory_space<hbm>>, %arg4: memref<320000xi32, #tpu.memory_space<hbm>>, %arg5: memref<320000xi32, #tpu.memory_space<hbm>>, %arg6: memref<2x10000x128xf32, #tpu.memory_space<hbm>>, %arg7: memref<4x80xi32, #tpu.memory_space<vmem>>, %arg8: memref<4x80xi32, #tpu.memory_space<vmem>>, %arg9: memref<2x80x128xf32, #tpu.memory_space<vmem>>, %arg10: memref<2x80x128xf32, #tpu.memory_space<vmem>>, %arg11: memref<10000x128xf32, #tpu.memory_space<vmem_shared>>, %arg12: memref<4x!tpu.dma_semaphore, #tpu.memory_space<semaphore_mem>>, %arg13: memref<2x!tpu.dma_semaphore, #tpu.memory_space<semaphore_mem>>, %arg14: memref<2x!tpu.dma_semaphore, #tpu.memory_space<semaphore_mem>>, %arg15: memref<2x!tpu.dma_semaphore, #tpu.memory_space<semaphore_mem>>) attributes {dimension_semantics = [#tpu.dimension_semantics<core_parallel>, #tpu.dimension_semantics<subcore_parallel>], iteration_bounds = array<i64: 2, 16>, scalar_prefetch = 0 : i64, scratch_operands = 9 : i64, tpu.core_type = #tpu.core_type<sc_vector_subcore>, window_params = [{transform_indices = #map}, {transform_indices = #map}, {transform_indices = #map1}, {transform_indices = #map1}, {transform_indices = #map2}]} {
    %mul3A = arith.constant 16 : i32
    %mul3A_0 = arith.muli %arg0, %mul3A : i32
    %add3A = arith.addi %mul3A_0, %arg1 : i32
    %mul3A_1 = arith.constant 10000 : i32
    %mul3A_2 = arith.muli %add3A, %mul3A_1 : i32
    %add3A_3 = arith.constant 0 : i32
    %add3A_4 = arith.addi %mul3A_2, %add3A_3 : i32
    %dma_start3A = arith.constant 0 : i32
    %dma_start3A_5 = arith.constant 0 : i32
    %dma_start3A_6 = arith.constant 0 : i32
    %dma_start3A_7 = tpu.memref_slice %arg7[%dma_start3A, %dma_start3A_6] : memref<4x80xi32, #tpu.memory_space<vmem>> -> memref<1x80xi32, #tpu.memory_space<vmem>>
    %dma_start3A_8 = tpu.memref_squeeze %dma_start3A_7 : memref<1x80xi32, #tpu.memory_space<vmem>> -> memref<80xi32, #tpu.memory_space<vmem>>
    %dma_start3A_9 = tpu.memref_slice %arg4[%add3A_4] : memref<320000xi32, #tpu.memory_space<hbm>> -> memref<80xi32, #tpu.memory_space<hbm>>
    %dma_start3A_10 = tpu.memref_slice %arg12[%dma_start3A_5] : memref<4x!tpu.dma_semaphore, #tpu.memory_space<semaphore_mem>> -> memref<1x!tpu.dma_semaphore, #tpu.memory_space<semaphore_mem>>
    %dma_start3A_11 = tpu.memref_squeeze %dma_start3A_10 : memref<1x!tpu.dma_semaphore, #tpu.memory_space<semaphore_mem>> -> memref<!tpu.dma_semaphore, #tpu.memory_space<semaphore_mem>>
    %dma_start3A_12 = arith.constant 0 : i32
    %dma_start3A_13 = tpu.memref_slice %arg7[%dma_start3A, %dma_start3A_12] : memref<4x80xi32, #tpu.memory_space<vmem>> -> memref<1x80xi32, #tpu.memory_space<vmem>>
    %dma_start3A_14 = tpu.memref_squeeze %dma_start3A_13 : memref<1x80xi32, #tpu.memory_space<vmem>> -> memref<80xi32, #tpu.memory_space<vmem>>
    %dma_start3A_15 = tpu.memref_slice %arg4[%add3A_4] : memref<320000xi32, #tpu.memory_space<hbm>> -> memref<80xi32, #tpu.memory_space<hbm>>
    tpu.enqueue_dma source(%dma_start3A_15 : memref<80xi32, #tpu.memory_space<hbm>>) target(%dma_start3A_14 : memref<80xi32, #tpu.memory_space<vmem>>) target_semaphore(%dma_start3A_11 : memref<!tpu.dma_semaphore, #tpu.memory_space<semaphore_mem>>)
    %add3A_16 = arith.constant 0 : i32
    %add3A_17 = arith.addi %mul3A_2, %add3A_16 : i32
    %dma_start3A_18 = arith.constant 0 : i32
    %dma_start3A_19 = arith.constant 0 : i32
    %dma_start3A_20 = arith.constant 0 : i32
    %dma_start3A_21 = tpu.memref_slice %arg8[%dma_start3A_18, %dma_start3A_20] : memref<4x80xi32, #tpu.memory_space<vmem>> -> memref<1x80xi32, #tpu.memory_space<vmem>>
    %dma_start3A_22 = tpu.memref_squeeze %dma_start3A_21 : memref<1x80xi32, #tpu.memory_space<vmem>> -> memref<80xi32, #tpu.memory_space<vmem>>
    %dma_start3A_23 = tpu.memref_slice %arg5[%add3A_17] : memref<320000xi32, #tpu.memory_space<hbm>> -> memref<80xi32, #tpu.memory_space<hbm>>
    %dma_start3A_24 = tpu.memref_slice %arg12[%dma_start3A_19] : memref<4x!tpu.dma_semaphore, #tpu.memory_space<semaphore_mem>> -> memref<1x!tpu.dma_semaphore, #tpu.memory_space<semaphore_mem>>
    %dma_start3A_25 = tpu.memref_squeeze %dma_start3A_24 : memref<1x!tpu.dma_semaphore, #tpu.memory_space<semaphore_mem>> -> memref<!tpu.dma_semaphore, #tpu.memory_space<semaphore_mem>>
    %dma_start3A_26 = arith.constant 0 : i32
    %dma_start3A_27 = tpu.memref_slice %arg8[%dma_start3A_18, %dma_start3A_26] : memref<4x80xi32, #tpu.memory_space<vmem>> -> memref<1x80xi32, #tpu.memory_space<vmem>>
    %dma_start3A_28 = tpu.memref_squeeze %dma_start3A_27 : memref<1x80xi32, #tpu.memory_space<vmem>> -> memref<80xi32, #tpu.memory_space<vmem>>
    %dma_start3A_29 = tpu.memref_slice %arg5[%add3A_17] : memref<320000xi32, #tpu.memory_space<hbm>> -> memref<80xi32, #tpu.memory_space<hbm>>
    tpu.enqueue_dma source(%dma_start3A_29 : memref<80xi32, #tpu.memory_space<hbm>>) target(%dma_start3A_28 : memref<80xi32, #tpu.memory_space<vmem>>) target_semaphore(%dma_start3A_25 : memref<!tpu.dma_semaphore, #tpu.memory_space<semaphore_mem>>)
    %add3A_30 = arith.constant 80 : i32
    %add3A_31 = arith.addi %mul3A_2, %add3A_30 : i32
    %dma_start3A_32 = arith.constant 1 : i32
    %dma_start3A_33 = arith.constant 1 : i32
    %dma_start3A_34 = arith.constant 0 : i32
    %dma_start3A_35 = tpu.memref_slice %arg7[%dma_start3A_32, %dma_start3A_34] : memref<4x80xi32, #tpu.memory_space<vmem>> -> memref<1x80xi32, #tpu.memory_space<vmem>>
    %dma_start3A_36 = tpu.memref_squeeze %dma_start3A_35 : memref<1x80xi32, #tpu.memory_space<vmem>> -> memref<80xi32, #tpu.memory_space<vmem>>
    %dma_start3A_37 = tpu.memref_slice %arg4[%add3A_31] : memref<320000xi32, #tpu.memory_space<hbm>> -> memref<80xi32, #tpu.memory_space<hbm>>
    %dma_start3A_38 = tpu.memref_slice %arg12[%dma_start3A_33] : memref<4x!tpu.dma_semaphore, #tpu.memory_space<semaphore_mem>> -> memref<1x!tpu.dma_semaphore, #tpu.memory_space<semaphore_mem>>
    %dma_start3A_39 = tpu.memref_squeeze %dma_start3A_38 : memref<1x!tpu.dma_semaphore, #tpu.memory_space<semaphore_mem>> -> memref<!tpu.dma_semaphore, #tpu.memory_space<semaphore_mem>>
    %dma_start3A_40 = arith.constant 0 : i32
    %dma_start3A_41 = tpu.memref_slice %arg7[%dma_start3A_32, %dma_start3A_40] : memref<4x80xi32, #tpu.memory_space<vmem>> -> memref<1x80xi32, #tpu.memory_space<vmem>>
    %dma_start3A_42 = tpu.memref_squeeze %dma_start3A_41 : memref<1x80xi32, #tpu.memory_space<vmem>> -> memref<80xi32, #tpu.memory_space<vmem>>
    %dma_start3A_43 = tpu.memref_slice %arg4[%add3A_31] : memref<320000xi32, #tpu.memory_space<hbm>> -> memref<80xi32, #tpu.memory_space<hbm>>
    tpu.enqueue_dma source(%dma_start3A_43 : memref<80xi32, #tpu.memory_space<hbm>>) target(%dma_start3A_42 : memref<80xi32, #tpu.memory_space<vmem>>) target_semaphore(%dma_start3A_39 : memref<!tpu.dma_semaphore, #tpu.memory_space<semaphore_mem>>)
    %add3A_44 = arith.constant 80 : i32
    %add3A_45 = arith.addi %mul3A_2, %add3A_44 : i32
    %dma_start3A_46 = arith.constant 1 : i32
    %dma_start3A_47 = arith.constant 1 : i32
    %dma_start3A_48 = arith.constant 0 : i32
    %dma_start3A_49 = tpu.memref_slice %arg8[%dma_start3A_46, %dma_start3A_48] : memref<4x80xi32, #tpu.memory_space<vmem>> -> memref<1x80xi32, #tpu.memory_space<vmem>>
    %dma_start3A_50 = tpu.memref_squeeze %dma_start3A_49 : memref<1x80xi32, #tpu.memory_space<vmem>> -> memref<80xi32, #tpu.memory_space<vmem>>
    %dma_start3A_51 = tpu.memref_slice %arg5[%add3A_45] : memref<320000xi32, #tpu.memory_space<hbm>> -> memref<80xi32, #tpu.memory_space<hbm>>
    %dma_start3A_52 = tpu.memref_slice %arg12[%dma_start3A_47] : memref<4x!tpu.dma_semaphore, #tpu.memory_space<semaphore_mem>> -> memref<1x!tpu.dma_semaphore, #tpu.memory_space<semaphore_mem>>
    %dma_start3A_53 = tpu.memref_squeeze %dma_start3A_52 : memref<1x!tpu.dma_semaphore, #tpu.memory_space<semaphore_mem>> -> memref<!tpu.dma_semaphore, #tpu.memory_space<semaphore_mem>>
    %dma_start3A_54 = arith.constant 0 : i32
    %dma_start3A_55 = tpu.memref_slice %arg8[%dma_start3A_46, %dma_start3A_54] : memref<4x80xi32, #tpu.memory_space<vmem>> -> memref<1x80xi32, #tpu.memory_space<vmem>>
    %dma_start3A_56 = tpu.memref_squeeze %dma_start3A_55 : memref<1x80xi32, #tpu.memory_space<vmem>> -> memref<80xi32, #tpu.memory_space<vmem>>
    %dma_start3A_57 = tpu.memref_slice %arg5[%add3A_45] : memref<320000xi32, #tpu.memory_space<hbm>> -> memref<80xi32, #tpu.memory_space<hbm>>
    tpu.enqueue_dma source(%dma_start3A_57 : memref<80xi32, #tpu.memory_space<hbm>>) target(%dma_start3A_56 : memref<80xi32, #tpu.memory_space<vmem>>) target_semaphore(%dma_start3A_53 : memref<!tpu.dma_semaphore, #tpu.memory_space<semaphore_mem>>)
    %add3A_58 = arith.constant 0 : i32
    %add3A_59 = arith.addi %mul3A_2, %add3A_58 : i32
    %dma_wait3A = arith.constant 0 : i32
    %dma_wait3A_60 = arith.constant 0 : i32
    %dma_wait3A_61 = arith.constant 0 : i32
    %dma_wait3A_62 = tpu.memref_slice %arg7[%dma_wait3A, %dma_wait3A_61] : memref<4x80xi32, #tpu.memory_space<vmem>> -> memref<1x80xi32, #tpu.memory_space<vmem>>
    %dma_wait3A_63 = tpu.memref_squeeze %dma_wait3A_62 : memref<1x80xi32, #tpu.memory_space<vmem>> -> memref<80xi32, #tpu.memory_space<vmem>>
    %dma_wait3A_64 = tpu.memref_slice %arg4[%add3A_59] : memref<320000xi32, #tpu.memory_space<hbm>> -> memref<80xi32, #tpu.memory_space<hbm>>
    %dma_wait3A_65 = tpu.memref_slice %arg12[%dma_wait3A_60] : memref<4x!tpu.dma_semaphore, #tpu.memory_space<semaphore_mem>> -> memref<1x!tpu.dma_semaphore, #tpu.memory_space<semaphore_mem>>
    %dma_wait3A_66 = tpu.memref_squeeze %dma_wait3A_65 : memref<1x!tpu.dma_semaphore, #tpu.memory_space<semaphore_mem>> -> memref<!tpu.dma_semaphore, #tpu.memory_space<semaphore_mem>>
    %dma_wait3A_67 = arith.constant 0 : i32
    %dma_wait3A_68 = tpu.memref_slice %arg7[%dma_wait3A, %dma_wait3A_67] : memref<4x80xi32, #tpu.memory_space<vmem>> -> memref<1x80xi32, #tpu.memory_space<vmem>>
    %dma_wait3A_69 = tpu.memref_squeeze %dma_wait3A_68 : memref<1x80xi32, #tpu.memory_space<vmem>> -> memref<80xi32, #tpu.memory_space<vmem>>
    %dma_wait3A_70 = tpu.memref_slice %arg4[%add3A_59] : memref<320000xi32, #tpu.memory_space<hbm>> -> memref<80xi32, #tpu.memory_space<hbm>>
    tpu.wait_dma2 semaphore(%dma_wait3A_66 : memref<!tpu.dma_semaphore, #tpu.memory_space<semaphore_mem>>) src(%dma_wait3A_70 : memref<80xi32, #tpu.memory_space<hbm>>) dst(%dma_wait3A_69 : memref<80xi32, #tpu.memory_space<vmem>>)
    %add3A_71 = arith.constant 0 : i32
    %add3A_72 = arith.addi %mul3A_2, %add3A_71 : i32
    %dma_wait3A_73 = arith.constant 0 : i32
    %dma_wait3A_74 = arith.constant 0 : i32
    %dma_wait3A_75 = arith.constant 0 : i32
    %dma_wait3A_76 = tpu.memref_slice %arg8[%dma_wait3A_73, %dma_wait3A_75] : memref<4x80xi32, #tpu.memory_space<vmem>> -> memref<1x80xi32, #tpu.memory_space<vmem>>
    %dma_wait3A_77 = tpu.memref_squeeze %dma_wait3A_76 : memref<1x80xi32, #tpu.memory_space<vmem>> -> memref<80xi32, #tpu.memory_space<vmem>>
    %dma_wait3A_78 = tpu.memref_slice %arg5[%add3A_72] : memref<320000xi32, #tpu.memory_space<hbm>> -> memref<80xi32, #tpu.memory_space<hbm>>
    %dma_wait3A_79 = tpu.memref_slice %arg12[%dma_wait3A_74] : memref<4x!tpu.dma_semaphore, #tpu.memory_space<semaphore_mem>> -> memref<1x!tpu.dma_semaphore, #tpu.memory_space<semaphore_mem>>
    %dma_wait3A_80 = tpu.memref_squeeze %dma_wait3A_79 : memref<1x!tpu.dma_semaphore, #tpu.memory_space<semaphore_mem>> -> memref<!tpu.dma_semaphore, #tpu.memory_space<semaphore_mem>>
    %dma_wait3A_81 = arith.constant 0 : i32
    %dma_wait3A_82 = tpu.memref_slice %arg8[%dma_wait3A_73, %dma_wait3A_81] : memref<4x80xi32, #tpu.memory_space<vmem>> -> memref<1x80xi32, #tpu.memory_space<vmem>>
    %dma_wait3A_83 = tpu.memref_squeeze %dma_wait3A_82 : memref<1x80xi32, #tpu.memory_space<vmem>> -> memref<80xi32, #tpu.memory_space<vmem>>
    %dma_wait3A_84 = tpu.memref_slice %arg5[%add3A_72] : memref<320000xi32, #tpu.memory_space<hbm>> -> memref<80xi32, #tpu.memory_space<hbm>>
    tpu.wait_dma2 semaphore(%dma_wait3A_80 : memref<!tpu.dma_semaphore, #tpu.memory_space<semaphore_mem>>) src(%dma_wait3A_84 : memref<80xi32, #tpu.memory_space<hbm>>) dst(%dma_wait3A_83 : memref<80xi32, #tpu.memory_space<vmem>>)
    %add3A_85 = arith.constant 0 : i32
    %add3A_86 = arith.addi %mul3A_2, %add3A_85 : i32
    %dma_start3A_87 = arith.constant 0 : i32
    %dma_start3A_88 = arith.constant 0 : i32
    %dma_start3A_89 = arith.constant 0 : i32
    %dma_start3A_90 = arith.constant 0 : i32
    %dma_start3A_91 = tpu.memref_slice %arg9[%dma_start3A_87, %dma_start3A_89, %dma_start3A_90] : memref<2x80x128xf32, #tpu.memory_space<vmem>> -> memref<1x80x128xf32, #tpu.memory_space<vmem>>
    %dma_start3A_92 = tpu.memref_squeeze %dma_start3A_91 : memref<1x80x128xf32, #tpu.memory_space<vmem>> -> memref<80x128xf32, #tpu.memory_space<vmem>>
    %dma_start3A_93 = arith.constant 0 : i32
    %dma_start3A_94 = tpu.memref_slice %arg3[%add3A_86, %dma_start3A_93] : memref<320000x128xf32, #tpu.memory_space<hbm>> -> memref<80x128xf32, #tpu.memory_space<hbm>>
    %dma_start3A_95 = tpu.memref_slice %arg13[%dma_start3A_88] : memref<2x!tpu.dma_semaphore, #tpu.memory_space<semaphore_mem>> -> memref<1x!tpu.dma_semaphore, #tpu.memory_space<semaphore_mem>>
    %dma_start3A_96 = tpu.memref_squeeze %dma_start3A_95 : memref<1x!tpu.dma_semaphore, #tpu.memory_space<semaphore_mem>> -> memref<!tpu.dma_semaphore, #tpu.memory_space<semaphore_mem>>
    %dma_start3A_97 = arith.constant 0 : i32
    %dma_start3A_98 = arith.constant 0 : i32
    %dma_start3A_99 = tpu.memref_slice %arg9[%dma_start3A_87, %dma_start3A_97, %dma_start3A_98] : memref<2x80x128xf32, #tpu.memory_space<vmem>> -> memref<1x80x128xf32, #tpu.memory_space<vmem>>
    %dma_start3A_100 = tpu.memref_squeeze %dma_start3A_99 : memref<1x80x128xf32, #tpu.memory_space<vmem>> -> memref<80x128xf32, #tpu.memory_space<vmem>>
    %dma_start3A_101 = arith.constant 0 : i32
    %dma_start3A_102 = tpu.memref_slice %arg3[%add3A_86, %dma_start3A_101] : memref<320000x128xf32, #tpu.memory_space<hbm>> -> memref<80x128xf32, #tpu.memory_space<hbm>>
    tpu.enqueue_dma source(%dma_start3A_102 : memref<80x128xf32, #tpu.memory_space<hbm>>) target(%dma_start3A_100 : memref<80x128xf32, #tpu.memory_space<vmem>>) target_semaphore(%dma_start3A_96 : memref<!tpu.dma_semaphore, #tpu.memory_space<semaphore_mem>>)
    %dma_start3A_103 = arith.constant 0 : i32
    %dma_start3A_104 = arith.constant 0 : i32
    %dma_start3A_105 = arith.constant 0 : i32
    %dma_start3A_106 = arith.constant 0 : i32
    %dma_start3A_107 = arith.constant 0 : i32
    %dma_start3A_108 = tpu.memref_slice %arg10[%dma_start3A_104, %dma_start3A_106, %dma_start3A_107] : memref<2x80x128xf32, #tpu.memory_space<vmem>> -> memref<1x80x128xf32, #tpu.memory_space<vmem>>
    %dma_start3A_109 = tpu.memref_squeeze %dma_start3A_108 : memref<1x80x128xf32, #tpu.memory_space<vmem>> -> memref<80x128xf32, #tpu.memory_space<vmem>>
    %dma_start3A_110 = arith.constant 0 : i32
    %dma_start3A_111 = tpu.memref_slice %arg7[%dma_start3A_103, %dma_start3A_110] : memref<4x80xi32, #tpu.memory_space<vmem>> -> memref<1x80xi32, #tpu.memory_space<vmem>>
    %dma_start3A_112 = tpu.memref_squeeze %dma_start3A_111 : memref<1x80xi32, #tpu.memory_space<vmem>> -> memref<80xi32, #tpu.memory_space<vmem>>
    %dma_start3A_113 = arith.constant 0 : i32
    %dma_start3A_114 = arith.constant 0 : i32
    %dma_start3A_115 = tpu.memref_slice %arg2[%dma_start3A_113, %dma_start3A_114] : memref<10000x128xf32, #tpu.memory_space<hbm>> -> memref<10000x128xf32, #tpu.memory_space<hbm>>
    %dma_start3A_116 = tpu.memref_slice %arg14[%dma_start3A_105] : memref<2x!tpu.dma_semaphore, #tpu.memory_space<semaphore_mem>> -> memref<1x!tpu.dma_semaphore, #tpu.memory_space<semaphore_mem>>
    %dma_start3A_117 = tpu.memref_squeeze %dma_start3A_116 : memref<1x!tpu.dma_semaphore, #tpu.memory_space<semaphore_mem>> -> memref<!tpu.dma_semaphore, #tpu.memory_space<semaphore_mem>>
    tpu.enqueue_indirect_dma source(%dma_start3A_115 : memref<10000x128xf32, #tpu.memory_space<hbm>>) target(%dma_start3A_109 : memref<80x128xf32, #tpu.memory_space<vmem>>) offsets(%dma_start3A_112 : memref<80xi32, #tpu.memory_space<vmem>>) semaphore(%dma_start3A_117 : memref<!tpu.dma_semaphore, #tpu.memory_space<semaphore_mem>>)
    %scan3A = arith.constant 0 : i32
    %scan3A_118 = arith.constant 80 : i32
    %scan3A_119 = arith.addi %scan3A, %scan3A_118 : i32
    %scan3A_120 = arith.constant 1 : i32
    scf.for %scan3A_176 = %scan3A to %scan3A_119 step %scan3A_120  : i32 {
      %broadcast_in_dim3A = arith.constant 0.000000e+00 : f32
      %broadcast_in_dim3A_177 = vector.broadcast %broadcast_in_dim3A : f32 to vector<16xf32>
      %swap3A = arith.constant 1 : i32
      %swap3A_178 = arith.index_cast %swap3A : i32 to index
      %swap3A_179 = arith.index_cast %scan3A_176 : i32 to index
      %swap3A_180 = arith.constant 0 : index
      %swap3A_181 = tpu.vector_load %arg10[%swap3A_178, %swap3A_179, %swap3A_180] {strides = array<i32>} : memref<2x80x128xf32, #tpu.memory_space<vmem>>, vector<1x1x16xf32>,
      %swap3A_182 = vector.shape_cast %swap3A_181 : vector<1x1x16xf32> to vector<16xf32>
      %swap3A_183 = vector.shape_cast %broadcast_in_dim3A_177 : vector<16xf32> to vector<1x1x16xf32>
      tpu.vector_store %arg10[%swap3A_178, %swap3A_179, %swap3A_180], %swap3A_183 {strides = array<i32>} : memref<2x80x128xf32, #tpu.memory_space<vmem>>, vector<1x1x16xf32>,
      %swap3A_184 = arith.constant 1 : i32
      %swap3A_185 = arith.index_cast %swap3A_184 : i32 to index
      %swap3A_186 = arith.index_cast %scan3A_176 : i32 to index
      %swap3A_187 = arith.constant 16 : index
      %swap3A_188 = tpu.vector_load %arg10[%swap3A_185, %swap3A_186, %swap3A_187] {strides = array<i32>} : memref<2x80x128xf32, #tpu.memory_space<vmem>>, vector<1x1x16xf32>,
      %swap3A_189 = vector.shape_cast %swap3A_188 : vector<1x1x16xf32> to vector<16xf32>
      %swap3A_190 = vector.shape_cast %broadcast_in_dim3A_177 : vector<16xf32> to vector<1x1x16xf32>
      tpu.vector_store %arg10[%swap3A_185, %swap3A_186, %swap3A_187], %swap3A_190 {strides = array<i32>} : memref<2x80x128xf32, #tpu.memory_space<vmem>>, vector<1x1x16xf32>,
      %swap3A_191 = arith.constant 1 : i32
      %swap3A_192 = arith.index_cast %swap3A_191 : i32 to index
      %swap3A_193 = arith.index_cast %scan3A_176 : i32 to index
      %swap3A_194 = arith.constant 32 : index
      %swap3A_195 = tpu.vector_load %arg10[%swap3A_192, %swap3A_193, %swap3A_194] {strides = array<i32>} : memref<2x80x128xf32, #tpu.memory_space<vmem>>, vector<1x1x16xf32>,
      %swap3A_196 = vector.shape_cast %swap3A_195 : vector<1x1x16xf32> to vector<16xf32>
      %swap3A_197 = vector.shape_cast %broadcast_in_dim3A_177 : vector<16xf32> to vector<1x1x16xf32>
      tpu.vector_store %arg10[%swap3A_192, %swap3A_193, %swap3A_194], %swap3A_197 {strides = array<i32>} : memref<2x80x128xf32, #tpu.memory_space<vmem>>, vector<1x1x16xf32>,
      %swap3A_198 = arith.constant 1 : i32
      %swap3A_199 = arith.index_cast %swap3A_198 : i32 to index
      %swap3A_200 = arith.index_cast %scan3A_176 : i32 to index
      %swap3A_201 = arith.constant 48 : index
      %swap3A_202 = tpu.vector_load %arg10[%swap3A_199, %swap3A_200, %swap3A_201] {strides = array<i32>} : memref<2x80x128xf32, #tpu.memory_space<vmem>>, vector<1x1x16xf32>,
      %swap3A_203 = vector.shape_cast %swap3A_202 : vector<1x1x16xf32> to vector<16xf32>
      %swap3A_204 = vector.shape_cast %broadcast_in_dim3A_177 : vector<16xf32> to vector<1x1x16xf32>
      tpu.vector_store %arg10[%swap3A_199, %swap3A_200, %swap3A_201], %swap3A_204 {strides = array<i32>} : memref<2x80x128xf32, #tpu.memory_space<vmem>>, vector<1x1x16xf32>,
      %swap3A_205 = arith.constant 1 : i32
      %swap3A_206 = arith.index_cast %swap3A_205 : i32 to index
      %swap3A_207 = arith.index_cast %scan3A_176 : i32 to index
      %swap3A_208 = arith.constant 64 : index
      %swap3A_209 = tpu.vector_load %arg10[%swap3A_206, %swap3A_207, %swap3A_208] {strides = array<i32>} : memref<2x80x128xf32, #tpu.memory_space<vmem>>, vector<1x1x16xf32>,
      %swap3A_210 = vector.shape_cast %swap3A_209 : vector<1x1x16xf32> to vector<16xf32>
      %swap3A_211 = vector.shape_cast %broadcast_in_dim3A_177 : vector<16xf32> to vector<1x1x16xf32>
      tpu.vector_store %arg10[%swap3A_206, %swap3A_207, %swap3A_208], %swap3A_211 {strides = array<i32>} : memref<2x80x128xf32, #tpu.memory_space<vmem>>, vector<1x1x16xf32>,
      %swap3A_212 = arith.constant 1 : i32
      %swap3A_213 = arith.index_cast %swap3A_212 : i32 to index
      %swap3A_214 = arith.index_cast %scan3A_176 : i32 to index
      %swap3A_215 = arith.constant 80 : index
      %swap3A_216 = tpu.vector_load %arg10[%swap3A_213, %swap3A_214, %swap3A_215] {strides = array<i32>} : memref<2x80x128xf32, #tpu.memory_space<vmem>>, vector<1x1x16xf32>,
      %swap3A_217 = vector.shape_cast %swap3A_216 : vector<1x1x16xf32> to vector<16xf32>
      %swap3A_218 = vector.shape_cast %broadcast_in_dim3A_177 : vector<16xf32> to vector<1x1x16xf32>
      tpu.vector_store %arg10[%swap3A_213, %swap3A_214, %swap3A_215], %swap3A_218 {strides = array<i32>} : memref<2x80x128xf32, #tpu.memory_space<vmem>>, vector<1x1x16xf32>,
      %swap3A_219 = arith.constant 1 : i32
      %swap3A_220 = arith.index_cast %swap3A_219 : i32 to index
      %swap3A_221 = arith.index_cast %scan3A_176 : i32 to index
      %swap3A_222 = arith.constant 96 : index
      %swap3A_223 = tpu.vector_load %arg10[%swap3A_220, %swap3A_221, %swap3A_222] {strides = array<i32>} : memref<2x80x128xf32, #tpu.memory_space<vmem>>, vector<1x1x16xf32>,
      %swap3A_224 = vector.shape_cast %swap3A_223 : vector<1x1x16xf32> to vector<16xf32>
      %swap3A_225 = vector.shape_cast %broadcast_in_dim3A_177 : vector<16xf32> to vector<1x1x16xf32>
      tpu.vector_store %arg10[%swap3A_220, %swap3A_221, %swap3A_222], %swap3A_225 {strides = array<i32>} : memref<2x80x128xf32, #tpu.memory_space<vmem>>, vector<1x1x16xf32>,
      %swap3A_226 = arith.constant 1 : i32
      %swap3A_227 = arith.index_cast %swap3A_226 : i32 to index
      %swap3A_228 = arith.index_cast %scan3A_176 : i32 to index
      %swap3A_229 = arith.constant 112 : index
      %swap3A_230 = tpu.vector_load %arg10[%swap3A_227, %swap3A_228, %swap3A_229] {strides = array<i32>} : memref<2x80x128xf32, #tpu.memory_space<vmem>>, vector<1x1x16xf32>,
      %swap3A_231 = vector.shape_cast %swap3A_230 : vector<1x1x16xf32> to vector<16xf32>
      %swap3A_232 = vector.shape_cast %broadcast_in_dim3A_177 : vector<16xf32> to vector<1x1x16xf32>
      tpu.vector_store %arg10[%swap3A_227, %swap3A_228, %swap3A_229], %swap3A_232 {strides = array<i32>} : memref<2x80x128xf32, #tpu.memory_space<vmem>>, vector<1x1x16xf32>,
    }
    %scan3A_121 = arith.constant 80 : i32
    %sub3A = arith.constant 125 : i32
    %sub3A_122 = arith.subi %sub3A, %arg1 : i32
    %add3A_123 = arith.constant 16 : i32
    %add3A_124 = arith.addi %sub3A_122, %add3A_123 : i32
    %sub3A_125 = arith.constant 1 : i32
    %sub3A_126 = arith.subi %add3A_124, %sub3A_125 : i32
    %jit3A = arith.constant 16 : i32
    %div3A = arith.divsi %sub3A_126, %jit3A : i32
    %sign3A = arith.constant 0 : i32
    %sign3A_127 = arith.cmpi sgt, %sub3A_126, %sign3A : i32
    %sign3A_128 = arith.extui %sign3A_127 : i1 to i32
    %sign3A_129 = arith.constant 0 : i32
    %sign3A_130 = arith.cmpi slt, %sub3A_126, %sign3A_129 : i32
    %sign3A_131 = arith.extui %sign3A_130 : i1 to i32
    %sign3A_132 = arith.subi %sign3A_128, %sign3A_131 : i32
    %sign3A_133 = arith.constant 0 : i32
    %sign3A_134 = arith.cmpi sgt, %jit3A, %sign3A_133 : i32
    %sign3A_135 = arith.extui %sign3A_134 : i1 to i32
    %sign3A_136 = arith.constant 0 : i32
    %sign3A_137 = arith.cmpi slt, %jit3A, %sign3A_136 : i32
    %sign3A_138 = arith.extui %sign3A_137 : i1 to i32
    %sign3A_139 = arith.subi %sign3A_135, %sign3A_138 : i32
    %ne3A = arith.cmpi ne, %sign3A_132, %sign3A_139 : i32
    %rem3A = arith.remsi %sub3A_126, %jit3A : i32
    %ne3A_140 = arith.constant 0 : i32
    %ne3A_141 = arith.cmpi ne, %rem3A, %ne3A_140 : i32
    %and3A = arith.andi %ne3A, %ne3A_141 : i1
    %sub3A_142 = arith.constant 1 : i32
    %sub3A_143 = arith.subi %div3A, %sub3A_142 : i32
    %select_n3A = arith.select %and3A, %sub3A_143, %div3A : i32
    %while3A = arith.constant 0 : i32
    %while3A_144 = arith.subi %select_n3A, %while3A : i32
    %while3A_145 = arith.addi %while3A, %while3A_144 : i32
    %while3A_146 = arith.constant 1 : i32
    %while3A_147 = arith.divsi %while3A_144, %while3A_146 : i32
    %while3A_148 = arith.muli %while3A_147, %while3A_146 : i32
    %while3A_149 = arith.addi %while3A, %while3A_148 : i32
    %while3A_150 = arith.constant 1 : i32
    scf.for %while3A_176 = %while3A to %while3A_149 step %while3A_150  : i32 {
      %mul3A_177 = arith.constant 16 : i32
      %mul3A_178 = arith.muli %while3A_176, %mul3A_177 : i32
      %add3A_179 = arith.addi %arg1, %mul3A_178 : i32
      %mul3A_180 = arith.constant 80 : i32
      %mul3A_181 = arith.muli %add3A_179, %mul3A_180 : i32
      %run_scoped3A = arith.constant 1 : i32
      "tpu.region"() ({
        %run_scoped3A_182 = tpu.sem_alloc : memref<!tpu.dma_semaphore, #tpu.memory_space<semaphore_mem>>
        %dma_start3A_183 = arith.constant 0 : i32
        %dma_start3A_184 = arith.constant 0 : i32
        %dma_start3A_185 = tpu.memref_slice %arg10[%run_scoped3A, %dma_start3A_183, %dma_start3A_184] : memref<2x80x128xf32, #tpu.memory_space<vmem>> -> memref<1x80x128xf32, #tpu.memory_space<vmem>>
        %dma_start3A_186 = tpu.memref_squeeze %dma_start3A_185 : memref<1x80x128xf32, #tpu.memory_space<vmem>> -> memref<80x128xf32, #tpu.memory_space<vmem>>
        %dma_start3A_187 = arith.constant 0 : i32
        %dma_start3A_188 = tpu.memref_slice %arg11[%mul3A_181, %dma_start3A_187] : memref<10000x128xf32, #tpu.memory_space<vmem_shared>> -> memref<80x128xf32, #tpu.memory_space<vmem_shared>>
        %dma_start3A_189 = arith.constant 0 : i32
        %dma_start3A_190 = tpu.memref_slice %arg11[%mul3A_181, %dma_start3A_189] : memref<10000x128xf32, #tpu.memory_space<vmem_shared>> -> memref<80x128xf32, #tpu.memory_space<vmem_shared>>
        %dma_start3A_191 = arith.constant 0 : i32
        %dma_start3A_192 = arith.constant 0 : i32
        %dma_start3A_193 = tpu.memref_slice %arg10[%run_scoped3A, %dma_start3A_191, %dma_start3A_192] : memref<2x80x128xf32, #tpu.memory_space<vmem>> -> memref<1x80x128xf32, #tpu.memory_space<vmem>>
        %dma_start3A_194 = tpu.memref_squeeze %dma_start3A_193 : memref<1x80x128xf32, #tpu.memory_space<vmem>> -> memref<80x128xf32, #tpu.memory_space<vmem>>
        tpu.enqueue_dma source(%dma_start3A_194 : memref<80x128xf32, #tpu.memory_space<vmem>>) target(%dma_start3A_190 : memref<80x128xf32, #tpu.memory_space<vmem_shared>>) target_semaphore(%run_scoped3A_182 : memref<!tpu.dma_semaphore, #tpu.memory_space<semaphore_mem>>)
        %dma_wait3A_195 = arith.constant 0 : i32
        %dma_wait3A_196 = arith.constant 0 : i32
        %dma_wait3A_197 = tpu.memref_slice %arg10[%run_scoped3A, %dma_wait3A_195, %dma_wait3A_196] : memref<2x80x128xf32, #tpu.memory_space<vmem>> -> memref<1x80x128xf32, #tpu.memory_space<vmem>>
        %dma_wait3A_198 = tpu.memref_squeeze %dma_wait3A_197 : memref<1x80x128xf32, #tpu.memory_space<vmem>> -> memref<80x128xf32, #tpu.memory_space<vmem>>
        %dma_wait3A_199 = arith.constant 0 : i32
        %dma_wait3A_200 = tpu.memref_slice %arg11[%mul3A_181, %dma_wait3A_199] : memref<10000x128xf32, #tpu.memory_space<vmem_shared>> -> memref<80x128xf32, #tpu.memory_space<vmem_shared>>
        %dma_wait3A_201 = arith.constant 0 : i32
        %dma_wait3A_202 = tpu.memref_slice %arg11[%mul3A_181, %dma_wait3A_201] : memref<10000x128xf32, #tpu.memory_space<vmem_shared>> -> memref<80x128xf32, #tpu.memory_space<vmem_shared>>
        %dma_wait3A_203 = arith.constant 0 : i32
        %dma_wait3A_204 = arith.constant 0 : i32
        %dma_wait3A_205 = tpu.memref_slice %arg10[%run_scoped3A, %dma_wait3A_203, %dma_wait3A_204] : memref<2x80x128xf32, #tpu.memory_space<vmem>> -> memref<1x80x128xf32, #tpu.memory_space<vmem>>
        %dma_wait3A_206 = tpu.memref_squeeze %dma_wait3A_205 : memref<1x80x128xf32, #tpu.memory_space<vmem>> -> memref<80x128xf32, #tpu.memory_space<vmem>>
        tpu.wait_dma2 semaphore(%run_scoped3A_182 : memref<!tpu.dma_semaphore, #tpu.memory_space<semaphore_mem>>) src(%dma_wait3A_206 : memref<80x128xf32, #tpu.memory_space<vmem>>) dst(%dma_wait3A_202 : memref<80x128xf32, #tpu.memory_space<vmem_shared>>)
        tpu.yield
      }) : () -> ()
    }
    %while3A_151 = arith.constant 1 : i32
    scf.for %while3A_176 = %while3A_149 to %while3A_145 step %while3A_151  : i32 {
      %mul3A_177 = arith.constant 16 : i32
      %mul3A_178 = arith.muli %while3A_176, %mul3A_177 : i32
      %add3A_179 = arith.addi %arg1, %mul3A_178 : i32
      %mul3A_180 = arith.constant 80 : i32
      %mul3A_181 = arith.muli %add3A_179, %mul3A_180 : i32
      %run_scoped3A = arith.constant 1 : i32
      "tpu.region"() ({
        %run_scoped3A_182 = tpu.sem_alloc : memref<!tpu.dma_semaphore, #tpu.memory_space<semaphore_mem>>
        %dma_start3A_183 = arith.constant 0 : i32
        %dma_start3A_184 = arith.constant 0 : i32
        %dma_start3A_185 = tpu.memref_slice %arg10[%run_scoped3A, %dma_start3A_183, %dma_start3A_184] : memref<2x80x128xf32, #tpu.memory_space<vmem>> -> memref<1x80x128xf32, #tpu.memory_space<vmem>>
        %dma_start3A_186 = tpu.memref_squeeze %dma_start3A_185 : memref<1x80x128xf32, #tpu.memory_space<vmem>> -> memref<80x128xf32, #tpu.memory_space<vmem>>
        %dma_start3A_187 = arith.constant 0 : i32
        %dma_start3A_188 = tpu.memref_slice %arg11[%mul3A_181, %dma_start3A_187] : memref<10000x128xf32, #tpu.memory_space<vmem_shared>> -> memref<80x128xf32, #tpu.memory_space<vmem_shared>>
        %dma_start3A_189 = arith.constant 0 : i32
        %dma_start3A_190 = tpu.memref_slice %arg11[%mul3A_181, %dma_start3A_189] : memref<10000x128xf32, #tpu.memory_space<vmem_shared>> -> memref<80x128xf32, #tpu.memory_space<vmem_shared>>
        %dma_start3A_191 = arith.constant 0 : i32
        %dma_start3A_192 = arith.constant 0 : i32
        %dma_start3A_193 = tpu.memref_slice %arg10[%run_scoped3A, %dma_start3A_191, %dma_start3A_192] : memref<2x80x128xf32, #tpu.memory_space<vmem>> -> memref<1x80x128xf32, #tpu.memory_space<vmem>>
        %dma_start3A_194 = tpu.memref_squeeze %dma_start3A_193 : memref<1x80x128xf32, #tpu.memory_space<vmem>> -> memref<80x128xf32, #tpu.memory_space<vmem>>
        tpu.enqueue_dma source(%dma_start3A_194 : memref<80x128xf32, #tpu.memory_space<vmem>>) target(%dma_start3A_190 : memref<80x128xf32, #tpu.memory_space<vmem_shared>>) target_semaphore(%run_scoped3A_182 : memref<!tpu.dma_semaphore, #tpu.memory_space<semaphore_mem>>)
        %dma_wait3A_195 = arith.constant 0 : i32
        %dma_wait3A_196 = arith.constant 0 : i32
        %dma_wait3A_197 = tpu.memref_slice %arg10[%run_scoped3A, %dma_wait3A_195, %dma_wait3A_196] : memref<2x80x128xf32, #tpu.memory_space<vmem>> -> memref<1x80x128xf32, #tpu.memory_space<vmem>>
        %dma_wait3A_198 = tpu.memref_squeeze %dma_wait3A_197 : memref<1x80x128xf32, #tpu.memory_space<vmem>> -> memref<80x128xf32, #tpu.memory_space<vmem>>
        %dma_wait3A_199 = arith.constant 0 : i32
        %dma_wait3A_200 = tpu.memref_slice %arg11[%mul3A_181, %dma_wait3A_199] : memref<10000x128xf32, #tpu.memory_space<vmem_shared>> -> memref<80x128xf32, #tpu.memory_space<vmem_shared>>
        %dma_wait3A_201 = arith.constant 0 : i32
        %dma_wait3A_202 = tpu.memref_slice %arg11[%mul3A_181, %dma_wait3A_201] : memref<10000x128xf32, #tpu.memory_space<vmem_shared>> -> memref<80x128xf32, #tpu.memory_space<vmem_shared>>
        %dma_wait3A_203 = arith.constant 0 : i32
        %dma_wait3A_204 = arith.constant 0 : i32
        %dma_wait3A_205 = tpu.memref_slice %arg10[%run_scoped3A, %dma_wait3A_203, %dma_wait3A_204] : memref<2x80x128xf32, #tpu.memory_space<vmem>> -> memref<1x80x128xf32, #tpu.memory_space<vmem>>
        %dma_wait3A_206 = tpu.memref_squeeze %dma_wait3A_205 : memref<1x80x128xf32, #tpu.memory_space<vmem>> -> memref<80x128xf32, #tpu.memory_space<vmem>>
        tpu.wait_dma2 semaphore(%run_scoped3A_182 : memref<!tpu.dma_semaphore, #tpu.memory_space<semaphore_mem>>) src(%dma_wait3A_206 : memref<80x128xf32, #tpu.memory_space<vmem>>) dst(%dma_wait3A_202 : memref<80x128xf32, #tpu.memory_space<vmem_shared>>)
        tpu.yield
      }) : () -> ()
    }
    %barrier3A = arith.constant 0 : index
    tpu.barrier barrier_id(%barrier3A)
    %scan3A_152 = arith.constant 0 : i32
    %scan3A_153 = arith.constant 32 : i32
    %scan3A_154 = arith.addi %scan3A_152, %scan3A_153 : i32
    %scan3A_155 = arith.constant 1 : i32
    scf.for %scan3A_176 = %scan3A_152 to %scan3A_154 step %scan3A_155  : i32 {
      %mul3A_177 = arith.constant 4 : i32
      %mul3A_178 = arith.muli %scan3A_176, %mul3A_177 : i32
      %add3A_179 = arith.constant 0 : i32
      %add3A_180 = arith.addi %mul3A_178, %add3A_179 : i32
      %add3A_181 = arith.constant 2 : i32
      %add3A_182 = arith.addi %add3A_180, %add3A_181 : i32
      %lt3A = arith.constant 125 : i32
      %lt3A_183 = arith.cmpi slt, %add3A_182, %lt3A : i32
      %convert_element_type3A = arith.extui %lt3A_183 : i1 to i32
      %cond3A = arith.constant 0 : i32
      %cond3A_184 = arith.cmpi ne, %convert_element_type3A, %cond3A : i32
      scf.if %cond3A_184 {
        %add3A_305 = arith.constant 2 : i32
        %add3A_306 = arith.addi %add3A_180, %add3A_305 : i32
        %mul3A_307 = arith.constant 80 : i32
        %mul3A_308 = arith.muli %add3A_306, %mul3A_307 : i32
        %add3A_309 = arith.addi %mul3A_2, %mul3A_308 : i32
        %dma_start3A_310 = arith.constant 2 : i32
        %dma_start3A_311 = arith.constant 2 : i32
        %dma_start3A_312 = arith.constant 0 : i32
        %dma_start3A_313 = tpu.memref_slice %arg7[%dma_start3A_310, %dma_start3A_312] : memref<4x80xi32, #tpu.memory_space<vmem>> -> memref<1x80xi32, #tpu.memory_space<vmem>>
        %dma_start3A_314 = tpu.memref_squeeze %dma_start3A_313 : memref<1x80xi32, #tpu.memory_space<vmem>> -> memref<80xi32, #tpu.memory_space<vmem>>
        %dma_start3A_315 = tpu.memref_slice %arg4[%add3A_309] : memref<320000xi32, #tpu.memory_space<hbm>> -> memref<80xi32, #tpu.memory_space<hbm>>
        %dma_start3A_316 = tpu.memref_slice %arg12[%dma_start3A_311] : memref<4x!tpu.dma_semaphore, #tpu.memory_space<semaphore_mem>> -> memref<1x!tpu.dma_semaphore, #tpu.memory_space<semaphore_mem>>
        %dma_start3A_317 = tpu.memref_squeeze %dma_start3A_316 : memref<1x!tpu.dma_semaphore, #tpu.memory_space<semaphore_mem>> -> memref<!tpu.dma_semaphore, #tpu.memory_space<semaphore_mem>>
        %dma_start3A_318 = arith.constant 0 : i32
        %dma_start3A_319 = tpu.memref_slice %arg7[%dma_start3A_310, %dma_start3A_318] : memref<4x80xi32, #tpu.memory_space<vmem>> -> memref<1x80xi32, #tpu.memory_space<vmem>>
        %dma_start3A_320 = tpu.memref_squeeze %dma_start3A_319 : memref<1x80xi32, #tpu.memory_space<vmem>> -> memref<80xi32, #tpu.memory_space<vmem>>
        %dma_start3A_321 = tpu.memref_slice %arg4[%add3A_309] : memref<320000xi32, #tpu.memory_space<hbm>> -> memref<80xi32, #tpu.memory_space<hbm>>
        tpu.enqueue_dma source(%dma_start3A_321 : memref<80xi32, #tpu.memory_space<hbm>>) target(%dma_start3A_320 : memref<80xi32, #tpu.memory_space<vmem>>) target_semaphore(%dma_start3A_317 : memref<!tpu.dma_semaphore, #tpu.memory_space<semaphore_mem>>)
        %mul3A_322 = arith.constant 80 : i32
        %mul3A_323 = arith.muli %add3A_306, %mul3A_322 : i32
        %add3A_324 = arith.addi %mul3A_2, %mul3A_323 : i32
        %dma_start3A_325 = arith.constant 2 : i32
        %dma_start3A_326 = arith.constant 2 : i32
        %dma_start3A_327 = arith.constant 0 : i32
        %dma_start3A_328 = tpu.memref_slice %arg8[%dma_start3A_325, %dma_start3A_327] : memref<4x80xi32, #tpu.memory_space<vmem>> -> memref<1x80xi32, #tpu.memory_space<vmem>>
        %dma_start3A_329 = tpu.memref_squeeze %dma_start3A_328 : memref<1x80xi32, #tpu.memory_space<vmem>> -> memref<80xi32, #tpu.memory_space<vmem>>
        %dma_start3A_330 = tpu.memref_slice %arg5[%add3A_324] : memref<320000xi32, #tpu.memory_space<hbm>> -> memref<80xi32, #tpu.memory_space<hbm>>
        %dma_start3A_331 = tpu.memref_slice %arg12[%dma_start3A_326] : memref<4x!tpu.dma_semaphore, #tpu.memory_space<semaphore_mem>> -> memref<1x!tpu.dma_semaphore, #tpu.memory_space<semaphore_mem>>
        %dma_start3A_332 = tpu.memref_squeeze %dma_start3A_331 : memref<1x!tpu.dma_semaphore, #tpu.memory_space<semaphore_mem>> -> memref<!tpu.dma_semaphore, #tpu.memory_space<semaphore_mem>>
        %dma_start3A_333 = arith.constant 0 : i32
        %dma_start3A_334 = tpu.memref_slice %arg8[%dma_start3A_325, %dma_start3A_333] : memref<4x80xi32, #tpu.memory_space<vmem>> -> memref<1x80xi32, #tpu.memory_space<vmem>>
        %dma_start3A_335 = tpu.memref_squeeze %dma_start3A_334 : memref<1x80xi32, #tpu.memory_space<vmem>> -> memref<80xi32, #tpu.memory_space<vmem>>
        %dma_start3A_336 = tpu.memref_slice %arg5[%add3A_324] : memref<320000xi32, #tpu.memory_space<hbm>> -> memref<80xi32, #tpu.memory_space<hbm>>
        tpu.enqueue_dma source(%dma_start3A_336 : memref<80xi32, #tpu.memory_space<hbm>>) target(%dma_start3A_335 : memref<80xi32, #tpu.memory_space<vmem>>) target_semaphore(%dma_start3A_332 : memref<!tpu.dma_semaphore, #tpu.memory_space<semaphore_mem>>)
      } else {
      }
      %ge3A = arith.constant 1 : i32
      %ge3A_185 = arith.cmpi sge, %add3A_180, %ge3A : i32
      %sub3A_186 = arith.constant 1 : i32
      %sub3A_187 = arith.subi %add3A_180, %sub3A_186 : i32
      %lt3A_188 = arith.constant 125 : i32
      %lt3A_189 = arith.cmpi slt, %sub3A_187, %lt3A_188 : i32
      %and3A_190 = arith.andi %ge3A_185, %lt3A_189 : i1
      %convert_element_type3A_191 = arith.extui %and3A_190 : i1 to i32
      %cond3A_192 = arith.constant 0 : i32
      %cond3A_193 = arith.cmpi ne, %convert_element_type3A_191, %cond3A_192 : i32
      scf.if %cond3A_193 {
        %dma_wait3A_305 = arith.constant 1 : i32
        %dma_wait3A_306 = arith.constant 3 : i32
        %dma_wait3A_307 = arith.constant 1 : i32
        %dma_wait3A_308 = arith.constant 0 : i32
        %dma_wait3A_309 = arith.constant 0 : i32
        %dma_wait3A_310 = tpu.memref_slice %arg9[%dma_wait3A_305, %dma_wait3A_308, %dma_wait3A_309] : memref<2x80x128xf32, #tpu.memory_space<vmem>> -> memref<1x80x128xf32, #tpu.memory_space<vmem>>
        %dma_wait3A_311 = tpu.memref_squeeze %dma_wait3A_310 : memref<1x80x128xf32, #tpu.memory_space<vmem>> -> memref<80x128xf32, #tpu.memory_space<vmem>>
        %dma_wait3A_312 = arith.constant 0 : i32
        %dma_wait3A_313 = tpu.memref_slice %arg8[%dma_wait3A_306, %dma_wait3A_312] : memref<4x80xi32, #tpu.memory_space<vmem>> -> memref<1x80xi32, #tpu.memory_space<vmem>>
        %dma_wait3A_314 = tpu.memref_squeeze %dma_wait3A_313 : memref<1x80xi32, #tpu.memory_space<vmem>> -> memref<80xi32, #tpu.memory_space<vmem>>
        %dma_wait3A_315 = arith.constant 0 : i32
        %dma_wait3A_316 = arith.constant 0 : i32
        %dma_wait3A_317 = tpu.memref_slice %arg11[%dma_wait3A_315, %dma_wait3A_316] : memref<10000x128xf32, #tpu.memory_space<vmem_shared>> -> memref<10000x128xf32, #tpu.memory_space<vmem_shared>>
        %dma_wait3A_318 = tpu.memref_slice %arg15[%dma_wait3A_307] : memref<2x!tpu.dma_semaphore, #tpu.memory_space<semaphore_mem>> -> memref<1x!tpu.dma_semaphore, #tpu.memory_space<semaphore_mem>>
        %dma_wait3A_319 = tpu.memref_squeeze %dma_wait3A_318 : memref<1x!tpu.dma_semaphore, #tpu.memory_space<semaphore_mem>> -> memref<!tpu.dma_semaphore, #tpu.memory_space<semaphore_mem>>
        tpu.wait_indirect_dma semaphore(%dma_wait3A_319 : memref<!tpu.dma_semaphore, #tpu.memory_space<semaphore_mem>>) src(%dma_wait3A_311 : memref<80x128xf32, #tpu.memory_space<vmem>>) dst(%dma_wait3A_317 : memref<10000x128xf32, #tpu.memory_space<vmem_shared>>)
      } else {
      }
      %add3A_194 = arith.constant 1 : i32
      %add3A_195 = arith.addi %add3A_180, %add3A_194 : i32
      %lt3A_196 = arith.constant 125 : i32
      %lt3A_197 = arith.cmpi slt, %add3A_195, %lt3A_196 : i32
      %convert_element_type3A_198 = arith.extui %lt3A_197 : i1 to i32
      %cond3A_199 = arith.constant 0 : i32
      %cond3A_200 = arith.cmpi ne, %convert_element_type3A_198, %cond3A_199 : i32
      scf.if %cond3A_200 {
        %add3A_305 = arith.constant 1 : i32
        %add3A_306 = arith.addi %add3A_180, %add3A_305 : i32
        %mul3A_307 = arith.constant 80 : i32
        %mul3A_308 = arith.muli %add3A_306, %mul3A_307 : i32
        %add3A_309 = arith.addi %mul3A_2, %mul3A_308 : i32
        %dma_wait3A_310 = arith.constant 1 : i32
        %dma_wait3A_311 = arith.constant 1 : i32
        %dma_wait3A_312 = arith.constant 0 : i32
        %dma_wait3A_313 = tpu.memref_slice %arg7[%dma_wait3A_310, %dma_wait3A_312] : memref<4x80xi32, #tpu.memory_space<vmem>> -> memref<1x80xi32, #tpu.memory_space<vmem>>
        %dma_wait3A_314 = tpu.memref_squeeze %dma_wait3A_313 : memref<1x80xi32, #tpu.memory_space<vmem>> -> memref<80xi32, #tpu.memory_space<vmem>>
        %dma_wait3A_315 = tpu.memref_slice %arg4[%add3A_309] : memref<320000xi32, #tpu.memory_space<hbm>> -> memref<80xi32, #tpu.memory_space<hbm>>
        %dma_wait3A_316 = tpu.memref_slice %arg12[%dma_wait3A_311] : memref<4x!tpu.dma_semaphore, #tpu.memory_space<semaphore_mem>> -> memref<1x!tpu.dma_semaphore, #tpu.memory_space<semaphore_mem>>
        %dma_wait3A_317 = tpu.memref_squeeze %dma_wait3A_316 : memref<1x!tpu.dma_semaphore, #tpu.memory_space<semaphore_mem>> -> memref<!tpu.dma_semaphore, #tpu.memory_space<semaphore_mem>>
        %dma_wait3A_318 = arith.constant 0 : i32
        %dma_wait3A_319 = tpu.memref_slice %arg7[%dma_wait3A_310, %dma_wait3A_318] : memref<4x80xi32, #tpu.memory_space<vmem>> -> memref<1x80xi32, #tpu.memory_space<vmem>>
        %dma_wait3A_320 = tpu.memref_squeeze %dma_wait3A_319 : memref<1x80xi32, #tpu.memory_space<vmem>> -> memref<80xi32, #tpu.memory_space<vmem>>
        %dma_wait3A_321 = tpu.memref_slice %arg4[%add3A_309] : memref<320000xi32, #tpu.memory_space<hbm>> -> memref<80xi32, #tpu.memory_space<hbm>>
        tpu.wait_dma2 semaphore(%dma_wait3A_317 : memref<!tpu.dma_semaphore, #tpu.memory_space<semaphore_mem>>) src(%dma_wait3A_321 : memref<80xi32, #tpu.memory_space<hbm>>) dst(%dma_wait3A_320 : memref<80xi32, #tpu.memory_space<vmem>>)
        %mul3A_322 = arith.constant 80 : i32
        %mul3A_323 = arith.muli %add3A_306, %mul3A_322 : i32
        %add3A_324 = arith.addi %mul3A_2, %mul3A_323 : i32
        %dma_wait3A_325 = arith.constant 1 : i32
        %dma_wait3A_326 = arith.constant 1 : i32
        %dma_wait3A_327 = arith.constant 0 : i32
        %dma_wait3A_328 = tpu.memref_slice %arg8[%dma_wait3A_325, %dma_wait3A_327] : memref<4x80xi32, #tpu.memory_space<vmem>> -> memref<1x80xi32, #tpu.memory_space<vmem>>
        %dma_wait3A_329 = tpu.memref_squeeze %dma_wait3A_328 : memref<1x80xi32, #tpu.memory_space<vmem>> -> memref<80xi32, #tpu.memory_space<vmem>>
        %dma_wait3A_330 = tpu.memref_slice %arg5[%add3A_324] : memref<320000xi32, #tpu.memory_space<hbm>> -> memref<80xi32, #tpu.memory_space<hbm>>
        %dma_wait3A_331 = tpu.memref_slice %arg12[%dma_wait3A_326] : memref<4x!tpu.dma_semaphore, #tpu.memory_space<semaphore_mem>> -> memref<1x!tpu.dma_semaphore, #tpu.memory_space<semaphore_mem>>
        %dma_wait3A_332 = tpu.memref_squeeze %dma_wait3A_331 : memref<1x!tpu.dma_semaphore, #tpu.memory_space<semaphore_mem>> -> memref<!tpu.dma_semaphore, #tpu.memory_space<semaphore_mem>>
        %dma_wait3A_333 = arith.constant 0 : i32
        %dma_wait3A_334 = tpu.memref_slice %arg8[%dma_wait3A_325, %dma_wait3A_333] : memref<4x80xi32, #tpu.memory_space<vmem>> -> memref<1x80xi32, #tpu.memory_space<vmem>>
        %dma_wait3A_335 = tpu.memref_squeeze %dma_wait3A_334 : memref<1x80xi32, #tpu.memory_space<vmem>> -> memref<80xi32, #tpu.memory_space<vmem>>
        %dma_wait3A_336 = tpu.memref_slice %arg5[%add3A_324] : memref<320000xi32, #tpu.memory_space<hbm>> -> memref<80xi32, #tpu.memory_space<hbm>>
        tpu.wait_dma2 semaphore(%dma_wait3A_332 : memref<!tpu.dma_semaphore, #tpu.memory_space<semaphore_mem>>) src(%dma_wait3A_336 : memref<80xi32, #tpu.memory_space<hbm>>) dst(%dma_wait3A_335 : memref<80xi32, #tpu.memory_space<vmem>>)
        %add3A_337 = arith.constant 1 : i32
        %add3A_338 = arith.addi %add3A_180, %add3A_337 : i32
        %mul3A_339 = arith.constant 80 : i32
        %mul3A_340 = arith.muli %add3A_338, %mul3A_339 : i32
        %add3A_341 = arith.addi %mul3A_2, %mul3A_340 : i32
        %dma_start3A_342 = arith.constant 1 : i32
        %dma_start3A_343 = arith.constant 1 : i32
        %dma_start3A_344 = arith.constant 0 : i32
        %dma_start3A_345 = arith.constant 0 : i32
        %dma_start3A_346 = tpu.memref_slice %arg9[%dma_start3A_342, %dma_start3A_344, %dma_start3A_345] : memref<2x80x128xf32, #tpu.memory_space<vmem>> -> memref<1x80x128xf32, #tpu.memory_space<vmem>>
        %dma_start3A_347 = tpu.memref_squeeze %dma_start3A_346 : memref<1x80x128xf32, #tpu.memory_space<vmem>> -> memref<80x128xf32, #tpu.memory_space<vmem>>
        %dma_start3A_348 = arith.constant 0 : i32
        %dma_start3A_349 = tpu.memref_slice %arg3[%add3A_341, %dma_start3A_348] : memref<320000x128xf32, #tpu.memory_space<hbm>> -> memref<80x128xf32, #tpu.memory_space<hbm>>
        %dma_start3A_350 = tpu.memref_slice %arg13[%dma_start3A_343] : memref<2x!tpu.dma_semaphore, #tpu.memory_space<semaphore_mem>> -> memref<1x!tpu.dma_semaphore, #tpu.memory_space<semaphore_mem>>
        %dma_start3A_351 = tpu.memref_squeeze %dma_start3A_350 : memref<1x!tpu.dma_semaphore, #tpu.memory_space<semaphore_mem>> -> memref<!tpu.dma_semaphore, #tpu.memory_space<semaphore_mem>>
        %dma_start3A_352 = arith.constant 0 : i32
        %dma_start3A_353 = arith.constant 0 : i32
        %dma_start3A_354 = tpu.memref_slice %arg9[%dma_start3A_342, %dma_start3A_352, %dma_start3A_353] : memref<2x80x128xf32, #tpu.memory_space<vmem>> -> memref<1x80x128xf32, #tpu.memory_space<vmem>>
        %dma_start3A_355 = tpu.memref_squeeze %dma_start3A_354 : memref<1x80x128xf32, #tpu.memory_space<vmem>> -> memref<80x128xf32, #tpu.memory_space<vmem>>
        %dma_start3A_356 = arith.constant 0 : i32
        %dma_start3A_357 = tpu.memref_slice %arg3[%add3A_341, %dma_start3A_356] : memref<320000x128xf32, #tpu.memory_space<hbm>> -> memref<80x128xf32, #tpu.memory_space<hbm>>
        tpu.enqueue_dma source(%dma_start3A_357 : memref<80x128xf32, #tpu.memory_space<hbm>>) target(%dma_start3A_355 : memref<80x128xf32, #tpu.memory_space<vmem>>) target_semaphore(%dma_start3A_351 : memref<!tpu.dma_semaphore, #tpu.memory_space<semaphore_mem>>)
        %dma_start3A_358 = arith.constant 1 : i32
        %dma_start3A_359 = arith.constant 1 : i32
        %dma_start3A_360 = arith.constant 1 : i32
        %dma_start3A_361 = arith.constant 0 : i32
        %dma_start3A_362 = arith.constant 0 : i32
        %dma_start3A_363 = tpu.memref_slice %arg10[%dma_start3A_359, %dma_start3A_361, %dma_start3A_362] : memref<2x80x128xf32, #tpu.memory_space<vmem>> -> memref<1x80x128xf32, #tpu.memory_space<vmem>>
        %dma_start3A_364 = tpu.memref_squeeze %dma_start3A_363 : memref<1x80x128xf32, #tpu.memory_space<vmem>> -> memref<80x128xf32, #tpu.memory_space<vmem>>
        %dma_start3A_365 = arith.constant 0 : i32
        %dma_start3A_366 = tpu.memref_slice %arg7[%dma_start3A_358, %dma_start3A_365] : memref<4x80xi32, #tpu.memory_space<vmem>> -> memref<1x80xi32, #tpu.memory_space<vmem>>
        %dma_start3A_367 = tpu.memref_squeeze %dma_start3A_366 : memref<1x80xi32, #tpu.memory_space<vmem>> -> memref<80xi32, #tpu.memory_space<vmem>>
        %dma_start3A_368 = arith.constant 0 : i32
        %dma_start3A_369 = arith.constant 0 : i32
        %dma_start3A_370 = tpu.memref_slice %arg2[%dma_start3A_368, %dma_start3A_369] : memref<10000x128xf32, #tpu.memory_space<hbm>> -> memref<10000x128xf32, #tpu.memory_space<hbm>>
        %dma_start3A_371 = tpu.memref_slice %arg14[%dma_start3A_360] : memref<2x!tpu.dma_semaphore, #tpu.memory_space<semaphore_mem>> -> memref<1x!tpu.dma_semaphore, #tpu.memory_space<semaphore_mem>>
        %dma_start3A_372 = tpu.memref_squeeze %dma_start3A_371 : memref<1x!tpu.dma_semaphore, #tpu.memory_space<semaphore_mem>> -> memref<!tpu.dma_semaphore, #tpu.memory_space<semaphore_mem>>
        tpu.enqueue_indirect_dma source(%dma_start3A_370 : memref<10000x128xf32, #tpu.memory_space<hbm>>) target(%dma_start3A_364 : memref<80x128xf32, #tpu.memory_space<vmem>>) offsets(%dma_start3A_367 : memref<80xi32, #tpu.memory_space<vmem>>) semaphore(%dma_start3A_372 : memref<!tpu.dma_semaphore, #tpu.memory_space<semaphore_mem>>)
      } else {
      }
      %lt3A_201 = arith.constant 125 : i32
      %lt3A_202 = arith.cmpi slt, %add3A_180, %lt3A_201 : i32
      %convert_element_type3A_203 = arith.extui %lt3A_202 : i1 to i32
      %cond3A_204 = arith.constant 0 : i32
      %cond3A_205 = arith.cmpi ne, %convert_element_type3A_203, %cond3A_204 : i32
      scf.if %cond3A_205 {
        %mul3A_305 = arith.constant 80 : i32
        %mul3A_306 = arith.muli %add3A_180, %mul3A_305 : i32
        %add3A_307 = arith.addi %mul3A_2, %mul3A_306 : i32
        %dma_wait3A_308 = arith.constant 0 : i32
        %dma_wait3A_309 = arith.constant 0 : i32
        %dma_wait3A_310 = arith.constant 0 : i32
        %dma_wait3A_311 = arith.constant 0 : i32
        %dma_wait3A_312 = tpu.memref_slice %arg9[%dma_wait3A_308, %dma_wait3A_310, %dma_wait3A_311] : memref<2x80x128xf32, #tpu.memory_space<vmem>> -> memref<1x80x128xf32, #tpu.memory_space<vmem>>
        %dma_wait3A_313 = tpu.memref_squeeze %dma_wait3A_312 : memref<1x80x128xf32, #tpu.memory_space<vmem>> -> memref<80x128xf32, #tpu.memory_space<vmem>>
        %dma_wait3A_314 = arith.constant 0 : i32
        %dma_wait3A_315 = tpu.memref_slice %arg3[%add3A_307, %dma_wait3A_314] : memref<320000x128xf32, #tpu.memory_space<hbm>> -> memref<80x128xf32, #tpu.memory_space<hbm>>
        %dma_wait3A_316 = tpu.memref_slice %arg13[%dma_wait3A_309] : memref<2x!tpu.dma_semaphore, #tpu.memory_space<semaphore_mem>> -> memref<1x!tpu.dma_semaphore, #tpu.memory_space<semaphore_mem>>
        %dma_wait3A_317 = tpu.memref_squeeze %dma_wait3A_316 : memref<1x!tpu.dma_semaphore, #tpu.memory_space<semaphore_mem>> -> memref<!tpu.dma_semaphore, #tpu.memory_space<semaphore_mem>>
        %dma_wait3A_318 = arith.constant 0 : i32
        %dma_wait3A_319 = arith.constant 0 : i32
        %dma_wait3A_320 = tpu.memref_slice %arg9[%dma_wait3A_308, %dma_wait3A_318, %dma_wait3A_319] : memref<2x80x128xf32, #tpu.memory_space<vmem>> -> memref<1x80x128xf32, #tpu.memory_space<vmem>>
        %dma_wait3A_321 = tpu.memref_squeeze %dma_wait3A_320 : memref<1x80x128xf32, #tpu.memory_space<vmem>> -> memref<80x128xf32, #tpu.memory_space<vmem>>
        %dma_wait3A_322 = arith.constant 0 : i32
        %dma_wait3A_323 = tpu.memref_slice %arg3[%add3A_307, %dma_wait3A_322] : memref<320000x128xf32, #tpu.memory_space<hbm>> -> memref<80x128xf32, #tpu.memory_space<hbm>>
        tpu.wait_dma2 semaphore(%dma_wait3A_317 : memref<!tpu.dma_semaphore, #tpu.memory_space<semaphore_mem>>) src(%dma_wait3A_323 : memref<80x128xf32, #tpu.memory_space<hbm>>) dst(%dma_wait3A_321 : memref<80x128xf32, #tpu.memory_space<vmem>>)
        %dma_wait3A_324 = arith.constant 0 : i32
        %dma_wait3A_325 = arith.constant 0 : i32
        %dma_wait3A_326 = arith.constant 0 : i32
        %dma_wait3A_327 = arith.constant 0 : i32
        %dma_wait3A_328 = arith.constant 0 : i32
        %dma_wait3A_329 = tpu.memref_slice %arg10[%dma_wait3A_325, %dma_wait3A_327, %dma_wait3A_328] : memref<2x80x128xf32, #tpu.memory_space<vmem>> -> memref<1x80x128xf32, #tpu.memory_space<vmem>>
        %dma_wait3A_330 = tpu.memref_squeeze %dma_wait3A_329 : memref<1x80x128xf32, #tpu.memory_space<vmem>> -> memref<80x128xf32, #tpu.memory_space<vmem>>
        %dma_wait3A_331 = arith.constant 0 : i32
        %dma_wait3A_332 = tpu.memref_slice %arg7[%dma_wait3A_324, %dma_wait3A_331] : memref<4x80xi32, #tpu.memory_space<vmem>> -> memref<1x80xi32, #tpu.memory_space<vmem>>
        %dma_wait3A_333 = tpu.memref_squeeze %dma_wait3A_332 : memref<1x80xi32, #tpu.memory_space<vmem>> -> memref<80xi32, #tpu.memory_space<vmem>>
        %dma_wait3A_334 = arith.constant 0 : i32
        %dma_wait3A_335 = arith.constant 0 : i32
        %dma_wait3A_336 = tpu.memref_slice %arg2[%dma_wait3A_334, %dma_wait3A_335] : memref<10000x128xf32, #tpu.memory_space<hbm>> -> memref<10000x128xf32, #tpu.memory_space<hbm>>
        %dma_wait3A_337 = tpu.memref_slice %arg14[%dma_wait3A_326] : memref<2x!tpu.dma_semaphore, #tpu.memory_space<semaphore_mem>> -> memref<1x!tpu.dma_semaphore, #tpu.memory_space<semaphore_mem>>
        %dma_wait3A_338 = tpu.memref_squeeze %dma_wait3A_337 : memref<1x!tpu.dma_semaphore, #tpu.memory_space<semaphore_mem>> -> memref<!tpu.dma_semaphore, #tpu.memory_space<semaphore_mem>>
        tpu.wait_indirect_dma semaphore(%dma_wait3A_338 : memref<!tpu.dma_semaphore, #tpu.memory_space<semaphore_mem>>) src(%dma_wait3A_336 : memref<10000x128xf32, #tpu.memory_space<hbm>>) dst(%dma_wait3A_330 : memref<80x128xf32, #tpu.memory_space<vmem>>)
        %parallel_loop3A = arith.constant 0 : i32
        %parallel_loop3A_339 = arith.constant 80 : i32
        %parallel_loop3A_340 = arith.constant 1 : i32
        scf.for %parallel_loop3A_356 = %parallel_loop3A to %parallel_loop3A_339 step %parallel_loop3A_340  : i32 {
          %parallel_loop3A_357 = arith.constant 0 : i32
          %parallel_loop3A_358 = arith.index_cast %parallel_loop3A_357 : i32 to index
          %parallel_loop3A_359 = arith.index_cast %parallel_loop3A_356 : i32 to index
          %parallel_loop3A_360 = arith.constant 0 : index
          %parallel_loop3A_361 = tpu.vector_load %arg10[%parallel_loop3A_358, %parallel_loop3A_359, %parallel_loop3A_360] {strides = array<i32>} : memref<2x80x128xf32, #tpu.memory_space<vmem>>, vector<1x1x16xf32>,
          %parallel_loop3A_362 = vector.shape_cast %parallel_loop3A_361 : vector<1x1x16xf32> to vector<16xf32>
          %parallel_loop3A_363 = arith.constant 0 : i32
          %parallel_loop3A_364 = arith.index_cast %parallel_loop3A_363 : i32 to index
          %parallel_loop3A_365 = arith.index_cast %parallel_loop3A_356 : i32 to index
          %parallel_loop3A_366 = arith.constant 16 : index
          %parallel_loop3A_367 = tpu.vector_load %arg10[%parallel_loop3A_364, %parallel_loop3A_365, %parallel_loop3A_366] {strides = array<i32>} : memref<2x80x128xf32, #tpu.memory_space<vmem>>, vector<1x1x16xf32>,
          %parallel_loop3A_368 = vector.shape_cast %parallel_loop3A_367 : vector<1x1x16xf32> to vector<16xf32>
          %parallel_loop3A_369 = arith.constant 0 : i32
          %parallel_loop3A_370 = arith.index_cast %parallel_loop3A_369 : i32 to index
          %parallel_loop3A_371 = arith.index_cast %parallel_loop3A_356 : i32 to index
          %parallel_loop3A_372 = arith.constant 32 : index
          %parallel_loop3A_373 = tpu.vector_load %arg10[%parallel_loop3A_370, %parallel_loop3A_371, %parallel_loop3A_372] {strides = array<i32>} : memref<2x80x128xf32, #tpu.memory_space<vmem>>, vector<1x1x16xf32>,
          %parallel_loop3A_374 = vector.shape_cast %parallel_loop3A_373 : vector<1x1x16xf32> to vector<16xf32>
          %parallel_loop3A_375 = arith.constant 0 : i32
          %parallel_loop3A_376 = arith.index_cast %parallel_loop3A_375 : i32 to index
          %parallel_loop3A_377 = arith.index_cast %parallel_loop3A_356 : i32 to index
          %parallel_loop3A_378 = arith.constant 48 : index
          %parallel_loop3A_379 = tpu.vector_load %arg10[%parallel_loop3A_376, %parallel_loop3A_377, %parallel_loop3A_378] {strides = array<i32>} : memref<2x80x128xf32, #tpu.memory_space<vmem>>, vector<1x1x16xf32>,
          %parallel_loop3A_380 = vector.shape_cast %parallel_loop3A_379 : vector<1x1x16xf32> to vector<16xf32>
          %parallel_loop3A_381 = arith.constant 0 : i32
          %parallel_loop3A_382 = arith.index_cast %parallel_loop3A_381 : i32 to index
          %parallel_loop3A_383 = arith.index_cast %parallel_loop3A_356 : i32 to index
          %parallel_loop3A_384 = arith.constant 64 : index
          %parallel_loop3A_385 = tpu.vector_load %arg10[%parallel_loop3A_382, %parallel_loop3A_383, %parallel_loop3A_384] {strides = array<i32>} : memref<2x80x128xf32, #tpu.memory_space<vmem>>, vector<1x1x16xf32>,
          %parallel_loop3A_386 = vector.shape_cast %parallel_loop3A_385 : vector<1x1x16xf32> to vector<16xf32>
          %parallel_loop3A_387 = arith.constant 0 : i32
          %parallel_loop3A_388 = arith.index_cast %parallel_loop3A_387 : i32 to index
          %parallel_loop3A_389 = arith.index_cast %parallel_loop3A_356 : i32 to index
          %parallel_loop3A_390 = arith.constant 80 : index
          %parallel_loop3A_391 = tpu.vector_load %arg10[%parallel_loop3A_388, %parallel_loop3A_389, %parallel_loop3A_390] {strides = array<i32>} : memref<2x80x128xf32, #tpu.memory_space<vmem>>, vector<1x1x16xf32>,
          %parallel_loop3A_392 = vector.shape_cast %parallel_loop3A_391 : vector<1x1x16xf32> to vector<16xf32>
          %parallel_loop3A_393 = arith.constant 0 : i32
          %parallel_loop3A_394 = arith.index_cast %parallel_loop3A_393 : i32 to index
          %parallel_loop3A_395 = arith.index_cast %parallel_loop3A_356 : i32 to index
          %parallel_loop3A_396 = arith.constant 96 : index
          %parallel_loop3A_397 = tpu.vector_load %arg10[%parallel_loop3A_394, %parallel_loop3A_395, %parallel_loop3A_396] {strides = array<i32>} : memref<2x80x128xf32, #tpu.memory_space<vmem>>, vector<1x1x16xf32>,
          %parallel_loop3A_398 = vector.shape_cast %parallel_loop3A_397 : vector<1x1x16xf32> to vector<16xf32>
          %parallel_loop3A_399 = arith.constant 0 : i32
          %parallel_loop3A_400 = arith.index_cast %parallel_loop3A_399 : i32 to index
          %parallel_loop3A_401 = arith.index_cast %parallel_loop3A_356 : i32 to index
          %parallel_loop3A_402 = arith.constant 112 : index
          %parallel_loop3A_403 = tpu.vector_load %arg10[%parallel_loop3A_400, %parallel_loop3A_401, %parallel_loop3A_402] {strides = array<i32>} : memref<2x80x128xf32, #tpu.memory_space<vmem>>, vector<1x1x16xf32>,
          %parallel_loop3A_404 = vector.shape_cast %parallel_loop3A_403 : vector<1x1x16xf32> to vector<16xf32>
          %parallel_loop3A_405 = arith.constant 0 : i32
          %parallel_loop3A_406 = arith.index_cast %parallel_loop3A_405 : i32 to index
          %parallel_loop3A_407 = arith.index_cast %parallel_loop3A_356 : i32 to index
          %parallel_loop3A_408 = arith.constant 0 : index
          %parallel_loop3A_409 = tpu.vector_load %arg9[%parallel_loop3A_406, %parallel_loop3A_407, %parallel_loop3A_408] {strides = array<i32>} : memref<2x80x128xf32, #tpu.memory_space<vmem>>, vector<1x1x16xf32>,
          %parallel_loop3A_410 = vector.shape_cast %parallel_loop3A_409 : vector<1x1x16xf32> to vector<16xf32>
          %parallel_loop3A_411 = arith.constant 0 : i32
          %parallel_loop3A_412 = arith.index_cast %parallel_loop3A_411 : i32 to index
          %parallel_loop3A_413 = arith.index_cast %parallel_loop3A_356 : i32 to index
          %parallel_loop3A_414 = arith.constant 16 : index
          %parallel_loop3A_415 = tpu.vector_load %arg9[%parallel_loop3A_412, %parallel_loop3A_413, %parallel_loop3A_414] {strides = array<i32>} : memref<2x80x128xf32, #tpu.memory_space<vmem>>, vector<1x1x16xf32>,
          %parallel_loop3A_416 = vector.shape_cast %parallel_loop3A_415 : vector<1x1x16xf32> to vector<16xf32>
          %parallel_loop3A_417 = arith.constant 0 : i32
          %parallel_loop3A_418 = arith.index_cast %parallel_loop3A_417 : i32 to index
          %parallel_loop3A_419 = arith.index_cast %parallel_loop3A_356 : i32 to index
          %parallel_loop3A_420 = arith.constant 32 : index
          %parallel_loop3A_421 = tpu.vector_load %arg9[%parallel_loop3A_418, %parallel_loop3A_419, %parallel_loop3A_420] {strides = array<i32>} : memref<2x80x128xf32, #tpu.memory_space<vmem>>, vector<1x1x16xf32>,
          %parallel_loop3A_422 = vector.shape_cast %parallel_loop3A_421 : vector<1x1x16xf32> to vector<16xf32>
          %parallel_loop3A_423 = arith.constant 0 : i32
          %parallel_loop3A_424 = arith.index_cast %parallel_loop3A_423 : i32 to index
          %parallel_loop3A_425 = arith.index_cast %parallel_loop3A_356 : i32 to index
          %parallel_loop3A_426 = arith.constant 48 : index
          %parallel_loop3A_427 = tpu.vector_load %arg9[%parallel_loop3A_424, %parallel_loop3A_425, %parallel_loop3A_426] {strides = array<i32>} : memref<2x80x128xf32, #tpu.memory_space<vmem>>, vector<1x1x16xf32>,
          %parallel_loop3A_428 = vector.shape_cast %parallel_loop3A_427 : vector<1x1x16xf32> to vector<16xf32>
          %parallel_loop3A_429 = arith.constant 0 : i32
          %parallel_loop3A_430 = arith.index_cast %parallel_loop3A_429 : i32 to index
          %parallel_loop3A_431 = arith.index_cast %parallel_loop3A_356 : i32 to index
          %parallel_loop3A_432 = arith.constant 64 : index
          %parallel_loop3A_433 = tpu.vector_load %arg9[%parallel_loop3A_430, %parallel_loop3A_431, %parallel_loop3A_432] {strides = array<i32>} : memref<2x80x128xf32, #tpu.memory_space<vmem>>, vector<1x1x16xf32>,
          %parallel_loop3A_434 = vector.shape_cast %parallel_loop3A_433 : vector<1x1x16xf32> to vector<16xf32>
          %parallel_loop3A_435 = arith.constant 0 : i32
          %parallel_loop3A_436 = arith.index_cast %parallel_loop3A_435 : i32 to index
          %parallel_loop3A_437 = arith.index_cast %parallel_loop3A_356 : i32 to index
          %parallel_loop3A_438 = arith.constant 80 : index
          %parallel_loop3A_439 = tpu.vector_load %arg9[%parallel_loop3A_436, %parallel_loop3A_437, %parallel_loop3A_438] {strides = array<i32>} : memref<2x80x128xf32, #tpu.memory_space<vmem>>, vector<1x1x16xf32>,
          %parallel_loop3A_440 = vector.shape_cast %parallel_loop3A_439 : vector<1x1x16xf32> to vector<16xf32>
          %parallel_loop3A_441 = arith.constant 0 : i32
          %parallel_loop3A_442 = arith.index_cast %parallel_loop3A_441 : i32 to index
          %parallel_loop3A_443 = arith.index_cast %parallel_loop3A_356 : i32 to index
          %parallel_loop3A_444 = arith.constant 96 : index
          %parallel_loop3A_445 = tpu.vector_load %arg9[%parallel_loop3A_442, %parallel_loop3A_443, %parallel_loop3A_444] {strides = array<i32>} : memref<2x80x128xf32, #tpu.memory_space<vmem>>, vector<1x1x16xf32>,
          %parallel_loop3A_446 = vector.shape_cast %parallel_loop3A_445 : vector<1x1x16xf32> to vector<16xf32>
          %parallel_loop3A_447 = arith.constant 0 : i32
          %parallel_loop3A_448 = arith.index_cast %parallel_loop3A_447 : i32 to index
          %parallel_loop3A_449 = arith.index_cast %parallel_loop3A_356 : i32 to index
          %parallel_loop3A_450 = arith.constant 112 : index
          %parallel_loop3A_451 = tpu.vector_load %arg9[%parallel_loop3A_448, %parallel_loop3A_449, %parallel_loop3A_450] {strides = array<i32>} : memref<2x80x128xf32, #tpu.memory_space<vmem>>, vector<1x1x16xf32>,
          %parallel_loop3A_452 = vector.shape_cast %parallel_loop3A_451 : vector<1x1x16xf32> to vector<16xf32>
          %parallel_loop3A_453 = arith.mulf %parallel_loop3A_362, %parallel_loop3A_410 : vector<16xf32>
          %parallel_loop3A_454 = arith.mulf %parallel_loop3A_368, %parallel_loop3A_416 : vector<16xf32>
          %parallel_loop3A_455 = arith.mulf %parallel_loop3A_362, %parallel_loop3A_422 : vector<16xf32>
          %parallel_loop3A_456 = arith.mulf %parallel_loop3A_368, %parallel_loop3A_428 : vector<16xf32>
          %parallel_loop3A_457 = arith.mulf %parallel_loop3A_362, %parallel_loop3A_434 : vector<16xf32>
          %parallel_loop3A_458 = arith.mulf %parallel_loop3A_368, %parallel_loop3A_440 : vector<16xf32>
          %parallel_loop3A_459 = arith.mulf %parallel_loop3A_362, %parallel_loop3A_446 : vector<16xf32>
          %parallel_loop3A_460 = arith.mulf %parallel_loop3A_368, %parallel_loop3A_452 : vector<16xf32>
          %parallel_loop3A_461 = arith.mulf %parallel_loop3A_374, %parallel_loop3A_410 : vector<16xf32>
          %parallel_loop3A_462 = arith.addf %parallel_loop3A_455, %parallel_loop3A_461 : vector<16xf32>
          %parallel_loop3A_463 = arith.mulf %parallel_loop3A_380, %parallel_loop3A_416 : vector<16xf32>
          %parallel_loop3A_464 = arith.addf %parallel_loop3A_456, %parallel_loop3A_463 : vector<16xf32>
          %parallel_loop3A_465 = arith.mulf %parallel_loop3A_374, %parallel_loop3A_422 : vector<16xf32>
          %parallel_loop3A_466 = arith.addf %parallel_loop3A_457, %parallel_loop3A_465 : vector<16xf32>
          %parallel_loop3A_467 = arith.mulf %parallel_loop3A_380, %parallel_loop3A_428 : vector<16xf32>
          %parallel_loop3A_468 = arith.addf %parallel_loop3A_458, %parallel_loop3A_467 : vector<16xf32>
          %parallel_loop3A_469 = arith.mulf %parallel_loop3A_374, %parallel_loop3A_434 : vector<16xf32>
          %parallel_loop3A_470 = arith.addf %parallel_loop3A_459, %parallel_loop3A_469 : vector<16xf32>
          %parallel_loop3A_471 = arith.mulf %parallel_loop3A_380, %parallel_loop3A_440 : vector<16xf32>
          %parallel_loop3A_472 = arith.addf %parallel_loop3A_460, %parallel_loop3A_471 : vector<16xf32>
          %parallel_loop3A_473 = arith.mulf %parallel_loop3A_374, %parallel_loop3A_446 : vector<16xf32>
          %parallel_loop3A_474 = arith.mulf %parallel_loop3A_380, %parallel_loop3A_452 : vector<16xf32>
          %parallel_loop3A_475 = arith.mulf %parallel_loop3A_386, %parallel_loop3A_410 : vector<16xf32>
          %parallel_loop3A_476 = arith.addf %parallel_loop3A_466, %parallel_loop3A_475 : vector<16xf32>
          %parallel_loop3A_477 = arith.mulf %parallel_loop3A_392, %parallel_loop3A_416 : vector<16xf32>
          %parallel_loop3A_478 = arith.addf %parallel_loop3A_468, %parallel_loop3A_477 : vector<16xf32>
          %parallel_loop3A_479 = arith.mulf %parallel_loop3A_386, %parallel_loop3A_422 : vector<16xf32>
          %parallel_loop3A_480 = arith.addf %parallel_loop3A_470, %parallel_loop3A_479 : vector<16xf32>
          %parallel_loop3A_481 = arith.mulf %parallel_loop3A_392, %parallel_loop3A_428 : vector<16xf32>
          %parallel_loop3A_482 = arith.addf %parallel_loop3A_472, %parallel_loop3A_481 : vector<16xf32>
          %parallel_loop3A_483 = arith.mulf %parallel_loop3A_386, %parallel_loop3A_434 : vector<16xf32>
          %parallel_loop3A_484 = arith.addf %parallel_loop3A_473, %parallel_loop3A_483 : vector<16xf32>
          %parallel_loop3A_485 = arith.mulf %parallel_loop3A_392, %parallel_loop3A_440 : vector<16xf32>
          %parallel_loop3A_486 = arith.addf %parallel_loop3A_474, %parallel_loop3A_485 : vector<16xf32>
          %parallel_loop3A_487 = arith.mulf %parallel_loop3A_386, %parallel_loop3A_446 : vector<16xf32>
          %parallel_loop3A_488 = arith.mulf %parallel_loop3A_392, %parallel_loop3A_452 : vector<16xf32>
          %parallel_loop3A_489 = arith.mulf %parallel_loop3A_398, %parallel_loop3A_410 : vector<16xf32>
          %parallel_loop3A_490 = arith.addf %parallel_loop3A_480, %parallel_loop3A_489 : vector<16xf32>
          %parallel_loop3A_491 = arith.mulf %parallel_loop3A_404, %parallel_loop3A_416 : vector<16xf32>
          %parallel_loop3A_492 = arith.addf %parallel_loop3A_482, %parallel_loop3A_491 : vector<16xf32>
          %parallel_loop3A_493 = arith.mulf %parallel_loop3A_398, %parallel_loop3A_422 : vector<16xf32>
          %parallel_loop3A_494 = arith.addf %parallel_loop3A_484, %parallel_loop3A_493 : vector<16xf32>
          %parallel_loop3A_495 = arith.mulf %parallel_loop3A_404, %parallel_loop3A_428 : vector<16xf32>
          %parallel_loop3A_496 = arith.addf %parallel_loop3A_486, %parallel_loop3A_495 : vector<16xf32>
          %parallel_loop3A_497 = arith.mulf %parallel_loop3A_398, %parallel_loop3A_434 : vector<16xf32>
          %parallel_loop3A_498 = arith.addf %parallel_loop3A_487, %parallel_loop3A_497 : vector<16xf32>
          %parallel_loop3A_499 = arith.mulf %parallel_loop3A_404, %parallel_loop3A_440 : vector<16xf32>
          %parallel_loop3A_500 = arith.addf %parallel_loop3A_488, %parallel_loop3A_499 : vector<16xf32>
          %parallel_loop3A_501 = arith.mulf %parallel_loop3A_398, %parallel_loop3A_446 : vector<16xf32>
          %parallel_loop3A_502 = arith.mulf %parallel_loop3A_404, %parallel_loop3A_452 : vector<16xf32>
          %parallel_loop3A_503 = arith.constant 1.000000e+00 : f32
          %parallel_loop3A_504 = vector.broadcast %parallel_loop3A_503 : f32 to vector<16xf32>
          %parallel_loop3A_505 = arith.mulf %parallel_loop3A_504, %parallel_loop3A_453 : vector<16xf32>
          %parallel_loop3A_506 = arith.constant 2.000000e-01 : f32
          %parallel_loop3A_507 = vector.broadcast %parallel_loop3A_506 : f32 to vector<16xf32>
          %parallel_loop3A_508 = arith.mulf %parallel_loop3A_507, %parallel_loop3A_494 : vector<16xf32>
          %parallel_loop3A_509 = arith.addf %parallel_loop3A_505, %parallel_loop3A_508 : vector<16xf32>
          %parallel_loop3A_510 = arith.constant 1.000000e+00 : f32
          %parallel_loop3A_511 = vector.broadcast %parallel_loop3A_510 : f32 to vector<16xf32>
          %parallel_loop3A_512 = arith.mulf %parallel_loop3A_511, %parallel_loop3A_454 : vector<16xf32>
          %parallel_loop3A_513 = arith.constant 2.000000e-01 : f32
          %parallel_loop3A_514 = vector.broadcast %parallel_loop3A_513 : f32 to vector<16xf32>
          %parallel_loop3A_515 = arith.mulf %parallel_loop3A_514, %parallel_loop3A_496 : vector<16xf32>
          %parallel_loop3A_516 = arith.addf %parallel_loop3A_512, %parallel_loop3A_515 : vector<16xf32>
          %parallel_loop3A_517 = arith.constant 5.000000e-01 : f32
          %parallel_loop3A_518 = vector.broadcast %parallel_loop3A_517 : f32 to vector<16xf32>
          %parallel_loop3A_519 = arith.mulf %parallel_loop3A_518, %parallel_loop3A_462 : vector<16xf32>
          %parallel_loop3A_520 = arith.constant 0.166666672 : f32
          %parallel_loop3A_521 = vector.broadcast %parallel_loop3A_520 : f32 to vector<16xf32>
          %parallel_loop3A_522 = arith.mulf %parallel_loop3A_521, %parallel_loop3A_498 : vector<16xf32>
          %parallel_loop3A_523 = arith.addf %parallel_loop3A_519, %parallel_loop3A_522 : vector<16xf32>
          %parallel_loop3A_524 = arith.constant 5.000000e-01 : f32
          %parallel_loop3A_525 = vector.broadcast %parallel_loop3A_524 : f32 to vector<16xf32>
          %parallel_loop3A_526 = arith.mulf %parallel_loop3A_525, %parallel_loop3A_464 : vector<16xf32>
          %parallel_loop3A_527 = arith.constant 0.166666672 : f32
          %parallel_loop3A_528 = vector.broadcast %parallel_loop3A_527 : f32 to vector<16xf32>
          %parallel_loop3A_529 = arith.mulf %parallel_loop3A_528, %parallel_loop3A_500 : vector<16xf32>
          %parallel_loop3A_530 = arith.addf %parallel_loop3A_526, %parallel_loop3A_529 : vector<16xf32>
          %parallel_loop3A_531 = arith.constant 0.333333343 : f32
          %parallel_loop3A_532 = vector.broadcast %parallel_loop3A_531 : f32 to vector<16xf32>
          %parallel_loop3A_533 = arith.mulf %parallel_loop3A_532, %parallel_loop3A_476 : vector<16xf32>
          %parallel_loop3A_534 = arith.constant 0.142857149 : f32
          %parallel_loop3A_535 = vector.broadcast %parallel_loop3A_534 : f32 to vector<16xf32>
          %parallel_loop3A_536 = arith.mulf %parallel_loop3A_535, %parallel_loop3A_501 : vector<16xf32>
          %parallel_loop3A_537 = arith.addf %parallel_loop3A_533, %parallel_loop3A_536 : vector<16xf32>
          %parallel_loop3A_538 = arith.constant 0.333333343 : f32
          %parallel_loop3A_539 = vector.broadcast %parallel_loop3A_538 : f32 to vector<16xf32>
          %parallel_loop3A_540 = arith.mulf %parallel_loop3A_539, %parallel_loop3A_478 : vector<16xf32>
          %parallel_loop3A_541 = arith.constant 0.142857149 : f32
          %parallel_loop3A_542 = vector.broadcast %parallel_loop3A_541 : f32 to vector<16xf32>
          %parallel_loop3A_543 = arith.mulf %parallel_loop3A_542, %parallel_loop3A_502 : vector<16xf32>
          %parallel_loop3A_544 = arith.addf %parallel_loop3A_540, %parallel_loop3A_543 : vector<16xf32>
          %parallel_loop3A_545 = arith.constant 2.500000e-01 : f32
          %parallel_loop3A_546 = vector.broadcast %parallel_loop3A_545 : f32 to vector<16xf32>
          %parallel_loop3A_547 = arith.mulf %parallel_loop3A_546, %parallel_loop3A_490 : vector<16xf32>
          %parallel_loop3A_548 = arith.constant 2.500000e-01 : f32
          %parallel_loop3A_549 = vector.broadcast %parallel_loop3A_548 : f32 to vector<16xf32>
          %parallel_loop3A_550 = arith.mulf %parallel_loop3A_549, %parallel_loop3A_492 : vector<16xf32>
          %parallel_loop3A_551 = arith.constant 0 : i32
          %parallel_loop3A_552 = arith.index_cast %parallel_loop3A_551 : i32 to index
          %parallel_loop3A_553 = arith.index_cast %parallel_loop3A_356 : i32 to index
          %parallel_loop3A_554 = arith.constant 0 : index
          %parallel_loop3A_555 = tpu.vector_load %arg9[%parallel_loop3A_552, %parallel_loop3A_553, %parallel_loop3A_554] {strides = array<i32>} : memref<2x80x128xf32, #tpu.memory_space<vmem>>, vector<1x1x16xf32>,
          %parallel_loop3A_556 = vector.shape_cast %parallel_loop3A_555 : vector<1x1x16xf32> to vector<16xf32>
          %parallel_loop3A_557 = vector.shape_cast %parallel_loop3A_509 : vector<16xf32> to vector<1x1x16xf32>
          tpu.vector_store %arg9[%parallel_loop3A_552, %parallel_loop3A_553, %parallel_loop3A_554], %parallel_loop3A_557 {strides = array<i32>} : memref<2x80x128xf32, #tpu.memory_space<vmem>>, vector<1x1x16xf32>,
          %parallel_loop3A_558 = arith.constant 0 : i32
          %parallel_loop3A_559 = arith.index_cast %parallel_loop3A_558 : i32 to index
          %parallel_loop3A_560 = arith.index_cast %parallel_loop3A_356 : i32 to index
          %parallel_loop3A_561 = arith.constant 16 : index
          %parallel_loop3A_562 = tpu.vector_load %arg9[%parallel_loop3A_559, %parallel_loop3A_560, %parallel_loop3A_561] {strides = array<i32>} : memref<2x80x128xf32, #tpu.memory_space<vmem>>, vector<1x1x16xf32>,
          %parallel_loop3A_563 = vector.shape_cast %parallel_loop3A_562 : vector<1x1x16xf32> to vector<16xf32>
          %parallel_loop3A_564 = vector.shape_cast %parallel_loop3A_516 : vector<16xf32> to vector<1x1x16xf32>
          tpu.vector_store %arg9[%parallel_loop3A_559, %parallel_loop3A_560, %parallel_loop3A_561], %parallel_loop3A_564 {strides = array<i32>} : memref<2x80x128xf32, #tpu.memory_space<vmem>>, vector<1x1x16xf32>,
          %parallel_loop3A_565 = arith.constant 0 : i32
          %parallel_loop3A_566 = arith.index_cast %parallel_loop3A_565 : i32 to index
          %parallel_loop3A_567 = arith.index_cast %parallel_loop3A_356 : i32 to index
          %parallel_loop3A_568 = arith.constant 32 : index
          %parallel_loop3A_569 = tpu.vector_load %arg9[%parallel_loop3A_566, %parallel_loop3A_567, %parallel_loop3A_568] {strides = array<i32>} : memref<2x80x128xf32, #tpu.memory_space<vmem>>, vector<1x1x16xf32>,
          %parallel_loop3A_570 = vector.shape_cast %parallel_loop3A_569 : vector<1x1x16xf32> to vector<16xf32>
          %parallel_loop3A_571 = vector.shape_cast %parallel_loop3A_523 : vector<16xf32> to vector<1x1x16xf32>
          tpu.vector_store %arg9[%parallel_loop3A_566, %parallel_loop3A_567, %parallel_loop3A_568], %parallel_loop3A_571 {strides = array<i32>} : memref<2x80x128xf32, #tpu.memory_space<vmem>>, vector<1x1x16xf32>,
          %parallel_loop3A_572 = arith.constant 0 : i32
          %parallel_loop3A_573 = arith.index_cast %parallel_loop3A_572 : i32 to index
          %parallel_loop3A_574 = arith.index_cast %parallel_loop3A_356 : i32 to index
          %parallel_loop3A_575 = arith.constant 48 : index
          %parallel_loop3A_576 = tpu.vector_load %arg9[%parallel_loop3A_573, %parallel_loop3A_574, %parallel_loop3A_575] {strides = array<i32>} : memref<2x80x128xf32, #tpu.memory_space<vmem>>, vector<1x1x16xf32>,
          %parallel_loop3A_577 = vector.shape_cast %parallel_loop3A_576 : vector<1x1x16xf32> to vector<16xf32>
          %parallel_loop3A_578 = vector.shape_cast %parallel_loop3A_530 : vector<16xf32> to vector<1x1x16xf32>
          tpu.vector_store %arg9[%parallel_loop3A_573, %parallel_loop3A_574, %parallel_loop3A_575], %parallel_loop3A_578 {strides = array<i32>} : memref<2x80x128xf32, #tpu.memory_space<vmem>>, vector<1x1x16xf32>,
          %parallel_loop3A_579 = arith.constant 0 : i32
          %parallel_loop3A_580 = arith.index_cast %parallel_loop3A_579 : i32 to index
          %parallel_loop3A_581 = arith.index_cast %parallel_loop3A_356 : i32 to index
          %parallel_loop3A_582 = arith.constant 64 : index
          %parallel_loop3A_583 = tpu.vector_load %arg9[%parallel_loop3A_580, %parallel_loop3A_581, %parallel_loop3A_582] {strides = array<i32>} : memref<2x80x128xf32, #tpu.memory_space<vmem>>, vector<1x1x16xf32>,
          %parallel_loop3A_584 = vector.shape_cast %parallel_loop3A_583 : vector<1x1x16xf32> to vector<16xf32>
          %parallel_loop3A_585 = vector.shape_cast %parallel_loop3A_537 : vector<16xf32> to vector<1x1x16xf32>
          tpu.vector_store %arg9[%parallel_loop3A_580, %parallel_loop3A_581, %parallel_loop3A_582], %parallel_loop3A_585 {strides = array<i32>} : memref<2x80x128xf32, #tpu.memory_space<vmem>>, vector<1x1x16xf32>,
          %parallel_loop3A_586 = arith.constant 0 : i32
          %parallel_loop3A_587 = arith.index_cast %parallel_loop3A_586 : i32 to index
          %parallel_loop3A_588 = arith.index_cast %parallel_loop3A_356 : i32 to index
          %parallel_loop3A_589 = arith.constant 80 : index
          %parallel_loop3A_590 = tpu.vector_load %arg9[%parallel_loop3A_587, %parallel_loop3A_588, %parallel_loop3A_589] {strides = array<i32>} : memref<2x80x128xf32, #tpu.memory_space<vmem>>, vector<1x1x16xf32>,
          %parallel_loop3A_591 = vector.shape_cast %parallel_loop3A_590 : vector<1x1x16xf32> to vector<16xf32>
          %parallel_loop3A_592 = vector.shape_cast %parallel_loop3A_544 : vector<16xf32> to vector<1x1x16xf32>
          tpu.vector_store %arg9[%parallel_loop3A_587, %parallel_loop3A_588, %parallel_loop3A_589], %parallel_loop3A_592 {strides = array<i32>} : memref<2x80x128xf32, #tpu.memory_space<vmem>>, vector<1x1x16xf32>,
          %parallel_loop3A_593 = arith.constant 0 : i32
          %parallel_loop3A_594 = arith.index_cast %parallel_loop3A_593 : i32 to index
          %parallel_loop3A_595 = arith.index_cast %parallel_loop3A_356 : i32 to index
          %parallel_loop3A_596 = arith.constant 96 : index
          %parallel_loop3A_597 = tpu.vector_load %arg9[%parallel_loop3A_594, %parallel_loop3A_595, %parallel_loop3A_596] {strides = array<i32>} : memref<2x80x128xf32, #tpu.memory_space<vmem>>, vector<1x1x16xf32>,
          %parallel_loop3A_598 = vector.shape_cast %parallel_loop3A_597 : vector<1x1x16xf32> to vector<16xf32>
          %parallel_loop3A_599 = vector.shape_cast %parallel_loop3A_547 : vector<16xf32> to vector<1x1x16xf32>
          tpu.vector_store %arg9[%parallel_loop3A_594, %parallel_loop3A_595, %parallel_loop3A_596], %parallel_loop3A_599 {strides = array<i32>} : memref<2x80x128xf32, #tpu.memory_space<vmem>>, vector<1x1x16xf32>,
          %parallel_loop3A_600 = arith.constant 0 : i32
          %parallel_loop3A_601 = arith.index_cast %parallel_loop3A_600 : i32 to index
          %parallel_loop3A_602 = arith.index_cast %parallel_loop3A_356 : i32 to index
          %parallel_loop3A_603 = arith.constant 112 : index
          %parallel_loop3A_604 = tpu.vector_load %arg9[%parallel_loop3A_601, %parallel_loop3A_602, %parallel_loop3A_603] {strides = array<i32>} : memref<2x80x128xf32, #tpu.memory_space<vmem>>, vector<1x1x16xf32>,
          %parallel_loop3A_605 = vector.shape_cast %parallel_loop3A_604 : vector<1x1x16xf32> to vector<16xf32>
          %parallel_loop3A_606 = vector.shape_cast %parallel_loop3A_550 : vector<16xf32> to vector<1x1x16xf32>
          tpu.vector_store %arg9[%parallel_loop3A_601, %parallel_loop3A_602, %parallel_loop3A_603], %parallel_loop3A_606 {strides = array<i32>} : memref<2x80x128xf32, #tpu.memory_space<vmem>>, vector<1x1x16xf32>,
        } {sc.loop_unroll_factor = 2 : i64, sc.parallel_access}
        %dma_start3A_341 = arith.constant 0 : i32
        %dma_start3A_342 = arith.constant 0 : i32
        %dma_start3A_343 = arith.constant 0 : i32
        %dma_start3A_344 = arith.constant 0 : i32
        %dma_start3A_345 = arith.constant 0 : i32
        %dma_start3A_346 = tpu.memref_slice %arg9[%dma_start3A_341, %dma_start3A_344, %dma_start3A_345] : memref<2x80x128xf32, #tpu.memory_space<vmem>> -> memref<1x80x128xf32, #tpu.memory_space<vmem>>
        %dma_start3A_347 = tpu.memref_squeeze %dma_start3A_346 : memref<1x80x128xf32, #tpu.memory_space<vmem>> -> memref<80x128xf32, #tpu.memory_space<vmem>>
        %dma_start3A_348 = arith.constant 0 : i32
        %dma_start3A_349 = tpu.memref_slice %arg8[%dma_start3A_342, %dma_start3A_348] : memref<4x80xi32, #tpu.memory_space<vmem>> -> memref<1x80xi32, #tpu.memory_space<vmem>>
        %dma_start3A_350 = tpu.memref_squeeze %dma_start3A_349 : memref<1x80xi32, #tpu.memory_space<vmem>> -> memref<80xi32, #tpu.memory_space<vmem>>
        %dma_start3A_351 = arith.constant 0 : i32
        %dma_start3A_352 = arith.constant 0 : i32
        %dma_start3A_353 = tpu.memref_slice %arg11[%dma_start3A_351, %dma_start3A_352] : memref<10000x128xf32, #tpu.memory_space<vmem_shared>> -> memref<10000x128xf32, #tpu.memory_space<vmem_shared>>
        %dma_start3A_354 = tpu.memref_slice %arg15[%dma_start3A_343] : memref<2x!tpu.dma_semaphore, #tpu.memory_space<semaphore_mem>> -> memref<1x!tpu.dma_semaphore, #tpu.memory_space<semaphore_mem>>
        %dma_start3A_355 = tpu.memref_squeeze %dma_start3A_354 : memref<1x!tpu.dma_semaphore, #tpu.memory_space<semaphore_mem>> -> memref<!tpu.dma_semaphore, #tpu.memory_space<semaphore_mem>>
        tpu.enqueue_indirect_dma source(%dma_start3A_347 : memref<80x128xf32, #tpu.memory_space<vmem>>) target(%dma_start3A_353 : memref<10000x128xf32, #tpu.memory_space<vmem_shared>>) offsets(%dma_start3A_350 : memref<80xi32, #tpu.memory_space<vmem>>) semaphore(%dma_start3A_355 : memref<!tpu.dma_semaphore, #tpu.memory_space<semaphore_mem>>) {add = true}
      } else {
      }
      %mul3A_206 = arith.constant 4 : i32
      %mul3A_207 = arith.muli %scan3A_176, %mul3A_206 : i32
      %add3A_208 = arith.constant 1 : i32
      %add3A_209 = arith.addi %mul3A_207, %add3A_208 : i32
      %add3A_210 = arith.constant 2 : i32
      %add3A_211 = arith.addi %add3A_209, %add3A_210 : i32
      %lt3A_212 = arith.constant 125 : i32
      %lt3A_213 = arith.cmpi slt, %add3A_211, %lt3A_212 : i32
      %convert_element_type3A_214 = arith.extui %lt3A_213 : i1 to i32
      %cond3A_215 = arith.constant 0 : i32
      %cond3A_216 = arith.cmpi ne, %convert_element_type3A_214, %cond3A_215 : i32
      scf.if %cond3A_216 {
        %add3A_305 = arith.constant 2 : i32
        %add3A_306 = arith.addi %add3A_209, %add3A_305 : i32
        %mul3A_307 = arith.constant 80 : i32
        %mul3A_308 = arith.muli %add3A_306, %mul3A_307 : i32
        %add3A_309 = arith.addi %mul3A_2, %mul3A_308 : i32
        %dma_start3A_310 = arith.constant 3 : i32
        %dma_start3A_311 = arith.constant 3 : i32
        %dma_start3A_312 = arith.constant 0 : i32
        %dma_start3A_313 = tpu.memref_slice %arg7[%dma_start3A_310, %dma_start3A_312] : memref<4x80xi32, #tpu.memory_space<vmem>> -> memref<1x80xi32, #tpu.memory_space<vmem>>
        %dma_start3A_314 = tpu.memref_squeeze %dma_start3A_313 : memref<1x80xi32, #tpu.memory_space<vmem>> -> memref<80xi32, #tpu.memory_space<vmem>>
        %dma_start3A_315 = tpu.memref_slice %arg4[%add3A_309] : memref<320000xi32, #tpu.memory_space<hbm>> -> memref<80xi32, #tpu.memory_space<hbm>>
        %dma_start3A_316 = tpu.memref_slice %arg12[%dma_start3A_311] : memref<4x!tpu.dma_semaphore, #tpu.memory_space<semaphore_mem>> -> memref<1x!tpu.dma_semaphore, #tpu.memory_space<semaphore_mem>>
        %dma_start3A_317 = tpu.memref_squeeze %dma_start3A_316 : memref<1x!tpu.dma_semaphore, #tpu.memory_space<semaphore_mem>> -> memref<!tpu.dma_semaphore, #tpu.memory_space<semaphore_mem>>
        %dma_start3A_318 = arith.constant 0 : i32
        %dma_start3A_319 = tpu.memref_slice %arg7[%dma_start3A_310, %dma_start3A_318] : memref<4x80xi32, #tpu.memory_space<vmem>> -> memref<1x80xi32, #tpu.memory_space<vmem>>
        %dma_start3A_320 = tpu.memref_squeeze %dma_start3A_319 : memref<1x80xi32, #tpu.memory_space<vmem>> -> memref<80xi32, #tpu.memory_space<vmem>>
        %dma_start3A_321 = tpu.memref_slice %arg4[%add3A_309] : memref<320000xi32, #tpu.memory_space<hbm>> -> memref<80xi32, #tpu.memory_space<hbm>>
        tpu.enqueue_dma source(%dma_start3A_321 : memref<80xi32, #tpu.memory_space<hbm>>) target(%dma_start3A_320 : memref<80xi32, #tpu.memory_space<vmem>>) target_semaphore(%dma_start3A_317 : memref<!tpu.dma_semaphore, #tpu.memory_space<semaphore_mem>>)
        %mul3A_322 = arith.constant 80 : i32
        %mul3A_323 = arith.muli %add3A_306, %mul3A_322 : i32
        %add3A_324 = arith.addi %mul3A_2, %mul3A_323 : i32
        %dma_start3A_325 = arith.constant 3 : i32
        %dma_start3A_326 = arith.constant 3 : i32
        %dma_start3A_327 = arith.constant 0 : i32
        %dma_start3A_328 = tpu.memref_slice %arg8[%dma_start3A_325, %dma_start3A_327] : memref<4x80xi32, #tpu.memory_space<vmem>> -> memref<1x80xi32, #tpu.memory_space<vmem>>
        %dma_start3A_329 = tpu.memref_squeeze %dma_start3A_328 : memref<1x80xi32, #tpu.memory_space<vmem>> -> memref<80xi32, #tpu.memory_space<vmem>>
        %dma_start3A_330 = tpu.memref_slice %arg5[%add3A_324] : memref<320000xi32, #tpu.memory_space<hbm>> -> memref<80xi32, #tpu.memory_space<hbm>>
        %dma_start3A_331 = tpu.memref_slice %arg12[%dma_start3A_326] : memref<4x!tpu.dma_semaphore, #tpu.memory_space<semaphore_mem>> -> memref<1x!tpu.dma_semaphore, #tpu.memory_space<semaphore_mem>>
        %dma_start3A_332 = tpu.memref_squeeze %dma_start3A_331 : memref<1x!tpu.dma_semaphore, #tpu.memory_space<semaphore_mem>> -> memref<!tpu.dma_semaphore, #tpu.memory_space<semaphore_mem>>
        %dma_start3A_333 = arith.constant 0 : i32
        %dma_start3A_334 = tpu.memref_slice %arg8[%dma_start3A_325, %dma_start3A_333] : memref<4x80xi32, #tpu.memory_space<vmem>> -> memref<1x80xi32, #tpu.memory_space<vmem>>
        %dma_start3A_335 = tpu.memref_squeeze %dma_start3A_334 : memref<1x80xi32, #tpu.memory_space<vmem>> -> memref<80xi32, #tpu.memory_space<vmem>>
        %dma_start3A_336 = tpu.memref_slice %arg5[%add3A_324] : memref<320000xi32, #tpu.memory_space<hbm>> -> memref<80xi32, #tpu.memory_space<hbm>>
        tpu.enqueue_dma source(%dma_start3A_336 : memref<80xi32, #tpu.memory_space<hbm>>) target(%dma_start3A_335 : memref<80xi32, #tpu.memory_space<vmem>>) target_semaphore(%dma_start3A_332 : memref<!tpu.dma_semaphore, #tpu.memory_space<semaphore_mem>>)
      } else {
      }
      %ge3A_217 = arith.constant 1 : i32
      %ge3A_218 = arith.cmpi sge, %add3A_209, %ge3A_217 : i32
      %sub3A_219 = arith.constant 1 : i32
      %sub3A_220 = arith.subi %add3A_209, %sub3A_219 : i32
      %lt3A_221 = arith.constant 125 : i32
      %lt3A_222 = arith.cmpi slt, %sub3A_220, %lt3A_221 : i32
      %and3A_223 = arith.andi %ge3A_218, %lt3A_222 : i1
      %convert_element_type3A_224 = arith.extui %and3A_223 : i1 to i32
      %cond3A_225 = arith.constant 0 : i32
      %cond3A_226 = arith.cmpi ne, %convert_element_type3A_224, %cond3A_225 : i32
      scf.if %cond3A_226 {
        %dma_wait3A_305 = arith.constant 0 : i32
        %dma_wait3A_306 = arith.constant 0 : i32
        %dma_wait3A_307 = arith.constant 0 : i32
        %dma_wait3A_308 = arith.constant 0 : i32
        %dma_wait3A_309 = arith.constant 0 : i32
        %dma_wait3A_310 = tpu.memref_slice %arg9[%dma_wait3A_305, %dma_wait3A_308, %dma_wait3A_309] : memref<2x80x128xf32, #tpu.memory_space<vmem>> -> memref<1x80x128xf32, #tpu.memory_space<vmem>>
        %dma_wait3A_311 = tpu.memref_squeeze %dma_wait3A_310 : memref<1x80x128xf32, #tpu.memory_space<vmem>> -> memref<80x128xf32, #tpu.memory_space<vmem>>
        %dma_wait3A_312 = arith.constant 0 : i32
        %dma_wait3A_313 = tpu.memref_slice %arg8[%dma_wait3A_306, %dma_wait3A_312] : memref<4x80xi32, #tpu.memory_space<vmem>> -> memref<1x80xi32, #tpu.memory_space<vmem>>
        %dma_wait3A_314 = tpu.memref_squeeze %dma_wait3A_313 : memref<1x80xi32, #tpu.memory_space<vmem>> -> memref<80xi32, #tpu.memory_space<vmem>>
        %dma_wait3A_315 = arith.constant 0 : i32
        %dma_wait3A_316 = arith.constant 0 : i32
        %dma_wait3A_317 = tpu.memref_slice %arg11[%dma_wait3A_315, %dma_wait3A_316] : memref<10000x128xf32, #tpu.memory_space<vmem_shared>> -> memref<10000x128xf32, #tpu.memory_space<vmem_shared>>
        %dma_wait3A_318 = tpu.memref_slice %arg15[%dma_wait3A_307] : memref<2x!tpu.dma_semaphore, #tpu.memory_space<semaphore_mem>> -> memref<1x!tpu.dma_semaphore, #tpu.memory_space<semaphore_mem>>
        %dma_wait3A_319 = tpu.memref_squeeze %dma_wait3A_318 : memref<1x!tpu.dma_semaphore, #tpu.memory_space<semaphore_mem>> -> memref<!tpu.dma_semaphore, #tpu.memory_space<semaphore_mem>>
        tpu.wait_indirect_dma semaphore(%dma_wait3A_319 : memref<!tpu.dma_semaphore, #tpu.memory_space<semaphore_mem>>) src(%dma_wait3A_311 : memref<80x128xf32, #tpu.memory_space<vmem>>) dst(%dma_wait3A_317 : memref<10000x128xf32, #tpu.memory_space<vmem_shared>>)
      } else {
      }
      %add3A_227 = arith.constant 1 : i32
      %add3A_228 = arith.addi %add3A_209, %add3A_227 : i32
      %lt3A_229 = arith.constant 125 : i32
      %lt3A_230 = arith.cmpi slt, %add3A_228, %lt3A_229 : i32
      %convert_element_type3A_231 = arith.extui %lt3A_230 : i1 to i32
      %cond3A_232 = arith.constant 0 : i32
      %cond3A_233 = arith.cmpi ne, %convert_element_type3A_231, %cond3A_232 : i32
      scf.if %cond3A_233 {
        %add3A_305 = arith.constant 1 : i32
        %add3A_306 = arith.addi %add3A_209, %add3A_305 : i32
        %mul3A_307 = arith.constant 80 : i32
        %mul3A_308 = arith.muli %add3A_306, %mul3A_307 : i32
        %add3A_309 = arith.addi %mul3A_2, %mul3A_308 : i32
        %dma_wait3A_310 = arith.constant 2 : i32
        %dma_wait3A_311 = arith.constant 2 : i32
        %dma_wait3A_312 = arith.constant 0 : i32
        %dma_wait3A_313 = tpu.memref_slice %arg7[%dma_wait3A_310, %dma_wait3A_312] : memref<4x80xi32, #tpu.memory_space<vmem>> -> memref<1x80xi32, #tpu.memory_space<vmem>>
        %dma_wait3A_314 = tpu.memref_squeeze %dma_wait3A_313 : memref<1x80xi32, #tpu.memory_space<vmem>> -> memref<80xi32, #tpu.memory_space<vmem>>
        %dma_wait3A_315 = tpu.memref_slice %arg4[%add3A_309] : memref<320000xi32, #tpu.memory_space<hbm>> -> memref<80xi32, #tpu.memory_space<hbm>>
        %dma_wait3A_316 = tpu.memref_slice %arg12[%dma_wait3A_311] : memref<4x!tpu.dma_semaphore, #tpu.memory_space<semaphore_mem>> -> memref<1x!tpu.dma_semaphore, #tpu.memory_space<semaphore_mem>>
        %dma_wait3A_317 = tpu.memref_squeeze %dma_wait3A_316 : memref<1x!tpu.dma_semaphore, #tpu.memory_space<semaphore_mem>> -> memref<!tpu.dma_semaphore, #tpu.memory_space<semaphore_mem>>
        %dma_wait3A_318 = arith.constant 0 : i32
        %dma_wait3A_319 = tpu.memref_slice %arg7[%dma_wait3A_310, %dma_wait3A_318] : memref<4x80xi32, #tpu.memory_space<vmem>> -> memref<1x80xi32, #tpu.memory_space<vmem>>
        %dma_wait3A_320 = tpu.memref_squeeze %dma_wait3A_319 : memref<1x80xi32, #tpu.memory_space<vmem>> -> memref<80xi32, #tpu.memory_space<vmem>>
        %dma_wait3A_321 = tpu.memref_slice %arg4[%add3A_309] : memref<320000xi32, #tpu.memory_space<hbm>> -> memref<80xi32, #tpu.memory_space<hbm>>
        tpu.wait_dma2 semaphore(%dma_wait3A_317 : memref<!tpu.dma_semaphore, #tpu.memory_space<semaphore_mem>>) src(%dma_wait3A_321 : memref<80xi32, #tpu.memory_space<hbm>>) dst(%dma_wait3A_320 : memref<80xi32, #tpu.memory_space<vmem>>)
        %mul3A_322 = arith.constant 80 : i32
        %mul3A_323 = arith.muli %add3A_306, %mul3A_322 : i32
        %add3A_324 = arith.addi %mul3A_2, %mul3A_323 : i32
        %dma_wait3A_325 = arith.constant 2 : i32
        %dma_wait3A_326 = arith.constant 2 : i32
        %dma_wait3A_327 = arith.constant 0 : i32
        %dma_wait3A_328 = tpu.memref_slice %arg8[%dma_wait3A_325, %dma_wait3A_327] : memref<4x80xi32, #tpu.memory_space<vmem>> -> memref<1x80xi32, #tpu.memory_space<vmem>>
        %dma_wait3A_329 = tpu.memref_squeeze %dma_wait3A_328 : memref<1x80xi32, #tpu.memory_space<vmem>> -> memref<80xi32, #tpu.memory_space<vmem>>
        %dma_wait3A_330 = tpu.memref_slice %arg5[%add3A_324] : memref<320000xi32, #tpu.memory_space<hbm>> -> memref<80xi32, #tpu.memory_space<hbm>>
        %dma_wait3A_331 = tpu.memref_slice %arg12[%dma_wait3A_326] : memref<4x!tpu.dma_semaphore, #tpu.memory_space<semaphore_mem>> -> memref<1x!tpu.dma_semaphore, #tpu.memory_space<semaphore_mem>>
        %dma_wait3A_332 = tpu.memref_squeeze %dma_wait3A_331 : memref<1x!tpu.dma_semaphore, #tpu.memory_space<semaphore_mem>> -> memref<!tpu.dma_semaphore, #tpu.memory_space<semaphore_mem>>
        %dma_wait3A_333 = arith.constant 0 : i32
        %dma_wait3A_334 = tpu.memref_slice %arg8[%dma_wait3A_325, %dma_wait3A_333] : memref<4x80xi32, #tpu.memory_space<vmem>> -> memref<1x80xi32, #tpu.memory_space<vmem>>
        %dma_wait3A_335 = tpu.memref_squeeze %dma_wait3A_334 : memref<1x80xi32, #tpu.memory_space<vmem>> -> memref<80xi32, #tpu.memory_space<vmem>>
        %dma_wait3A_336 = tpu.memref_slice %arg5[%add3A_324] : memref<320000xi32, #tpu.memory_space<hbm>> -> memref<80xi32, #tpu.memory_space<hbm>>
        tpu.wait_dma2 semaphore(%dma_wait3A_332 : memref<!tpu.dma_semaphore, #tpu.memory_space<semaphore_mem>>) src(%dma_wait3A_336 : memref<80xi32, #tpu.memory_space<hbm>>) dst(%dma_wait3A_335 : memref<80xi32, #tpu.memory_space<vmem>>)
        %add3A_337 = arith.constant 1 : i32
        %add3A_338 = arith.addi %add3A_209, %add3A_337 : i32
        %mul3A_339 = arith.constant 80 : i32
        %mul3A_340 = arith.muli %add3A_338, %mul3A_339 : i32
        %add3A_341 = arith.addi %mul3A_2, %mul3A_340 : i32
        %dma_start3A_342 = arith.constant 0 : i32
        %dma_start3A_343 = arith.constant 0 : i32
        %dma_start3A_344 = arith.constant 0 : i32
        %dma_start3A_345 = arith.constant 0 : i32
        %dma_start3A_346 = tpu.memref_slice %arg9[%dma_start3A_342, %dma_start3A_344, %dma_start3A_345] : memref<2x80x128xf32, #tpu.memory_space<vmem>> -> memref<1x80x128xf32, #tpu.memory_space<vmem>>
        %dma_start3A_347 = tpu.memref_squeeze %dma_start3A_346 : memref<1x80x128xf32, #tpu.memory_space<vmem>> -> memref<80x128xf32, #tpu.memory_space<vmem>>
        %dma_start3A_348 = arith.constant 0 : i32
        %dma_start3A_349 = tpu.memref_slice %arg3[%add3A_341, %dma_start3A_348] : memref<320000x128xf32, #tpu.memory_space<hbm>> -> memref<80x128xf32, #tpu.memory_space<hbm>>
        %dma_start3A_350 = tpu.memref_slice %arg13[%dma_start3A_343] : memref<2x!tpu.dma_semaphore, #tpu.memory_space<semaphore_mem>> -> memref<1x!tpu.dma_semaphore, #tpu.memory_space<semaphore_mem>>
        %dma_start3A_351 = tpu.memref_squeeze %dma_start3A_350 : memref<1x!tpu.dma_semaphore, #tpu.memory_space<semaphore_mem>> -> memref<!tpu.dma_semaphore, #tpu.memory_space<semaphore_mem>>
        %dma_start3A_352 = arith.constant 0 : i32
        %dma_start3A_353 = arith.constant 0 : i32
        %dma_start3A_354 = tpu.memref_slice %arg9[%dma_start3A_342, %dma_start3A_352, %dma_start3A_353] : memref<2x80x128xf32, #tpu.memory_space<vmem>> -> memref<1x80x128xf32, #tpu.memory_space<vmem>>
        %dma_start3A_355 = tpu.memref_squeeze %dma_start3A_354 : memref<1x80x128xf32, #tpu.memory_space<vmem>> -> memref<80x128xf32, #tpu.memory_space<vmem>>
        %dma_start3A_356 = arith.constant 0 : i32
        %dma_start3A_357 = tpu.memref_slice %arg3[%add3A_341, %dma_start3A_356] : memref<320000x128xf32, #tpu.memory_space<hbm>> -> memref<80x128xf32, #tpu.memory_space<hbm>>
        tpu.enqueue_dma source(%dma_start3A_357 : memref<80x128xf32, #tpu.memory_space<hbm>>) target(%dma_start3A_355 : memref<80x128xf32, #tpu.memory_space<vmem>>) target_semaphore(%dma_start3A_351 : memref<!tpu.dma_semaphore, #tpu.memory_space<semaphore_mem>>)
        %dma_start3A_358 = arith.constant 2 : i32
        %dma_start3A_359 = arith.constant 0 : i32
        %dma_start3A_360 = arith.constant 0 : i32
        %dma_start3A_361 = arith.constant 0 : i32
        %dma_start3A_362 = arith.constant 0 : i32
        %dma_start3A_363 = tpu.memref_slice %arg10[%dma_start3A_359, %dma_start3A_361, %dma_start3A_362] : memref<2x80x128xf32, #tpu.memory_space<vmem>> -> memref<1x80x128xf32, #tpu.memory_space<vmem>>
        %dma_start3A_364 = tpu.memref_squeeze %dma_start3A_363 : memref<1x80x128xf32, #tpu.memory_space<vmem>> -> memref<80x128xf32, #tpu.memory_space<vmem>>
        %dma_start3A_365 = arith.constant 0 : i32
        %dma_start3A_366 = tpu.memref_slice %arg7[%dma_start3A_358, %dma_start3A_365] : memref<4x80xi32, #tpu.memory_space<vmem>> -> memref<1x80xi32, #tpu.memory_space<vmem>>
        %dma_start3A_367 = tpu.memref_squeeze %dma_start3A_366 : memref<1x80xi32, #tpu.memory_space<vmem>> -> memref<80xi32, #tpu.memory_space<vmem>>
        %dma_start3A_368 = arith.constant 0 : i32
        %dma_start3A_369 = arith.constant 0 : i32
        %dma_start3A_370 = tpu.memref_slice %arg2[%dma_start3A_368, %dma_start3A_369] : memref<10000x128xf32, #tpu.memory_space<hbm>> -> memref<10000x128xf32, #tpu.memory_space<hbm>>
        %dma_start3A_371 = tpu.memref_slice %arg14[%dma_start3A_360] : memref<2x!tpu.dma_semaphore, #tpu.memory_space<semaphore_mem>> -> memref<1x!tpu.dma_semaphore, #tpu.memory_space<semaphore_mem>>
        %dma_start3A_372 = tpu.memref_squeeze %dma_start3A_371 : memref<1x!tpu.dma_semaphore, #tpu.memory_space<semaphore_mem>> -> memref<!tpu.dma_semaphore, #tpu.memory_space<semaphore_mem>>
        tpu.enqueue_indirect_dma source(%dma_start3A_370 : memref<10000x128xf32, #tpu.memory_space<hbm>>) target(%dma_start3A_364 : memref<80x128xf32, #tpu.memory_space<vmem>>) offsets(%dma_start3A_367 : memref<80xi32, #tpu.memory_space<vmem>>) semaphore(%dma_start3A_372 : memref<!tpu.dma_semaphore, #tpu.memory_space<semaphore_mem>>)
      } else {
      }
      %lt3A_234 = arith.constant 125 : i32
      %lt3A_235 = arith.cmpi slt, %add3A_209, %lt3A_234 : i32
      %convert_element_type3A_236 = arith.extui %lt3A_235 : i1 to i32
      %cond3A_237 = arith.constant 0 : i32
      %cond3A_238 = arith.cmpi ne, %convert_element_type3A_236, %cond3A_237 : i32
      scf.if %cond3A_238 {
        %mul3A_305 = arith.constant 80 : i32
        %mul3A_306 = arith.muli %add3A_209, %mul3A_305 : i32
        %add3A_307 = arith.addi %mul3A_2, %mul3A_306 : i32
        %dma_wait3A_308 = arith.constant 1 : i32
        %dma_wait3A_309 = arith.constant 1 : i32
        %dma_wait3A_310 = arith.constant 0 : i32
        %dma_wait3A_311 = arith.constant 0 : i32
        %dma_wait3A_312 = tpu.memref_slice %arg9[%dma_wait3A_308, %dma_wait3A_310, %dma_wait3A_311] : memref<2x80x128xf32, #tpu.memory_space<vmem>> -> memref<1x80x128xf32, #tpu.memory_space<vmem>>
        %dma_wait3A_313 = tpu.memref_squeeze %dma_wait3A_312 : memref<1x80x128xf32, #tpu.memory_space<vmem>> -> memref<80x128xf32, #tpu.memory_space<vmem>>
        %dma_wait3A_314 = arith.constant 0 : i32
        %dma_wait3A_315 = tpu.memref_slice %arg3[%add3A_307, %dma_wait3A_314] : memref<320000x128xf32, #tpu.memory_space<hbm>> -> memref<80x128xf32, #tpu.memory_space<hbm>>
        %dma_wait3A_316 = tpu.memref_slice %arg13[%dma_wait3A_309] : memref<2x!tpu.dma_semaphore, #tpu.memory_space<semaphore_mem>> -> memref<1x!tpu.dma_semaphore, #tpu.memory_space<semaphore_mem>>
        %dma_wait3A_317 = tpu.memref_squeeze %dma_wait3A_316 : memref<1x!tpu.dma_semaphore, #tpu.memory_space<semaphore_mem>> -> memref<!tpu.dma_semaphore, #tpu.memory_space<semaphore_mem>>
        %dma_wait3A_318 = arith.constant 0 : i32
        %dma_wait3A_319 = arith.constant 0 : i32
        %dma_wait3A_320 = tpu.memref_slice %arg9[%dma_wait3A_308, %dma_wait3A_318, %dma_wait3A_319] : memref<2x80x128xf32, #tpu.memory_space<vmem>> -> memref<1x80x128xf32, #tpu.memory_space<vmem>>
        %dma_wait3A_321 = tpu.memref_squeeze %dma_wait3A_320 : memref<1x80x128xf32, #tpu.memory_space<vmem>> -> memref<80x128xf32, #tpu.memory_space<vmem>>
        %dma_wait3A_322 = arith.constant 0 : i32
        %dma_wait3A_323 = tpu.memref_slice %arg3[%add3A_307, %dma_wait3A_322] : memref<320000x128xf32, #tpu.memory_space<hbm>> -> memref<80x128xf32, #tpu.memory_space<hbm>>
        tpu.wait_dma2 semaphore(%dma_wait3A_317 : memref<!tpu.dma_semaphore, #tpu.memory_space<semaphore_mem>>) src(%dma_wait3A_323 : memref<80x128xf32, #tpu.memory_space<hbm>>) dst(%dma_wait3A_321 : memref<80x128xf32, #tpu.memory_space<vmem>>)
        %dma_wait3A_324 = arith.constant 1 : i32
        %dma_wait3A_325 = arith.constant 1 : i32
        %dma_wait3A_326 = arith.constant 1 : i32
        %dma_wait3A_327 = arith.constant 0 : i32
        %dma_wait3A_328 = arith.constant 0 : i32
        %dma_wait3A_329 = tpu.memref_slice %arg10[%dma_wait3A_325, %dma_wait3A_327, %dma_wait3A_328] : memref<2x80x128xf32, #tpu.memory_space<vmem>> -> memref<1x80x128xf32, #tpu.memory_space<vmem>>
        %dma_wait3A_330 = tpu.memref_squeeze %dma_wait3A_329 : memref<1x80x128xf32, #tpu.memory_space<vmem>> -> memref<80x128xf32, #tpu.memory_space<vmem>>
        %dma_wait3A_331 = arith.constant 0 : i32
        %dma_wait3A_332 = tpu.memref_slice %arg7[%dma_wait3A_324, %dma_wait3A_331] : memref<4x80xi32, #tpu.memory_space<vmem>> -> memref<1x80xi32, #tpu.memory_space<vmem>>
        %dma_wait3A_333 = tpu.memref_squeeze %dma_wait3A_332 : memref<1x80xi32, #tpu.memory_space<vmem>> -> memref<80xi32, #tpu.memory_space<vmem>>
        %dma_wait3A_334 = arith.constant 0 : i32
        %dma_wait3A_335 = arith.constant 0 : i32
        %dma_wait3A_336 = tpu.memref_slice %arg2[%dma_wait3A_334, %dma_wait3A_335] : memref<10000x128xf32, #tpu.memory_space<hbm>> -> memref<10000x128xf32, #tpu.memory_space<hbm>>
        %dma_wait3A_337 = tpu.memref_slice %arg14[%dma_wait3A_326] : memref<2x!tpu.dma_semaphore, #tpu.memory_space<semaphore_mem>> -> memref<1x!tpu.dma_semaphore, #tpu.memory_space<semaphore_mem>>
        %dma_wait3A_338 = tpu.memref_squeeze %dma_wait3A_337 : memref<1x!tpu.dma_semaphore, #tpu.memory_space<semaphore_mem>> -> memref<!tpu.dma_semaphore, #tpu.memory_space<semaphore_mem>>
        tpu.wait_indirect_dma semaphore(%dma_wait3A_338 : memref<!tpu.dma_semaphore, #tpu.memory_space<semaphore_mem>>) src(%dma_wait3A_336 : memref<10000x128xf32, #tpu.memory_space<hbm>>) dst(%dma_wait3A_330 : memref<80x128xf32, #tpu.memory_space<vmem>>)
        %parallel_loop3A = arith.constant 0 : i32
        %parallel_loop3A_339 = arith.constant 80 : i32
        %parallel_loop3A_340 = arith.constant 1 : i32
        scf.for %parallel_loop3A_356 = %parallel_loop3A to %parallel_loop3A_339 step %parallel_loop3A_340  : i32 {
          %parallel_loop3A_357 = arith.constant 1 : i32
          %parallel_loop3A_358 = arith.index_cast %parallel_loop3A_357 : i32 to index
          %parallel_loop3A_359 = arith.index_cast %parallel_loop3A_356 : i32 to index
          %parallel_loop3A_360 = arith.constant 0 : index
          %parallel_loop3A_361 = tpu.vector_load %arg10[%parallel_loop3A_358, %parallel_loop3A_359, %parallel_loop3A_360] {strides = array<i32>} : memref<2x80x128xf32, #tpu.memory_space<vmem>>, vector<1x1x16xf32>,
          %parallel_loop3A_362 = vector.shape_cast %parallel_loop3A_361 : vector<1x1x16xf32> to vector<16xf32>
          %parallel_loop3A_363 = arith.constant 1 : i32
          %parallel_loop3A_364 = arith.index_cast %parallel_loop3A_363 : i32 to index
          %parallel_loop3A_365 = arith.index_cast %parallel_loop3A_356 : i32 to index
          %parallel_loop3A_366 = arith.constant 16 : index
          %parallel_loop3A_367 = tpu.vector_load %arg10[%parallel_loop3A_364, %parallel_loop3A_365, %parallel_loop3A_366] {strides = array<i32>} : memref<2x80x128xf32, #tpu.memory_space<vmem>>, vector<1x1x16xf32>,
          %parallel_loop3A_368 = vector.shape_cast %parallel_loop3A_367 : vector<1x1x16xf32> to vector<16xf32>
          %parallel_loop3A_369 = arith.constant 1 : i32
          %parallel_loop3A_370 = arith.index_cast %parallel_loop3A_369 : i32 to index
          %parallel_loop3A_371 = arith.index_cast %parallel_loop3A_356 : i32 to index
          %parallel_loop3A_372 = arith.constant 32 : index
          %parallel_loop3A_373 = tpu.vector_load %arg10[%parallel_loop3A_370, %parallel_loop3A_371, %parallel_loop3A_372] {strides = array<i32>} : memref<2x80x128xf32, #tpu.memory_space<vmem>>, vector<1x1x16xf32>,
          %parallel_loop3A_374 = vector.shape_cast %parallel_loop3A_373 : vector<1x1x16xf32> to vector<16xf32>
          %parallel_loop3A_375 = arith.constant 1 : i32
          %parallel_loop3A_376 = arith.index_cast %parallel_loop3A_375 : i32 to index
          %parallel_loop3A_377 = arith.index_cast %parallel_loop3A_356 : i32 to index
          %parallel_loop3A_378 = arith.constant 48 : index
          %parallel_loop3A_379 = tpu.vector_load %arg10[%parallel_loop3A_376, %parallel_loop3A_377, %parallel_loop3A_378] {strides = array<i32>} : memref<2x80x128xf32, #tpu.memory_space<vmem>>, vector<1x1x16xf32>,
          %parallel_loop3A_380 = vector.shape_cast %parallel_loop3A_379 : vector<1x1x16xf32> to vector<16xf32>
          %parallel_loop3A_381 = arith.constant 1 : i32
          %parallel_loop3A_382 = arith.index_cast %parallel_loop3A_381 : i32 to index
          %parallel_loop3A_383 = arith.index_cast %parallel_loop3A_356 : i32 to index
          %parallel_loop3A_384 = arith.constant 64 : index
          %parallel_loop3A_385 = tpu.vector_load %arg10[%parallel_loop3A_382, %parallel_loop3A_383, %parallel_loop3A_384] {strides = array<i32>} : memref<2x80x128xf32, #tpu.memory_space<vmem>>, vector<1x1x16xf32>,
          %parallel_loop3A_386 = vector.shape_cast %parallel_loop3A_385 : vector<1x1x16xf32> to vector<16xf32>
          %parallel_loop3A_387 = arith.constant 1 : i32
          %parallel_loop3A_388 = arith.index_cast %parallel_loop3A_387 : i32 to index
          %parallel_loop3A_389 = arith.index_cast %parallel_loop3A_356 : i32 to index
          %parallel_loop3A_390 = arith.constant 80 : index
          %parallel_loop3A_391 = tpu.vector_load %arg10[%parallel_loop3A_388, %parallel_loop3A_389, %parallel_loop3A_390] {strides = array<i32>} : memref<2x80x128xf32, #tpu.memory_space<vmem>>, vector<1x1x16xf32>,
          %parallel_loop3A_392 = vector.shape_cast %parallel_loop3A_391 : vector<1x1x16xf32> to vector<16xf32>
          %parallel_loop3A_393 = arith.constant 1 : i32
          %parallel_loop3A_394 = arith.index_cast %parallel_loop3A_393 : i32 to index
          %parallel_loop3A_395 = arith.index_cast %parallel_loop3A_356 : i32 to index
          %parallel_loop3A_396 = arith.constant 96 : index
          %parallel_loop3A_397 = tpu.vector_load %arg10[%parallel_loop3A_394, %parallel_loop3A_395, %parallel_loop3A_396] {strides = array<i32>} : memref<2x80x128xf32, #tpu.memory_space<vmem>>, vector<1x1x16xf32>,
          %parallel_loop3A_398 = vector.shape_cast %parallel_loop3A_397 : vector<1x1x16xf32> to vector<16xf32>
          %parallel_loop3A_399 = arith.constant 1 : i32
          %parallel_loop3A_400 = arith.index_cast %parallel_loop3A_399 : i32 to index
          %parallel_loop3A_401 = arith.index_cast %parallel_loop3A_356 : i32 to index
          %parallel_loop3A_402 = arith.constant 112 : index
          %parallel_loop3A_403 = tpu.vector_load %arg10[%parallel_loop3A_400, %parallel_loop3A_401, %parallel_loop3A_402] {strides = array<i32>} : memref<2x80x128xf32, #tpu.memory_space<vmem>>, vector<1x1x16xf32>,
          %parallel_loop3A_404 = vector.shape_cast %parallel_loop3A_403 : vector<1x1x16xf32> to vector<16xf32>
          %parallel_loop3A_405 = arith.constant 1 : i32
          %parallel_loop3A_406 = arith.index_cast %parallel_loop3A_405 : i32 to index
          %parallel_loop3A_407 = arith.index_cast %parallel_loop3A_356 : i32 to index
          %parallel_loop3A_408 = arith.constant 0 : index
          %parallel_loop3A_409 = tpu.vector_load %arg9[%parallel_loop3A_406, %parallel_loop3A_407, %parallel_loop3A_408] {strides = array<i32>} : memref<2x80x128xf32, #tpu.memory_space<vmem>>, vector<1x1x16xf32>,
          %parallel_loop3A_410 = vector.shape_cast %parallel_loop3A_409 : vector<1x1x16xf32> to vector<16xf32>
          %parallel_loop3A_411 = arith.constant 1 : i32
          %parallel_loop3A_412 = arith.index_cast %parallel_loop3A_411 : i32 to index
          %parallel_loop3A_413 = arith.index_cast %parallel_loop3A_356 : i32 to index
          %parallel_loop3A_414 = arith.constant 16 : index
          %parallel_loop3A_415 = tpu.vector_load %arg9[%parallel_loop3A_412, %parallel_loop3A_413, %parallel_loop3A_414] {strides = array<i32>} : memref<2x80x128xf32, #tpu.memory_space<vmem>>, vector<1x1x16xf32>,
          %parallel_loop3A_416 = vector.shape_cast %parallel_loop3A_415 : vector<1x1x16xf32> to vector<16xf32>
          %parallel_loop3A_417 = arith.constant 1 : i32
          %parallel_loop3A_418 = arith.index_cast %parallel_loop3A_417 : i32 to index
          %parallel_loop3A_419 = arith.index_cast %parallel_loop3A_356 : i32 to index
          %parallel_loop3A_420 = arith.constant 32 : index
          %parallel_loop3A_421 = tpu.vector_load %arg9[%parallel_loop3A_418, %parallel_loop3A_419, %parallel_loop3A_420] {strides = array<i32>} : memref<2x80x128xf32, #tpu.memory_space<vmem>>, vector<1x1x16xf32>,
          %parallel_loop3A_422 = vector.shape_cast %parallel_loop3A_421 : vector<1x1x16xf32> to vector<16xf32>
          %parallel_loop3A_423 = arith.constant 1 : i32
          %parallel_loop3A_424 = arith.index_cast %parallel_loop3A_423 : i32 to index
          %parallel_loop3A_425 = arith.index_cast %parallel_loop3A_356 : i32 to index
          %parallel_loop3A_426 = arith.constant 48 : index
          %parallel_loop3A_427 = tpu.vector_load %arg9[%parallel_loop3A_424, %parallel_loop3A_425, %parallel_loop3A_426] {strides = array<i32>} : memref<2x80x128xf32, #tpu.memory_space<vmem>>, vector<1x1x16xf32>,
          %parallel_loop3A_428 = vector.shape_cast %parallel_loop3A_427 : vector<1x1x16xf32> to vector<16xf32>
          %parallel_loop3A_429 = arith.constant 1 : i32
          %parallel_loop3A_430 = arith.index_cast %parallel_loop3A_429 : i32 to index
          %parallel_loop3A_431 = arith.index_cast %parallel_loop3A_356 : i32 to index
          %parallel_loop3A_432 = arith.constant 64 : index
          %parallel_loop3A_433 = tpu.vector_load %arg9[%parallel_loop3A_430, %parallel_loop3A_431, %parallel_loop3A_432] {strides = array<i32>} : memref<2x80x128xf32, #tpu.memory_space<vmem>>, vector<1x1x16xf32>,
          %parallel_loop3A_434 = vector.shape_cast %parallel_loop3A_433 : vector<1x1x16xf32> to vector<16xf32>
          %parallel_loop3A_435 = arith.constant 1 : i32
          %parallel_loop3A_436 = arith.index_cast %parallel_loop3A_435 : i32 to index
          %parallel_loop3A_437 = arith.index_cast %parallel_loop3A_356 : i32 to index
          %parallel_loop3A_438 = arith.constant 80 : index
          %parallel_loop3A_439 = tpu.vector_load %arg9[%parallel_loop3A_436, %parallel_loop3A_437, %parallel_loop3A_438] {strides = array<i32>} : memref<2x80x128xf32, #tpu.memory_space<vmem>>, vector<1x1x16xf32>,
          %parallel_loop3A_440 = vector.shape_cast %parallel_loop3A_439 : vector<1x1x16xf32> to vector<16xf32>
          %parallel_loop3A_441 = arith.constant 1 : i32
          %parallel_loop3A_442 = arith.index_cast %parallel_loop3A_441 : i32 to index
          %parallel_loop3A_443 = arith.index_cast %parallel_loop3A_356 : i32 to index
          %parallel_loop3A_444 = arith.constant 96 : index
          %parallel_loop3A_445 = tpu.vector_load %arg9[%parallel_loop3A_442, %parallel_loop3A_443, %parallel_loop3A_444] {strides = array<i32>} : memref<2x80x128xf32, #tpu.memory_space<vmem>>, vector<1x1x16xf32>,
          %parallel_loop3A_446 = vector.shape_cast %parallel_loop3A_445 : vector<1x1x16xf32> to vector<16xf32>
          %parallel_loop3A_447 = arith.constant 1 : i32
          %parallel_loop3A_448 = arith.index_cast %parallel_loop3A_447 : i32 to index
          %parallel_loop3A_449 = arith.index_cast %parallel_loop3A_356 : i32 to index
          %parallel_loop3A_450 = arith.constant 112 : index
          %parallel_loop3A_451 = tpu.vector_load %arg9[%parallel_loop3A_448, %parallel_loop3A_449, %parallel_loop3A_450] {strides = array<i32>} : memref<2x80x128xf32, #tpu.memory_space<vmem>>, vector<1x1x16xf32>,
          %parallel_loop3A_452 = vector.shape_cast %parallel_loop3A_451 : vector<1x1x16xf32> to vector<16xf32>
          %parallel_loop3A_453 = arith.mulf %parallel_loop3A_362, %parallel_loop3A_410 : vector<16xf32>
          %parallel_loop3A_454 = arith.mulf %parallel_loop3A_368, %parallel_loop3A_416 : vector<16xf32>
          %parallel_loop3A_455 = arith.mulf %parallel_loop3A_362, %parallel_loop3A_422 : vector<16xf32>
          %parallel_loop3A_456 = arith.mulf %parallel_loop3A_368, %parallel_loop3A_428 : vector<16xf32>
          %parallel_loop3A_457 = arith.mulf %parallel_loop3A_362, %parallel_loop3A_434 : vector<16xf32>
          %parallel_loop3A_458 = arith.mulf %parallel_loop3A_368, %parallel_loop3A_440 : vector<16xf32>
          %parallel_loop3A_459 = arith.mulf %parallel_loop3A_362, %parallel_loop3A_446 : vector<16xf32>
          %parallel_loop3A_460 = arith.mulf %parallel_loop3A_368, %parallel_loop3A_452 : vector<16xf32>
          %parallel_loop3A_461 = arith.mulf %parallel_loop3A_374, %parallel_loop3A_410 : vector<16xf32>
          %parallel_loop3A_462 = arith.addf %parallel_loop3A_455, %parallel_loop3A_461 : vector<16xf32>
          %parallel_loop3A_463 = arith.mulf %parallel_loop3A_380, %parallel_loop3A_416 : vector<16xf32>
          %parallel_loop3A_464 = arith.addf %parallel_loop3A_456, %parallel_loop3A_463 : vector<16xf32>
          %parallel_loop3A_465 = arith.mulf %parallel_loop3A_374, %parallel_loop3A_422 : vector<16xf32>
          %parallel_loop3A_466 = arith.addf %parallel_loop3A_457, %parallel_loop3A_465 : vector<16xf32>
          %parallel_loop3A_467 = arith.mulf %parallel_loop3A_380, %parallel_loop3A_428 : vector<16xf32>
          %parallel_loop3A_468 = arith.addf %parallel_loop3A_458, %parallel_loop3A_467 : vector<16xf32>
          %parallel_loop3A_469 = arith.mulf %parallel_loop3A_374, %parallel_loop3A_434 : vector<16xf32>
          %parallel_loop3A_470 = arith.addf %parallel_loop3A_459, %parallel_loop3A_469 : vector<16xf32>
          %parallel_loop3A_471 = arith.mulf %parallel_loop3A_380, %parallel_loop3A_440 : vector<16xf32>
          %parallel_loop3A_472 = arith.addf %parallel_loop3A_460, %parallel_loop3A_471 : vector<16xf32>
          %parallel_loop3A_473 = arith.mulf %parallel_loop3A_374, %parallel_loop3A_446 : vector<16xf32>
          %parallel_loop3A_474 = arith.mulf %parallel_loop3A_380, %parallel_loop3A_452 : vector<16xf32>
          %parallel_loop3A_475 = arith.mulf %parallel_loop3A_386, %parallel_loop3A_410 : vector<16xf32>
          %parallel_loop3A_476 = arith.addf %parallel_loop3A_466, %parallel_loop3A_475 : vector<16xf32>
          %parallel_loop3A_477 = arith.mulf %parallel_loop3A_392, %parallel_loop3A_416 : vector<16xf32>
          %parallel_loop3A_478 = arith.addf %parallel_loop3A_468, %parallel_loop3A_477 : vector<16xf32>
          %parallel_loop3A_479 = arith.mulf %parallel_loop3A_386, %parallel_loop3A_422 : vector<16xf32>
          %parallel_loop3A_480 = arith.addf %parallel_loop3A_470, %parallel_loop3A_479 : vector<16xf32>
          %parallel_loop3A_481 = arith.mulf %parallel_loop3A_392, %parallel_loop3A_428 : vector<16xf32>
          %parallel_loop3A_482 = arith.addf %parallel_loop3A_472, %parallel_loop3A_481 : vector<16xf32>
          %parallel_loop3A_483 = arith.mulf %parallel_loop3A_386, %parallel_loop3A_434 : vector<16xf32>
          %parallel_loop3A_484 = arith.addf %parallel_loop3A_473, %parallel_loop3A_483 : vector<16xf32>
          %parallel_loop3A_485 = arith.mulf %parallel_loop3A_392, %parallel_loop3A_440 : vector<16xf32>
          %parallel_loop3A_486 = arith.addf %parallel_loop3A_474, %parallel_loop3A_485 : vector<16xf32>
          %parallel_loop3A_487 = arith.mulf %parallel_loop3A_386, %parallel_loop3A_446 : vector<16xf32>
          %parallel_loop3A_488 = arith.mulf %parallel_loop3A_392, %parallel_loop3A_452 : vector<16xf32>
          %parallel_loop3A_489 = arith.mulf %parallel_loop3A_398, %parallel_loop3A_410 : vector<16xf32>
          %parallel_loop3A_490 = arith.addf %parallel_loop3A_480, %parallel_loop3A_489 : vector<16xf32>
          %parallel_loop3A_491 = arith.mulf %parallel_loop3A_404, %parallel_loop3A_416 : vector<16xf32>
          %parallel_loop3A_492 = arith.addf %parallel_loop3A_482, %parallel_loop3A_491 : vector<16xf32>
          %parallel_loop3A_493 = arith.mulf %parallel_loop3A_398, %parallel_loop3A_422 : vector<16xf32>
          %parallel_loop3A_494 = arith.addf %parallel_loop3A_484, %parallel_loop3A_493 : vector<16xf32>
          %parallel_loop3A_495 = arith.mulf %parallel_loop3A_404, %parallel_loop3A_428 : vector<16xf32>
          %parallel_loop3A_496 = arith.addf %parallel_loop3A_486, %parallel_loop3A_495 : vector<16xf32>
          %parallel_loop3A_497 = arith.mulf %parallel_loop3A_398, %parallel_loop3A_434 : vector<16xf32>
          %parallel_loop3A_498 = arith.addf %parallel_loop3A_487, %parallel_loop3A_497 : vector<16xf32>
          %parallel_loop3A_499 = arith.mulf %parallel_loop3A_404, %parallel_loop3A_440 : vector<16xf32>
          %parallel_loop3A_500 = arith.addf %parallel_loop3A_488, %parallel_loop3A_499 : vector<16xf32>
          %parallel_loop3A_501 = arith.mulf %parallel_loop3A_398, %parallel_loop3A_446 : vector<16xf32>
          %parallel_loop3A_502 = arith.mulf %parallel_loop3A_404, %parallel_loop3A_452 : vector<16xf32>
          %parallel_loop3A_503 = arith.constant 1.000000e+00 : f32
          %parallel_loop3A_504 = vector.broadcast %parallel_loop3A_503 : f32 to vector<16xf32>
          %parallel_loop3A_505 = arith.mulf %parallel_loop3A_504, %parallel_loop3A_453 : vector<16xf32>
          %parallel_loop3A_506 = arith.constant 2.000000e-01 : f32
          %parallel_loop3A_507 = vector.broadcast %parallel_loop3A_506 : f32 to vector<16xf32>
          %parallel_loop3A_508 = arith.mulf %parallel_loop3A_507, %parallel_loop3A_494 : vector<16xf32>
          %parallel_loop3A_509 = arith.addf %parallel_loop3A_505, %parallel_loop3A_508 : vector<16xf32>
          %parallel_loop3A_510 = arith.constant 1.000000e+00 : f32
          %parallel_loop3A_511 = vector.broadcast %parallel_loop3A_510 : f32 to vector<16xf32>
          %parallel_loop3A_512 = arith.mulf %parallel_loop3A_511, %parallel_loop3A_454 : vector<16xf32>
          %parallel_loop3A_513 = arith.constant 2.000000e-01 : f32
          %parallel_loop3A_514 = vector.broadcast %parallel_loop3A_513 : f32 to vector<16xf32>
          %parallel_loop3A_515 = arith.mulf %parallel_loop3A_514, %parallel_loop3A_496 : vector<16xf32>
          %parallel_loop3A_516 = arith.addf %parallel_loop3A_512, %parallel_loop3A_515 : vector<16xf32>
          %parallel_loop3A_517 = arith.constant 5.000000e-01 : f32
          %parallel_loop3A_518 = vector.broadcast %parallel_loop3A_517 : f32 to vector<16xf32>
          %parallel_loop3A_519 = arith.mulf %parallel_loop3A_518, %parallel_loop3A_462 : vector<16xf32>
          %parallel_loop3A_520 = arith.constant 0.166666672 : f32
          %parallel_loop3A_521 = vector.broadcast %parallel_loop3A_520 : f32 to vector<16xf32>
          %parallel_loop3A_522 = arith.mulf %parallel_loop3A_521, %parallel_loop3A_498 : vector<16xf32>
          %parallel_loop3A_523 = arith.addf %parallel_loop3A_519, %parallel_loop3A_522 : vector<16xf32>
          %parallel_loop3A_524 = arith.constant 5.000000e-01 : f32
          %parallel_loop3A_525 = vector.broadcast %parallel_loop3A_524 : f32 to vector<16xf32>
          %parallel_loop3A_526 = arith.mulf %parallel_loop3A_525, %parallel_loop3A_464 : vector<16xf32>
          %parallel_loop3A_527 = arith.constant 0.166666672 : f32
          %parallel_loop3A_528 = vector.broadcast %parallel_loop3A_527 : f32 to vector<16xf32>
          %parallel_loop3A_529 = arith.mulf %parallel_loop3A_528, %parallel_loop3A_500 : vector<16xf32>
          %parallel_loop3A_530 = arith.addf %parallel_loop3A_526, %parallel_loop3A_529 : vector<16xf32>
          %parallel_loop3A_531 = arith.constant 0.333333343 : f32
          %parallel_loop3A_532 = vector.broadcast %parallel_loop3A_531 : f32 to vector<16xf32>
          %parallel_loop3A_533 = arith.mulf %parallel_loop3A_532, %parallel_loop3A_476 : vector<16xf32>
          %parallel_loop3A_534 = arith.constant 0.142857149 : f32
          %parallel_loop3A_535 = vector.broadcast %parallel_loop3A_534 : f32 to vector<16xf32>
          %parallel_loop3A_536 = arith.mulf %parallel_loop3A_535, %parallel_loop3A_501 : vector<16xf32>
          %parallel_loop3A_537 = arith.addf %parallel_loop3A_533, %parallel_loop3A_536 : vector<16xf32>
          %parallel_loop3A_538 = arith.constant 0.333333343 : f32
          %parallel_loop3A_539 = vector.broadcast %parallel_loop3A_538 : f32 to vector<16xf32>
          %parallel_loop3A_540 = arith.mulf %parallel_loop3A_539, %parallel_loop3A_478 : vector<16xf32>
          %parallel_loop3A_541 = arith.constant 0.142857149 : f32
          %parallel_loop3A_542 = vector.broadcast %parallel_loop3A_541 : f32 to vector<16xf32>
          %parallel_loop3A_543 = arith.mulf %parallel_loop3A_542, %parallel_loop3A_502 : vector<16xf32>
          %parallel_loop3A_544 = arith.addf %parallel_loop3A_540, %parallel_loop3A_543 : vector<16xf32>
          %parallel_loop3A_545 = arith.constant 2.500000e-01 : f32
          %parallel_loop3A_546 = vector.broadcast %parallel_loop3A_545 : f32 to vector<16xf32>
          %parallel_loop3A_547 = arith.mulf %parallel_loop3A_546, %parallel_loop3A_490 : vector<16xf32>
          %parallel_loop3A_548 = arith.constant 2.500000e-01 : f32
          %parallel_loop3A_549 = vector.broadcast %parallel_loop3A_548 : f32 to vector<16xf32>
          %parallel_loop3A_550 = arith.mulf %parallel_loop3A_549, %parallel_loop3A_492 : vector<16xf32>
          %parallel_loop3A_551 = arith.constant 1 : i32
          %parallel_loop3A_552 = arith.index_cast %parallel_loop3A_551 : i32 to index
          %parallel_loop3A_553 = arith.index_cast %parallel_loop3A_356 : i32 to index
          %parallel_loop3A_554 = arith.constant 0 : index
          %parallel_loop3A_555 = tpu.vector_load %arg9[%parallel_loop3A_552, %parallel_loop3A_553, %parallel_loop3A_554] {strides = array<i32>} : memref<2x80x128xf32, #tpu.memory_space<vmem>>, vector<1x1x16xf32>,
          %parallel_loop3A_556 = vector.shape_cast %parallel_loop3A_555 : vector<1x1x16xf32> to vector<16xf32>
          %parallel_loop3A_557 = vector.shape_cast %parallel_loop3A_509 : vector<16xf32> to vector<1x1x16xf32>
          tpu.vector_store %arg9[%parallel_loop3A_552, %parallel_loop3A_553, %parallel_loop3A_554], %parallel_loop3A_557 {strides = array<i32>} : memref<2x80x128xf32, #tpu.memory_space<vmem>>, vector<1x1x16xf32>,
          %parallel_loop3A_558 = arith.constant 1 : i32
          %parallel_loop3A_559 = arith.index_cast %parallel_loop3A_558 : i32 to index
          %parallel_loop3A_560 = arith.index_cast %parallel_loop3A_356 : i32 to index
          %parallel_loop3A_561 = arith.constant 16 : index
          %parallel_loop3A_562 = tpu.vector_load %arg9[%parallel_loop3A_559, %parallel_loop3A_560, %parallel_loop3A_561] {strides = array<i32>} : memref<2x80x128xf32, #tpu.memory_space<vmem>>, vector<1x1x16xf32>,
          %parallel_loop3A_563 = vector.shape_cast %parallel_loop3A_562 : vector<1x1x16xf32> to vector<16xf32>
          %parallel_loop3A_564 = vector.shape_cast %parallel_loop3A_516 : vector<16xf32> to vector<1x1x16xf32>
          tpu.vector_store %arg9[%parallel_loop3A_559, %parallel_loop3A_560, %parallel_loop3A_561], %parallel_loop3A_564 {strides = array<i32>} : memref<2x80x128xf32, #tpu.memory_space<vmem>>, vector<1x1x16xf32>,
          %parallel_loop3A_565 = arith.constant 1 : i32
          %parallel_loop3A_566 = arith.index_cast %parallel_loop3A_565 : i32 to index
          %parallel_loop3A_567 = arith.index_cast %parallel_loop3A_356 : i32 to index
          %parallel_loop3A_568 = arith.constant 32 : index
          %parallel_loop3A_569 = tpu.vector_load %arg9[%parallel_loop3A_566, %parallel_loop3A_567, %parallel_loop3A_568] {strides = array<i32>} : memref<2x80x128xf32, #tpu.memory_space<vmem>>, vector<1x1x16xf32>,
          %parallel_loop3A_570 = vector.shape_cast %parallel_loop3A_569 : vector<1x1x16xf32> to vector<16xf32>
          %parallel_loop3A_571 = vector.shape_cast %parallel_loop3A_523 : vector<16xf32> to vector<1x1x16xf32>
          tpu.vector_store %arg9[%parallel_loop3A_566, %parallel_loop3A_567, %parallel_loop3A_568], %parallel_loop3A_571 {strides = array<i32>} : memref<2x80x128xf32, #tpu.memory_space<vmem>>, vector<1x1x16xf32>,
          %parallel_loop3A_572 = arith.constant 1 : i32
          %parallel_loop3A_573 = arith.index_cast %parallel_loop3A_572 : i32 to index
          %parallel_loop3A_574 = arith.index_cast %parallel_loop3A_356 : i32 to index
          %parallel_loop3A_575 = arith.constant 48 : index
          %parallel_loop3A_576 = tpu.vector_load %arg9[%parallel_loop3A_573, %parallel_loop3A_574, %parallel_loop3A_575] {strides = array<i32>} : memref<2x80x128xf32, #tpu.memory_space<vmem>>, vector<1x1x16xf32>,
          %parallel_loop3A_577 = vector.shape_cast %parallel_loop3A_576 : vector<1x1x16xf32> to vector<16xf32>
          %parallel_loop3A_578 = vector.shape_cast %parallel_loop3A_530 : vector<16xf32> to vector<1x1x16xf32>
          tpu.vector_store %arg9[%parallel_loop3A_573, %parallel_loop3A_574, %parallel_loop3A_575], %parallel_loop3A_578 {strides = array<i32>} : memref<2x80x128xf32, #tpu.memory_space<vmem>>, vector<1x1x16xf32>,
          %parallel_loop3A_579 = arith.constant 1 : i32
          %parallel_loop3A_580 = arith.index_cast %parallel_loop3A_579 : i32 to index
          %parallel_loop3A_581 = arith.index_cast %parallel_loop3A_356 : i32 to index
          %parallel_loop3A_582 = arith.constant 64 : index
          %parallel_loop3A_583 = tpu.vector_load %arg9[%parallel_loop3A_580, %parallel_loop3A_581, %parallel_loop3A_582] {strides = array<i32>} : memref<2x80x128xf32, #tpu.memory_space<vmem>>, vector<1x1x16xf32>,
          %parallel_loop3A_584 = vector.shape_cast %parallel_loop3A_583 : vector<1x1x16xf32> to vector<16xf32>
          %parallel_loop3A_585 = vector.shape_cast %parallel_loop3A_537 : vector<16xf32> to vector<1x1x16xf32>
          tpu.vector_store %arg9[%parallel_loop3A_580, %parallel_loop3A_581, %parallel_loop3A_582], %parallel_loop3A_585 {strides = array<i32>} : memref<2x80x128xf32, #tpu.memory_space<vmem>>, vector<1x1x16xf32>,
          %parallel_loop3A_586 = arith.constant 1 : i32
          %parallel_loop3A_587 = arith.index_cast %parallel_loop3A_586 : i32 to index
          %parallel_loop3A_588 = arith.index_cast %parallel_loop3A_356 : i32 to index
          %parallel_loop3A_589 = arith.constant 80 : index
          %parallel_loop3A_590 = tpu.vector_load %arg9[%parallel_loop3A_587, %parallel_loop3A_588, %parallel_loop3A_589] {strides = array<i32>} : memref<2x80x128xf32, #tpu.memory_space<vmem>>, vector<1x1x16xf32>,
          %parallel_loop3A_591 = vector.shape_cast %parallel_loop3A_590 : vector<1x1x16xf32> to vector<16xf32>
          %parallel_loop3A_592 = vector.shape_cast %parallel_loop3A_544 : vector<16xf32> to vector<1x1x16xf32>
          tpu.vector_store %arg9[%parallel_loop3A_587, %parallel_loop3A_588, %parallel_loop3A_589], %parallel_loop3A_592 {strides = array<i32>} : memref<2x80x128xf32, #tpu.memory_space<vmem>>, vector<1x1x16xf32>,
          %parallel_loop3A_593 = arith.constant 1 : i32
          %parallel_loop3A_594 = arith.index_cast %parallel_loop3A_593 : i32 to index
          %parallel_loop3A_595 = arith.index_cast %parallel_loop3A_356 : i32 to index
          %parallel_loop3A_596 = arith.constant 96 : index
          %parallel_loop3A_597 = tpu.vector_load %arg9[%parallel_loop3A_594, %parallel_loop3A_595, %parallel_loop3A_596] {strides = array<i32>} : memref<2x80x128xf32, #tpu.memory_space<vmem>>, vector<1x1x16xf32>,
          %parallel_loop3A_598 = vector.shape_cast %parallel_loop3A_597 : vector<1x1x16xf32> to vector<16xf32>
          %parallel_loop3A_599 = vector.shape_cast %parallel_loop3A_547 : vector<16xf32> to vector<1x1x16xf32>
          tpu.vector_store %arg9[%parallel_loop3A_594, %parallel_loop3A_595, %parallel_loop3A_596], %parallel_loop3A_599 {strides = array<i32>} : memref<2x80x128xf32, #tpu.memory_space<vmem>>, vector<1x1x16xf32>,
          %parallel_loop3A_600 = arith.constant 1 : i32
          %parallel_loop3A_601 = arith.index_cast %parallel_loop3A_600 : i32 to index
          %parallel_loop3A_602 = arith.index_cast %parallel_loop3A_356 : i32 to index
          %parallel_loop3A_603 = arith.constant 112 : index
          %parallel_loop3A_604 = tpu.vector_load %arg9[%parallel_loop3A_601, %parallel_loop3A_602, %parallel_loop3A_603] {strides = array<i32>} : memref<2x80x128xf32, #tpu.memory_space<vmem>>, vector<1x1x16xf32>,
          %parallel_loop3A_605 = vector.shape_cast %parallel_loop3A_604 : vector<1x1x16xf32> to vector<16xf32>
          %parallel_loop3A_606 = vector.shape_cast %parallel_loop3A_550 : vector<16xf32> to vector<1x1x16xf32>
          tpu.vector_store %arg9[%parallel_loop3A_601, %parallel_loop3A_602, %parallel_loop3A_603], %parallel_loop3A_606 {strides = array<i32>} : memref<2x80x128xf32, #tpu.memory_space<vmem>>, vector<1x1x16xf32>,
        } {sc.loop_unroll_factor = 2 : i64, sc.parallel_access}
        %dma_start3A_341 = arith.constant 1 : i32
        %dma_start3A_342 = arith.constant 1 : i32
        %dma_start3A_343 = arith.constant 1 : i32
        %dma_start3A_344 = arith.constant 0 : i32
        %dma_start3A_345 = arith.constant 0 : i32
        %dma_start3A_346 = tpu.memref_slice %arg9[%dma_start3A_341, %dma_start3A_344, %dma_start3A_345] : memref<2x80x128xf32, #tpu.memory_space<vmem>> -> memref<1x80x128xf32, #tpu.memory_space<vmem>>
        %dma_start3A_347 = tpu.memref_squeeze %dma_start3A_346 : memref<1x80x128xf32, #tpu.memory_space<vmem>> -> memref<80x128xf32, #tpu.memory_space<vmem>>
        %dma_start3A_348 = arith.constant 0 : i32
        %dma_start3A_349 = tpu.memref_slice %arg8[%dma_start3A_342, %dma_start3A_348] : memref<4x80xi32, #tpu.memory_space<vmem>> -> memref<1x80xi32, #tpu.memory_space<vmem>>
        %dma_start3A_350 = tpu.memref_squeeze %dma_start3A_349 : memref<1x80xi32, #tpu.memory_space<vmem>> -> memref<80xi32, #tpu.memory_space<vmem>>
        %dma_start3A_351 = arith.constant 0 : i32
        %dma_start3A_352 = arith.constant 0 : i32
        %dma_start3A_353 = tpu.memref_slice %arg11[%dma_start3A_351, %dma_start3A_352] : memref<10000x128xf32, #tpu.memory_space<vmem_shared>> -> memref<10000x128xf32, #tpu.memory_space<vmem_shared>>
        %dma_start3A_354 = tpu.memref_slice %arg15[%dma_start3A_343] : memref<2x!tpu.dma_semaphore, #tpu.memory_space<semaphore_mem>> -> memref<1x!tpu.dma_semaphore, #tpu.memory_space<semaphore_mem>>
        %dma_start3A_355 = tpu.memref_squeeze %dma_start3A_354 : memref<1x!tpu.dma_semaphore, #tpu.memory_space<semaphore_mem>> -> memref<!tpu.dma_semaphore, #tpu.memory_space<semaphore_mem>>
        tpu.enqueue_indirect_dma source(%dma_start3A_347 : memref<80x128xf32, #tpu.memory_space<vmem>>) target(%dma_start3A_353 : memref<10000x128xf32, #tpu.memory_space<vmem_shared>>) offsets(%dma_start3A_350 : memref<80xi32, #tpu.memory_space<vmem>>) semaphore(%dma_start3A_355 : memref<!tpu.dma_semaphore, #tpu.memory_space<semaphore_mem>>) {add = true}
      } else {
      }
      %mul3A_239 = arith.constant 4 : i32
      %mul3A_240 = arith.muli %scan3A_176, %mul3A_239 : i32
      %add3A_241 = arith.constant 2 : i32
      %add3A_242 = arith.addi %mul3A_240, %add3A_241 : i32
      %add3A_243 = arith.constant 2 : i32
      %add3A_244 = arith.addi %add3A_242, %add3A_243 : i32
      %lt3A_245 = arith.constant 125 : i32
      %lt3A_246 = arith.cmpi slt, %add3A_244, %lt3A_245 : i32
      %convert_element_type3A_247 = arith.extui %lt3A_246 : i1 to i32
      %cond3A_248 = arith.constant 0 : i32
      %cond3A_249 = arith.cmpi ne, %convert_element_type3A_247, %cond3A_248 : i32
      scf.if %cond3A_249 {
        %add3A_305 = arith.constant 2 : i32
        %add3A_306 = arith.addi %add3A_242, %add3A_305 : i32
        %mul3A_307 = arith.constant 80 : i32
        %mul3A_308 = arith.muli %add3A_306, %mul3A_307 : i32
        %add3A_309 = arith.addi %mul3A_2, %mul3A_308 : i32
        %dma_start3A_310 = arith.constant 0 : i32
        %dma_start3A_311 = arith.constant 0 : i32
        %dma_start3A_312 = arith.constant 0 : i32
        %dma_start3A_313 = tpu.memref_slice %arg7[%dma_start3A_310, %dma_start3A_312] : memref<4x80xi32, #tpu.memory_space<vmem>> -> memref<1x80xi32, #tpu.memory_space<vmem>>
        %dma_start3A_314 = tpu.memref_squeeze %dma_start3A_313 : memref<1x80xi32, #tpu.memory_space<vmem>> -> memref<80xi32, #tpu.memory_space<vmem>>
        %dma_start3A_315 = tpu.memref_slice %arg4[%add3A_309] : memref<320000xi32, #tpu.memory_space<hbm>> -> memref<80xi32, #tpu.memory_space<hbm>>
        %dma_start3A_316 = tpu.memref_slice %arg12[%dma_start3A_311] : memref<4x!tpu.dma_semaphore, #tpu.memory_space<semaphore_mem>> -> memref<1x!tpu.dma_semaphore, #tpu.memory_space<semaphore_mem>>
        %dma_start3A_317 = tpu.memref_squeeze %dma_start3A_316 : memref<1x!tpu.dma_semaphore, #tpu.memory_space<semaphore_mem>> -> memref<!tpu.dma_semaphore, #tpu.memory_space<semaphore_mem>>
        %dma_start3A_318 = arith.constant 0 : i32
        %dma_start3A_319 = tpu.memref_slice %arg7[%dma_start3A_310, %dma_start3A_318] : memref<4x80xi32, #tpu.memory_space<vmem>> -> memref<1x80xi32, #tpu.memory_space<vmem>>
        %dma_start3A_320 = tpu.memref_squeeze %dma_start3A_319 : memref<1x80xi32, #tpu.memory_space<vmem>> -> memref<80xi32, #tpu.memory_space<vmem>>
        %dma_start3A_321 = tpu.memref_slice %arg4[%add3A_309] : memref<320000xi32, #tpu.memory_space<hbm>> -> memref<80xi32, #tpu.memory_space<hbm>>
        tpu.enqueue_dma source(%dma_start3A_321 : memref<80xi32, #tpu.memory_space<hbm>>) target(%dma_start3A_320 : memref<80xi32, #tpu.memory_space<vmem>>) target_semaphore(%dma_start3A_317 : memref<!tpu.dma_semaphore, #tpu.memory_space<semaphore_mem>>)
        %mul3A_322 = arith.constant 80 : i32
        %mul3A_323 = arith.muli %add3A_306, %mul3A_322 : i32
        %add3A_324 = arith.addi %mul3A_2, %mul3A_323 : i32
        %dma_start3A_325 = arith.constant 0 : i32
        %dma_start3A_326 = arith.constant 0 : i32
        %dma_start3A_327 = arith.constant 0 : i32
        %dma_start3A_328 = tpu.memref_slice %arg8[%dma_start3A_325, %dma_start3A_327] : memref<4x80xi32, #tpu.memory_space<vmem>> -> memref<1x80xi32, #tpu.memory_space<vmem>>
        %dma_start3A_329 = tpu.memref_squeeze %dma_start3A_328 : memref<1x80xi32, #tpu.memory_space<vmem>> -> memref<80xi32, #tpu.memory_space<vmem>>
        %dma_start3A_330 = tpu.memref_slice %arg5[%add3A_324] : memref<320000xi32, #tpu.memory_space<hbm>> -> memref<80xi32, #tpu.memory_space<hbm>>
        %dma_start3A_331 = tpu.memref_slice %arg12[%dma_start3A_326] : memref<4x!tpu.dma_semaphore, #tpu.memory_space<semaphore_mem>> -> memref<1x!tpu.dma_semaphore, #tpu.memory_space<semaphore_mem>>
        %dma_start3A_332 = tpu.memref_squeeze %dma_start3A_331 : memref<1x!tpu.dma_semaphore, #tpu.memory_space<semaphore_mem>> -> memref<!tpu.dma_semaphore, #tpu.memory_space<semaphore_mem>>
        %dma_start3A_333 = arith.constant 0 : i32
        %dma_start3A_334 = tpu.memref_slice %arg8[%dma_start3A_325, %dma_start3A_333] : memref<4x80xi32, #tpu.memory_space<vmem>> -> memref<1x80xi32, #tpu.memory_space<vmem>>
        %dma_start3A_335 = tpu.memref_squeeze %dma_start3A_334 : memref<1x80xi32, #tpu.memory_space<vmem>> -> memref<80xi32, #tpu.memory_space<vmem>>
        %dma_start3A_336 = tpu.memref_slice %arg5[%add3A_324] : memref<320000xi32, #tpu.memory_space<hbm>> -> memref<80xi32, #tpu.memory_space<hbm>>
        tpu.enqueue_dma source(%dma_start3A_336 : memref<80xi32, #tpu.memory_space<hbm>>) target(%dma_start3A_335 : memref<80xi32, #tpu.memory_space<vmem>>) target_semaphore(%dma_start3A_332 : memref<!tpu.dma_semaphore, #tpu.memory_space<semaphore_mem>>)
      } else {
      }
      %ge3A_250 = arith.constant 1 : i32
      %ge3A_251 = arith.cmpi sge, %add3A_242, %ge3A_250 : i32
      %sub3A_252 = arith.constant 1 : i32
      %sub3A_253 = arith.subi %add3A_242, %sub3A_252 : i32
      %lt3A_254 = arith.constant 125 : i32
      %lt3A_255 = arith.cmpi slt, %sub3A_253, %lt3A_254 : i32
      %and3A_256 = arith.andi %ge3A_251, %lt3A_255 : i1
      %convert_element_type3A_257 = arith.extui %and3A_256 : i1 to i32
      %cond3A_258 = arith.constant 0 : i32
      %cond3A_259 = arith.cmpi ne, %convert_element_type3A_257, %cond3A_258 : i32
      scf.if %cond3A_259 {
        %dma_wait3A_305 = arith.constant 1 : i32
        %dma_wait3A_306 = arith.constant 1 : i32
        %dma_wait3A_307 = arith.constant 1 : i32
        %dma_wait3A_308 = arith.constant 0 : i32
        %dma_wait3A_309 = arith.constant 0 : i32
        %dma_wait3A_310 = tpu.memref_slice %arg9[%dma_wait3A_305, %dma_wait3A_308, %dma_wait3A_309] : memref<2x80x128xf32, #tpu.memory_space<vmem>> -> memref<1x80x128xf32, #tpu.memory_space<vmem>>
        %dma_wait3A_311 = tpu.memref_squeeze %dma_wait3A_310 : memref<1x80x128xf32, #tpu.memory_space<vmem>> -> memref<80x128xf32, #tpu.memory_space<vmem>>
        %dma_wait3A_312 = arith.constant 0 : i32
        %dma_wait3A_313 = tpu.memref_slice %arg8[%dma_wait3A_306, %dma_wait3A_312] : memref<4x80xi32, #tpu.memory_space<vmem>> -> memref<1x80xi32, #tpu.memory_space<vmem>>
        %dma_wait3A_314 = tpu.memref_squeeze %dma_wait3A_313 : memref<1x80xi32, #tpu.memory_space<vmem>> -> memref<80xi32, #tpu.memory_space<vmem>>
        %dma_wait3A_315 = arith.constant 0 : i32
        %dma_wait3A_316 = arith.constant 0 : i32
        %dma_wait3A_317 = tpu.memref_slice %arg11[%dma_wait3A_315, %dma_wait3A_316] : memref<10000x128xf32, #tpu.memory_space<vmem_shared>> -> memref<10000x128xf32, #tpu.memory_space<vmem_shared>>
        %dma_wait3A_318 = tpu.memref_slice %arg15[%dma_wait3A_307] : memref<2x!tpu.dma_semaphore, #tpu.memory_space<semaphore_mem>> -> memref<1x!tpu.dma_semaphore, #tpu.memory_space<semaphore_mem>>
        %dma_wait3A_319 = tpu.memref_squeeze %dma_wait3A_318 : memref<1x!tpu.dma_semaphore, #tpu.memory_space<semaphore_mem>> -> memref<!tpu.dma_semaphore, #tpu.memory_space<semaphore_mem>>
        tpu.wait_indirect_dma semaphore(%dma_wait3A_319 : memref<!tpu.dma_semaphore, #tpu.memory_space<semaphore_mem>>) src(%dma_wait3A_311 : memref<80x128xf32, #tpu.memory_space<vmem>>) dst(%dma_wait3A_317 : memref<10000x128xf32, #tpu.memory_space<vmem_shared>>)
      } else {
      }
      %add3A_260 = arith.constant 1 : i32
      %add3A_261 = arith.addi %add3A_242, %add3A_260 : i32
      %lt3A_262 = arith.constant 125 : i32
      %lt3A_263 = arith.cmpi slt, %add3A_261, %lt3A_262 : i32
      %convert_element_type3A_264 = arith.extui %lt3A_263 : i1 to i32
      %cond3A_265 = arith.constant 0 : i32
      %cond3A_266 = arith.cmpi ne, %convert_element_type3A_264, %cond3A_265 : i32
      scf.if %cond3A_266 {
        %add3A_305 = arith.constant 1 : i32
        %add3A_306 = arith.addi %add3A_242, %add3A_305 : i32
        %mul3A_307 = arith.constant 80 : i32
        %mul3A_308 = arith.muli %add3A_306, %mul3A_307 : i32
        %add3A_309 = arith.addi %mul3A_2, %mul3A_308 : i32
        %dma_wait3A_310 = arith.constant 3 : i32
        %dma_wait3A_311 = arith.constant 3 : i32
        %dma_wait3A_312 = arith.constant 0 : i32
        %dma_wait3A_313 = tpu.memref_slice %arg7[%dma_wait3A_310, %dma_wait3A_312] : memref<4x80xi32, #tpu.memory_space<vmem>> -> memref<1x80xi32, #tpu.memory_space<vmem>>
        %dma_wait3A_314 = tpu.memref_squeeze %dma_wait3A_313 : memref<1x80xi32, #tpu.memory_space<vmem>> -> memref<80xi32, #tpu.memory_space<vmem>>
        %dma_wait3A_315 = tpu.memref_slice %arg4[%add3A_309] : memref<320000xi32, #tpu.memory_space<hbm>> -> memref<80xi32, #tpu.memory_space<hbm>>
        %dma_wait3A_316 = tpu.memref_slice %arg12[%dma_wait3A_311] : memref<4x!tpu.dma_semaphore, #tpu.memory_space<semaphore_mem>> -> memref<1x!tpu.dma_semaphore, #tpu.memory_space<semaphore_mem>>
        %dma_wait3A_317 = tpu.memref_squeeze %dma_wait3A_316 : memref<1x!tpu.dma_semaphore, #tpu.memory_space<semaphore_mem>> -> memref<!tpu.dma_semaphore, #tpu.memory_space<semaphore_mem>>
        %dma_wait3A_318 = arith.constant 0 : i32
        %dma_wait3A_319 = tpu.memref_slice %arg7[%dma_wait3A_310, %dma_wait3A_318] : memref<4x80xi32, #tpu.memory_space<vmem>> -> memref<1x80xi32, #tpu.memory_space<vmem>>
        %dma_wait3A_320 = tpu.memref_squeeze %dma_wait3A_319 : memref<1x80xi32, #tpu.memory_space<vmem>> -> memref<80xi32, #tpu.memory_space<vmem>>
        %dma_wait3A_321 = tpu.memref_slice %arg4[%add3A_309] : memref<320000xi32, #tpu.memory_space<hbm>> -> memref<80xi32, #tpu.memory_space<hbm>>
        tpu.wait_dma2 semaphore(%dma_wait3A_317 : memref<!tpu.dma_semaphore, #tpu.memory_space<semaphore_mem>>) src(%dma_wait3A_321 : memref<80xi32, #tpu.memory_space<hbm>>) dst(%dma_wait3A_320 : memref<80xi32, #tpu.memory_space<vmem>>)
        %mul3A_322 = arith.constant 80 : i32
        %mul3A_323 = arith.muli %add3A_306, %mul3A_322 : i32
        %add3A_324 = arith.addi %mul3A_2, %mul3A_323 : i32
        %dma_wait3A_325 = arith.constant 3 : i32
        %dma_wait3A_326 = arith.constant 3 : i32
        %dma_wait3A_327 = arith.constant 0 : i32
        %dma_wait3A_328 = tpu.memref_slice %arg8[%dma_wait3A_325, %dma_wait3A_327] : memref<4x80xi32, #tpu.memory_space<vmem>> -> memref<1x80xi32, #tpu.memory_space<vmem>>
        %dma_wait3A_329 = tpu.memref_squeeze %dma_wait3A_328 : memref<1x80xi32, #tpu.memory_space<vmem>> -> memref<80xi32, #tpu.memory_space<vmem>>
        %dma_wait3A_330 = tpu.memref_slice %arg5[%add3A_324] : memref<320000xi32, #tpu.memory_space<hbm>> -> memref<80xi32, #tpu.memory_space<hbm>>
        %dma_wait3A_331 = tpu.memref_slice %arg12[%dma_wait3A_326] : memref<4x!tpu.dma_semaphore, #tpu.memory_space<semaphore_mem>> -> memref<1x!tpu.dma_semaphore, #tpu.memory_space<semaphore_mem>>
        %dma_wait3A_332 = tpu.memref_squeeze %dma_wait3A_331 : memref<1x!tpu.dma_semaphore, #tpu.memory_space<semaphore_mem>> -> memref<!tpu.dma_semaphore, #tpu.memory_space<semaphore_mem>>
        %dma_wait3A_333 = arith.constant 0 : i32
        %dma_wait3A_334 = tpu.memref_slice %arg8[%dma_wait3A_325, %dma_wait3A_333] : memref<4x80xi32, #tpu.memory_space<vmem>> -> memref<1x80xi32, #tpu.memory_space<vmem>>
        %dma_wait3A_335 = tpu.memref_squeeze %dma_wait3A_334 : memref<1x80xi32, #tpu.memory_space<vmem>> -> memref<80xi32, #tpu.memory_space<vmem>>
        %dma_wait3A_336 = tpu.memref_slice %arg5[%add3A_324] : memref<320000xi32, #tpu.memory_space<hbm>> -> memref<80xi32, #tpu.memory_space<hbm>>
        tpu.wait_dma2 semaphore(%dma_wait3A_332 : memref<!tpu.dma_semaphore, #tpu.memory_space<semaphore_mem>>) src(%dma_wait3A_336 : memref<80xi32, #tpu.memory_space<hbm>>) dst(%dma_wait3A_335 : memref<80xi32, #tpu.memory_space<vmem>>)
        %add3A_337 = arith.constant 1 : i32
        %add3A_338 = arith.addi %add3A_242, %add3A_337 : i32
        %mul3A_339 = arith.constant 80 : i32
        %mul3A_340 = arith.muli %add3A_338, %mul3A_339 : i32
        %add3A_341 = arith.addi %mul3A_2, %mul3A_340 : i32
        %dma_start3A_342 = arith.constant 1 : i32
        %dma_start3A_343 = arith.constant 1 : i32
        %dma_start3A_344 = arith.constant 0 : i32
        %dma_start3A_345 = arith.constant 0 : i32
        %dma_start3A_346 = tpu.memref_slice %arg9[%dma_start3A_342, %dma_start3A_344, %dma_start3A_345] : memref<2x80x128xf32, #tpu.memory_space<vmem>> -> memref<1x80x128xf32, #tpu.memory_space<vmem>>
        %dma_start3A_347 = tpu.memref_squeeze %dma_start3A_346 : memref<1x80x128xf32, #tpu.memory_space<vmem>> -> memref<80x128xf32, #tpu.memory_space<vmem>>
        %dma_start3A_348 = arith.constant 0 : i32
        %dma_start3A_349 = tpu.memref_slice %arg3[%add3A_341, %dma_start3A_348] : memref<320000x128xf32, #tpu.memory_space<hbm>> -> memref<80x128xf32, #tpu.memory_space<hbm>>
        %dma_start3A_350 = tpu.memref_slice %arg13[%dma_start3A_343] : memref<2x!tpu.dma_semaphore, #tpu.memory_space<semaphore_mem>> -> memref<1x!tpu.dma_semaphore, #tpu.memory_space<semaphore_mem>>
        %dma_start3A_351 = tpu.memref_squeeze %dma_start3A_350 : memref<1x!tpu.dma_semaphore, #tpu.memory_space<semaphore_mem>> -> memref<!tpu.dma_semaphore, #tpu.memory_space<semaphore_mem>>
        %dma_start3A_352 = arith.constant 0 : i32
        %dma_start3A_353 = arith.constant 0 : i32
        %dma_start3A_354 = tpu.memref_slice %arg9[%dma_start3A_342, %dma_start3A_352, %dma_start3A_353] : memref<2x80x128xf32, #tpu.memory_space<vmem>> -> memref<1x80x128xf32, #tpu.memory_space<vmem>>
        %dma_start3A_355 = tpu.memref_squeeze %dma_start3A_354 : memref<1x80x128xf32, #tpu.memory_space<vmem>> -> memref<80x128xf32, #tpu.memory_space<vmem>>
        %dma_start3A_356 = arith.constant 0 : i32
        %dma_start3A_357 = tpu.memref_slice %arg3[%add3A_341, %dma_start3A_356] : memref<320000x128xf32, #tpu.memory_space<hbm>> -> memref<80x128xf32, #tpu.memory_space<hbm>>
        tpu.enqueue_dma source(%dma_start3A_357 : memref<80x128xf32, #tpu.memory_space<hbm>>) target(%dma_start3A_355 : memref<80x128xf32, #tpu.memory_space<vmem>>) target_semaphore(%dma_start3A_351 : memref<!tpu.dma_semaphore, #tpu.memory_space<semaphore_mem>>)
        %dma_start3A_358 = arith.constant 3 : i32
        %dma_start3A_359 = arith.constant 1 : i32
        %dma_start3A_360 = arith.constant 1 : i32
        %dma_start3A_361 = arith.constant 0 : i32
        %dma_start3A_362 = arith.constant 0 : i32
        %dma_start3A_363 = tpu.memref_slice %arg10[%dma_start3A_359, %dma_start3A_361, %dma_start3A_362] : memref<2x80x128xf32, #tpu.memory_space<vmem>> -> memref<1x80x128xf32, #tpu.memory_space<vmem>>
        %dma_start3A_364 = tpu.memref_squeeze %dma_start3A_363 : memref<1x80x128xf32, #tpu.memory_space<vmem>> -> memref<80x128xf32, #tpu.memory_space<vmem>>
        %dma_start3A_365 = arith.constant 0 : i32
        %dma_start3A_366 = tpu.memref_slice %arg7[%dma_start3A_358, %dma_start3A_365] : memref<4x80xi32, #tpu.memory_space<vmem>> -> memref<1x80xi32, #tpu.memory_space<vmem>>
        %dma_start3A_367 = tpu.memref_squeeze %dma_start3A_366 : memref<1x80xi32, #tpu.memory_space<vmem>> -> memref<80xi32, #tpu.memory_space<vmem>>
        %dma_start3A_368 = arith.constant 0 : i32
        %dma_start3A_369 = arith.constant 0 : i32
        %dma_start3A_370 = tpu.memref_slice %arg2[%dma_start3A_368, %dma_start3A_369] : memref<10000x128xf32, #tpu.memory_space<hbm>> -> memref<10000x128xf32, #tpu.memory_space<hbm>>
        %dma_start3A_371 = tpu.memref_slice %arg14[%dma_start3A_360] : memref<2x!tpu.dma_semaphore, #tpu.memory_space<semaphore_mem>> -> memref<1x!tpu.dma_semaphore, #tpu.memory_space<semaphore_mem>>
        %dma_start3A_372 = tpu.memref_squeeze %dma_start3A_371 : memref<1x!tpu.dma_semaphore, #tpu.memory_space<semaphore_mem>> -> memref<!tpu.dma_semaphore, #tpu.memory_space<semaphore_mem>>
        tpu.enqueue_indirect_dma source(%dma_start3A_370 : memref<10000x128xf32, #tpu.memory_space<hbm>>) target(%dma_start3A_364 : memref<80x128xf32, #tpu.memory_space<vmem>>) offsets(%dma_start3A_367 : memref<80xi32, #tpu.memory_space<vmem>>) semaphore(%dma_start3A_372 : memref<!tpu.dma_semaphore, #tpu.memory_space<semaphore_mem>>)
      } else {
      }
      %lt3A_267 = arith.constant 125 : i32
      %lt3A_268 = arith.cmpi slt, %add3A_242, %lt3A_267 : i32
      %convert_element_type3A_269 = arith.extui %lt3A_268 : i1 to i32
      %cond3A_270 = arith.constant 0 : i32
      %cond3A_271 = arith.cmpi ne, %convert_element_type3A_269, %cond3A_270 : i32
      scf.if %cond3A_271 {
        %mul3A_305 = arith.constant 80 : i32
        %mul3A_306 = arith.muli %add3A_242, %mul3A_305 : i32
        %add3A_307 = arith.addi %mul3A_2, %mul3A_306 : i32
        %dma_wait3A_308 = arith.constant 0 : i32
        %dma_wait3A_309 = arith.constant 0 : i32
        %dma_wait3A_310 = arith.constant 0 : i32
        %dma_wait3A_311 = arith.constant 0 : i32
        %dma_wait3A_312 = tpu.memref_slice %arg9[%dma_wait3A_308, %dma_wait3A_310, %dma_wait3A_311] : memref<2x80x128xf32, #tpu.memory_space<vmem>> -> memref<1x80x128xf32, #tpu.memory_space<vmem>>
        %dma_wait3A_313 = tpu.memref_squeeze %dma_wait3A_312 : memref<1x80x128xf32, #tpu.memory_space<vmem>> -> memref<80x128xf32, #tpu.memory_space<vmem>>
        %dma_wait3A_314 = arith.constant 0 : i32
        %dma_wait3A_315 = tpu.memref_slice %arg3[%add3A_307, %dma_wait3A_314] : memref<320000x128xf32, #tpu.memory_space<hbm>> -> memref<80x128xf32, #tpu.memory_space<hbm>>
        %dma_wait3A_316 = tpu.memref_slice %arg13[%dma_wait3A_309] : memref<2x!tpu.dma_semaphore, #tpu.memory_space<semaphore_mem>> -> memref<1x!tpu.dma_semaphore, #tpu.memory_space<semaphore_mem>>
        %dma_wait3A_317 = tpu.memref_squeeze %dma_wait3A_316 : memref<1x!tpu.dma_semaphore, #tpu.memory_space<semaphore_mem>> -> memref<!tpu.dma_semaphore, #tpu.memory_space<semaphore_mem>>
        %dma_wait3A_318 = arith.constant 0 : i32
        %dma_wait3A_319 = arith.constant 0 : i32
        %dma_wait3A_320 = tpu.memref_slice %arg9[%dma_wait3A_308, %dma_wait3A_318, %dma_wait3A_319] : memref<2x80x128xf32, #tpu.memory_space<vmem>> -> memref<1x80x128xf32, #tpu.memory_space<vmem>>
        %dma_wait3A_321 = tpu.memref_squeeze %dma_wait3A_320 : memref<1x80x128xf32, #tpu.memory_space<vmem>> -> memref<80x128xf32, #tpu.memory_space<vmem>>
        %dma_wait3A_322 = arith.constant 0 : i32
        %dma_wait3A_323 = tpu.memref_slice %arg3[%add3A_307, %dma_wait3A_322] : memref<320000x128xf32, #tpu.memory_space<hbm>> -> memref<80x128xf32, #tpu.memory_space<hbm>>
        tpu.wait_dma2 semaphore(%dma_wait3A_317 : memref<!tpu.dma_semaphore, #tpu.memory_space<semaphore_mem>>) src(%dma_wait3A_323 : memref<80x128xf32, #tpu.memory_space<hbm>>) dst(%dma_wait3A_321 : memref<80x128xf32, #tpu.memory_space<vmem>>)
        %dma_wait3A_324 = arith.constant 2 : i32
        %dma_wait3A_325 = arith.constant 0 : i32
        %dma_wait3A_326 = arith.constant 0 : i32
        %dma_wait3A_327 = arith.constant 0 : i32
        %dma_wait3A_328 = arith.constant 0 : i32
        %dma_wait3A_329 = tpu.memref_slice %arg10[%dma_wait3A_325, %dma_wait3A_327, %dma_wait3A_328] : memref<2x80x128xf32, #tpu.memory_space<vmem>> -> memref<1x80x128xf32, #tpu.memory_space<vmem>>
        %dma_wait3A_330 = tpu.memref_squeeze %dma_wait3A_329 : memref<1x80x128xf32, #tpu.memory_space<vmem>> -> memref<80x128xf32, #tpu.memory_space<vmem>>
        %dma_wait3A_331 = arith.constant 0 : i32
        %dma_wait3A_332 = tpu.memref_slice %arg7[%dma_wait3A_324, %dma_wait3A_331] : memref<4x80xi32, #tpu.memory_space<vmem>> -> memref<1x80xi32, #tpu.memory_space<vmem>>
        %dma_wait3A_333 = tpu.memref_squeeze %dma_wait3A_332 : memref<1x80xi32, #tpu.memory_space<vmem>> -> memref<80xi32, #tpu.memory_space<vmem>>
        %dma_wait3A_334 = arith.constant 0 : i32
        %dma_wait3A_335 = arith.constant 0 : i32
        %dma_wait3A_336 = tpu.memref_slice %arg2[%dma_wait3A_334, %dma_wait3A_335] : memref<10000x128xf32, #tpu.memory_space<hbm>> -> memref<10000x128xf32, #tpu.memory_space<hbm>>
        %dma_wait3A_337 = tpu.memref_slice %arg14[%dma_wait3A_326] : memref<2x!tpu.dma_semaphore, #tpu.memory_space<semaphore_mem>> -> memref<1x!tpu.dma_semaphore, #tpu.memory_space<semaphore_mem>>
        %dma_wait3A_338 = tpu.memref_squeeze %dma_wait3A_337 : memref<1x!tpu.dma_semaphore, #tpu.memory_space<semaphore_mem>> -> memref<!tpu.dma_semaphore, #tpu.memory_space<semaphore_mem>>
        tpu.wait_indirect_dma semaphore(%dma_wait3A_338 : memref<!tpu.dma_semaphore, #tpu.memory_space<semaphore_mem>>) src(%dma_wait3A_336 : memref<10000x128xf32, #tpu.memory_space<hbm>>) dst(%dma_wait3A_330 : memref<80x128xf32, #tpu.memory_space<vmem>>)
        %parallel_loop3A = arith.constant 0 : i32
        %parallel_loop3A_339 = arith.constant 80 : i32
        %parallel_loop3A_340 = arith.constant 1 : i32
        scf.for %parallel_loop3A_356 = %parallel_loop3A to %parallel_loop3A_339 step %parallel_loop3A_340  : i32 {
          %parallel_loop3A_357 = arith.constant 0 : i32
          %parallel_loop3A_358 = arith.index_cast %parallel_loop3A_357 : i32 to index
          %parallel_loop3A_359 = arith.index_cast %parallel_loop3A_356 : i32 to index
          %parallel_loop3A_360 = arith.constant 0 : index
          %parallel_loop3A_361 = tpu.vector_load %arg10[%parallel_loop3A_358, %parallel_loop3A_359, %parallel_loop3A_360] {strides = array<i32>} : memref<2x80x128xf32, #tpu.memory_space<vmem>>, vector<1x1x16xf32>,
          %parallel_loop3A_362 = vector.shape_cast %parallel_loop3A_361 : vector<1x1x16xf32> to vector<16xf32>
          %parallel_loop3A_363 = arith.constant 0 : i32
          %parallel_loop3A_364 = arith.index_cast %parallel_loop3A_363 : i32 to index
          %parallel_loop3A_365 = arith.index_cast %parallel_loop3A_356 : i32 to index
          %parallel_loop3A_366 = arith.constant 16 : index
          %parallel_loop3A_367 = tpu.vector_load %arg10[%parallel_loop3A_364, %parallel_loop3A_365, %parallel_loop3A_366] {strides = array<i32>} : memref<2x80x128xf32, #tpu.memory_space<vmem>>, vector<1x1x16xf32>,
          %parallel_loop3A_368 = vector.shape_cast %parallel_loop3A_367 : vector<1x1x16xf32> to vector<16xf32>
          %parallel_loop3A_369 = arith.constant 0 : i32
          %parallel_loop3A_370 = arith.index_cast %parallel_loop3A_369 : i32 to index
          %parallel_loop3A_371 = arith.index_cast %parallel_loop3A_356 : i32 to index
          %parallel_loop3A_372 = arith.constant 32 : index
          %parallel_loop3A_373 = tpu.vector_load %arg10[%parallel_loop3A_370, %parallel_loop3A_371, %parallel_loop3A_372] {strides = array<i32>} : memref<2x80x128xf32, #tpu.memory_space<vmem>>, vector<1x1x16xf32>,
          %parallel_loop3A_374 = vector.shape_cast %parallel_loop3A_373 : vector<1x1x16xf32> to vector<16xf32>
          %parallel_loop3A_375 = arith.constant 0 : i32
          %parallel_loop3A_376 = arith.index_cast %parallel_loop3A_375 : i32 to index
          %parallel_loop3A_377 = arith.index_cast %parallel_loop3A_356 : i32 to index
          %parallel_loop3A_378 = arith.constant 48 : index
          %parallel_loop3A_379 = tpu.vector_load %arg10[%parallel_loop3A_376, %parallel_loop3A_377, %parallel_loop3A_378] {strides = array<i32>} : memref<2x80x128xf32, #tpu.memory_space<vmem>>, vector<1x1x16xf32>,
          %parallel_loop3A_380 = vector.shape_cast %parallel_loop3A_379 : vector<1x1x16xf32> to vector<16xf32>
          %parallel_loop3A_381 = arith.constant 0 : i32
          %parallel_loop3A_382 = arith.index_cast %parallel_loop3A_381 : i32 to index
          %parallel_loop3A_383 = arith.index_cast %parallel_loop3A_356 : i32 to index
          %parallel_loop3A_384 = arith.constant 64 : index
          %parallel_loop3A_385 = tpu.vector_load %arg10[%parallel_loop3A_382, %parallel_loop3A_383, %parallel_loop3A_384] {strides = array<i32>} : memref<2x80x128xf32, #tpu.memory_space<vmem>>, vector<1x1x16xf32>,
          %parallel_loop3A_386 = vector.shape_cast %parallel_loop3A_385 : vector<1x1x16xf32> to vector<16xf32>
          %parallel_loop3A_387 = arith.constant 0 : i32
          %parallel_loop3A_388 = arith.index_cast %parallel_loop3A_387 : i32 to index
          %parallel_loop3A_389 = arith.index_cast %parallel_loop3A_356 : i32 to index
          %parallel_loop3A_390 = arith.constant 80 : index
          %parallel_loop3A_391 = tpu.vector_load %arg10[%parallel_loop3A_388, %parallel_loop3A_389, %parallel_loop3A_390] {strides = array<i32>} : memref<2x80x128xf32, #tpu.memory_space<vmem>>, vector<1x1x16xf32>,
          %parallel_loop3A_392 = vector.shape_cast %parallel_loop3A_391 : vector<1x1x16xf32> to vector<16xf32>
          %parallel_loop3A_393 = arith.constant 0 : i32
          %parallel_loop3A_394 = arith.index_cast %parallel_loop3A_393 : i32 to index
          %parallel_loop3A_395 = arith.index_cast %parallel_loop3A_356 : i32 to index
          %parallel_loop3A_396 = arith.constant 96 : index
          %parallel_loop3A_397 = tpu.vector_load %arg10[%parallel_loop3A_394, %parallel_loop3A_395, %parallel_loop3A_396] {strides = array<i32>} : memref<2x80x128xf32, #tpu.memory_space<vmem>>, vector<1x1x16xf32>,
          %parallel_loop3A_398 = vector.shape_cast %parallel_loop3A_397 : vector<1x1x16xf32> to vector<16xf32>
          %parallel_loop3A_399 = arith.constant 0 : i32
          %parallel_loop3A_400 = arith.index_cast %parallel_loop3A_399 : i32 to index
          %parallel_loop3A_401 = arith.index_cast %parallel_loop3A_356 : i32 to index
          %parallel_loop3A_402 = arith.constant 112 : index
          %parallel_loop3A_403 = tpu.vector_load %arg10[%parallel_loop3A_400, %parallel_loop3A_401, %parallel_loop3A_402] {strides = array<i32>} : memref<2x80x128xf32, #tpu.memory_space<vmem>>, vector<1x1x16xf32>,
          %parallel_loop3A_404 = vector.shape_cast %parallel_loop3A_403 : vector<1x1x16xf32> to vector<16xf32>
          %parallel_loop3A_405 = arith.constant 0 : i32
          %parallel_loop3A_406 = arith.index_cast %parallel_loop3A_405 : i32 to index
          %parallel_loop3A_407 = arith.index_cast %parallel_loop3A_356 : i32 to index
          %parallel_loop3A_408 = arith.constant 0 : index
          %parallel_loop3A_409 = tpu.vector_load %arg9[%parallel_loop3A_406, %parallel_loop3A_407, %parallel_loop3A_408] {strides = array<i32>} : memref<2x80x128xf32, #tpu.memory_space<vmem>>, vector<1x1x16xf32>,
          %parallel_loop3A_410 = vector.shape_cast %parallel_loop3A_409 : vector<1x1x16xf32> to vector<16xf32>
          %parallel_loop3A_411 = arith.constant 0 : i32
          %parallel_loop3A_412 = arith.index_cast %parallel_loop3A_411 : i32 to index
          %parallel_loop3A_413 = arith.index_cast %parallel_loop3A_356 : i32 to index
          %parallel_loop3A_414 = arith.constant 16 : index
          %parallel_loop3A_415 = tpu.vector_load %arg9[%parallel_loop3A_412, %parallel_loop3A_413, %parallel_loop3A_414] {strides = array<i32>} : memref<2x80x128xf32, #tpu.memory_space<vmem>>, vector<1x1x16xf32>,
          %parallel_loop3A_416 = vector.shape_cast %parallel_loop3A_415 : vector<1x1x16xf32> to vector<16xf32>
          %parallel_loop3A_417 = arith.constant 0 : i32
          %parallel_loop3A_418 = arith.index_cast %parallel_loop3A_417 : i32 to index
          %parallel_loop3A_419 = arith.index_cast %parallel_loop3A_356 : i32 to index
          %parallel_loop3A_420 = arith.constant 32 : index
          %parallel_loop3A_421 = tpu.vector_load %arg9[%parallel_loop3A_418, %parallel_loop3A_419, %parallel_loop3A_420] {strides = array<i32>} : memref<2x80x128xf32, #tpu.memory_space<vmem>>, vector<1x1x16xf32>,
          %parallel_loop3A_422 = vector.shape_cast %parallel_loop3A_421 : vector<1x1x16xf32> to vector<16xf32>
          %parallel_loop3A_423 = arith.constant 0 : i32
          %parallel_loop3A_424 = arith.index_cast %parallel_loop3A_423 : i32 to index
          %parallel_loop3A_425 = arith.index_cast %parallel_loop3A_356 : i32 to index
          %parallel_loop3A_426 = arith.constant 48 : index
          %parallel_loop3A_427 = tpu.vector_load %arg9[%parallel_loop3A_424, %parallel_loop3A_425, %parallel_loop3A_426] {strides = array<i32>} : memref<2x80x128xf32, #tpu.memory_space<vmem>>, vector<1x1x16xf32>,
          %parallel_loop3A_428 = vector.shape_cast %parallel_loop3A_427 : vector<1x1x16xf32> to vector<16xf32>
          %parallel_loop3A_429 = arith.constant 0 : i32
          %parallel_loop3A_430 = arith.index_cast %parallel_loop3A_429 : i32 to index
          %parallel_loop3A_431 = arith.index_cast %parallel_loop3A_356 : i32 to index
          %parallel_loop3A_432 = arith.constant 64 : index
          %parallel_loop3A_433 = tpu.vector_load %arg9[%parallel_loop3A_430, %parallel_loop3A_431, %parallel_loop3A_432] {strides = array<i32>} : memref<2x80x128xf32, #tpu.memory_space<vmem>>, vector<1x1x16xf32>,
          %parallel_loop3A_434 = vector.shape_cast %parallel_loop3A_433 : vector<1x1x16xf32> to vector<16xf32>
          %parallel_loop3A_435 = arith.constant 0 : i32
          %parallel_loop3A_436 = arith.index_cast %parallel_loop3A_435 : i32 to index
          %parallel_loop3A_437 = arith.index_cast %parallel_loop3A_356 : i32 to index
          %parallel_loop3A_438 = arith.constant 80 : index
          %parallel_loop3A_439 = tpu.vector_load %arg9[%parallel_loop3A_436, %parallel_loop3A_437, %parallel_loop3A_438] {strides = array<i32>} : memref<2x80x128xf32, #tpu.memory_space<vmem>>, vector<1x1x16xf32>,
          %parallel_loop3A_440 = vector.shape_cast %parallel_loop3A_439 : vector<1x1x16xf32> to vector<16xf32>
          %parallel_loop3A_441 = arith.constant 0 : i32
          %parallel_loop3A_442 = arith.index_cast %parallel_loop3A_441 : i32 to index
          %parallel_loop3A_443 = arith.index_cast %parallel_loop3A_356 : i32 to index
          %parallel_loop3A_444 = arith.constant 96 : index
          %parallel_loop3A_445 = tpu.vector_load %arg9[%parallel_loop3A_442, %parallel_loop3A_443, %parallel_loop3A_444] {strides = array<i32>} : memref<2x80x128xf32, #tpu.memory_space<vmem>>, vector<1x1x16xf32>,
          %parallel_loop3A_446 = vector.shape_cast %parallel_loop3A_445 : vector<1x1x16xf32> to vector<16xf32>
          %parallel_loop3A_447 = arith.constant 0 : i32
          %parallel_loop3A_448 = arith.index_cast %parallel_loop3A_447 : i32 to index
          %parallel_loop3A_449 = arith.index_cast %parallel_loop3A_356 : i32 to index
          %parallel_loop3A_450 = arith.constant 112 : index
          %parallel_loop3A_451 = tpu.vector_load %arg9[%parallel_loop3A_448, %parallel_loop3A_449, %parallel_loop3A_450] {strides = array<i32>} : memref<2x80x128xf32, #tpu.memory_space<vmem>>, vector<1x1x16xf32>,
          %parallel_loop3A_452 = vector.shape_cast %parallel_loop3A_451 : vector<1x1x16xf32> to vector<16xf32>
          %parallel_loop3A_453 = arith.mulf %parallel_loop3A_362, %parallel_loop3A_410 : vector<16xf32>
          %parallel_loop3A_454 = arith.mulf %parallel_loop3A_368, %parallel_loop3A_416 : vector<16xf32>
          %parallel_loop3A_455 = arith.mulf %parallel_loop3A_362, %parallel_loop3A_422 : vector<16xf32>
          %parallel_loop3A_456 = arith.mulf %parallel_loop3A_368, %parallel_loop3A_428 : vector<16xf32>
          %parallel_loop3A_457 = arith.mulf %parallel_loop3A_362, %parallel_loop3A_434 : vector<16xf32>
          %parallel_loop3A_458 = arith.mulf %parallel_loop3A_368, %parallel_loop3A_440 : vector<16xf32>
          %parallel_loop3A_459 = arith.mulf %parallel_loop3A_362, %parallel_loop3A_446 : vector<16xf32>
          %parallel_loop3A_460 = arith.mulf %parallel_loop3A_368, %parallel_loop3A_452 : vector<16xf32>
          %parallel_loop3A_461 = arith.mulf %parallel_loop3A_374, %parallel_loop3A_410 : vector<16xf32>
          %parallel_loop3A_462 = arith.addf %parallel_loop3A_455, %parallel_loop3A_461 : vector<16xf32>
          %parallel_loop3A_463 = arith.mulf %parallel_loop3A_380, %parallel_loop3A_416 : vector<16xf32>
          %parallel_loop3A_464 = arith.addf %parallel_loop3A_456, %parallel_loop3A_463 : vector<16xf32>
          %parallel_loop3A_465 = arith.mulf %parallel_loop3A_374, %parallel_loop3A_422 : vector<16xf32>
          %parallel_loop3A_466 = arith.addf %parallel_loop3A_457, %parallel_loop3A_465 : vector<16xf32>
          %parallel_loop3A_467 = arith.mulf %parallel_loop3A_380, %parallel_loop3A_428 : vector<16xf32>
          %parallel_loop3A_468 = arith.addf %parallel_loop3A_458, %parallel_loop3A_467 : vector<16xf32>
          %parallel_loop3A_469 = arith.mulf %parallel_loop3A_374, %parallel_loop3A_434 : vector<16xf32>
          %parallel_loop3A_470 = arith.addf %parallel_loop3A_459, %parallel_loop3A_469 : vector<16xf32>
          %parallel_loop3A_471 = arith.mulf %parallel_loop3A_380, %parallel_loop3A_440 : vector<16xf32>
          %parallel_loop3A_472 = arith.addf %parallel_loop3A_460, %parallel_loop3A_471 : vector<16xf32>
          %parallel_loop3A_473 = arith.mulf %parallel_loop3A_374, %parallel_loop3A_446 : vector<16xf32>
          %parallel_loop3A_474 = arith.mulf %parallel_loop3A_380, %parallel_loop3A_452 : vector<16xf32>
          %parallel_loop3A_475 = arith.mulf %parallel_loop3A_386, %parallel_loop3A_410 : vector<16xf32>
          %parallel_loop3A_476 = arith.addf %parallel_loop3A_466, %parallel_loop3A_475 : vector<16xf32>
          %parallel_loop3A_477 = arith.mulf %parallel_loop3A_392, %parallel_loop3A_416 : vector<16xf32>
          %parallel_loop3A_478 = arith.addf %parallel_loop3A_468, %parallel_loop3A_477 : vector<16xf32>
          %parallel_loop3A_479 = arith.mulf %parallel_loop3A_386, %parallel_loop3A_422 : vector<16xf32>
          %parallel_loop3A_480 = arith.addf %parallel_loop3A_470, %parallel_loop3A_479 : vector<16xf32>
          %parallel_loop3A_481 = arith.mulf %parallel_loop3A_392, %parallel_loop3A_428 : vector<16xf32>
          %parallel_loop3A_482 = arith.addf %parallel_loop3A_472, %parallel_loop3A_481 : vector<16xf32>
          %parallel_loop3A_483 = arith.mulf %parallel_loop3A_386, %parallel_loop3A_434 : vector<16xf32>
          %parallel_loop3A_484 = arith.addf %parallel_loop3A_473, %parallel_loop3A_483 : vector<16xf32>
          %parallel_loop3A_485 = arith.mulf %parallel_loop3A_392, %parallel_loop3A_440 : vector<16xf32>
          %parallel_loop3A_486 = arith.addf %parallel_loop3A_474, %parallel_loop3A_485 : vector<16xf32>
          %parallel_loop3A_487 = arith.mulf %parallel_loop3A_386, %parallel_loop3A_446 : vector<16xf32>
          %parallel_loop3A_488 = arith.mulf %parallel_loop3A_392, %parallel_loop3A_452 : vector<16xf32>
          %parallel_loop3A_489 = arith.mulf %parallel_loop3A_398, %parallel_loop3A_410 : vector<16xf32>
          %parallel_loop3A_490 = arith.addf %parallel_loop3A_480, %parallel_loop3A_489 : vector<16xf32>
          %parallel_loop3A_491 = arith.mulf %parallel_loop3A_404, %parallel_loop3A_416 : vector<16xf32>
          %parallel_loop3A_492 = arith.addf %parallel_loop3A_482, %parallel_loop3A_491 : vector<16xf32>
          %parallel_loop3A_493 = arith.mulf %parallel_loop3A_398, %parallel_loop3A_422 : vector<16xf32>
          %parallel_loop3A_494 = arith.addf %parallel_loop3A_484, %parallel_loop3A_493 : vector<16xf32>
          %parallel_loop3A_495 = arith.mulf %parallel_loop3A_404, %parallel_loop3A_428 : vector<16xf32>
          %parallel_loop3A_496 = arith.addf %parallel_loop3A_486, %parallel_loop3A_495 : vector<16xf32>
          %parallel_loop3A_497 = arith.mulf %parallel_loop3A_398, %parallel_loop3A_434 : vector<16xf32>
          %parallel_loop3A_498 = arith.addf %parallel_loop3A_487, %parallel_loop3A_497 : vector<16xf32>
          %parallel_loop3A_499 = arith.mulf %parallel_loop3A_404, %parallel_loop3A_440 : vector<16xf32>
          %parallel_loop3A_500 = arith.addf %parallel_loop3A_488, %parallel_loop3A_499 : vector<16xf32>
          %parallel_loop3A_501 = arith.mulf %parallel_loop3A_398, %parallel_loop3A_446 : vector<16xf32>
          %parallel_loop3A_502 = arith.mulf %parallel_loop3A_404, %parallel_loop3A_452 : vector<16xf32>
          %parallel_loop3A_503 = arith.constant 1.000000e+00 : f32
          %parallel_loop3A_504 = vector.broadcast %parallel_loop3A_503 : f32 to vector<16xf32>
          %parallel_loop3A_505 = arith.mulf %parallel_loop3A_504, %parallel_loop3A_453 : vector<16xf32>
          %parallel_loop3A_506 = arith.constant 2.000000e-01 : f32
          %parallel_loop3A_507 = vector.broadcast %parallel_loop3A_506 : f32 to vector<16xf32>
          %parallel_loop3A_508 = arith.mulf %parallel_loop3A_507, %parallel_loop3A_494 : vector<16xf32>
          %parallel_loop3A_509 = arith.addf %parallel_loop3A_505, %parallel_loop3A_508 : vector<16xf32>
          %parallel_loop3A_510 = arith.constant 1.000000e+00 : f32
          %parallel_loop3A_511 = vector.broadcast %parallel_loop3A_510 : f32 to vector<16xf32>
          %parallel_loop3A_512 = arith.mulf %parallel_loop3A_511, %parallel_loop3A_454 : vector<16xf32>
          %parallel_loop3A_513 = arith.constant 2.000000e-01 : f32
          %parallel_loop3A_514 = vector.broadcast %parallel_loop3A_513 : f32 to vector<16xf32>
          %parallel_loop3A_515 = arith.mulf %parallel_loop3A_514, %parallel_loop3A_496 : vector<16xf32>
          %parallel_loop3A_516 = arith.addf %parallel_loop3A_512, %parallel_loop3A_515 : vector<16xf32>
          %parallel_loop3A_517 = arith.constant 5.000000e-01 : f32
          %parallel_loop3A_518 = vector.broadcast %parallel_loop3A_517 : f32 to vector<16xf32>
          %parallel_loop3A_519 = arith.mulf %parallel_loop3A_518, %parallel_loop3A_462 : vector<16xf32>
          %parallel_loop3A_520 = arith.constant 0.166666672 : f32
          %parallel_loop3A_521 = vector.broadcast %parallel_loop3A_520 : f32 to vector<16xf32>
          %parallel_loop3A_522 = arith.mulf %parallel_loop3A_521, %parallel_loop3A_498 : vector<16xf32>
          %parallel_loop3A_523 = arith.addf %parallel_loop3A_519, %parallel_loop3A_522 : vector<16xf32>
          %parallel_loop3A_524 = arith.constant 5.000000e-01 : f32
          %parallel_loop3A_525 = vector.broadcast %parallel_loop3A_524 : f32 to vector<16xf32>
          %parallel_loop3A_526 = arith.mulf %parallel_loop3A_525, %parallel_loop3A_464 : vector<16xf32>
          %parallel_loop3A_527 = arith.constant 0.166666672 : f32
          %parallel_loop3A_528 = vector.broadcast %parallel_loop3A_527 : f32 to vector<16xf32>
          %parallel_loop3A_529 = arith.mulf %parallel_loop3A_528, %parallel_loop3A_500 : vector<16xf32>
          %parallel_loop3A_530 = arith.addf %parallel_loop3A_526, %parallel_loop3A_529 : vector<16xf32>
          %parallel_loop3A_531 = arith.constant 0.333333343 : f32
          %parallel_loop3A_532 = vector.broadcast %parallel_loop3A_531 : f32 to vector<16xf32>
          %parallel_loop3A_533 = arith.mulf %parallel_loop3A_532, %parallel_loop3A_476 : vector<16xf32>
          %parallel_loop3A_534 = arith.constant 0.142857149 : f32
          %parallel_loop3A_535 = vector.broadcast %parallel_loop3A_534 : f32 to vector<16xf32>
          %parallel_loop3A_536 = arith.mulf %parallel_loop3A_535, %parallel_loop3A_501 : vector<16xf32>
          %parallel_loop3A_537 = arith.addf %parallel_loop3A_533, %parallel_loop3A_536 : vector<16xf32>
          %parallel_loop3A_538 = arith.constant 0.333333343 : f32
          %parallel_loop3A_539 = vector.broadcast %parallel_loop3A_538 : f32 to vector<16xf32>
          %parallel_loop3A_540 = arith.mulf %parallel_loop3A_539, %parallel_loop3A_478 : vector<16xf32>
          %parallel_loop3A_541 = arith.constant 0.142857149 : f32
          %parallel_loop3A_542 = vector.broadcast %parallel_loop3A_541 : f32 to vector<16xf32>
          %parallel_loop3A_543 = arith.mulf %parallel_loop3A_542, %parallel_loop3A_502 : vector<16xf32>
          %parallel_loop3A_544 = arith.addf %parallel_loop3A_540, %parallel_loop3A_543 : vector<16xf32>
          %parallel_loop3A_545 = arith.constant 2.500000e-01 : f32
          %parallel_loop3A_546 = vector.broadcast %parallel_loop3A_545 : f32 to vector<16xf32>
          %parallel_loop3A_547 = arith.mulf %parallel_loop3A_546, %parallel_loop3A_490 : vector<16xf32>
          %parallel_loop3A_548 = arith.constant 2.500000e-01 : f32
          %parallel_loop3A_549 = vector.broadcast %parallel_loop3A_548 : f32 to vector<16xf32>
          %parallel_loop3A_550 = arith.mulf %parallel_loop3A_549, %parallel_loop3A_492 : vector<16xf32>
          %parallel_loop3A_551 = arith.constant 0 : i32
          %parallel_loop3A_552 = arith.index_cast %parallel_loop3A_551 : i32 to index
          %parallel_loop3A_553 = arith.index_cast %parallel_loop3A_356 : i32 to index
          %parallel_loop3A_554 = arith.constant 0 : index
          %parallel_loop3A_555 = tpu.vector_load %arg9[%parallel_loop3A_552, %parallel_loop3A_553, %parallel_loop3A_554] {strides = array<i32>} : memref<2x80x128xf32, #tpu.memory_space<vmem>>, vector<1x1x16xf32>,
          %parallel_loop3A_556 = vector.shape_cast %parallel_loop3A_555 : vector<1x1x16xf32> to vector<16xf32>
          %parallel_loop3A_557 = vector.shape_cast %parallel_loop3A_509 : vector<16xf32> to vector<1x1x16xf32>
          tpu.vector_store %arg9[%parallel_loop3A_552, %parallel_loop3A_553, %parallel_loop3A_554], %parallel_loop3A_557 {strides = array<i32>} : memref<2x80x128xf32, #tpu.memory_space<vmem>>, vector<1x1x16xf32>,
          %parallel_loop3A_558 = arith.constant 0 : i32
          %parallel_loop3A_559 = arith.index_cast %parallel_loop3A_558 : i32 to index
          %parallel_loop3A_560 = arith.index_cast %parallel_loop3A_356 : i32 to index
          %parallel_loop3A_561 = arith.constant 16 : index
          %parallel_loop3A_562 = tpu.vector_load %arg9[%parallel_loop3A_559, %parallel_loop3A_560, %parallel_loop3A_561] {strides = array<i32>} : memref<2x80x128xf32, #tpu.memory_space<vmem>>, vector<1x1x16xf32>,
          %parallel_loop3A_563 = vector.shape_cast %parallel_loop3A_562 : vector<1x1x16xf32> to vector<16xf32>
          %parallel_loop3A_564 = vector.shape_cast %parallel_loop3A_516 : vector<16xf32> to vector<1x1x16xf32>
          tpu.vector_store %arg9[%parallel_loop3A_559, %parallel_loop3A_560, %parallel_loop3A_561], %parallel_loop3A_564 {strides = array<i32>} : memref<2x80x128xf32, #tpu.memory_space<vmem>>, vector<1x1x16xf32>,
          %parallel_loop3A_565 = arith.constant 0 : i32
          %parallel_loop3A_566 = arith.index_cast %parallel_loop3A_565 : i32 to index
          %parallel_loop3A_567 = arith.index_cast %parallel_loop3A_356 : i32 to index
          %parallel_loop3A_568 = arith.constant 32 : index
          %parallel_loop3A_569 = tpu.vector_load %arg9[%parallel_loop3A_566, %parallel_loop3A_567, %parallel_loop3A_568] {strides = array<i32>} : memref<2x80x128xf32, #tpu.memory_space<vmem>>, vector<1x1x16xf32>,
          %parallel_loop3A_570 = vector.shape_cast %parallel_loop3A_569 : vector<1x1x16xf32> to vector<16xf32>
          %parallel_loop3A_571 = vector.shape_cast %parallel_loop3A_523 : vector<16xf32> to vector<1x1x16xf32>
          tpu.vector_store %arg9[%parallel_loop3A_566, %parallel_loop3A_567, %parallel_loop3A_568], %parallel_loop3A_571 {strides = array<i32>} : memref<2x80x128xf32, #tpu.memory_space<vmem>>, vector<1x1x16xf32>,
          %parallel_loop3A_572 = arith.constant 0 : i32
          %parallel_loop3A_573 = arith.index_cast %parallel_loop3A_572 : i32 to index
          %parallel_loop3A_574 = arith.index_cast %parallel_loop3A_356 : i32 to index
          %parallel_loop3A_575 = arith.constant 48 : index
          %parallel_loop3A_576 = tpu.vector_load %arg9[%parallel_loop3A_573, %parallel_loop3A_574, %parallel_loop3A_575] {strides = array<i32>} : memref<2x80x128xf32, #tpu.memory_space<vmem>>, vector<1x1x16xf32>,
          %parallel_loop3A_577 = vector.shape_cast %parallel_loop3A_576 : vector<1x1x16xf32> to vector<16xf32>
          %parallel_loop3A_578 = vector.shape_cast %parallel_loop3A_530 : vector<16xf32> to vector<1x1x16xf32>
          tpu.vector_store %arg9[%parallel_loop3A_573, %parallel_loop3A_574, %parallel_loop3A_575], %parallel_loop3A_578 {strides = array<i32>} : memref<2x80x128xf32, #tpu.memory_space<vmem>>, vector<1x1x16xf32>,
          %parallel_loop3A_579 = arith.constant 0 : i32
          %parallel_loop3A_580 = arith.index_cast %parallel_loop3A_579 : i32 to index
          %parallel_loop3A_581 = arith.index_cast %parallel_loop3A_356 : i32 to index
          %parallel_loop3A_582 = arith.constant 64 : index
          %parallel_loop3A_583 = tpu.vector_load %arg9[%parallel_loop3A_580, %parallel_loop3A_581, %parallel_loop3A_582] {strides = array<i32>} : memref<2x80x128xf32, #tpu.memory_space<vmem>>, vector<1x1x16xf32>,
          %parallel_loop3A_584 = vector.shape_cast %parallel_loop3A_583 : vector<1x1x16xf32> to vector<16xf32>
          %parallel_loop3A_585 = vector.shape_cast %parallel_loop3A_537 : vector<16xf32> to vector<1x1x16xf32>
          tpu.vector_store %arg9[%parallel_loop3A_580, %parallel_loop3A_581, %parallel_loop3A_582], %parallel_loop3A_585 {strides = array<i32>} : memref<2x80x128xf32, #tpu.memory_space<vmem>>, vector<1x1x16xf32>,
          %parallel_loop3A_586 = arith.constant 0 : i32
          %parallel_loop3A_587 = arith.index_cast %parallel_loop3A_586 : i32 to index
          %parallel_loop3A_588 = arith.index_cast %parallel_loop3A_356 : i32 to index
          %parallel_loop3A_589 = arith.constant 80 : index
          %parallel_loop3A_590 = tpu.vector_load %arg9[%parallel_loop3A_587, %parallel_loop3A_588, %parallel_loop3A_589] {strides = array<i32>} : memref<2x80x128xf32, #tpu.memory_space<vmem>>, vector<1x1x16xf32>,
          %parallel_loop3A_591 = vector.shape_cast %parallel_loop3A_590 : vector<1x1x16xf32> to vector<16xf32>
          %parallel_loop3A_592 = vector.shape_cast %parallel_loop3A_544 : vector<16xf32> to vector<1x1x16xf32>
          tpu.vector_store %arg9[%parallel_loop3A_587, %parallel_loop3A_588, %parallel_loop3A_589], %parallel_loop3A_592 {strides = array<i32>} : memref<2x80x128xf32, #tpu.memory_space<vmem>>, vector<1x1x16xf32>,
          %parallel_loop3A_593 = arith.constant 0 : i32
          %parallel_loop3A_594 = arith.index_cast %parallel_loop3A_593 : i32 to index
          %parallel_loop3A_595 = arith.index_cast %parallel_loop3A_356 : i32 to index
          %parallel_loop3A_596 = arith.constant 96 : index
          %parallel_loop3A_597 = tpu.vector_load %arg9[%parallel_loop3A_594, %parallel_loop3A_595, %parallel_loop3A_596] {strides = array<i32>} : memref<2x80x128xf32, #tpu.memory_space<vmem>>, vector<1x1x16xf32>,
          %parallel_loop3A_598 = vector.shape_cast %parallel_loop3A_597 : vector<1x1x16xf32> to vector<16xf32>
          %parallel_loop3A_599 = vector.shape_cast %parallel_loop3A_547 : vector<16xf32> to vector<1x1x16xf32>
          tpu.vector_store %arg9[%parallel_loop3A_594, %parallel_loop3A_595, %parallel_loop3A_596], %parallel_loop3A_599 {strides = array<i32>} : memref<2x80x128xf32, #tpu.memory_space<vmem>>, vector<1x1x16xf32>,
          %parallel_loop3A_600 = arith.constant 0 : i32
          %parallel_loop3A_601 = arith.index_cast %parallel_loop3A_600 : i32 to index
          %parallel_loop3A_602 = arith.index_cast %parallel_loop3A_356 : i32 to index
          %parallel_loop3A_603 = arith.constant 112 : index
          %parallel_loop3A_604 = tpu.vector_load %arg9[%parallel_loop3A_601, %parallel_loop3A_602, %parallel_loop3A_603] {strides = array<i32>} : memref<2x80x128xf32, #tpu.memory_space<vmem>>, vector<1x1x16xf32>,
          %parallel_loop3A_605 = vector.shape_cast %parallel_loop3A_604 : vector<1x1x16xf32> to vector<16xf32>
          %parallel_loop3A_606 = vector.shape_cast %parallel_loop3A_550 : vector<16xf32> to vector<1x1x16xf32>
          tpu.vector_store %arg9[%parallel_loop3A_601, %parallel_loop3A_602, %parallel_loop3A_603], %parallel_loop3A_606 {strides = array<i32>} : memref<2x80x128xf32, #tpu.memory_space<vmem>>, vector<1x1x16xf32>,
        } {sc.loop_unroll_factor = 2 : i64, sc.parallel_access}
        %dma_start3A_341 = arith.constant 0 : i32
        %dma_start3A_342 = arith.constant 2 : i32
        %dma_start3A_343 = arith.constant 0 : i32
        %dma_start3A_344 = arith.constant 0 : i32
        %dma_start3A_345 = arith.constant 0 : i32
        %dma_start3A_346 = tpu.memref_slice %arg9[%dma_start3A_341, %dma_start3A_344, %dma_start3A_345] : memref<2x80x128xf32, #tpu.memory_space<vmem>> -> memref<1x80x128xf32, #tpu.memory_space<vmem>>
        %dma_start3A_347 = tpu.memref_squeeze %dma_start3A_346 : memref<1x80x128xf32, #tpu.memory_space<vmem>> -> memref<80x128xf32, #tpu.memory_space<vmem>>
        %dma_start3A_348 = arith.constant 0 : i32
        %dma_start3A_349 = tpu.memref_slice %arg8[%dma_start3A_342, %dma_start3A_348] : memref<4x80xi32, #tpu.memory_space<vmem>> -> memref<1x80xi32, #tpu.memory_space<vmem>>
        %dma_start3A_350 = tpu.memref_squeeze %dma_start3A_349 : memref<1x80xi32, #tpu.memory_space<vmem>> -> memref<80xi32, #tpu.memory_space<vmem>>
        %dma_start3A_351 = arith.constant 0 : i32
        %dma_start3A_352 = arith.constant 0 : i32
        %dma_start3A_353 = tpu.memref_slice %arg11[%dma_start3A_351, %dma_start3A_352] : memref<10000x128xf32, #tpu.memory_space<vmem_shared>> -> memref<10000x128xf32, #tpu.memory_space<vmem_shared>>
        %dma_start3A_354 = tpu.memref_slice %arg15[%dma_start3A_343] : memref<2x!tpu.dma_semaphore, #tpu.memory_space<semaphore_mem>> -> memref<1x!tpu.dma_semaphore, #tpu.memory_space<semaphore_mem>>
        %dma_start3A_355 = tpu.memref_squeeze %dma_start3A_354 : memref<1x!tpu.dma_semaphore, #tpu.memory_space<semaphore_mem>> -> memref<!tpu.dma_semaphore, #tpu.memory_space<semaphore_mem>>
        tpu.enqueue_indirect_dma source(%dma_start3A_347 : memref<80x128xf32, #tpu.memory_space<vmem>>) target(%dma_start3A_353 : memref<10000x128xf32, #tpu.memory_space<vmem_shared>>) offsets(%dma_start3A_350 : memref<80xi32, #tpu.memory_space<vmem>>) semaphore(%dma_start3A_355 : memref<!tpu.dma_semaphore, #tpu.memory_space<semaphore_mem>>) {add = true}
      } else {
      }
      %mul3A_272 = arith.constant 4 : i32
      %mul3A_273 = arith.muli %scan3A_176, %mul3A_272 : i32
      %add3A_274 = arith.constant 3 : i32
      %add3A_275 = arith.addi %mul3A_273, %add3A_274 : i32
      %add3A_276 = arith.constant 2 : i32
      %add3A_277 = arith.addi %add3A_275, %add3A_276 : i32
      %lt3A_278 = arith.constant 125 : i32
      %lt3A_279 = arith.cmpi slt, %add3A_277, %lt3A_278 : i32
      %convert_element_type3A_280 = arith.extui %lt3A_279 : i1 to i32
      %cond3A_281 = arith.constant 0 : i32
      %cond3A_282 = arith.cmpi ne, %convert_element_type3A_280, %cond3A_281 : i32
      scf.if %cond3A_282 {
        %add3A_305 = arith.constant 2 : i32
        %add3A_306 = arith.addi %add3A_275, %add3A_305 : i32
        %mul3A_307 = arith.constant 80 : i32
        %mul3A_308 = arith.muli %add3A_306, %mul3A_307 : i32
        %add3A_309 = arith.addi %mul3A_2, %mul3A_308 : i32
        %dma_start3A_310 = arith.constant 1 : i32
        %dma_start3A_311 = arith.constant 1 : i32
        %dma_start3A_312 = arith.constant 0 : i32
        %dma_start3A_313 = tpu.memref_slice %arg7[%dma_start3A_310, %dma_start3A_312] : memref<4x80xi32, #tpu.memory_space<vmem>> -> memref<1x80xi32, #tpu.memory_space<vmem>>
        %dma_start3A_314 = tpu.memref_squeeze %dma_start3A_313 : memref<1x80xi32, #tpu.memory_space<vmem>> -> memref<80xi32, #tpu.memory_space<vmem>>
        %dma_start3A_315 = tpu.memref_slice %arg4[%add3A_309] : memref<320000xi32, #tpu.memory_space<hbm>> -> memref<80xi32, #tpu.memory_space<hbm>>
        %dma_start3A_316 = tpu.memref_slice %arg12[%dma_start3A_311] : memref<4x!tpu.dma_semaphore, #tpu.memory_space<semaphore_mem>> -> memref<1x!tpu.dma_semaphore, #tpu.memory_space<semaphore_mem>>
        %dma_start3A_317 = tpu.memref_squeeze %dma_start3A_316 : memref<1x!tpu.dma_semaphore, #tpu.memory_space<semaphore_mem>> -> memref<!tpu.dma_semaphore, #tpu.memory_space<semaphore_mem>>
        %dma_start3A_318 = arith.constant 0 : i32
        %dma_start3A_319 = tpu.memref_slice %arg7[%dma_start3A_310, %dma_start3A_318] : memref<4x80xi32, #tpu.memory_space<vmem>> -> memref<1x80xi32, #tpu.memory_space<vmem>>
        %dma_start3A_320 = tpu.memref_squeeze %dma_start3A_319 : memref<1x80xi32, #tpu.memory_space<vmem>> -> memref<80xi32, #tpu.memory_space<vmem>>
        %dma_start3A_321 = tpu.memref_slice %arg4[%add3A_309] : memref<320000xi32, #tpu.memory_space<hbm>> -> memref<80xi32, #tpu.memory_space<hbm>>
        tpu.enqueue_dma source(%dma_start3A_321 : memref<80xi32, #tpu.memory_space<hbm>>) target(%dma_start3A_320 : memref<80xi32, #tpu.memory_space<vmem>>) target_semaphore(%dma_start3A_317 : memref<!tpu.dma_semaphore, #tpu.memory_space<semaphore_mem>>)
        %mul3A_322 = arith.constant 80 : i32
        %mul3A_323 = arith.muli %add3A_306, %mul3A_322 : i32
        %add3A_324 = arith.addi %mul3A_2, %mul3A_323 : i32
        %dma_start3A_325 = arith.constant 1 : i32
        %dma_start3A_326 = arith.constant 1 : i32
        %dma_start3A_327 = arith.constant 0 : i32
        %dma_start3A_328 = tpu.memref_slice %arg8[%dma_start3A_325, %dma_start3A_327] : memref<4x80xi32, #tpu.memory_space<vmem>> -> memref<1x80xi32, #tpu.memory_space<vmem>>
        %dma_start3A_329 = tpu.memref_squeeze %dma_start3A_328 : memref<1x80xi32, #tpu.memory_space<vmem>> -> memref<80xi32, #tpu.memory_space<vmem>>
        %dma_start3A_330 = tpu.memref_slice %arg5[%add3A_324] : memref<320000xi32, #tpu.memory_space<hbm>> -> memref<80xi32, #tpu.memory_space<hbm>>
        %dma_start3A_331 = tpu.memref_slice %arg12[%dma_start3A_326] : memref<4x!tpu.dma_semaphore, #tpu.memory_space<semaphore_mem>> -> memref<1x!tpu.dma_semaphore, #tpu.memory_space<semaphore_mem>>
        %dma_start3A_332 = tpu.memref_squeeze %dma_start3A_331 : memref<1x!tpu.dma_semaphore, #tpu.memory_space<semaphore_mem>> -> memref<!tpu.dma_semaphore, #tpu.memory_space<semaphore_mem>>
        %dma_start3A_333 = arith.constant 0 : i32
        %dma_start3A_334 = tpu.memref_slice %arg8[%dma_start3A_325, %dma_start3A_333] : memref<4x80xi32, #tpu.memory_space<vmem>> -> memref<1x80xi32, #tpu.memory_space<vmem>>
        %dma_start3A_335 = tpu.memref_squeeze %dma_start3A_334 : memref<1x80xi32, #tpu.memory_space<vmem>> -> memref<80xi32, #tpu.memory_space<vmem>>
        %dma_start3A_336 = tpu.memref_slice %arg5[%add3A_324] : memref<320000xi32, #tpu.memory_space<hbm>> -> memref<80xi32, #tpu.memory_space<hbm>>
        tpu.enqueue_dma source(%dma_start3A_336 : memref<80xi32, #tpu.memory_space<hbm>>) target(%dma_start3A_335 : memref<80xi32, #tpu.memory_space<vmem>>) target_semaphore(%dma_start3A_332 : memref<!tpu.dma_semaphore, #tpu.memory_space<semaphore_mem>>)
      } else {
      }
      %ge3A_283 = arith.constant 1 : i32
      %ge3A_284 = arith.cmpi sge, %add3A_275, %ge3A_283 : i32
      %sub3A_285 = arith.constant 1 : i32
      %sub3A_286 = arith.subi %add3A_275, %sub3A_285 : i32
      %lt3A_287 = arith.constant 125 : i32
      %lt3A_288 = arith.cmpi slt, %sub3A_286, %lt3A_287 : i32
      %and3A_289 = arith.andi %ge3A_284, %lt3A_288 : i1
      %convert_element_type3A_290 = arith.extui %and3A_289 : i1 to i32
      %cond3A_291 = arith.constant 0 : i32
      %cond3A_292 = arith.cmpi ne, %convert_element_type3A_290, %cond3A_291 : i32
      scf.if %cond3A_292 {
        %dma_wait3A_305 = arith.constant 0 : i32
        %dma_wait3A_306 = arith.constant 2 : i32
        %dma_wait3A_307 = arith.constant 0 : i32
        %dma_wait3A_308 = arith.constant 0 : i32
        %dma_wait3A_309 = arith.constant 0 : i32
        %dma_wait3A_310 = tpu.memref_slice %arg9[%dma_wait3A_305, %dma_wait3A_308, %dma_wait3A_309] : memref<2x80x128xf32, #tpu.memory_space<vmem>> -> memref<1x80x128xf32, #tpu.memory_space<vmem>>
        %dma_wait3A_311 = tpu.memref_squeeze %dma_wait3A_310 : memref<1x80x128xf32, #tpu.memory_space<vmem>> -> memref<80x128xf32, #tpu.memory_space<vmem>>
        %dma_wait3A_312 = arith.constant 0 : i32
        %dma_wait3A_313 = tpu.memref_slice %arg8[%dma_wait3A_306, %dma_wait3A_312] : memref<4x80xi32, #tpu.memory_space<vmem>> -> memref<1x80xi32, #tpu.memory_space<vmem>>
        %dma_wait3A_314 = tpu.memref_squeeze %dma_wait3A_313 : memref<1x80xi32, #tpu.memory_space<vmem>> -> memref<80xi32, #tpu.memory_space<vmem>>
        %dma_wait3A_315 = arith.constant 0 : i32
        %dma_wait3A_316 = arith.constant 0 : i32
        %dma_wait3A_317 = tpu.memref_slice %arg11[%dma_wait3A_315, %dma_wait3A_316] : memref<10000x128xf32, #tpu.memory_space<vmem_shared>> -> memref<10000x128xf32, #tpu.memory_space<vmem_shared>>
        %dma_wait3A_318 = tpu.memref_slice %arg15[%dma_wait3A_307] : memref<2x!tpu.dma_semaphore, #tpu.memory_space<semaphore_mem>> -> memref<1x!tpu.dma_semaphore, #tpu.memory_space<semaphore_mem>>
        %dma_wait3A_319 = tpu.memref_squeeze %dma_wait3A_318 : memref<1x!tpu.dma_semaphore, #tpu.memory_space<semaphore_mem>> -> memref<!tpu.dma_semaphore, #tpu.memory_space<semaphore_mem>>
        tpu.wait_indirect_dma semaphore(%dma_wait3A_319 : memref<!tpu.dma_semaphore, #tpu.memory_space<semaphore_mem>>) src(%dma_wait3A_311 : memref<80x128xf32, #tpu.memory_space<vmem>>) dst(%dma_wait3A_317 : memref<10000x128xf32, #tpu.memory_space<vmem_shared>>)
      } else {
      }
      %add3A_293 = arith.constant 1 : i32
      %add3A_294 = arith.addi %add3A_275, %add3A_293 : i32
      %lt3A_295 = arith.constant 125 : i32
      %lt3A_296 = arith.cmpi slt, %add3A_294, %lt3A_295 : i32
      %convert_element_type3A_297 = arith.extui %lt3A_296 : i1 to i32
      %cond3A_298 = arith.constant 0 : i32
      %cond3A_299 = arith.cmpi ne, %convert_element_type3A_297, %cond3A_298 : i32
      scf.if %cond3A_299 {
        %add3A_305 = arith.constant 1 : i32
        %add3A_306 = arith.addi %add3A_275, %add3A_305 : i32
        %mul3A_307 = arith.constant 80 : i32
        %mul3A_308 = arith.muli %add3A_306, %mul3A_307 : i32
        %add3A_309 = arith.addi %mul3A_2, %mul3A_308 : i32
        %dma_wait3A_310 = arith.constant 0 : i32
        %dma_wait3A_311 = arith.constant 0 : i32
        %dma_wait3A_312 = arith.constant 0 : i32
        %dma_wait3A_313 = tpu.memref_slice %arg7[%dma_wait3A_310, %dma_wait3A_312] : memref<4x80xi32, #tpu.memory_space<vmem>> -> memref<1x80xi32, #tpu.memory_space<vmem>>
        %dma_wait3A_314 = tpu.memref_squeeze %dma_wait3A_313 : memref<1x80xi32, #tpu.memory_space<vmem>> -> memref<80xi32, #tpu.memory_space<vmem>>
        %dma_wait3A_315 = tpu.memref_slice %arg4[%add3A_309] : memref<320000xi32, #tpu.memory_space<hbm>> -> memref<80xi32, #tpu.memory_space<hbm>>
        %dma_wait3A_316 = tpu.memref_slice %arg12[%dma_wait3A_311] : memref<4x!tpu.dma_semaphore, #tpu.memory_space<semaphore_mem>> -> memref<1x!tpu.dma_semaphore, #tpu.memory_space<semaphore_mem>>
        %dma_wait3A_317 = tpu.memref_squeeze %dma_wait3A_316 : memref<1x!tpu.dma_semaphore, #tpu.memory_space<semaphore_mem>> -> memref<!tpu.dma_semaphore, #tpu.memory_space<semaphore_mem>>
        %dma_wait3A_318 = arith.constant 0 : i32
        %dma_wait3A_319 = tpu.memref_slice %arg7[%dma_wait3A_310, %dma_wait3A_318] : memref<4x80xi32, #tpu.memory_space<vmem>> -> memref<1x80xi32, #tpu.memory_space<vmem>>
        %dma_wait3A_320 = tpu.memref_squeeze %dma_wait3A_319 : memref<1x80xi32, #tpu.memory_space<vmem>> -> memref<80xi32, #tpu.memory_space<vmem>>
        %dma_wait3A_321 = tpu.memref_slice %arg4[%add3A_309] : memref<320000xi32, #tpu.memory_space<hbm>> -> memref<80xi32, #tpu.memory_space<hbm>>
        tpu.wait_dma2 semaphore(%dma_wait3A_317 : memref<!tpu.dma_semaphore, #tpu.memory_space<semaphore_mem>>) src(%dma_wait3A_321 : memref<80xi32, #tpu.memory_space<hbm>>) dst(%dma_wait3A_320 : memref<80xi32, #tpu.memory_space<vmem>>)
        %mul3A_322 = arith.constant 80 : i32
        %mul3A_323 = arith.muli %add3A_306, %mul3A_322 : i32
        %add3A_324 = arith.addi %mul3A_2, %mul3A_323 : i32
        %dma_wait3A_325 = arith.constant 0 : i32
        %dma_wait3A_326 = arith.constant 0 : i32
        %dma_wait3A_327 = arith.constant 0 : i32
        %dma_wait3A_328 = tpu.memref_slice %arg8[%dma_wait3A_325, %dma_wait3A_327] : memref<4x80xi32, #tpu.memory_space<vmem>> -> memref<1x80xi32, #tpu.memory_space<vmem>>
        %dma_wait3A_329 = tpu.memref_squeeze %dma_wait3A_328 : memref<1x80xi32, #tpu.memory_space<vmem>> -> memref<80xi32, #tpu.memory_space<vmem>>
        %dma_wait3A_330 = tpu.memref_slice %arg5[%add3A_324] : memref<320000xi32, #tpu.memory_space<hbm>> -> memref<80xi32, #tpu.memory_space<hbm>>
        %dma_wait3A_331 = tpu.memref_slice %arg12[%dma_wait3A_326] : memref<4x!tpu.dma_semaphore, #tpu.memory_space<semaphore_mem>> -> memref<1x!tpu.dma_semaphore, #tpu.memory_space<semaphore_mem>>
        %dma_wait3A_332 = tpu.memref_squeeze %dma_wait3A_331 : memref<1x!tpu.dma_semaphore, #tpu.memory_space<semaphore_mem>> -> memref<!tpu.dma_semaphore, #tpu.memory_space<semaphore_mem>>
        %dma_wait3A_333 = arith.constant 0 : i32
        %dma_wait3A_334 = tpu.memref_slice %arg8[%dma_wait3A_325, %dma_wait3A_333] : memref<4x80xi32, #tpu.memory_space<vmem>> -> memref<1x80xi32, #tpu.memory_space<vmem>>
        %dma_wait3A_335 = tpu.memref_squeeze %dma_wait3A_334 : memref<1x80xi32, #tpu.memory_space<vmem>> -> memref<80xi32, #tpu.memory_space<vmem>>
        %dma_wait3A_336 = tpu.memref_slice %arg5[%add3A_324] : memref<320000xi32, #tpu.memory_space<hbm>> -> memref<80xi32, #tpu.memory_space<hbm>>
        tpu.wait_dma2 semaphore(%dma_wait3A_332 : memref<!tpu.dma_semaphore, #tpu.memory_space<semaphore_mem>>) src(%dma_wait3A_336 : memref<80xi32, #tpu.memory_space<hbm>>) dst(%dma_wait3A_335 : memref<80xi32, #tpu.memory_space<vmem>>)
        %add3A_337 = arith.constant 1 : i32
        %add3A_338 = arith.addi %add3A_275, %add3A_337 : i32
        %mul3A_339 = arith.constant 80 : i32
        %mul3A_340 = arith.muli %add3A_338, %mul3A_339 : i32
        %add3A_341 = arith.addi %mul3A_2, %mul3A_340 : i32
        %dma_start3A_342 = arith.constant 0 : i32
        %dma_start3A_343 = arith.constant 0 : i32
        %dma_start3A_344 = arith.constant 0 : i32
        %dma_start3A_345 = arith.constant 0 : i32
        %dma_start3A_346 = tpu.memref_slice %arg9[%dma_start3A_342, %dma_start3A_344, %dma_start3A_345] : memref<2x80x128xf32, #tpu.memory_space<vmem>> -> memref<1x80x128xf32, #tpu.memory_space<vmem>>
        %dma_start3A_347 = tpu.memref_squeeze %dma_start3A_346 : memref<1x80x128xf32, #tpu.memory_space<vmem>> -> memref<80x128xf32, #tpu.memory_space<vmem>>
        %dma_start3A_348 = arith.constant 0 : i32
        %dma_start3A_349 = tpu.memref_slice %arg3[%add3A_341, %dma_start3A_348] : memref<320000x128xf32, #tpu.memory_space<hbm>> -> memref<80x128xf32, #tpu.memory_space<hbm>>
        %dma_start3A_350 = tpu.memref_slice %arg13[%dma_start3A_343] : memref<2x!tpu.dma_semaphore, #tpu.memory_space<semaphore_mem>> -> memref<1x!tpu.dma_semaphore, #tpu.memory_space<semaphore_mem>>
        %dma_start3A_351 = tpu.memref_squeeze %dma_start3A_350 : memref<1x!tpu.dma_semaphore, #tpu.memory_space<semaphore_mem>> -> memref<!tpu.dma_semaphore, #tpu.memory_space<semaphore_mem>>
        %dma_start3A_352 = arith.constant 0 : i32
        %dma_start3A_353 = arith.constant 0 : i32
        %dma_start3A_354 = tpu.memref_slice %arg9[%dma_start3A_342, %dma_start3A_352, %dma_start3A_353] : memref<2x80x128xf32, #tpu.memory_space<vmem>> -> memref<1x80x128xf32, #tpu.memory_space<vmem>>
        %dma_start3A_355 = tpu.memref_squeeze %dma_start3A_354 : memref<1x80x128xf32, #tpu.memory_space<vmem>> -> memref<80x128xf32, #tpu.memory_space<vmem>>
        %dma_start3A_356 = arith.constant 0 : i32
        %dma_start3A_357 = tpu.memref_slice %arg3[%add3A_341, %dma_start3A_356] : memref<320000x128xf32, #tpu.memory_space<hbm>> -> memref<80x128xf32, #tpu.memory_space<hbm>>
        tpu.enqueue_dma source(%dma_start3A_357 : memref<80x128xf32, #tpu.memory_space<hbm>>) target(%dma_start3A_355 : memref<80x128xf32, #tpu.memory_space<vmem>>) target_semaphore(%dma_start3A_351 : memref<!tpu.dma_semaphore, #tpu.memory_space<semaphore_mem>>)
        %dma_start3A_358 = arith.constant 0 : i32
        %dma_start3A_359 = arith.constant 0 : i32
        %dma_start3A_360 = arith.constant 0 : i32
        %dma_start3A_361 = arith.constant 0 : i32
        %dma_start3A_362 = arith.constant 0 : i32
        %dma_start3A_363 = tpu.memref_slice %arg10[%dma_start3A_359, %dma_start3A_361, %dma_start3A_362] : memref<2x80x128xf32, #tpu.memory_space<vmem>> -> memref<1x80x128xf32, #tpu.memory_space<vmem>>
        %dma_start3A_364 = tpu.memref_squeeze %dma_start3A_363 : memref<1x80x128xf32, #tpu.memory_space<vmem>> -> memref<80x128xf32, #tpu.memory_space<vmem>>
        %dma_start3A_365 = arith.constant 0 : i32
        %dma_start3A_366 = tpu.memref_slice %arg7[%dma_start3A_358, %dma_start3A_365] : memref<4x80xi32, #tpu.memory_space<vmem>> -> memref<1x80xi32, #tpu.memory_space<vmem>>
        %dma_start3A_367 = tpu.memref_squeeze %dma_start3A_366 : memref<1x80xi32, #tpu.memory_space<vmem>> -> memref<80xi32, #tpu.memory_space<vmem>>
        %dma_start3A_368 = arith.constant 0 : i32
        %dma_start3A_369 = arith.constant 0 : i32
        %dma_start3A_370 = tpu.memref_slice %arg2[%dma_start3A_368, %dma_start3A_369] : memref<10000x128xf32, #tpu.memory_space<hbm>> -> memref<10000x128xf32, #tpu.memory_space<hbm>>
        %dma_start3A_371 = tpu.memref_slice %arg14[%dma_start3A_360] : memref<2x!tpu.dma_semaphore, #tpu.memory_space<semaphore_mem>> -> memref<1x!tpu.dma_semaphore, #tpu.memory_space<semaphore_mem>>
        %dma_start3A_372 = tpu.memref_squeeze %dma_start3A_371 : memref<1x!tpu.dma_semaphore, #tpu.memory_space<semaphore_mem>> -> memref<!tpu.dma_semaphore, #tpu.memory_space<semaphore_mem>>
        tpu.enqueue_indirect_dma source(%dma_start3A_370 : memref<10000x128xf32, #tpu.memory_space<hbm>>) target(%dma_start3A_364 : memref<80x128xf32, #tpu.memory_space<vmem>>) offsets(%dma_start3A_367 : memref<80xi32, #tpu.memory_space<vmem>>) semaphore(%dma_start3A_372 : memref<!tpu.dma_semaphore, #tpu.memory_space<semaphore_mem>>)
      } else {
      }
      %lt3A_300 = arith.constant 125 : i32
      %lt3A_301 = arith.cmpi slt, %add3A_275, %lt3A_300 : i32
      %convert_element_type3A_302 = arith.extui %lt3A_301 : i1 to i32
      %cond3A_303 = arith.constant 0 : i32
      %cond3A_304 = arith.cmpi ne, %convert_element_type3A_302, %cond3A_303 : i32
      scf.if %cond3A_304 {
        %mul3A_305 = arith.constant 80 : i32
        %mul3A_306 = arith.muli %add3A_275, %mul3A_305 : i32
        %add3A_307 = arith.addi %mul3A_2, %mul3A_306 : i32
        %dma_wait3A_308 = arith.constant 1 : i32
        %dma_wait3A_309 = arith.constant 1 : i32
        %dma_wait3A_310 = arith.constant 0 : i32
        %dma_wait3A_311 = arith.constant 0 : i32
        %dma_wait3A_312 = tpu.memref_slice %arg9[%dma_wait3A_308, %dma_wait3A_310, %dma_wait3A_311] : memref<2x80x128xf32, #tpu.memory_space<vmem>> -> memref<1x80x128xf32, #tpu.memory_space<vmem>>
        %dma_wait3A_313 = tpu.memref_squeeze %dma_wait3A_312 : memref<1x80x128xf32, #tpu.memory_space<vmem>> -> memref<80x128xf32, #tpu.memory_space<vmem>>
        %dma_wait3A_314 = arith.constant 0 : i32
        %dma_wait3A_315 = tpu.memref_slice %arg3[%add3A_307, %dma_wait3A_314] : memref<320000x128xf32, #tpu.memory_space<hbm>> -> memref<80x128xf32, #tpu.memory_space<hbm>>
        %dma_wait3A_316 = tpu.memref_slice %arg13[%dma_wait3A_309] : memref<2x!tpu.dma_semaphore, #tpu.memory_space<semaphore_mem>> -> memref<1x!tpu.dma_semaphore, #tpu.memory_space<semaphore_mem>>
        %dma_wait3A_317 = tpu.memref_squeeze %dma_wait3A_316 : memref<1x!tpu.dma_semaphore, #tpu.memory_space<semaphore_mem>> -> memref<!tpu.dma_semaphore, #tpu.memory_space<semaphore_mem>>
        %dma_wait3A_318 = arith.constant 0 : i32
        %dma_wait3A_319 = arith.constant 0 : i32
        %dma_wait3A_320 = tpu.memref_slice %arg9[%dma_wait3A_308, %dma_wait3A_318, %dma_wait3A_319] : memref<2x80x128xf32, #tpu.memory_space<vmem>> -> memref<1x80x128xf32, #tpu.memory_space<vmem>>
        %dma_wait3A_321 = tpu.memref_squeeze %dma_wait3A_320 : memref<1x80x128xf32, #tpu.memory_space<vmem>> -> memref<80x128xf32, #tpu.memory_space<vmem>>
        %dma_wait3A_322 = arith.constant 0 : i32
        %dma_wait3A_323 = tpu.memref_slice %arg3[%add3A_307, %dma_wait3A_322] : memref<320000x128xf32, #tpu.memory_space<hbm>> -> memref<80x128xf32, #tpu.memory_space<hbm>>
        tpu.wait_dma2 semaphore(%dma_wait3A_317 : memref<!tpu.dma_semaphore, #tpu.memory_space<semaphore_mem>>) src(%dma_wait3A_323 : memref<80x128xf32, #tpu.memory_space<hbm>>) dst(%dma_wait3A_321 : memref<80x128xf32, #tpu.memory_space<vmem>>)
        %dma_wait3A_324 = arith.constant 3 : i32
        %dma_wait3A_325 = arith.constant 1 : i32
        %dma_wait3A_326 = arith.constant 1 : i32
        %dma_wait3A_327 = arith.constant 0 : i32
        %dma_wait3A_328 = arith.constant 0 : i32
        %dma_wait3A_329 = tpu.memref_slice %arg10[%dma_wait3A_325, %dma_wait3A_327, %dma_wait3A_328] : memref<2x80x128xf32, #tpu.memory_space<vmem>> -> memref<1x80x128xf32, #tpu.memory_space<vmem>>
        %dma_wait3A_330 = tpu.memref_squeeze %dma_wait3A_329 : memref<1x80x128xf32, #tpu.memory_space<vmem>> -> memref<80x128xf32, #tpu.memory_space<vmem>>
        %dma_wait3A_331 = arith.constant 0 : i32
        %dma_wait3A_332 = tpu.memref_slice %arg7[%dma_wait3A_324, %dma_wait3A_331] : memref<4x80xi32, #tpu.memory_space<vmem>> -> memref<1x80xi32, #tpu.memory_space<vmem>>
        %dma_wait3A_333 = tpu.memref_squeeze %dma_wait3A_332 : memref<1x80xi32, #tpu.memory_space<vmem>> -> memref<80xi32, #tpu.memory_space<vmem>>
        %dma_wait3A_334 = arith.constant 0 : i32
        %dma_wait3A_335 = arith.constant 0 : i32
        %dma_wait3A_336 = tpu.memref_slice %arg2[%dma_wait3A_334, %dma_wait3A_335] : memref<10000x128xf32, #tpu.memory_space<hbm>> -> memref<10000x128xf32, #tpu.memory_space<hbm>>
        %dma_wait3A_337 = tpu.memref_slice %arg14[%dma_wait3A_326] : memref<2x!tpu.dma_semaphore, #tpu.memory_space<semaphore_mem>> -> memref<1x!tpu.dma_semaphore, #tpu.memory_space<semaphore_mem>>
        %dma_wait3A_338 = tpu.memref_squeeze %dma_wait3A_337 : memref<1x!tpu.dma_semaphore, #tpu.memory_space<semaphore_mem>> -> memref<!tpu.dma_semaphore, #tpu.memory_space<semaphore_mem>>
        tpu.wait_indirect_dma semaphore(%dma_wait3A_338 : memref<!tpu.dma_semaphore, #tpu.memory_space<semaphore_mem>>) src(%dma_wait3A_336 : memref<10000x128xf32, #tpu.memory_space<hbm>>) dst(%dma_wait3A_330 : memref<80x128xf32, #tpu.memory_space<vmem>>)
        %parallel_loop3A = arith.constant 0 : i32
        %parallel_loop3A_339 = arith.constant 80 : i32
        %parallel_loop3A_340 = arith.constant 1 : i32
        scf.for %parallel_loop3A_356 = %parallel_loop3A to %parallel_loop3A_339 step %parallel_loop3A_340  : i32 {
          %parallel_loop3A_357 = arith.constant 1 : i32
          %parallel_loop3A_358 = arith.index_cast %parallel_loop3A_357 : i32 to index
          %parallel_loop3A_359 = arith.index_cast %parallel_loop3A_356 : i32 to index
          %parallel_loop3A_360 = arith.constant 0 : index
          %parallel_loop3A_361 = tpu.vector_load %arg10[%parallel_loop3A_358, %parallel_loop3A_359, %parallel_loop3A_360] {strides = array<i32>} : memref<2x80x128xf32, #tpu.memory_space<vmem>>, vector<1x1x16xf32>,
          %parallel_loop3A_362 = vector.shape_cast %parallel_loop3A_361 : vector<1x1x16xf32> to vector<16xf32>
          %parallel_loop3A_363 = arith.constant 1 : i32
          %parallel_loop3A_364 = arith.index_cast %parallel_loop3A_363 : i32 to index
          %parallel_loop3A_365 = arith.index_cast %parallel_loop3A_356 : i32 to index
          %parallel_loop3A_366 = arith.constant 16 : index
          %parallel_loop3A_367 = tpu.vector_load %arg10[%parallel_loop3A_364, %parallel_loop3A_365, %parallel_loop3A_366] {strides = array<i32>} : memref<2x80x128xf32, #tpu.memory_space<vmem>>, vector<1x1x16xf32>,
          %parallel_loop3A_368 = vector.shape_cast %parallel_loop3A_367 : vector<1x1x16xf32> to vector<16xf32>
          %parallel_loop3A_369 = arith.constant 1 : i32
          %parallel_loop3A_370 = arith.index_cast %parallel_loop3A_369 : i32 to index
          %parallel_loop3A_371 = arith.index_cast %parallel_loop3A_356 : i32 to index
          %parallel_loop3A_372 = arith.constant 32 : index
          %parallel_loop3A_373 = tpu.vector_load %arg10[%parallel_loop3A_370, %parallel_loop3A_371, %parallel_loop3A_372] {strides = array<i32>} : memref<2x80x128xf32, #tpu.memory_space<vmem>>, vector<1x1x16xf32>,
          %parallel_loop3A_374 = vector.shape_cast %parallel_loop3A_373 : vector<1x1x16xf32> to vector<16xf32>
          %parallel_loop3A_375 = arith.constant 1 : i32
          %parallel_loop3A_376 = arith.index_cast %parallel_loop3A_375 : i32 to index
          %parallel_loop3A_377 = arith.index_cast %parallel_loop3A_356 : i32 to index
          %parallel_loop3A_378 = arith.constant 48 : index
          %parallel_loop3A_379 = tpu.vector_load %arg10[%parallel_loop3A_376, %parallel_loop3A_377, %parallel_loop3A_378] {strides = array<i32>} : memref<2x80x128xf32, #tpu.memory_space<vmem>>, vector<1x1x16xf32>,
          %parallel_loop3A_380 = vector.shape_cast %parallel_loop3A_379 : vector<1x1x16xf32> to vector<16xf32>
          %parallel_loop3A_381 = arith.constant 1 : i32
          %parallel_loop3A_382 = arith.index_cast %parallel_loop3A_381 : i32 to index
          %parallel_loop3A_383 = arith.index_cast %parallel_loop3A_356 : i32 to index
          %parallel_loop3A_384 = arith.constant 64 : index
          %parallel_loop3A_385 = tpu.vector_load %arg10[%parallel_loop3A_382, %parallel_loop3A_383, %parallel_loop3A_384] {strides = array<i32>} : memref<2x80x128xf32, #tpu.memory_space<vmem>>, vector<1x1x16xf32>,
          %parallel_loop3A_386 = vector.shape_cast %parallel_loop3A_385 : vector<1x1x16xf32> to vector<16xf32>
          %parallel_loop3A_387 = arith.constant 1 : i32
          %parallel_loop3A_388 = arith.index_cast %parallel_loop3A_387 : i32 to index
          %parallel_loop3A_389 = arith.index_cast %parallel_loop3A_356 : i32 to index
          %parallel_loop3A_390 = arith.constant 80 : index
          %parallel_loop3A_391 = tpu.vector_load %arg10[%parallel_loop3A_388, %parallel_loop3A_389, %parallel_loop3A_390] {strides = array<i32>} : memref<2x80x128xf32, #tpu.memory_space<vmem>>, vector<1x1x16xf32>,
          %parallel_loop3A_392 = vector.shape_cast %parallel_loop3A_391 : vector<1x1x16xf32> to vector<16xf32>
          %parallel_loop3A_393 = arith.constant 1 : i32
          %parallel_loop3A_394 = arith.index_cast %parallel_loop3A_393 : i32 to index
          %parallel_loop3A_395 = arith.index_cast %parallel_loop3A_356 : i32 to index
          %parallel_loop3A_396 = arith.constant 96 : index
          %parallel_loop3A_397 = tpu.vector_load %arg10[%parallel_loop3A_394, %parallel_loop3A_395, %parallel_loop3A_396] {strides = array<i32>} : memref<2x80x128xf32, #tpu.memory_space<vmem>>, vector<1x1x16xf32>,
          %parallel_loop3A_398 = vector.shape_cast %parallel_loop3A_397 : vector<1x1x16xf32> to vector<16xf32>
          %parallel_loop3A_399 = arith.constant 1 : i32
          %parallel_loop3A_400 = arith.index_cast %parallel_loop3A_399 : i32 to index
          %parallel_loop3A_401 = arith.index_cast %parallel_loop3A_356 : i32 to index
          %parallel_loop3A_402 = arith.constant 112 : index
          %parallel_loop3A_403 = tpu.vector_load %arg10[%parallel_loop3A_400, %parallel_loop3A_401, %parallel_loop3A_402] {strides = array<i32>} : memref<2x80x128xf32, #tpu.memory_space<vmem>>, vector<1x1x16xf32>,
          %parallel_loop3A_404 = vector.shape_cast %parallel_loop3A_403 : vector<1x1x16xf32> to vector<16xf32>
          %parallel_loop3A_405 = arith.constant 1 : i32
          %parallel_loop3A_406 = arith.index_cast %parallel_loop3A_405 : i32 to index
          %parallel_loop3A_407 = arith.index_cast %parallel_loop3A_356 : i32 to index
          %parallel_loop3A_408 = arith.constant 0 : index
          %parallel_loop3A_409 = tpu.vector_load %arg9[%parallel_loop3A_406, %parallel_loop3A_407, %parallel_loop3A_408] {strides = array<i32>} : memref<2x80x128xf32, #tpu.memory_space<vmem>>, vector<1x1x16xf32>,
          %parallel_loop3A_410 = vector.shape_cast %parallel_loop3A_409 : vector<1x1x16xf32> to vector<16xf32>
          %parallel_loop3A_411 = arith.constant 1 : i32
          %parallel_loop3A_412 = arith.index_cast %parallel_loop3A_411 : i32 to index
          %parallel_loop3A_413 = arith.index_cast %parallel_loop3A_356 : i32 to index
          %parallel_loop3A_414 = arith.constant 16 : index
          %parallel_loop3A_415 = tpu.vector_load %arg9[%parallel_loop3A_412, %parallel_loop3A_413, %parallel_loop3A_414] {strides = array<i32>} : memref<2x80x128xf32, #tpu.memory_space<vmem>>, vector<1x1x16xf32>,
          %parallel_loop3A_416 = vector.shape_cast %parallel_loop3A_415 : vector<1x1x16xf32> to vector<16xf32>
          %parallel_loop3A_417 = arith.constant 1 : i32
          %parallel_loop3A_418 = arith.index_cast %parallel_loop3A_417 : i32 to index
          %parallel_loop3A_419 = arith.index_cast %parallel_loop3A_356 : i32 to index
          %parallel_loop3A_420 = arith.constant 32 : index
          %parallel_loop3A_421 = tpu.vector_load %arg9[%parallel_loop3A_418, %parallel_loop3A_419, %parallel_loop3A_420] {strides = array<i32>} : memref<2x80x128xf32, #tpu.memory_space<vmem>>, vector<1x1x16xf32>,
          %parallel_loop3A_422 = vector.shape_cast %parallel_loop3A_421 : vector<1x1x16xf32> to vector<16xf32>
          %parallel_loop3A_423 = arith.constant 1 : i32
          %parallel_loop3A_424 = arith.index_cast %parallel_loop3A_423 : i32 to index
          %parallel_loop3A_425 = arith.index_cast %parallel_loop3A_356 : i32 to index
          %parallel_loop3A_426 = arith.constant 48 : index
          %parallel_loop3A_427 = tpu.vector_load %arg9[%parallel_loop3A_424, %parallel_loop3A_425, %parallel_loop3A_426] {strides = array<i32>} : memref<2x80x128xf32, #tpu.memory_space<vmem>>, vector<1x1x16xf32>,
          %parallel_loop3A_428 = vector.shape_cast %parallel_loop3A_427 : vector<1x1x16xf32> to vector<16xf32>
          %parallel_loop3A_429 = arith.constant 1 : i32
          %parallel_loop3A_430 = arith.index_cast %parallel_loop3A_429 : i32 to index
          %parallel_loop3A_431 = arith.index_cast %parallel_loop3A_356 : i32 to index
          %parallel_loop3A_432 = arith.constant 64 : index
          %parallel_loop3A_433 = tpu.vector_load %arg9[%parallel_loop3A_430, %parallel_loop3A_431, %parallel_loop3A_432] {strides = array<i32>} : memref<2x80x128xf32, #tpu.memory_space<vmem>>, vector<1x1x16xf32>,
          %parallel_loop3A_434 = vector.shape_cast %parallel_loop3A_433 : vector<1x1x16xf32> to vector<16xf32>
          %parallel_loop3A_435 = arith.constant 1 : i32
          %parallel_loop3A_436 = arith.index_cast %parallel_loop3A_435 : i32 to index
          %parallel_loop3A_437 = arith.index_cast %parallel_loop3A_356 : i32 to index
          %parallel_loop3A_438 = arith.constant 80 : index
          %parallel_loop3A_439 = tpu.vector_load %arg9[%parallel_loop3A_436, %parallel_loop3A_437, %parallel_loop3A_438] {strides = array<i32>} : memref<2x80x128xf32, #tpu.memory_space<vmem>>, vector<1x1x16xf32>,
          %parallel_loop3A_440 = vector.shape_cast %parallel_loop3A_439 : vector<1x1x16xf32> to vector<16xf32>
          %parallel_loop3A_441 = arith.constant 1 : i32
          %parallel_loop3A_442 = arith.index_cast %parallel_loop3A_441 : i32 to index
          %parallel_loop3A_443 = arith.index_cast %parallel_loop3A_356 : i32 to index
          %parallel_loop3A_444 = arith.constant 96 : index
          %parallel_loop3A_445 = tpu.vector_load %arg9[%parallel_loop3A_442, %parallel_loop3A_443, %parallel_loop3A_444] {strides = array<i32>} : memref<2x80x128xf32, #tpu.memory_space<vmem>>, vector<1x1x16xf32>,
          %parallel_loop3A_446 = vector.shape_cast %parallel_loop3A_445 : vector<1x1x16xf32> to vector<16xf32>
          %parallel_loop3A_447 = arith.constant 1 : i32
          %parallel_loop3A_448 = arith.index_cast %parallel_loop3A_447 : i32 to index
          %parallel_loop3A_449 = arith.index_cast %parallel_loop3A_356 : i32 to index
          %parallel_loop3A_450 = arith.constant 112 : index
          %parallel_loop3A_451 = tpu.vector_load %arg9[%parallel_loop3A_448, %parallel_loop3A_449, %parallel_loop3A_450] {strides = array<i32>} : memref<2x80x128xf32, #tpu.memory_space<vmem>>, vector<1x1x16xf32>,
          %parallel_loop3A_452 = vector.shape_cast %parallel_loop3A_451 : vector<1x1x16xf32> to vector<16xf32>
          %parallel_loop3A_453 = arith.mulf %parallel_loop3A_362, %parallel_loop3A_410 : vector<16xf32>
          %parallel_loop3A_454 = arith.mulf %parallel_loop3A_368, %parallel_loop3A_416 : vector<16xf32>
          %parallel_loop3A_455 = arith.mulf %parallel_loop3A_362, %parallel_loop3A_422 : vector<16xf32>
          %parallel_loop3A_456 = arith.mulf %parallel_loop3A_368, %parallel_loop3A_428 : vector<16xf32>
          %parallel_loop3A_457 = arith.mulf %parallel_loop3A_362, %parallel_loop3A_434 : vector<16xf32>
          %parallel_loop3A_458 = arith.mulf %parallel_loop3A_368, %parallel_loop3A_440 : vector<16xf32>
          %parallel_loop3A_459 = arith.mulf %parallel_loop3A_362, %parallel_loop3A_446 : vector<16xf32>
          %parallel_loop3A_460 = arith.mulf %parallel_loop3A_368, %parallel_loop3A_452 : vector<16xf32>
          %parallel_loop3A_461 = arith.mulf %parallel_loop3A_374, %parallel_loop3A_410 : vector<16xf32>
          %parallel_loop3A_462 = arith.addf %parallel_loop3A_455, %parallel_loop3A_461 : vector<16xf32>
          %parallel_loop3A_463 = arith.mulf %parallel_loop3A_380, %parallel_loop3A_416 : vector<16xf32>
          %parallel_loop3A_464 = arith.addf %parallel_loop3A_456, %parallel_loop3A_463 : vector<16xf32>
          %parallel_loop3A_465 = arith.mulf %parallel_loop3A_374, %parallel_loop3A_422 : vector<16xf32>
          %parallel_loop3A_466 = arith.addf %parallel_loop3A_457, %parallel_loop3A_465 : vector<16xf32>
          %parallel_loop3A_467 = arith.mulf %parallel_loop3A_380, %parallel_loop3A_428 : vector<16xf32>
          %parallel_loop3A_468 = arith.addf %parallel_loop3A_458, %parallel_loop3A_467 : vector<16xf32>
          %parallel_loop3A_469 = arith.mulf %parallel_loop3A_374, %parallel_loop3A_434 : vector<16xf32>
          %parallel_loop3A_470 = arith.addf %parallel_loop3A_459, %parallel_loop3A_469 : vector<16xf32>
          %parallel_loop3A_471 = arith.mulf %parallel_loop3A_380, %parallel_loop3A_440 : vector<16xf32>
          %parallel_loop3A_472 = arith.addf %parallel_loop3A_460, %parallel_loop3A_471 : vector<16xf32>
          %parallel_loop3A_473 = arith.mulf %parallel_loop3A_374, %parallel_loop3A_446 : vector<16xf32>
          %parallel_loop3A_474 = arith.mulf %parallel_loop3A_380, %parallel_loop3A_452 : vector<16xf32>
          %parallel_loop3A_475 = arith.mulf %parallel_loop3A_386, %parallel_loop3A_410 : vector<16xf32>
          %parallel_loop3A_476 = arith.addf %parallel_loop3A_466, %parallel_loop3A_475 : vector<16xf32>
          %parallel_loop3A_477 = arith.mulf %parallel_loop3A_392, %parallel_loop3A_416 : vector<16xf32>
          %parallel_loop3A_478 = arith.addf %parallel_loop3A_468, %parallel_loop3A_477 : vector<16xf32>
          %parallel_loop3A_479 = arith.mulf %parallel_loop3A_386, %parallel_loop3A_422 : vector<16xf32>
          %parallel_loop3A_480 = arith.addf %parallel_loop3A_470, %parallel_loop3A_479 : vector<16xf32>
          %parallel_loop3A_481 = arith.mulf %parallel_loop3A_392, %parallel_loop3A_428 : vector<16xf32>
          %parallel_loop3A_482 = arith.addf %parallel_loop3A_472, %parallel_loop3A_481 : vector<16xf32>
          %parallel_loop3A_483 = arith.mulf %parallel_loop3A_386, %parallel_loop3A_434 : vector<16xf32>
          %parallel_loop3A_484 = arith.addf %parallel_loop3A_473, %parallel_loop3A_483 : vector<16xf32>
          %parallel_loop3A_485 = arith.mulf %parallel_loop3A_392, %parallel_loop3A_440 : vector<16xf32>
          %parallel_loop3A_486 = arith.addf %parallel_loop3A_474, %parallel_loop3A_485 : vector<16xf32>
          %parallel_loop3A_487 = arith.mulf %parallel_loop3A_386, %parallel_loop3A_446 : vector<16xf32>
          %parallel_loop3A_488 = arith.mulf %parallel_loop3A_392, %parallel_loop3A_452 : vector<16xf32>
          %parallel_loop3A_489 = arith.mulf %parallel_loop3A_398, %parallel_loop3A_410 : vector<16xf32>
          %parallel_loop3A_490 = arith.addf %parallel_loop3A_480, %parallel_loop3A_489 : vector<16xf32>
          %parallel_loop3A_491 = arith.mulf %parallel_loop3A_404, %parallel_loop3A_416 : vector<16xf32>
          %parallel_loop3A_492 = arith.addf %parallel_loop3A_482, %parallel_loop3A_491 : vector<16xf32>
          %parallel_loop3A_493 = arith.mulf %parallel_loop3A_398, %parallel_loop3A_422 : vector<16xf32>
          %parallel_loop3A_494 = arith.addf %parallel_loop3A_484, %parallel_loop3A_493 : vector<16xf32>
          %parallel_loop3A_495 = arith.mulf %parallel_loop3A_404, %parallel_loop3A_428 : vector<16xf32>
          %parallel_loop3A_496 = arith.addf %parallel_loop3A_486, %parallel_loop3A_495 : vector<16xf32>
          %parallel_loop3A_497 = arith.mulf %parallel_loop3A_398, %parallel_loop3A_434 : vector<16xf32>
          %parallel_loop3A_498 = arith.addf %parallel_loop3A_487, %parallel_loop3A_497 : vector<16xf32>
          %parallel_loop3A_499 = arith.mulf %parallel_loop3A_404, %parallel_loop3A_440 : vector<16xf32>
          %parallel_loop3A_500 = arith.addf %parallel_loop3A_488, %parallel_loop3A_499 : vector<16xf32>
          %parallel_loop3A_501 = arith.mulf %parallel_loop3A_398, %parallel_loop3A_446 : vector<16xf32>
          %parallel_loop3A_502 = arith.mulf %parallel_loop3A_404, %parallel_loop3A_452 : vector<16xf32>
          %parallel_loop3A_503 = arith.constant 1.000000e+00 : f32
          %parallel_loop3A_504 = vector.broadcast %parallel_loop3A_503 : f32 to vector<16xf32>
          %parallel_loop3A_505 = arith.mulf %parallel_loop3A_504, %parallel_loop3A_453 : vector<16xf32>
          %parallel_loop3A_506 = arith.constant 2.000000e-01 : f32
          %parallel_loop3A_507 = vector.broadcast %parallel_loop3A_506 : f32 to vector<16xf32>
          %parallel_loop3A_508 = arith.mulf %parallel_loop3A_507, %parallel_loop3A_494 : vector<16xf32>
          %parallel_loop3A_509 = arith.addf %parallel_loop3A_505, %parallel_loop3A_508 : vector<16xf32>
          %parallel_loop3A_510 = arith.constant 1.000000e+00 : f32
          %parallel_loop3A_511 = vector.broadcast %parallel_loop3A_510 : f32 to vector<16xf32>
          %parallel_loop3A_512 = arith.mulf %parallel_loop3A_511, %parallel_loop3A_454 : vector<16xf32>
          %parallel_loop3A_513 = arith.constant 2.000000e-01 : f32
          %parallel_loop3A_514 = vector.broadcast %parallel_loop3A_513 : f32 to vector<16xf32>
          %parallel_loop3A_515 = arith.mulf %parallel_loop3A_514, %parallel_loop3A_496 : vector<16xf32>
          %parallel_loop3A_516 = arith.addf %parallel_loop3A_512, %parallel_loop3A_515 : vector<16xf32>
          %parallel_loop3A_517 = arith.constant 5.000000e-01 : f32
          %parallel_loop3A_518 = vector.broadcast %parallel_loop3A_517 : f32 to vector<16xf32>
          %parallel_loop3A_519 = arith.mulf %parallel_loop3A_518, %parallel_loop3A_462 : vector<16xf32>
          %parallel_loop3A_520 = arith.constant 0.166666672 : f32
          %parallel_loop3A_521 = vector.broadcast %parallel_loop3A_520 : f32 to vector<16xf32>
          %parallel_loop3A_522 = arith.mulf %parallel_loop3A_521, %parallel_loop3A_498 : vector<16xf32>
          %parallel_loop3A_523 = arith.addf %parallel_loop3A_519, %parallel_loop3A_522 : vector<16xf32>
          %parallel_loop3A_524 = arith.constant 5.000000e-01 : f32
          %parallel_loop3A_525 = vector.broadcast %parallel_loop3A_524 : f32 to vector<16xf32>
          %parallel_loop3A_526 = arith.mulf %parallel_loop3A_525, %parallel_loop3A_464 : vector<16xf32>
          %parallel_loop3A_527 = arith.constant 0.166666672 : f32
          %parallel_loop3A_528 = vector.broadcast %parallel_loop3A_527 : f32 to vector<16xf32>
          %parallel_loop3A_529 = arith.mulf %parallel_loop3A_528, %parallel_loop3A_500 : vector<16xf32>
          %parallel_loop3A_530 = arith.addf %parallel_loop3A_526, %parallel_loop3A_529 : vector<16xf32>
          %parallel_loop3A_531 = arith.constant 0.333333343 : f32
          %parallel_loop3A_532 = vector.broadcast %parallel_loop3A_531 : f32 to vector<16xf32>
          %parallel_loop3A_533 = arith.mulf %parallel_loop3A_532, %parallel_loop3A_476 : vector<16xf32>
          %parallel_loop3A_534 = arith.constant 0.142857149 : f32
          %parallel_loop3A_535 = vector.broadcast %parallel_loop3A_534 : f32 to vector<16xf32>
          %parallel_loop3A_536 = arith.mulf %parallel_loop3A_535, %parallel_loop3A_501 : vector<16xf32>
          %parallel_loop3A_537 = arith.addf %parallel_loop3A_533, %parallel_loop3A_536 : vector<16xf32>
          %parallel_loop3A_538 = arith.constant 0.333333343 : f32
          %parallel_loop3A_539 = vector.broadcast %parallel_loop3A_538 : f32 to vector<16xf32>
          %parallel_loop3A_540 = arith.mulf %parallel_loop3A_539, %parallel_loop3A_478 : vector<16xf32>
          %parallel_loop3A_541 = arith.constant 0.142857149 : f32
          %parallel_loop3A_542 = vector.broadcast %parallel_loop3A_541 : f32 to vector<16xf32>
          %parallel_loop3A_543 = arith.mulf %parallel_loop3A_542, %parallel_loop3A_502 : vector<16xf32>
          %parallel_loop3A_544 = arith.addf %parallel_loop3A_540, %parallel_loop3A_543 : vector<16xf32>
          %parallel_loop3A_545 = arith.constant 2.500000e-01 : f32
          %parallel_loop3A_546 = vector.broadcast %parallel_loop3A_545 : f32 to vector<16xf32>
          %parallel_loop3A_547 = arith.mulf %parallel_loop3A_546, %parallel_loop3A_490 : vector<16xf32>
          %parallel_loop3A_548 = arith.constant 2.500000e-01 : f32
          %parallel_loop3A_549 = vector.broadcast %parallel_loop3A_548 : f32 to vector<16xf32>
          %parallel_loop3A_550 = arith.mulf %parallel_loop3A_549, %parallel_loop3A_492 : vector<16xf32>
          %parallel_loop3A_551 = arith.constant 1 : i32
          %parallel_loop3A_552 = arith.index_cast %parallel_loop3A_551 : i32 to index
          %parallel_loop3A_553 = arith.index_cast %parallel_loop3A_356 : i32 to index
          %parallel_loop3A_554 = arith.constant 0 : index
          %parallel_loop3A_555 = tpu.vector_load %arg9[%parallel_loop3A_552, %parallel_loop3A_553, %parallel_loop3A_554] {strides = array<i32>} : memref<2x80x128xf32, #tpu.memory_space<vmem>>, vector<1x1x16xf32>,
          %parallel_loop3A_556 = vector.shape_cast %parallel_loop3A_555 : vector<1x1x16xf32> to vector<16xf32>
          %parallel_loop3A_557 = vector.shape_cast %parallel_loop3A_509 : vector<16xf32> to vector<1x1x16xf32>
          tpu.vector_store %arg9[%parallel_loop3A_552, %parallel_loop3A_553, %parallel_loop3A_554], %parallel_loop3A_557 {strides = array<i32>} : memref<2x80x128xf32, #tpu.memory_space<vmem>>, vector<1x1x16xf32>,
          %parallel_loop3A_558 = arith.constant 1 : i32
          %parallel_loop3A_559 = arith.index_cast %parallel_loop3A_558 : i32 to index
          %parallel_loop3A_560 = arith.index_cast %parallel_loop3A_356 : i32 to index
          %parallel_loop3A_561 = arith.constant 16 : index
          %parallel_loop3A_562 = tpu.vector_load %arg9[%parallel_loop3A_559, %parallel_loop3A_560, %parallel_loop3A_561] {strides = array<i32>} : memref<2x80x128xf32, #tpu.memory_space<vmem>>, vector<1x1x16xf32>,
          %parallel_loop3A_563 = vector.shape_cast %parallel_loop3A_562 : vector<1x1x16xf32> to vector<16xf32>
          %parallel_loop3A_564 = vector.shape_cast %parallel_loop3A_516 : vector<16xf32> to vector<1x1x16xf32>
          tpu.vector_store %arg9[%parallel_loop3A_559, %parallel_loop3A_560, %parallel_loop3A_561], %parallel_loop3A_564 {strides = array<i32>} : memref<2x80x128xf32, #tpu.memory_space<vmem>>, vector<1x1x16xf32>,
          %parallel_loop3A_565 = arith.constant 1 : i32
          %parallel_loop3A_566 = arith.index_cast %parallel_loop3A_565 : i32 to index
          %parallel_loop3A_567 = arith.index_cast %parallel_loop3A_356 : i32 to index
          %parallel_loop3A_568 = arith.constant 32 : index
          %parallel_loop3A_569 = tpu.vector_load %arg9[%parallel_loop3A_566, %parallel_loop3A_567, %parallel_loop3A_568] {strides = array<i32>} : memref<2x80x128xf32, #tpu.memory_space<vmem>>, vector<1x1x16xf32>,
          %parallel_loop3A_570 = vector.shape_cast %parallel_loop3A_569 : vector<1x1x16xf32> to vector<16xf32>
          %parallel_loop3A_571 = vector.shape_cast %parallel_loop3A_523 : vector<16xf32> to vector<1x1x16xf32>
          tpu.vector_store %arg9[%parallel_loop3A_566, %parallel_loop3A_567, %parallel_loop3A_568], %parallel_loop3A_571 {strides = array<i32>} : memref<2x80x128xf32, #tpu.memory_space<vmem>>, vector<1x1x16xf32>,
          %parallel_loop3A_572 = arith.constant 1 : i32
          %parallel_loop3A_573 = arith.index_cast %parallel_loop3A_572 : i32 to index
          %parallel_loop3A_574 = arith.index_cast %parallel_loop3A_356 : i32 to index
          %parallel_loop3A_575 = arith.constant 48 : index
          %parallel_loop3A_576 = tpu.vector_load %arg9[%parallel_loop3A_573, %parallel_loop3A_574, %parallel_loop3A_575] {strides = array<i32>} : memref<2x80x128xf32, #tpu.memory_space<vmem>>, vector<1x1x16xf32>,
          %parallel_loop3A_577 = vector.shape_cast %parallel_loop3A_576 : vector<1x1x16xf32> to vector<16xf32>
          %parallel_loop3A_578 = vector.shape_cast %parallel_loop3A_530 : vector<16xf32> to vector<1x1x16xf32>
          tpu.vector_store %arg9[%parallel_loop3A_573, %parallel_loop3A_574, %parallel_loop3A_575], %parallel_loop3A_578 {strides = array<i32>} : memref<2x80x128xf32, #tpu.memory_space<vmem>>, vector<1x1x16xf32>,
          %parallel_loop3A_579 = arith.constant 1 : i32
          %parallel_loop3A_580 = arith.index_cast %parallel_loop3A_579 : i32 to index
          %parallel_loop3A_581 = arith.index_cast %parallel_loop3A_356 : i32 to index
          %parallel_loop3A_582 = arith.constant 64 : index
          %parallel_loop3A_583 = tpu.vector_load %arg9[%parallel_loop3A_580, %parallel_loop3A_581, %parallel_loop3A_582] {strides = array<i32>} : memref<2x80x128xf32, #tpu.memory_space<vmem>>, vector<1x1x16xf32>,
          %parallel_loop3A_584 = vector.shape_cast %parallel_loop3A_583 : vector<1x1x16xf32> to vector<16xf32>
          %parallel_loop3A_585 = vector.shape_cast %parallel_loop3A_537 : vector<16xf32> to vector<1x1x16xf32>
          tpu.vector_store %arg9[%parallel_loop3A_580, %parallel_loop3A_581, %parallel_loop3A_582], %parallel_loop3A_585 {strides = array<i32>} : memref<2x80x128xf32, #tpu.memory_space<vmem>>, vector<1x1x16xf32>,
          %parallel_loop3A_586 = arith.constant 1 : i32
          %parallel_loop3A_587 = arith.index_cast %parallel_loop3A_586 : i32 to index
          %parallel_loop3A_588 = arith.index_cast %parallel_loop3A_356 : i32 to index
          %parallel_loop3A_589 = arith.constant 80 : index
          %parallel_loop3A_590 = tpu.vector_load %arg9[%parallel_loop3A_587, %parallel_loop3A_588, %parallel_loop3A_589] {strides = array<i32>} : memref<2x80x128xf32, #tpu.memory_space<vmem>>, vector<1x1x16xf32>,
          %parallel_loop3A_591 = vector.shape_cast %parallel_loop3A_590 : vector<1x1x16xf32> to vector<16xf32>
          %parallel_loop3A_592 = vector.shape_cast %parallel_loop3A_544 : vector<16xf32> to vector<1x1x16xf32>
          tpu.vector_store %arg9[%parallel_loop3A_587, %parallel_loop3A_588, %parallel_loop3A_589], %parallel_loop3A_592 {strides = array<i32>} : memref<2x80x128xf32, #tpu.memory_space<vmem>>, vector<1x1x16xf32>,
          %parallel_loop3A_593 = arith.constant 1 : i32
          %parallel_loop3A_594 = arith.index_cast %parallel_loop3A_593 : i32 to index
          %parallel_loop3A_595 = arith.index_cast %parallel_loop3A_356 : i32 to index
          %parallel_loop3A_596 = arith.constant 96 : index
          %parallel_loop3A_597 = tpu.vector_load %arg9[%parallel_loop3A_594, %parallel_loop3A_595, %parallel_loop3A_596] {strides = array<i32>} : memref<2x80x128xf32, #tpu.memory_space<vmem>>, vector<1x1x16xf32>,
          %parallel_loop3A_598 = vector.shape_cast %parallel_loop3A_597 : vector<1x1x16xf32> to vector<16xf32>
          %parallel_loop3A_599 = vector.shape_cast %parallel_loop3A_547 : vector<16xf32> to vector<1x1x16xf32>
          tpu.vector_store %arg9[%parallel_loop3A_594, %parallel_loop3A_595, %parallel_loop3A_596], %parallel_loop3A_599 {strides = array<i32>} : memref<2x80x128xf32, #tpu.memory_space<vmem>>, vector<1x1x16xf32>,
          %parallel_loop3A_600 = arith.constant 1 : i32
          %parallel_loop3A_601 = arith.index_cast %parallel_loop3A_600 : i32 to index
          %parallel_loop3A_602 = arith.index_cast %parallel_loop3A_356 : i32 to index
          %parallel_loop3A_603 = arith.constant 112 : index
          %parallel_loop3A_604 = tpu.vector_load %arg9[%parallel_loop3A_601, %parallel_loop3A_602, %parallel_loop3A_603] {strides = array<i32>} : memref<2x80x128xf32, #tpu.memory_space<vmem>>, vector<1x1x16xf32>,
          %parallel_loop3A_605 = vector.shape_cast %parallel_loop3A_604 : vector<1x1x16xf32> to vector<16xf32>
          %parallel_loop3A_606 = vector.shape_cast %parallel_loop3A_550 : vector<16xf32> to vector<1x1x16xf32>
          tpu.vector_store %arg9[%parallel_loop3A_601, %parallel_loop3A_602, %parallel_loop3A_603], %parallel_loop3A_606 {strides = array<i32>} : memref<2x80x128xf32, #tpu.memory_space<vmem>>, vector<1x1x16xf32>,
        } {sc.loop_unroll_factor = 2 : i64, sc.parallel_access}
        %dma_start3A_341 = arith.constant 1 : i32
        %dma_start3A_342 = arith.constant 3 : i32
        %dma_start3A_343 = arith.constant 1 : i32
        %dma_start3A_344 = arith.constant 0 : i32
        %dma_start3A_345 = arith.constant 0 : i32
        %dma_start3A_346 = tpu.memref_slice %arg9[%dma_start3A_341, %dma_start3A_344, %dma_start3A_345] : memref<2x80x128xf32, #tpu.memory_space<vmem>> -> memref<1x80x128xf32, #tpu.memory_space<vmem>>
        %dma_start3A_347 = tpu.memref_squeeze %dma_start3A_346 : memref<1x80x128xf32, #tpu.memory_space<vmem>> -> memref<80x128xf32, #tpu.memory_space<vmem>>
        %dma_start3A_348 = arith.constant 0 : i32
        %dma_start3A_349 = tpu.memref_slice %arg8[%dma_start3A_342, %dma_start3A_348] : memref<4x80xi32, #tpu.memory_space<vmem>> -> memref<1x80xi32, #tpu.memory_space<vmem>>
        %dma_start3A_350 = tpu.memref_squeeze %dma_start3A_349 : memref<1x80xi32, #tpu.memory_space<vmem>> -> memref<80xi32, #tpu.memory_space<vmem>>
        %dma_start3A_351 = arith.constant 0 : i32
        %dma_start3A_352 = arith.constant 0 : i32
        %dma_start3A_353 = tpu.memref_slice %arg11[%dma_start3A_351, %dma_start3A_352] : memref<10000x128xf32, #tpu.memory_space<vmem_shared>> -> memref<10000x128xf32, #tpu.memory_space<vmem_shared>>
        %dma_start3A_354 = tpu.memref_slice %arg15[%dma_start3A_343] : memref<2x!tpu.dma_semaphore, #tpu.memory_space<semaphore_mem>> -> memref<1x!tpu.dma_semaphore, #tpu.memory_space<semaphore_mem>>
        %dma_start3A_355 = tpu.memref_squeeze %dma_start3A_354 : memref<1x!tpu.dma_semaphore, #tpu.memory_space<semaphore_mem>> -> memref<!tpu.dma_semaphore, #tpu.memory_space<semaphore_mem>>
        tpu.enqueue_indirect_dma source(%dma_start3A_347 : memref<80x128xf32, #tpu.memory_space<vmem>>) target(%dma_start3A_353 : memref<10000x128xf32, #tpu.memory_space<vmem_shared>>) offsets(%dma_start3A_350 : memref<80xi32, #tpu.memory_space<vmem>>) semaphore(%dma_start3A_355 : memref<!tpu.dma_semaphore, #tpu.memory_space<semaphore_mem>>) {add = true}
      } else {
      }
    }
    %scan3A_156 = arith.constant 32 : i32
    %barrier3A_157 = arith.constant 0 : index
    tpu.barrier barrier_id(%barrier3A_157)
    %while3A_158 = arith.constant 0 : i32
    %while3A_159 = arith.subi %select_n3A, %while3A_158 : i32
    %while3A_160 = arith.addi %while3A_158, %while3A_159 : i32
    %while3A_161 = arith.constant 1 : i32
    %while3A_162 = arith.divsi %while3A_159, %while3A_161 : i32
    %while3A_163 = arith.muli %while3A_162, %while3A_161 : i32
    %while3A_164 = arith.addi %while3A_158, %while3A_163 : i32
    %while3A_165 = arith.constant 1 : i32
    scf.for %while3A_176 = %while3A_158 to %while3A_164 step %while3A_165  : i32 {
      %mul3A_177 = arith.constant 16 : i32
      %mul3A_178 = arith.muli %while3A_176, %mul3A_177 : i32
      %add3A_179 = arith.addi %arg1, %mul3A_178 : i32
      %mul3A_180 = arith.constant 80 : i32
      %mul3A_181 = arith.muli %add3A_179, %mul3A_180 : i32
      %dma_start3A_182 = arith.constant 0 : i32
      %dma_start3A_183 = tpu.memref_slice %arg12[%dma_start3A_182] : memref<4x!tpu.dma_semaphore, #tpu.memory_space<semaphore_mem>> -> memref<1x!tpu.dma_semaphore, #tpu.memory_space<semaphore_mem>>
      %dma_start3A_184 = tpu.memref_squeeze %dma_start3A_183 : memref<1x!tpu.dma_semaphore, #tpu.memory_space<semaphore_mem>> -> memref<!tpu.dma_semaphore, #tpu.memory_space<semaphore_mem>>
      %dma_start3A_185 = arith.constant 0 : i32
      %dma_start3A_186 = tpu.memref_slice %arg6[%arg0, %mul3A_181, %dma_start3A_185] : memref<2x10000x128xf32, #tpu.memory_space<hbm>> -> memref<1x80x128xf32, #tpu.memory_space<hbm>>
      %dma_start3A_187 = tpu.memref_squeeze %dma_start3A_186 : memref<1x80x128xf32, #tpu.memory_space<hbm>> -> memref<80x128xf32, #tpu.memory_space<hbm>>
      %dma_start3A_188 = arith.constant 0 : i32
      %dma_start3A_189 = tpu.memref_slice %arg11[%mul3A_181, %dma_start3A_188] : memref<10000x128xf32, #tpu.memory_space<vmem_shared>> -> memref<80x128xf32, #tpu.memory_space<vmem_shared>>
      tpu.enqueue_dma source(%dma_start3A_189 : memref<80x128xf32, #tpu.memory_space<vmem_shared>>) target(%dma_start3A_187 : memref<80x128xf32, #tpu.memory_space<hbm>>) target_semaphore(%dma_start3A_184 : memref<!tpu.dma_semaphore, #tpu.memory_space<semaphore_mem>>)
    }
    %while3A_166 = arith.constant 1 : i32
    scf.for %while3A_176 = %while3A_164 to %while3A_160 step %while3A_166  : i32 {
      %mul3A_177 = arith.constant 16 : i32
      %mul3A_178 = arith.muli %while3A_176, %mul3A_177 : i32
      %add3A_179 = arith.addi %arg1, %mul3A_178 : i32
      %mul3A_180 = arith.constant 80 : i32
      %mul3A_181 = arith.muli %add3A_179, %mul3A_180 : i32
      %dma_start3A_182 = arith.constant 0 : i32
      %dma_start3A_183 = tpu.memref_slice %arg12[%dma_start3A_182] : memref<4x!tpu.dma_semaphore, #tpu.memory_space<semaphore_mem>> -> memref<1x!tpu.dma_semaphore, #tpu.memory_space<semaphore_mem>>
      %dma_start3A_184 = tpu.memref_squeeze %dma_start3A_183 : memref<1x!tpu.dma_semaphore, #tpu.memory_space<semaphore_mem>> -> memref<!tpu.dma_semaphore, #tpu.memory_space<semaphore_mem>>
      %dma_start3A_185 = arith.constant 0 : i32
      %dma_start3A_186 = tpu.memref_slice %arg6[%arg0, %mul3A_181, %dma_start3A_185] : memref<2x10000x128xf32, #tpu.memory_space<hbm>> -> memref<1x80x128xf32, #tpu.memory_space<hbm>>
      %dma_start3A_187 = tpu.memref_squeeze %dma_start3A_186 : memref<1x80x128xf32, #tpu.memory_space<hbm>> -> memref<80x128xf32, #tpu.memory_space<hbm>>
      %dma_start3A_188 = arith.constant 0 : i32
      %dma_start3A_189 = tpu.memref_slice %arg11[%mul3A_181, %dma_start3A_188] : memref<10000x128xf32, #tpu.memory_space<vmem_shared>> -> memref<80x128xf32, #tpu.memory_space<vmem_shared>>
      tpu.enqueue_dma source(%dma_start3A_189 : memref<80x128xf32, #tpu.memory_space<vmem_shared>>) target(%dma_start3A_187 : memref<80x128xf32, #tpu.memory_space<hbm>>) target_semaphore(%dma_start3A_184 : memref<!tpu.dma_semaphore, #tpu.memory_space<semaphore_mem>>)
    }
    %while3A_167 = arith.constant 0 : i32
    %while3A_168 = arith.subi %select_n3A, %while3A_167 : i32
    %while3A_169 = arith.addi %while3A_167, %while3A_168 : i32
    %while3A_170 = arith.constant 1 : i32
    %while3A_171 = arith.divsi %while3A_168, %while3A_170 : i32
    %while3A_172 = arith.muli %while3A_171, %while3A_170 : i32
    %while3A_173 = arith.addi %while3A_167, %while3A_172 : i32
    %while3A_174 = arith.constant 1 : i32
    scf.for %while3A_176 = %while3A_167 to %while3A_173 step %while3A_174  : i32 {
      %mul3A_177 = arith.constant 16 : i32
      %mul3A_178 = arith.muli %while3A_176, %mul3A_177 : i32
      %add3A_179 = arith.addi %arg1, %mul3A_178 : i32
      %mul3A_180 = arith.constant 80 : i32
      %mul3A_181 = arith.muli %add3A_179, %mul3A_180 : i32
      %dma_wait3A_182 = arith.constant 0 : i32
      %dma_wait3A_183 = tpu.memref_slice %arg12[%dma_wait3A_182] : memref<4x!tpu.dma_semaphore, #tpu.memory_space<semaphore_mem>> -> memref<1x!tpu.dma_semaphore, #tpu.memory_space<semaphore_mem>>
      %dma_wait3A_184 = tpu.memref_squeeze %dma_wait3A_183 : memref<1x!tpu.dma_semaphore, #tpu.memory_space<semaphore_mem>> -> memref<!tpu.dma_semaphore, #tpu.memory_space<semaphore_mem>>
      %dma_wait3A_185 = arith.constant 0 : i32
      %dma_wait3A_186 = tpu.memref_slice %arg6[%arg0, %mul3A_181, %dma_wait3A_185] : memref<2x10000x128xf32, #tpu.memory_space<hbm>> -> memref<1x80x128xf32, #tpu.memory_space<hbm>>
      %dma_wait3A_187 = tpu.memref_squeeze %dma_wait3A_186 : memref<1x80x128xf32, #tpu.memory_space<hbm>> -> memref<80x128xf32, #tpu.memory_space<hbm>>
      %dma_wait3A_188 = arith.constant 0 : i32
      %dma_wait3A_189 = tpu.memref_slice %arg11[%mul3A_181, %dma_wait3A_188] : memref<10000x128xf32, #tpu.memory_space<vmem_shared>> -> memref<80x128xf32, #tpu.memory_space<vmem_shared>>
      tpu.wait_dma2 semaphore(%dma_wait3A_184 : memref<!tpu.dma_semaphore, #tpu.memory_space<semaphore_mem>>) src(%dma_wait3A_189 : memref<80x128xf32, #tpu.memory_space<vmem_shared>>) dst(%dma_wait3A_187 : memref<80x128xf32, #tpu.memory_space<hbm>>)
    }
    %while3A_175 = arith.constant 1 : i32
    scf.for %while3A_176 = %while3A_173 to %while3A_169 step %while3A_175  : i32 {
      %mul3A_177 = arith.constant 16 : i32
      %mul3A_178 = arith.muli %while3A_176, %mul3A_177 : i32
      %add3A_179 = arith.addi %arg1, %mul3A_178 : i32
      %mul3A_180 = arith.constant 80 : i32
      %mul3A_181 = arith.muli %add3A_179, %mul3A_180 : i32
      %dma_wait3A_182 = arith.constant 0 : i32
      %dma_wait3A_183 = tpu.memref_slice %arg12[%dma_wait3A_182] : memref<4x!tpu.dma_semaphore, #tpu.memory_space<semaphore_mem>> -> memref<1x!tpu.dma_semaphore, #tpu.memory_space<semaphore_mem>>
      %dma_wait3A_184 = tpu.memref_squeeze %dma_wait3A_183 : memref<1x!tpu.dma_semaphore, #tpu.memory_space<semaphore_mem>> -> memref<!tpu.dma_semaphore, #tpu.memory_space<semaphore_mem>>
      %dma_wait3A_185 = arith.constant 0 : i32
      %dma_wait3A_186 = tpu.memref_slice %arg6[%arg0, %mul3A_181, %dma_wait3A_185] : memref<2x10000x128xf32, #tpu.memory_space<hbm>> -> memref<1x80x128xf32, #tpu.memory_space<hbm>>
      %dma_wait3A_187 = tpu.memref_squeeze %dma_wait3A_186 : memref<1x80x128xf32, #tpu.memory_space<hbm>> -> memref<80x128xf32, #tpu.memory_space<hbm>>
      %dma_wait3A_188 = arith.constant 0 : i32
      %dma_wait3A_189 = tpu.memref_slice %arg11[%mul3A_181, %dma_wait3A_188] : memref<10000x128xf32, #tpu.memory_space<vmem_shared>> -> memref<80x128xf32, #tpu.memory_space<vmem_shared>>
      tpu.wait_dma2 semaphore(%dma_wait3A_184 : memref<!tpu.dma_semaphore, #tpu.memory_space<semaphore_mem>>) src(%dma_wait3A_189 : memref<80x128xf32, #tpu.memory_space<vmem_shared>>) dst(%dma_wait3A_187 : memref<80x128xf32, #tpu.memory_space<hbm>>)
    }
    return
  }
}

module attributes {stable_mosaic.version = 14 : i64} {
  func.func @_combine_kernel(%arg0: i32, %arg1: memref<2x1000x128xf32, #tpu.memory_space<vmem>>, %arg2: memref<1000x128xf32, #tpu.memory_space<vmem>>) attributes {dimension_semantics = [#tpu.dimension_semantics<arbitrary>], iteration_bounds = array<i64: 10>, scalar_prefetch = 0 : i64, scratch_operands = 0 : i64, tpu.core_type = #tpu.core_type<tc>, window_params = [{transform_indices = @transform_0, window_bounds = array<i64: 2, 1000, 128>}, {transform_indices = @transform_1, window_bounds = array<i64: 1000, 128>}]} {
    %get3A = arith.constant 0 : index
    %get3A_0 = arith.constant 0 : index
    %get3A_1 = arith.constant 0 : index
    %get3A_2 = vector.load %arg1[%get3A, %get3A_0, %get3A_1] : memref<2x1000x128xf32, #tpu.memory_space<vmem>>, vector<1x1000x128xf32>
    %get3A_3 = vector.shape_cast %get3A_2 : vector<1x1000x128xf32> to vector<1000x128xf32>
    %get3A_4 = arith.constant 1 : index
    %get3A_5 = arith.constant 0 : index
    %get3A_6 = arith.constant 0 : index
    %get3A_7 = vector.load %arg1[%get3A_4, %get3A_5, %get3A_6] : memref<2x1000x128xf32, #tpu.memory_space<vmem>>, vector<1x1000x128xf32>
    %get3A_8 = vector.shape_cast %get3A_7 : vector<1x1000x128xf32> to vector<1000x128xf32>
    %add3A = arith.addf %get3A_3, %get3A_8 : vector<1000x128xf32>
    %swap3A = arith.constant 0 : index
    %swap3A_9 = arith.constant 0 : index
    %swap3A_10 = vector.load %arg2[%swap3A, %swap3A_9] : memref<1000x128xf32, #tpu.memory_space<vmem>>, vector<1000x128xf32>
    tpu.vector_store %arg2[%swap3A, %swap3A_9], %add3A {strides = array<i32>} : memref<1000x128xf32, #tpu.memory_space<vmem>>, vector<1000x128xf32>,
    return
  }
  func.func @transform_0(%arg0: i32) -> (i32, i32, i32) {
    %c0_i32 = arith.constant 0 : i32
    %c0_i32_0 = arith.constant 0 : i32
    %c0_i32_1 = arith.constant 0 : i32
    return %c0_i32, %arg0, %c0_i32_0 : i32, i32, i32
  }
  func.func @transform_1(%arg0: i32) -> (i32, i32) {
    %c0_i32 = arith.constant 0 : i32
    %c0_i32_0 = arith.constant 0 : i32
    return %arg0, %c0_i32 : i32, i32
  }
}

</mosaic_0001>

<sc_bundles>
// kernel: kernel.4.cloned.1.call-start
scs
__scs_entry_jumppad:
0x0: {  	(pc) =	sbr.rel $0x88, $3  }
0x1: {  	(tag) =	ssettag $0x0;
	lr =	simm.s32 $0x1  }
0x2: {  	[smem:$0x3F9D] =	sst lr;
	_ =	strace $0xD0000000  }
0x3: {  	_ = 	snop  }
0x4: {  	_ = 	snop  }
0x5: {  	_ = 	snop  }
0x6: {  	_ = 	snop  }
0x7: {  	_ = 	snop  }
__scs_overlays_trampoline_lowered:
0x8: {  	[smem:$0x3FAC] =	sst s0  }
0x9: {  	[smem:$0x3FAD] =	sst s1  }
0xa: {  	[smem:$0x3FAE] =	sst s2  }
0xb: {  	[smem:$0x3FAF] =	sst s3  }
0xc: {  	[smem:$0x3FB0] =	sst s4  }
0xd: {  	[smem:$0x3FB1] =	sst s5  }
0xe: {  	[smem:$0x3FB2] =	sst s6  }
0xf: {  	[smem:$0x3FB3] =	sst s7  }
0x10: {  	[smem:$0x3FB4] =	sst s8  }
0x11: {  	[smem:$0x3FB5] =	sst s9;
	s0 =	simm.s32 @!p0 $0x0  }
0x12: {  	s1 =	sld [smem:$0x3F9B];
	s0 =	simm.s32 @p0 $0x1  }
0x13: {  	[smem:$0x3FB6] =	sst s0;
	s0 =	simm.s32 @!p1 $0x0  }
0x14: {  	s2 =	sld [smem:$0x3F9A];
	s0 =	simm.s32 @p1 $0x1  }
0x15: {  	[smem:$0x3FB7] =	sst s0;
	s0 =	simm.s32 @!p2 $0x0  }
0x16: {  	s3 =	sld [smem:$0x3FDB];
	s0 =	simm.s32 @p2 $0x1  }
0x17: {  	s4 =	simm.s32 $0x1BF5;
	[smem:$0x3FB9] =	sst s0  }
0x18: {  	s0 =	sld [smem:$0x3F9C];
	_ =	swait.ge [sflag:s4], $0x0  }
0x19: {  	s7 =	sld [smem:$0x3F9D]  }
0x1a: {  	s8 =	sadd.s32 $0xFFFFE003, lr  }
0x1b: {  	s9 =	sadd.s32 $0xFFFFFEF7, lr;
	s5 =	simm.s32 $0xFFFFFFFF;
	p2 =	slt.u32 s8, $0xFFFFF086  }
0x1c: {  	p1 =	slt.u32 s9, $0xF7A;
	s5 =	simm.s32 @!p2 $0x0  }
0x1d: {  	s5 =	simm.s32 @p1 $0x1;
	p0 =	seq.s32 s7, s2  }
0x1e: {  	s7 =	smul.u32 @!p0 $0xF7A, s2;
	p2 =	seq.s32 @!p0 s5, $0x0  }
0x1f: {  	s9 =	smul.u32 $0xF7A, s1;
	s8 =	simm.s32 @!p0 $0x1BF5;
	p2 =	por !p2, p0  }
0x20: {  	[sflag:s8] =	ssyncset.s32 @!p0 $0xFFFFF086;
	s6 =	sadd.s32 @!p0 s3, s7;
	s7 =	simm.s32 @!p0 $0x108  }
0x21: {  	s3 =	sadd.s32 s3, s9;
	s6 =	sadd.s32 @!p0 $0x88, s6;
	s7 =	simm.s32 @p2 $0x1082  }
0x22: {  	[simem:s7], [sflag:s8] =	dma.local @!p0 [hbm:s6], $0xF7A  }
0x23: {  	s9 =	sor.u32 $0xD0000000, s2;
	s6 =	simm.s32 $0x108;
	_ =	swait.ge @!p0 [sflag:s8], $0x0  }
0x24: {  	s3 =	sadd.s32 $0x88, s3;
	s6 =	simm.s32 @!p1 $0x1082;
	[sflag:s4] =	ssyncset.s32 $0xFFFFF086  }
0x25: {  	[simem:s6], [sflag:s4] =	dma.local [hbm:s3], $0xF7A  }
0x26: {  	[smem:$0x3F9D] =	sst s1;
	(tag) =	ssettag s2;
	_ =	strace s9  }
0x27: {  	s1 =	sld [smem:$0x3FAD]  }
0x28: {  	s2 =	sld [smem:$0x3FAE]  }
0x29: {  	s4 =	sld [smem:$0x3FB0]  }
0x2a: {  	p0 =	seq.s32 s5, $0x0;
	s5 =	sld [smem:$0x3FB1]  }
0x2b: {  	s6 =	sld [smem:$0x3FB2]  }
0x2c: {  	s7 =	sld [smem:$0x3FB3]  }
0x2d: {  	s3 =	simm.s32 $0x108;
	s8 =	sld [smem:$0x3FB4]  }
0x2e: {  	s3 =	simm.s32 @!p0 $0x1082;
	s9 =	sld [smem:$0x3FB5]  }
0x2f: {  	lr =	sadd.s32 s0, s3;
	s0 =	sld [smem:$0x3FAC]  }
0x30: {  	s3 =	sld [smem:$0x3FAF]  }
0x31: {  	[smem:$0x3FB8] =	sst s10  }
0x32: {  	s10 =	sld [smem:$0x3FB6];
	_ =	sdelay $0x3  }
0x33: {  	p0 =	seq.s32 s10, $0x1;
	s10 =	sld [smem:$0x3FB8];
	_ =	sdelay $0x3  }
0x34: {  	[smem:$0x3FB8] =	sst s10  }
0x35: {  	s10 =	sld [smem:$0x3FB7];
	_ =	sdelay $0x3  }
0x36: {  	p1 =	seq.s32 s10, $0x1;
	s10 =	sld [smem:$0x3FB8];
	_ =	sdelay $0x3  }
0x37: {  	[smem:$0x3FB8] =	sst s10  }
0x38: {  	s10 =	sld [smem:$0x3FB9]  }
0x39: {  	_ = 	snop;
	(pc) =	sbr.ind lr, $3  }
0x3a: {  	_ = 	snop  }
0x3b: {  	_ = 	snop  }
0x3c: {  	p2 =	seq.s32 s10, $0x1;
	s10 =	sld [smem:$0x3FB8]  }
0x3d: {  	_ =	shalt  }
0x3e: {  	_ =	shalt  }
0x3f: {  	_ =	shalt  }
0x40: {  	_ =	shalt  }
0x41: {  	_ =	shalt  }
0x42: {  	_ =	shalt  }
0x43: {  	_ =	shalt  }
0x44: {  	_ =	shalt  }
0x45: {  	_ =	shalt  }
0x46: {  	_ =	shalt  }
0x47: {  	_ =	shalt  }
0x48: {  	_ =	shalt  }
0x49: {  	_ =	shalt  }
0x4a: {  	_ =	shalt  }
0x4b: {  	_ =	shalt  }
0x4c: {  	_ =	shalt  }
0x4d: {  	_ =	shalt  }
0x4e: {  	_ =	shalt  }
0x4f: {  	_ =	shalt  }
0x50: {  	_ =	shalt  }
0x51: {  	_ =	shalt  }
0x52: {  	_ =	shalt  }
0x53: {  	_ =	shalt  }
0x54: {  	_ =	shalt  }
0x55: {  	_ =	shalt  }
0x56: {  	_ =	shalt  }
0x57: {  	_ =	shalt  }
0x58: {  	_ =	shalt  }
0x59: {  	_ =	shalt  }
0x5a: {  	_ =	shalt  }
0x5b: {  	_ =	shalt  }
0x5c: {  	_ =	shalt  }
0x5d: {  	_ =	shalt  }
0x5e: {  	_ =	shalt  }
0x5f: {  	_ =	shalt  }
0x60: {  	_ =	shalt  }
0x61: {  	_ =	shalt  }
0x62: {  	_ =	shalt  }
0x63: {  	_ =	shalt  }
0x64: {  	_ =	shalt  }
0x65: {  	_ =	shalt  }
0x66: {  	_ =	shalt  }
0x67: {  	_ =	shalt  }
0x68: {  	_ =	shalt  }
0x69: {  	_ =	shalt  }
0x6a: {  	_ =	shalt  }
0x6b: {  	_ =	shalt  }
0x6c: {  	_ =	shalt  }
0x6d: {  	_ =	shalt  }
0x6e: {  	_ =	shalt  }
0x6f: {  	_ =	shalt  }
0x70: {  	_ =	shalt  }
0x71: {  	_ =	shalt  }
0x72: {  	_ =	shalt  }
0x73: {  	_ =	shalt  }
0x74: {  	_ =	shalt  }
0x75: {  	_ =	shalt  }
0x76: {  	_ =	shalt  }
0x77: {  	_ =	shalt  }
0x78: {  	_ =	shalt  }
0x79: {  	_ =	shalt  }
0x7a: {  	_ =	shalt  }
0x7b: {  	_ =	shalt  }
0x7c: {  	_ =	shalt  }
0x7d: {  	_ =	shalt  }
0x7e: {  	_ =	shalt  }
0x7f: {  	_ =	shalt  }
0x80: {  	_ =	shalt  }
0x81: {  	_ =	shalt  }
0x82: {  	_ =	shalt  }
0x83: {  	_ =	shalt  }
0x84: {  	_ =	shalt  }
0x85: {  	_ =	shalt  }
0x86: {  	_ =	shalt  }
0x87: {  	_ =	shalt  }
.Lfunc_end0:
.L_simem_size_0:
called_computation_lowered:
.L_overlay_start_0:
0x88: {  	s2 =	sld [smem:$0x3FD9]  }
0x89: {  	s3 =	sld [smem:$0x3FFE];
	_ =	sdelay $0x1  }
0x8a: {  	s1 =	srdreg.scid  }
0x8b: {  	s0 =	sand.u32 $0x1, s1  }
0x8c: {  	s17 =	sshll.u32 s0, $0xA;
	s2 =	sadd.s32 s3, s2  }
0x8d: {  	s2 =	sadd.s32 s2, s17  }
0x8e: {  	[smem:$0x3FC4] =	sst s2  }
0x8f: {  	_ = 	snop  }
0x90: {  	s2 =	sld [smem:$0x3FC9]  }
0x91: {  	s18 =	sld [smem:$0x3FC8]  }
0x92: {  	s4 =	sld [smem:$0x3FC7]  }
0x93: {  	s5 =	sld [smem:$0x3FC6];
	(tm) =	ssettm $0x1  }
0x94: {  	s6 =	sld [smem:$0x3FFB];
	_ =	sdelay $0x3  }
0x95: {  	_ =	strace s6  }
0x96: {  	s6 =	sld [smem:$0x3FFC];
	_ =	sdelay $0x3  }
0x97: {  	_ =	strace s6  }
0x98: {  	s6 =	sld [smem:$0x3FFD];
	_ =	sdelay $0x3  }
0x99: {  	_ =	strace s6  }
0x9a: {  	_ =	strace $0x8FFFFFFF  }
0x9b: {  	s19 =	sld [smem:$0x3FDB];
	_ =	sdelay $0x1  }
0x9c: {  	s7 =	simm.s32 $_scs_section_size  }
0x9d: {  	s8 =	simm.s32 $_size__tile_overlayer_lowered;
	s9 =	simm.s32 $_tile_overlayer_lowered  }
0x9e: {  	s22 =	simm.s32 $0x1BFF;
	s21 =	sshll.u32 s9, $0x1;
	s6 =	sadd.s32 s7, s19  }
0x9f: {  	s10 =	simm.s32 $0x0;
	s20 =	sshll.u32 s8, $0x1;
	s8 =	sadd.s32 s21, s6  }
0xa0: {  	[timem:s10], [sflag:s22] =	dma.local [hbm:s8], s20  }
0xa1: {  	_ =	swait.ge [sflag:s22], s20  }
0xa2: {  	s7 =	ssub.s32 $0x0, s20;
	[sflag:s22] =	ssyncset.done $0x0  }
0xa3: {  	[sflag:s22] =	ssyncadd.s32 s7;
	_ =	sdelay $0x1  }
0xa4: {  	s23 =	simm.s32 $0x1B8B  }
0xa5: {  	_ =	swait.ge [sflag:s23], $0x1  }
0xa6: {  	[sflag:s23] =	ssyncset.done $0x0  }
0xa7: {  	s25 =	simm.s32 $0x1B8E;
	s24 =	sld [smem:$0x3FFE];
	[sflag:s23] =	ssyncadd.s32 $0xFFFFFFFF  }
0xa8: {  	s26 =	simm.s32 $execute0_lowered;
	[smem:$0x3FD2] =	sst s25  }
0xa9: {  	s8 =	sshll.u32 s26, $0x1;
	_ =	strace $0x80000046;
	[dreg:$0x1] =	wrdreg $0xFFFFFFFF  }
0xaa: {  	s28 =	simm.s32 $_size_execute0_lowered;
	s6 =	sadd.s32 s6, s8;
	[dreg:$0x0] =	wrdreg $0x0  }
0xab: {  	s8 =	sshll.u32 s28, $0x1;
	[dreg:$0x2] =	wrdreg s6  }
0xac: {  	[dreg:$0x3] =	wrdreg s8  }
0xad: {  	[dreg:$0x4] =	wrdreg $0xC0  }
0xae: {  	_ =	task [dreg:s10], $0x5FFFF  }
0xaf: {  	[dreg:$0x1] =	wrdreg $0xFFFFFFFF  }
0xb0: {  	[dreg:$0x0] =	wrdreg $0x60  }
0xb1: {  	[dreg:$0x2] =	wrdreg s2  }
0xb2: {  	[dreg:$0x3] =	wrdreg s18  }
0xb3: {  	[dreg:$0x4] =	wrdreg s4  }
0xb4: {  	[dreg:$0x5] =	wrdreg s5  }
0xb5: {  	[dreg:$0x6] =	wrdreg s24  }
0xb6: {  	[dreg:$0x7] =	wrdreg $0xA4000  }
0xb7: {  	[dreg:$0x8] =	wrdreg $0x9  }
0xb8: {  	_ =	task.clear_ibuf [dreg:s10], $0x9FFFF;
	_ =	strace $0x90000046  }
0xb9: {  	s29 =	simm.s32 $0x9;
	_ =	strace $0x80000048  }
0xba: {  	_ =	swait.ge [sflag:s29], $0x1  }
0xbb: {  	[sflag:s29] =	ssyncadd.s32 $0xFFFFFFFF  }
0xbc: {  	_ =	strace $0x90000048  }
0xbd: {  	_ =	sfence  }
0xbe: {  	s30 =	sld [smem:$0x0];
	_ =	sdelay $0x2  }
0xbf: {  	s31 =	sshll.u32 s1, $0xD;
	s1 =	sshrl.u32 s1, $0x2  }
0xc0: {  	s3 =	sand.u32 $0x4000, s31;
	s1 =	sadd.s32 s1, s30  }
0xc1: {  	s0 =	sor.u32 s3, s0;
	s1 =	sshll.u32 s1, $0x11  }
0xc2: {  	s0 =	sor.u32 s1, s0  }
0xc3: {  	s0 =	sadd.s32 $0x8F2B, s0  }
0xc4: {  	[sflag:s0] =	ssyncadd.remote.s32 $0x1  }
0xc5: {  	_ =	sfence.sel $0xFFFF  }
0xc6: {  	[dreg:$0x0] =	wrdreg $0xFFFFFFFF;
	(pc) =	sbr.abs _section_cstart, $3  }
0xc7: {  	[dreg:$0x1] =	wrdreg $0xFFFFFFFF  }
0xc8: {  	_ =	task.clear_ibuf [dreg:s10], $0x2FFFF;
	_ =	strace $0x9FFFFFFF  }
0xc9: {  	(tm) =	ssettm $0x7FFFFFFF  }
tec
execute0_lowered:
.L_overlay_start_1:
0x0: {  	(tag) =	ssettag $0x1  }
0x1: {  	s0 =	rddreg [dreg:$0x0]  }
0x2: {  	s2 =	rddreg [dreg:$0x1]  }
0x3: {  	s3 =	rddreg [dreg:$0x2]  }
0x4: {  	s4 =	rddreg [dreg:$0x3]  }
0x5: {  	s1 =	rddreg [dreg:$0x4]  }
0x6: {  	s6 =	rddreg [dreg:$0x5]  }
0x7: {  	s5 =	srdreg.scid;
	s13 =	stileid.u32;
	s7 =	simm.s32 $0x0  }
0x8: {  	s28 =	simm.s32 $0xB;
	s29 =	simm.s32 $0x2;
	s30 =	simm.s32 $0x2C00  }
0x9: {  	s31 =	simm.s32 $0x5;
	s5 =	sand.u32 $0x1, s5;
	s10 =	smul.u32 $0x2800, s13  }
0xa: {  	[smem:$0x7FF] =	sst s7;
	s22 =	ssub.s32 $0x8C, s13;
	s23 =	smul.u32 $0xA000, s13  }
0xb: {  	s9 =	smul.u32 $0x138800, s5;
	s8 =	sshll.u32 s5, $0x4;
	_ =	strace $0x80000047  }
0xc: {  	s5 =	ssub.s32 $0x2, s5;
	s25 =	sshrl.u32 s22, $0x4;
	s22 =	simm.s32 $0x1  }
0xd: {  	s11 =	sor.u32 s13, s8;
	s16 =	sshrl.u32 s5, $0x1;
	[dreg:$0xc] =	wrdreg s25  }
0xe: {  	s26 =	sshrl.u32 s23, $0x2;
	s23 =	simm.s32 $0x400;
	s25 =	simm.s32 $0x9  }
0xf: {  	s8 =	smul.u32 $0x2710, s11;
	s9 =	sadd.s32 s10, s9;
	s5 =	ssub.s32 s5, s16  }
0x10: {  	s20 =	smul.u32 $0x27100, s11;
	s11 =	simm.s32 $0x0;
	s9 =	sshrl.u32 s9, $0x3  }
0x11: {  	s5 =	smax.u32 s5, $0x1;
	s12 =	sshrl.u32 s8, $0x3;
	s1 =	sadd.s32 s9, s1  }
0x12: {  	s24 =	sadd.s32 s2, s20;
	s15 =	sadd.s32 $0x190, s8;
	[dreg:$0xd] =	wrdreg s5  }
0x13: {  	s5 =	sadd.s32 s26, s6;
	s26 =	simm.s32 $0x7C00;
	[dreg:$0xb] =	wrdreg s24  }
0x14: {  	s17 =	sadd.s32 s3, s12;
	s18 =	sadd.s32 s4, s12;
	[dreg:$0xe] =	wrdreg s5  }
0x15: {  	s19 =	sadd.s32 $0xA, s12;
	s1 =	sadd.s32 $0x600, s1;
	[dreg:$0x7] =	wrdreg s17  }
0x16: {  	s24 =	simm.s32 $0x50;
	s5 =	simm.s32 $0x6;
	[dreg:$0x8] =	wrdreg s18  }
0x17: {  	s21 =	sadd.s32 s3, s19;
	s9 =	sadd.s32 s4, s19;
	[dreg:$0xf] =	wrdreg s1  }
0x18: {  	s19 =	simm.s32 $0x200;
	s1 =	simm.s32 $0x7;
	[dreg:$0x9] =	wrdreg s21  }
0x19: {  	v0 =	vimm.f32 $0.0e+00;
	[dreg:$0xa] =	wrdreg s9;
	s21 =	simm.s32 $0x280;
	s9 =	simm.s32 $0x8  }
.LBB2_1:
0x1a: {  	[dreg:$0x10] =	wrdreg s11  }
0x1b: {  	s10 =	rddreg [dreg:$0x7]  }
0x1c: {  	[tilespmem:s7], [sflag:$0x1] =	stream.linear.gather [hbm4b:s10+s7], $0x50, $0x38;
	[tilespmem:$0x1DC80] =	vst v63  }
0x1d: {  	s13 =	rddreg [dreg:$0x8]  }
0x1e: {  	[tilespmem:s19], [sflag:$0x1] =	stream.linear.gather [hbm4b:s13+s7], $0x50, $0x38;
	[tilespmem:$0x1DC80] =	vst v63  }
0x1f: {  	s14 =	rddreg [dreg:$0x9];
	s16 =	simm.s32 $0x80  }
0x20: {  	[tilespmem:s16], [sflag:$0x2] =	stream.linear.gather [hbm4b:s14+s7], $0x50, $0x38;
	[tilespmem:$0x1DC80] =	vst v63  }
0x21: {  	s17 =	rddreg [dreg:$0xa]  }
0x22: {  	[tilespmem:s21], [sflag:$0x2] =	stream.linear.gather [hbm4b:s17+s7], $0x50, $0x38;
	[tilespmem:$0x1DC80] =	vst v63  }
0x23: {  	_ =	swait.ge [sflag:s22], $0x50  }
0x24: {  	[sflag:s22] =	ssyncset.done $0x0  }
0x25: {  	[sflag:s22] =	ssyncadd.s32 $0xFFFFFFB0  }
0x26: {  	_ =	swait.ge [sflag:s22], $0x50  }
0x27: {  	[sflag:s22] =	ssyncset.done $0x0  }
0x28: {  	s18 =	rddreg [dreg:$0xb];
	[sflag:s22] =	ssyncadd.s32 $0xFFFFFFB0  }
0x29: {  	[tilespmem:s23], [sflag:$0x5] =	stream.linear.gather [hbm4b:s18+s7], $0x2800, $0x38;
	[tilespmem:$0x1DC80] =	vst v63  }
0x2a: {  	s20 =	simm.s32 $0x5400;
	s11 =	simm.s32 $0x200;
	s10 =	simm.s32 $0x0  }
0x2b: {  	[tilespmem:s20], [sflag:$0x7] =	stream.indirect.gather [hbm4b:s0+s24], $0x80, s7, s24, $0xb8;
	[tilespmem:$0x1DC80] =	vst v63  }
.LBB2_2:
0x2c: {  	p0 =	sne.s32 s11, $0x9E00;
	[tilespmem:s10+$0x7C70] =	vst v0  }
0x2d: {  	[tilespmem:s10+$0x7C00] =	vst v0  }
0x2e: {  	[tilespmem:s10+$0x7C10] =	vst v0  }
.Ltmp0:
0x2f: {  	[tilespmem:s10+$0x7C20] =	vst v0;
	(pc) =	sbr.rel @p0 .LBB2_2-.Ltmp0, $4  }
0x30: {  	[tilespmem:s10+$0x7C30] =	vst v0  }
0x31: {  	[tilespmem:s10+$0x7C40] =	vst v0  }
0x32: {  	[tilespmem:s10+$0x7C50] =	vst v0  }
0x33: {  	[tilespmem:s10+$0x7C60] =	vst v0;
	s10 =	sshra.s32 s11, $0x2;
	s11 =	sadd.s32 $0x200, s11  }
0x34: {  	[tilespmem:s10+$0x7C70] =	vst v0  }
0x35: {  	[tilespmem:s10+$0x7C00] =	vst v0  }
0x36: {  	[tilespmem:s10+$0x7C10] =	vst v0  }
0x37: {  	[tilespmem:s10+$0x7C20] =	vst v0  }
0x38: {  	[tilespmem:s10+$0x7C30] =	vst v0;
	s20 =	rddreg [dreg:$0xc]  }
0x39: {  	[tilespmem:s10+$0x7C40] =	vst v0;
	p0 =	sne.s32 s20, $0x1  }
.Ltmp1:
0x3a: {  	[tilespmem:s10+$0x7C50] =	vst v0;
	(pc) =	sbr.rel @!p0 .LBB2_5-.Ltmp1, $4  }
0x3b: {  	[tilespmem:s10+$0x7C60] =	vst v0;
	s11 =	rddreg [dreg:$0xe]  }
0x3c: {  	[spmem:s11] =	stream.linear.scatter [tilespmem:s26], [sflag:$0xB], $0x2800, $0x38;
	[tilespmem:$0x1DC80] =	vst v63  }
0x3d: {  	_ =	swait.ge [sflag:s28], $0x2800  }
0x3e: {  	s10 =	sadd.s32 $0xFFFFFFFF, s20;
	[sflag:s28] =	ssyncset.done $0x0  }
.LBB2_4:
0x3f: {  	p1 =	sne.s32 s10, $0x1;
	[sflag:s28] =	ssyncadd.s32 $0xFFFFD800;
	s11 =	sadd.s32 $0x28000, s11  }
.Ltmp2:
0x40: {  	s10 =	sadd.s32 $0xFFFFFFFF, s10;
	(pc) =	sbr.rel @p1 .LBB2_4-.Ltmp2, $4  }
0x41: {  	_ = 	snop  }
0x42: {  	[spmem:s11] =	stream.linear.scatter [tilespmem:s26], [sflag:$0xB], $0x2800, $0x38;
	[tilespmem:$0x1DC80] =	vst v63  }
0x43: {  	_ =	swait.ge [sflag:s28], $0x2800  }
0x44: {  	[sflag:s28] =	ssyncset.done $0x0  }
.LBB2_5:
.Ltmp3:
0x45: {  	(pc) =	sbr.rel .LBB2_6-.Ltmp3, $4  }
0x46: {  	_ = 	snop  }
0x47: {  	[sflag:s28] =	ssyncadd.s32 $0xFFFFD800  }
0x48: {  	[bflag:$0x0] =	sbarrier.arrive $0xFFFF  }
0x49: {  	s13 =	simm.s32 $0x0  }
.LBB2_22:
0x4a: {  	s13 =	sadd.s32 $0x1, s13  }
0x4b: {  	p1 =	sne.s32 s13, $0x20  }
.Ltmp4:
0x4c: {  	_ = 	snop;
	(pc) =	sbr.rel @!p1 .LBB2_23-.Ltmp4, $1  }
0x4d: {  	_ =	sdelay $0x3  }
.LBB2_6:
0x4e: {  	s16 =	sshll.u32 s13, $0x2  }
0x4f: {  	s10 =	sor.u32 $0x2, s16  }
0x50: {  	p1 =	sgt.u32 s10, $0x7C  }
0x51: {  	s10 =	smul.u32 @!p1 $0x50, s10;
	_ =	sdelay $0x1  }
0x52: {  	s18 =	sadd.s32 @!p1 s8, s10  }
0x53: {  	s10 =	sshrl.u32 @!p1 s18, $0x3  }
0x54: {  	s12 =	simm.s32 @!p1 $0x0;
	s14 =	simm.s32 @!p1 $0x100;
	s11 =	sadd.s32 @!p1 s3, s10  }
0x55: {  	[tilespmem:s14], [sflag:$0x3] =	stream.linear.gather @!p1 [hbm4b:s11+s12], $0x50, $0x38;
	[tilespmem:$0x1DC80] =	vst v63  }
0x56: {  	s10 =	sadd.s32 @!p1 s4, s10;
	s11 =	simm.s32 @!p1 $0x300  }
0x57: {  	[tilespmem:s11], [sflag:$0x3] =	stream.linear.gather @!p1 [hbm4b:s10+s12], $0x50, $0x38;
	[tilespmem:$0x1DC80] =	vst v63  }
0x58: {  	s10 =	sadd.s32 @!p1 $0xFFFFFFFF, s16  }
0x59: {  	p2 =	sgt.u32 @!p1 s10, $0x7C  }
0x5a: {  	p2 =	por p1, !p2  }
0x5b: {  	s10 =	sor.u32 @p2 $0x1, s16  }
0x5c: {  	p3 =	sgt.u32 @p2 s10, $0x7C  }
0x5d: {  	p4 =	por !p2, !p3  }
.Ltmp5:
0x5e: {  	_ = 	snop;
	(pc) =	sbr.rel @!p4 .LBB2_8-.Ltmp5, $4  }
0x5f: {  	s11 =	simm.s32 @p2 $0xA  }
0x60: {  	_ =	swait.ge @p2 [sflag:s11], $0x2800  }
0x61: {  	[sflag:s11] =	ssyncset.done @p2 $0x0  }
0x62: {  	p3 =	por @p2 $0x0, $0x0;
	[sflag:s11] =	ssyncadd.s32 @p2 $0xFFFFD800  }
0x63: {  	s10 =	simm.s32 @!p2 $0x1;
	_ =	swait.ge [sflag:s29], $0x50  }
0x64: {  	[sflag:s29] =	ssyncset.done $0x0;
	s10 =	smul.u32 $0x50, s10  }
0x65: {  	[sflag:s29] =	ssyncadd.s32 $0xFFFFFFB0  }
0x66: {  	_ =	swait.ge [sflag:s29], $0x50;
	s10 =	sadd.s32 s8, s10  }
0x67: {  	[sflag:s29] =	ssyncset.done $0x0;
	s10 =	sshll.u32 s10, $0x4  }
0x68: {  	[sflag:s29] =	ssyncadd.s32 $0xFFFFFFB0;
	s10 =	sadd.s32 s2, s10  }
0x69: {  	[tilespmem:s30], [sflag:$0x6] =	stream.linear.gather [hbm4b:s10+s7], $0x2800, $0x38;
	[tilespmem:$0x1DC80] =	vst v63  }
0x6a: {  	s20 =	simm.s32 $0x80;
	p3 =	por $0x1, $0x1  }
0x6b: {  	[tilespmem:s26], [sflag:$0x8] =	stream.indirect.gather [hbm4b:s0+s24], $0x80, s20, s24, $0xb8;
	[tilespmem:$0x1DC80] =	vst v63  }
.LBB2_8:
0x6c: {  	_ =	swait.ge [sflag:s31], $0x2800  }
0x6d: {  	[sflag:s31] =	ssyncset.done $0x0  }
0x6e: {  	[sflag:s31] =	ssyncadd.s32 $0xFFFFD800  }
0x6f: {  	_ =	swait.ge [sflag:s1], $0x2800  }
0x70: {  	[sflag:s1] =	ssyncset.done $0x0  }
0x71: {  	s10 =	simm.s32 $0x5480;
	[sflag:s1] =	ssyncadd.s32 $0xFFFFD800  }
0x72: {  	v3 =	vld [tilespmem:s10+$0x10]  }
0x73: {  	s12 =	simm.s32 $0x480;
	v2 =	vld [tilespmem:s10+$0x30]  }
0x74: {  	v4 =	vld [tilespmem:s12+$0x50]  }
0x75: {  	v5 =	vld [tilespmem:s12+$0x70]  }
0x76: {  	v6 =	vld [tilespmem:s10+$0x50]  }
0x77: {  	v7 =	vld [tilespmem:s12+$0x30]  }
0x78: {  	v8 =	vld [tilespmem:s10+$0x70]  }
0x79: {  	v9 =	vld [tilespmem:s12+$0x10]  }
0x7a: {  	v1 =	vld [tilespmem:s10+$0xFFFFFF90]  }
0x7b: {  	v10 =	vld [tilespmem:s10+$0xFFFFFFA0]  }
0x7c: {  	v13 =	vld [tilespmem:s10+$0xFFFFFFB0]  }
0x7d: {  	v18 =	vld [tilespmem:s10+$0xFFFFFFD0];
	v11 =	vmul.f32 v5, v3  }
0x7e: {  	v21 =	vld [tilespmem:s12+$0xFFFFFFB0];
	v12 =	vmul.f32 v4, v2;
	v14 =	vmul.f32 v5, v2  }
0x7f: {  	v23 =	vld [tilespmem:s12+$0xFFFFFFD0];
	v15 =	vmul.f32 v4, v6;
	v17 =	vmul.f32 v4, v3  }
0x80: {  	v27 =	vld [tilespmem:s12+$0xFFFFFFE0];
	v19 =	vmul.f32 v7, v2;
	v20 =	vmul.f32 v7, v3  }
0x81: {  	v28 =	vld [tilespmem:s12+$0xFFFFFFF0];
	v2 =	vmul.f32 v9, v2;
	v22 =	vmul.f32 v5, v6  }
0x82: {  	v16 =	vld [tilespmem:s10+$0xFFFFFFC0];
	v4 =	vmul.f32 v4, v8;
	v5 =	vmul.f32 v5, v8  }
0x83: {  	v24 =	vmul.f32 v21, v13;
	v26 =	vmul.f32 v21, v18  }
0x84: {  	v3 =	vmul.f32 v9, v3;
	v31 =	vmul.f32 v23, v13  }
0x85: {  	v33 =	vmul.f32 v27, v10;
	v34 =	vmul.f32 v23, v18  }
0x86: {  	v35 =	vmul.f32 v28, v1;
	v36 =	vmul.f32 v28, v13  }
0x87: {  	v30 =	vld [tilespmem:s12+$0x40];
	v38 =	vmul.f32 v27, v16;
	v59 =	vmul.f32 v28, v18  }
0x88: {  	v32 =	vld [tilespmem:s12+$0x60];
	v11 =	vadd.f32 v11, v12;
	v12 =	vmul.f32 v7, v6;
	v14 =	vadd.f32 v14, v15  }
0x89: {  	v15 =	vld [tilespmem:s12+$0xFFFFFFA0];
	v17 =	vadd.f32 v17, v19;
	v6 =	vmul.f32 v9, v6;
	v7 =	vmul.f32 v7, v8  }
0x8a: {  	v19 =	vld [tilespmem:s12+$0xFFFFFFC0];
	v4 =	vadd.f32 v22, v4;
	v22 =	vmul.f32 v21, v1;
	v11 =	vadd.f32 v11, v12  }
0x8b: {  	v12 =	vmul.f32 v9, v8;
	v6 =	vadd.f32 v17, v6;
	v8 =	vld [tilespmem:s10+$0x20];
	v7 =	vadd.f32 v14, v7  }
0x8c: {  	v5 =	vmul.f32 $1.428571490e-01, v5;
	v4 =	vmul.f32 $1.666666720e-01, v4;
	v9 =	vld [tilespmem:s12+$0x20]  }
0x8d: {  	v17 =	vld [tilespmem:s10+$0x40];
	v11 =	vadd.f32 v11, v12;
	v6 =	vmul.f32 $3.333333430e-01, v6;
	v7 =	vmul.f32 $2.000000030e-01, v7  }
0x8e: {  	v25 =	vld [tilespmem:s10+$0x60];
	v12 =	vadd.f32 v20, v2;
	v14 =	vmul.f32 v15, v10;
	v20 =	vmul.f32 v15, v16  }
0x8f: {  	v34 =	vadd.f32 v36, v34;
	v2 =	vld [tilespmem:s10+$0x0];
	v29 =	vmul.f32 v19, v16;
	v11 =	vmul.f32 $2.500000000e-01, v11  }
0x90: {  	v37 =	vld [tilespmem:s10+$0xFFFFFFE0];
	v12 =	vmul.f32 $5.000000000e-01, v12;
	v6 =	vadd.f32 v5, v6;
	v5 =	vmul.f32 v23, v1  }
0x91: {  	v7 =	vadd.f32 v7, v3;
	v3 =	vld [tilespmem:s10+$0xFFFFFF80];
	v39 =	vmul.f32 v9, v8;
	v40 =	vmul.f32 v30, v8  }
0x92: {  	v55 =	vmul.f32 v32, v8;
	v58 =	vmul.f32 v30, v17;
	[tilespmem:s12+$0x70] =	vst v11;
	v12 =	vadd.f32 v4, v12;
	v4 =	vld [tilespmem:s12+$0xFFFFFF80]  }
0x93: {  	v63 =	vmul.f32 v32, v17;
	v24 =	vadd.f32 v5, v24;
	[tilespmem:s12+$0x10] =	vst v7;
	v7 =	vadd.f32 v35, v31;
	v5 =	vld [tilespmem:s12+$0xFFFFFF90]  }
0x94: {  	v29 =	vadd.f32 v33, v29;
	v11 =	vmul.f32 v19, v10;
	[tilespmem:s12+$0x50] =	vst v6;
	v6 =	vld [tilespmem:s12+$0x0];
	v53 =	vmul.f32 v30, v2  }
0x95: {  	v41 =	vld [tilespmem:s10+$0xFFFFFFF0];
	v54 =	vmul.f32 v32, v2;
	v35 =	vadd.f32 v55, v58;
	v7 =	vadd.f32 v7, v26  }
0x96: {  	[tilespmem:s12+$0x30] =	vst v12;
	v56 =	vmul.f32 v19, v3;
	v42 =	vmul.f32 v27, v3;
	v12 =	vadd.f32 v53, v39  }
0x97: {  	v57 =	vmul.f32 v15, v3;
	v31 =	vadd.f32 v54, v40;
	v10 =	vmul.f32 v4, v10  }
0x98: {  	v11 =	vadd.f32 v42, v11;
	v16 =	vmul.f32 v4, v16;
	v13 =	vmul.f32 v5, v13  }
0x99: {  	v14 =	vadd.f32 v56, v14;
	v18 =	vmul.f32 v5, v18;
	v8 =	vmul.f32 v6, v8  }
0x9a: {  	v60 =	vadd.f32 v11, v20;
	v11 =	vmul.f32 v15, v37;
	v15 =	vmul.f32 v21, v41  }
0x9b: {  	v14 =	vadd.f32 v14, v16;
	v20 =	vmul.f32 v19, v37;
	v21 =	vmul.f32 v23, v41  }
0x9c: {  	v61 =	vadd.f32 v24, v18;
	v23 =	vmul.f32 v9, v2;
	v16 =	vmul.f32 v6, v17  }
0x9d: {  	v18 =	vmul.f32 v9, v17;
	v9 =	vmul.f32 v9, v25;
	v19 =	vadd.f32 v22, v13  }
0x9e: {  	v17 =	vmul.f32 v27, v37;
	v26 =	vadd.f32 v29, v11;
	v62 =	vadd.f32 v34, v15  }
0x9f: {  	v11 =	vadd.f32 v12, v16;
	v31 =	vadd.f32 v31, v18;
	v12 =	vmul.f32 v30, v25  }
0xa0: {  	v18 =	vadd.f32 v57, v10;
	v10 =	vmul.f32 v4, v37;
	v16 =	vadd.f32 v35, v9  }
0xa1: {  	v9 =	vmul.f32 v5, v41;
	v24 =	vadd.f32 v38, v20;
	v22 =	vadd.f32 v59, v21  }
0xa2: {  	v20 =	vadd.f32 v23, v8;
	v15 =	vmul.f32 v28, v41;
	v21 =	vmul.f32 v6, v25  }
0xa3: {  	v23 =	vadd.f32 v63, v12;
	v8 =	vadd.f32 v60, v10;
	v12 =	vmul.f32 v32, v25  }
0xa4: {  	v7 =	vadd.f32 v7, v9;
	v13 =	vmul.f32 $2.000000030e-01, v26;
	v10 =	vmul.f32 $2.000000030e-01, v62  }
0xa5: {  	s11 =	simm.s32 $0x5580;
	s14 =	simm.s32 $0x480;
	s10 =	simm.s32 $0x0;
	v9 =	vadd.f32 v31, v21;
	v21 =	vmul.f32 $3.333333430e-01, v14;
	v14 =	vmul.f32 $3.333333430e-01, v61  }
.LBB2_9:
0xa6: {  	v25 =	vld [tilespmem:s11+$0x10];
	v16 =	vmul.f32 $2.000000030e-01, v16;
	v26 =	vmul.f32 $3.333333430e-01, v11  }
0xa7: {  	v11 =	vmul.f32 $5.000000000e-01, v18;
	v18 =	vmul.f32 $1.666666720e-01, v24;
	s12 =	sadd.s32 $0x100, s12;
	v27 =	vld [tilespmem:s11+$0x30]  }
0xa8: {  	v19 =	vmul.f32 $5.000000000e-01, v19;
	v22 =	vmul.f32 $1.666666720e-01, v22;
	v24 =	vld [tilespmem:s12+$0x50]  }
0xa9: {  	s10 =	sadd.s32 $0x2, s10;
	v11 =	vadd.f32 v18, v11;
	v18 =	vmul.f32 $5.000000000e-01, v20;
	v20 =	vmul.f32 $1.666666720e-01, v23;
	v28 =	vld [tilespmem:s12+$0x70]  }
0xaa: {  	v17 =	vmul.f32 $1.428571490e-01, v17;
	v15 =	vmul.f32 $1.428571490e-01, v15;
	p2 =	slt.u32 s10, $0x4E;
	v19 =	vadd.f32 v22, v19;
	v23 =	vld [tilespmem:s11+$0x50]  }
0xab: {  	v3 =	vmul.f32 v4, v3;
	v12 =	vmul.f32 $1.428571490e-01, v12;
	v4 =	vadd.f32 v20, v18;
	v22 =	vld [tilespmem:s12+$0x30];
	[tilespmem:s14+$0xFFFFFFA0] =	vst v11  }
0xac: {  	v5 =	vmul.f32 v5, v1;
	v2 =	vmul.f32 v6, v2;
	v11 =	vadd.f32 v17, v21;
	v18 =	vld [tilespmem:s11+$0x70];
	[tilespmem:s14+$0xFFFFFFB0] =	vst v19  }
0xad: {  	v3 =	vadd.f32 v13, v3;
	v13 =	vadd.f32 v15, v14;
	v6 =	vld [tilespmem:s12+$0x10];
	v17 =	vmul.f32 v24, v25;
	[tilespmem:s14+$0x20] =	vst v4  }
0xae: {  	v5 =	vadd.f32 v10, v5;
	v14 =	vmul.f32 v24, v27;
	v1 =	vld [tilespmem:s11+$0xFFFFFF90];
	v4 =	vmul.f32 v28, v25;
	[tilespmem:s14+$0xFFFFFFC0] =	vst v11  }
0xaf: {  	v2 =	vadd.f32 v16, v2;
	v10 =	vmul.f32 v28, v27;
	v11 =	vld [tilespmem:s11+$0xFFFFFFA0];
	v15 =	vmul.f32 v24, v23;
	[tilespmem:s14+$0xFFFFFF80] =	vst v3  }
0xb0: {  	v16 =	vld [tilespmem:s11+$0xFFFFFFB0];
	v3 =	vmul.f32 v22, v27;
	v4 =	vadd.f32 v4, v14;
	v14 =	vmul.f32 v22, v23;
	[tilespmem:s14+$0xFFFFFF90] =	vst v5  }
0xb1: {  	v20 =	vmul.f32 v28, v23;
	v5 =	vmul.f32 v22, v25;
	v19 =	vld [tilespmem:s11+$0xFFFFFFC0];
	v15 =	vadd.f32 v10, v15;
	[tilespmem:s14+$0xFFFFFFD0] =	vst v13  }
0xb2: {  	v13 =	vld [tilespmem:s11+$0xFFFFFFD0];
	v3 =	vadd.f32 v17, v3;
	v4 =	vadd.f32 v4, v14;
	v10 =	vmul.f32 v6, v18;
	[tilespmem:s14+$0x0] =	vst v2  }
0xb3: {  	v12 =	vadd.f32 v12, v26;
	v2 =	vmul.f32 v6, v27;
	v17 =	vmul.f32 v6, v23;
	v14 =	vld [tilespmem:s12+$0xFFFFFFA0]  }
0xb4: {  	v22 =	vmul.f32 v22, v18;
	v23 =	vmul.f32 v24, v18;
	v21 =	vld [tilespmem:s12+$0xFFFFFFB0];
	v4 =	vadd.f32 v4, v10  }
0xb5: {  	v5 =	vadd.f32 v5, v2;
	v3 =	vadd.f32 v3, v17;
	v17 =	vmul.f32 v28, v18;
	v10 =	vld [tilespmem:s11+$0x60];
	[tilespmem:s14+$0x40] =	vst v12  }
0xb6: {  	v12 =	vadd.f32 v15, v22;
	v15 =	vadd.f32 v20, v23;
	v2 =	vld [tilespmem:s11+$0x0];
	v4 =	vmul.f32 $2.500000000e-01, v4  }
0xb7: {  	v5 =	vmul.f32 $5.000000000e-01, v5;
	v3 =	vmul.f32 $3.333333430e-01, v3;
	v18 =	vld [tilespmem:s11+$0x20]  }
0xb8: {  	v20 =	vmul.f32 v14, v11;
	v22 =	vmul.f32 v14, v19;
	v23 =	vld [tilespmem:s11+$0x40];
	[tilespmem:s12+$0x70] =	vst v4  }
0xb9: {  	v24 =	vld [tilespmem:s12+$0xFFFFFFC0];
	v26 =	vmul.f32 v21, v1;
	v4 =	vmul.f32 v21, v16  }
0xba: {  	v12 =	vmul.f32 $2.000000030e-01, v12;
	v28 =	vmul.f32 v21, v13;
	v27 =	vld [tilespmem:s12+$0xFFFFFFD0]  }
0xbb: {  	v17 =	vmul.f32 $1.428571490e-01, v17;
	v15 =	vmul.f32 $1.666666720e-01, v15;
	v29 =	vld [tilespmem:s12+$0xFFFFFFE0]  }
0xbc: {  	v8 =	vmul.f32 $2.500000000e-01, v8;
	v6 =	vmul.f32 v6, v25;
	v30 =	vld [tilespmem:s12+$0xFFFFFFF0]  }
0xbd: {  	v17 =	vadd.f32 v17, v3;
	v3 =	vmul.f32 $2.500000000e-01, v7;
	v7 =	vmul.f32 $2.500000000e-01, v9;
	v25 =	vld [tilespmem:s12+$0x20]  }
0xbe: {  	v6 =	vadd.f32 v12, v6;
	v9 =	vmul.f32 v24, v11;
	v31 =	vmul.f32 v24, v19;
	v32 =	vld [tilespmem:s12+$0x40];
	[tilespmem:s14+$0xFFFFFFE0] =	vst v8  }
0xbf: {  	v5 =	vadd.f32 v15, v5;
	v8 =	vmul.f32 v27, v1;
	v12 =	vmul.f32 v27, v16;
	v33 =	vld [tilespmem:s12+$0x60];
	[tilespmem:s14+$0xFFFFFFF0] =	vst v3  }
0xc0: {  	v34 =	vmul.f32 v27, v13;
	v3 =	vld [tilespmem:s11+$0xFFFFFF80];
	v15 =	vmul.f32 v29, v11;
	[tilespmem:s12+$0x10] =	vst v6  }
0xc1: {  	v35 =	vld [tilespmem:s11+$0xFFFFFFE0];
	v6 =	vmul.f32 v30, v1;
	v8 =	vadd.f32 v8, v4;
	v36 =	vmul.f32 v30, v16;
	[tilespmem:s12+$0x50] =	vst v17  }
0xc2: {  	v17 =	vmul.f32 v29, v19;
	v37 =	vld [tilespmem:s11+$0xFFFFFFF0];
	v15 =	vadd.f32 v15, v31;
	v31 =	vmul.f32 v25, v18;
	[tilespmem:s14+$0x60] =	vst v7;
	s14 =	smov.u32 s12  }
0xc3: {  	v4 =	vld [tilespmem:s12+$0xFFFFFF80];
	v7 =	vadd.f32 v6, v12;
	v12 =	vmul.f32 v32, v2;
	v38 =	vmul.f32 v32, v18;
	[tilespmem:s12+$0x30] =	vst v5  }
0xc4: {  	v34 =	vadd.f32 v36, v34;
	v5 =	vld [tilespmem:s12+$0xFFFFFF90];
	v36 =	vmul.f32 v33, v2;
	v39 =	vmul.f32 v33, v18  }
0xc5: {  	v40 =	vmul.f32 v24, v3;
	v41 =	vmul.f32 v29, v3;
	v6 =	vld [tilespmem:s12+$0x0];
	v12 =	vadd.f32 v12, v31  }
0xc6: {  	v31 =	vmul.f32 v14, v3;
	v36 =	vadd.f32 v36, v38;
	v38 =	vmul.f32 v32, v23  }
0xc7: {  	v20 =	vadd.f32 v40, v20;
	v9 =	vadd.f32 v41, v9;
	v40 =	vmul.f32 v30, v13  }
0xc8: {  	v41 =	vmul.f32 v4, v11;
	v11 =	vmul.f32 v4, v19;
	v19 =	vadd.f32 v39, v38  }
0xc9: {  	v38 =	vmul.f32 v5, v16;
	v13 =	vmul.f32 v5, v13;
	v9 =	vadd.f32 v9, v22  }
0xca: {  	v39 =	vadd.f32 v20, v11;
	v11 =	vmul.f32 v14, v35;
	v14 =	vmul.f32 v21, v37  }
0xcb: {  	v42 =	vadd.f32 v8, v13;
	v8 =	vmul.f32 v24, v35;
	v13 =	vmul.f32 v27, v37  }
0xcc: {  	v7 =	vadd.f32 v7, v28;
	v20 =	vmul.f32 v25, v2;
	v21 =	vmul.f32 v6, v18  }
0xcd: {  	v27 =	vadd.f32 v15, v11;
	v11 =	vmul.f32 v6, v23;
	v15 =	vmul.f32 v25, v23  }
0xce: {  	v16 =	vmul.f32 v25, v10;
	v14 =	vadd.f32 v34, v14;
	v23 =	vmul.f32 v33, v23  }
0xcf: {  	v11 =	vadd.f32 v12, v11;
	v25 =	vadd.f32 v36, v15;
	v12 =	vmul.f32 v32, v10  }
0xd0: {  	v28 =	vmul.f32 v4, v35;
	v18 =	vadd.f32 v31, v41;
	v16 =	vadd.f32 v19, v16  }
0xd1: {  	v19 =	vadd.f32 v26, v38;
	v26 =	vmul.f32 v5, v37;
	v24 =	vadd.f32 v17, v8  }
.Ltmp6:
0xd2: {  	v20 =	vadd.f32 v20, v21;
	v22 =	vadd.f32 v40, v13;
	v17 =	vmul.f32 v29, v35;
	(pc) =	sbr.rel @p2 .LBB2_9-.Ltmp6, $4  }
0xd3: {  	v21 =	vmul.f32 v6, v10;
	v15 =	vmul.f32 v30, v37;
	v23 =	vadd.f32 v23, v12  }
0xd4: {  	v8 =	vadd.f32 v9, v28;
	v7 =	vadd.f32 v7, v26;
	v12 =	vmul.f32 v33, v10  }
0xd5: {  	v13 =	vmul.f32 $2.000000030e-01, v27;
	v10 =	vmul.f32 $2.000000030e-01, v14;
	v9 =	vadd.f32 v25, v21  }
0xd6: {  	s11 =	sadd.s32 $0x100, s11;
	v21 =	vmul.f32 $3.333333430e-01, v39;
	v14 =	vmul.f32 $3.333333430e-01, v42  }
0xd7: {  	v18 =	vmul.f32 $5.000000000e-01, v18;
	v24 =	vmul.f32 $1.666666720e-01, v24  }
0xd8: {  	v19 =	vmul.f32 $5.000000000e-01, v19;
	v22 =	vmul.f32 $1.666666720e-01, v22  }
0xd9: {  	v20 =	vmul.f32 $5.000000000e-01, v20;
	v23 =	vmul.f32 $1.666666720e-01, v23;
	v18 =	vadd.f32 v24, v18  }
0xda: {  	v17 =	vmul.f32 $1.428571490e-01, v17;
	v19 =	vadd.f32 v22, v19  }
0xdb: {  	v3 =	vmul.f32 v4, v3;
	v58 =	vadd.f32 v23, v20;
	[tilespmem:s14+$0xFFFFFFA0] =	vst v18  }
0xdc: {  	v1 =	vmul.f32 v5, v1;
	v59 =	vadd.f32 v17, v21;
	[tilespmem:s14+$0xFFFFFFB0] =	vst v19  }
0xdd: {  	v15 =	vmul.f32 $1.428571490e-01, v15;
	v3 =	vadd.f32 v13, v3;
	[tilespmem:s14+$0x20] =	vst v58  }
0xde: {  	v60 =	vmul.f32 $2.000000030e-01, v16;
	v2 =	vmul.f32 v6, v2;
	v1 =	vadd.f32 v10, v1;
	[tilespmem:s14+$0xFFFFFFC0] =	vst v59  }
0xdf: {  	v61 =	vmul.f32 $3.333333430e-01, v11;
	v62 =	vmul.f32 $1.428571490e-01, v12;
	v63 =	vadd.f32 v15, v14;
	[tilespmem:s14+$0xFFFFFF80] =	vst v3  }
0xe0: {  	v2 =	vadd.f32 v60, v2;
	[tilespmem:s14+$0xFFFFFF90] =	vst v1  }
0xe1: {  	s10 =	sor.u32 $0x3, s16;
	[tilespmem:s14+$0xFFFFFFD0] =	vst v63;
	v1 =	vadd.f32 v62, v61  }
0xe2: {  	p2 =	sgt.u32 s10, $0x7C;
	[tilespmem:s14+$0x0] =	vst v2;
	v2 =	vmul.f32 $2.500000000e-01, v8  }
0xe3: {  	s10 =	smul.u32 @!p2 $0x50, s10;
	v3 =	vmul.f32 $2.500000000e-01, v9;
	[tilespmem:s14+$0x40] =	vst v1  }
0xe4: {  	v1 =	vmul.f32 $2.500000000e-01, v7;
	[tilespmem:s14+$0xFFFFFFE0] =	vst v2  }
0xe5: {  	s12 =	sadd.s32 @!p2 s8, s10;
	[tilespmem:s14+$0x60] =	vst v3  }
0xe6: {  	s10 =	sshrl.u32 @!p2 s12, $0x3;
	[tilespmem:s14+$0xFFFFFFF0] =	vst v1  }
0xe7: {  	[spmem:s6] =	stream.indirect.scatter.add.f32 [tilespmem:s23], [sflag:$0x9], $0x80, s19, s24, $0xb8;
	[tilespmem:$0x1DC80] =	vst v63  }
0xe8: {  	s17 =	simm.s32 @!p2 $0x0;
	s11 =	sadd.s32 @!p2 s3, s10;
	s14 =	simm.s32 @!p2 $0x180  }
0xe9: {  	[tilespmem:s14], [sflag:$0x4] =	stream.linear.gather @!p2 [hbm4b:s11+s17], $0x50, $0x38;
	[tilespmem:$0x1DC80] =	vst v63  }
0xea: {  	s10 =	sadd.s32 @!p2 s4, s10;
	s11 =	simm.s32 @!p2 $0x380  }
0xeb: {  	[tilespmem:s11], [sflag:$0x4] =	stream.linear.gather @!p2 [hbm4b:s10+s17], $0x50, $0x38;
	[tilespmem:$0x1DC80] =	vst v63  }
0xec: {  	_ =	swait.ge [sflag:s25], $0x2800  }
0xed: {  	[sflag:s25] =	ssyncset.done $0x0  }
0xee: {  	s10 =	simm.s32 @!p1 $0x3;
	[sflag:s25] =	ssyncadd.s32 $0xFFFFD800  }
0xef: {  	_ =	swait.ge @!p1 [sflag:s10], $0x50  }
0xf0: {  	[sflag:s10] =	ssyncset.done @!p1 $0x0  }
0xf1: {  	[sflag:s10] =	ssyncadd.s32 @!p1 $0xFFFFFFB0  }
0xf2: {  	_ =	swait.ge @!p1 [sflag:s10], $0x50  }
0xf3: {  	[sflag:s10] =	ssyncset.done @!p1 $0x0  }
.Ltmp7:
0xf4: {  	[sflag:s10] =	ssyncadd.s32 @!p1 $0xFFFFFFB0;
	s10 =	sshll.u32 @!p1 s18, $0x4;
	(pc) =	sbr.rel @!p3 .LBB2_14-.Ltmp7, $4  }
0xf5: {  	s11 =	simm.s32 @!p1 $0x0;
	s18 =	simm.s32 @!p1 $0x400;
	s10 =	sadd.s32 @!p1 s2, s10  }
0xf6: {  	[tilespmem:s18], [sflag:$0x5] =	stream.linear.gather @!p1 [hbm4b:s10+s11], $0x2800, $0x38;
	[tilespmem:$0x1DC80] =	vst v63  }
0xf7: {  	s10 =	simm.s32 @!p1 $0x50;
	s11 =	simm.s32 @!p1 $0x100;
	s18 =	simm.s32 @!p1 $0x5400  }
0xf8: {  	[tilespmem:s18], [sflag:$0x7] =	stream.indirect.gather @!p1 [hbm4b:s0+s10], $0x80, s11, s10, $0xb8;
	[tilespmem:$0x1DC80] =	vst v63  }
0xf9: {  	_ =	swait.ge [sflag:s5], $0x2800  }
0xfa: {  	[sflag:s5] =	ssyncset.done $0x0  }
0xfb: {  	[sflag:s5] =	ssyncadd.s32 $0xFFFFD800  }
0xfc: {  	_ =	swait.ge [sflag:s9], $0x2800  }
0xfd: {  	[sflag:s9] =	ssyncset.done $0x0  }
0xfe: {  	s10 =	simm.s32 $0x7CF0;
	[sflag:s9] =	ssyncadd.s32 $0xFFFFD800  }
0xff: {  	v3 =	vld [tilespmem:s10+$0xFFFFFFA0]  }
0x100: {  	s18 =	simm.s32 $0x2CF0;
	v2 =	vld [tilespmem:s10+$0xFFFFFFC0]  }
0x101: {  	v4 =	vld [tilespmem:s18+$0xFFFFFFE0]  }
0x102: {  	v5 =	vld [tilespmem:s18+$0x0]  }
0x103: {  	v6 =	vld [tilespmem:s10+$0xFFFFFFE0]  }
0x104: {  	v7 =	vld [tilespmem:s18+$0xFFFFFFC0]  }
0x105: {  	v8 =	vld [tilespmem:s10+$0x0]  }
0x106: {  	v9 =	vld [tilespmem:s18+$0xFFFFFFA0]  }
0x107: {  	v1 =	vld [tilespmem:s10+$0xFFFFFF20]  }
0x108: {  	v10 =	vld [tilespmem:s10+$0xFFFFFF30]  }
0x109: {  	v13 =	vld [tilespmem:s10+$0xFFFFFF40]  }
0x10a: {  	v18 =	vld [tilespmem:s10+$0xFFFFFF60];
	v11 =	vmul.f32 v5, v3  }
0x10b: {  	v21 =	vld [tilespmem:s18+$0xFFFFFF40];
	v12 =	vmul.f32 v4, v2;
	v14 =	vmul.f32 v5, v2  }
0x10c: {  	v23 =	vld [tilespmem:s18+$0xFFFFFF60];
	v15 =	vmul.f32 v4, v6;
	v17 =	vmul.f32 v4, v3  }
0x10d: {  	v27 =	vld [tilespmem:s18+$0xFFFFFF70];
	v19 =	vmul.f32 v7, v2;
	v20 =	vmul.f32 v7, v3  }
0x10e: {  	v28 =	vld [tilespmem:s18+$0xFFFFFF80];
	v2 =	vmul.f32 v9, v2;
	v22 =	vmul.f32 v5, v6  }
0x10f: {  	v16 =	vld [tilespmem:s10+$0xFFFFFF50];
	v4 =	vmul.f32 v4, v8;
	v5 =	vmul.f32 v5, v8  }
0x110: {  	v24 =	vmul.f32 v21, v13;
	v26 =	vmul.f32 v21, v18  }
0x111: {  	v3 =	vmul.f32 v9, v3;
	v31 =	vmul.f32 v23, v13  }
0x112: {  	v33 =	vmul.f32 v27, v10;
	v34 =	vmul.f32 v23, v18  }
0x113: {  	v35 =	vmul.f32 v28, v1;
	v36 =	vmul.f32 v28, v13  }
0x114: {  	v30 =	vld [tilespmem:s18+$0xFFFFFFD0];
	v38 =	vmul.f32 v27, v16;
	v59 =	vmul.f32 v28, v18  }
0x115: {  	v32 =	vld [tilespmem:s18+$0xFFFFFFF0];
	v11 =	vadd.f32 v11, v12;
	v12 =	vmul.f32 v7, v6;
	v14 =	vadd.f32 v14, v15  }
0x116: {  	v15 =	vld [tilespmem:s18+$0xFFFFFF30];
	v17 =	vadd.f32 v17, v19;
	v6 =	vmul.f32 v9, v6;
	v7 =	vmul.f32 v7, v8  }
0x117: {  	v19 =	vld [tilespmem:s18+$0xFFFFFF50];
	v4 =	vadd.f32 v22, v4;
	v22 =	vmul.f32 v21, v1;
	v11 =	vadd.f32 v11, v12  }
0x118: {  	v12 =	vmul.f32 v9, v8;
	v6 =	vadd.f32 v17, v6;
	v8 =	vld [tilespmem:s10+$0xFFFFFFB0];
	v7 =	vadd.f32 v14, v7  }
0x119: {  	v5 =	vmul.f32 $1.428571490e-01, v5;
	v4 =	vmul.f32 $1.666666720e-01, v4;
	v9 =	vld [tilespmem:s18+$0xFFFFFFB0]  }
0x11a: {  	v17 =	vld [tilespmem:s10+$0xFFFFFFD0];
	v11 =	vadd.f32 v11, v12;
	v6 =	vmul.f32 $3.333333430e-01, v6;
	v7 =	vmul.f32 $2.000000030e-01, v7  }
0x11b: {  	v25 =	vld [tilespmem:s10+$0xFFFFFFF0];
	v12 =	vadd.f32 v20, v2;
	v14 =	vmul.f32 v15, v10;
	v20 =	vmul.f32 v15, v16  }
0x11c: {  	v34 =	vadd.f32 v36, v34;
	v2 =	vld [tilespmem:s10+$0xFFFFFF90];
	v29 =	vmul.f32 v19, v16;
	v11 =	vmul.f32 $2.500000000e-01, v11  }
0x11d: {  	v37 =	vld [tilespmem:s10+$0xFFFFFF70];
	v12 =	vmul.f32 $5.000000000e-01, v12;
	v6 =	vadd.f32 v5, v6;
	v5 =	vmul.f32 v23, v1  }
0x11e: {  	v7 =	vadd.f32 v7, v3;
	v3 =	vld [tilespmem:s10+$0xFFFFFF10];
	v39 =	vmul.f32 v9, v8;
	v40 =	vmul.f32 v30, v8  }
0x11f: {  	v55 =	vmul.f32 v32, v8;
	v58 =	vmul.f32 v30, v17;
	[tilespmem:s18+$0x0] =	vst v11;
	v12 =	vadd.f32 v4, v12;
	v4 =	vld [tilespmem:s18+$0xFFFFFF10]  }
0x120: {  	v63 =	vmul.f32 v32, v17;
	v24 =	vadd.f32 v5, v24;
	[tilespmem:s18+$0xFFFFFFA0] =	vst v7;
	v7 =	vadd.f32 v35, v31;
	v5 =	vld [tilespmem:s18+$0xFFFFFF20]  }
0x121: {  	v29 =	vadd.f32 v33, v29;
	v11 =	vmul.f32 v19, v10;
	[tilespmem:s18+$0xFFFFFFE0] =	vst v6;
	v6 =	vld [tilespmem:s18+$0xFFFFFF90];
	v53 =	vmul.f32 v30, v2  }
0x122: {  	v41 =	vld [tilespmem:s10+$0xFFFFFF80];
	v54 =	vmul.f32 v32, v2;
	v35 =	vadd.f32 v55, v58;
	v7 =	vadd.f32 v7, v26  }
0x123: {  	[tilespmem:s18+$0xFFFFFFC0] =	vst v12;
	v56 =	vmul.f32 v19, v3;
	v42 =	vmul.f32 v27, v3;
	v12 =	vadd.f32 v53, v39  }
0x124: {  	v57 =	vmul.f32 v15, v3;
	v31 =	vadd.f32 v54, v40;
	v10 =	vmul.f32 v4, v10  }
0x125: {  	v11 =	vadd.f32 v42, v11;
	v16 =	vmul.f32 v4, v16;
	v13 =	vmul.f32 v5, v13  }
0x126: {  	v14 =	vadd.f32 v56, v14;
	v18 =	vmul.f32 v5, v18;
	v8 =	vmul.f32 v6, v8  }
0x127: {  	v60 =	vadd.f32 v11, v20;
	v11 =	vmul.f32 v15, v37;
	v15 =	vmul.f32 v21, v41  }
0x128: {  	v14 =	vadd.f32 v14, v16;
	v20 =	vmul.f32 v19, v37;
	v21 =	vmul.f32 v23, v41  }
0x129: {  	v61 =	vadd.f32 v24, v18;
	v23 =	vmul.f32 v9, v2;
	v16 =	vmul.f32 v6, v17  }
0x12a: {  	v18 =	vmul.f32 v9, v17;
	v9 =	vmul.f32 v9, v25;
	v19 =	vadd.f32 v22, v13  }
0x12b: {  	v17 =	vmul.f32 v27, v37;
	v26 =	vadd.f32 v29, v11;
	v62 =	vadd.f32 v34, v15  }
0x12c: {  	v11 =	vadd.f32 v12, v16;
	v31 =	vadd.f32 v31, v18;
	v12 =	vmul.f32 v30, v25  }
0x12d: {  	v18 =	vadd.f32 v57, v10;
	v10 =	vmul.f32 v4, v37;
	v16 =	vadd.f32 v35, v9  }
0x12e: {  	v9 =	vmul.f32 v5, v41;
	v24 =	vadd.f32 v38, v20;
	v22 =	vadd.f32 v59, v21  }
0x12f: {  	v20 =	vadd.f32 v23, v8;
	v15 =	vmul.f32 v28, v41;
	v21 =	vmul.f32 v6, v25  }
0x130: {  	v23 =	vadd.f32 v63, v12;
	v8 =	vadd.f32 v60, v10;
	v12 =	vmul.f32 v32, v25  }
0x131: {  	v7 =	vadd.f32 v7, v9;
	v13 =	vmul.f32 $2.000000030e-01, v26;
	v10 =	vmul.f32 $2.000000030e-01, v62  }
0x132: {  	s11 =	simm.s32 $0x0;
	s20 =	simm.s32 $0x7DF0;
	s10 =	simm.s32 $0x2CF0;
	v9 =	vadd.f32 v31, v21;
	v21 =	vmul.f32 $3.333333430e-01, v14;
	v14 =	vmul.f32 $3.333333430e-01, v61  }
.LBB2_12:
0x133: {  	v25 =	vld [tilespmem:s20+$0xFFFFFFA0];
	v16 =	vmul.f32 $2.000000030e-01, v16;
	v26 =	vmul.f32 $3.333333430e-01, v11  }
0x134: {  	v11 =	vmul.f32 $5.000000000e-01, v18;
	v18 =	vmul.f32 $1.666666720e-01, v24;
	s18 =	sadd.s32 $0x100, s18;
	v27 =	vld [tilespmem:s20+$0xFFFFFFC0]  }
0x135: {  	v19 =	vmul.f32 $5.000000000e-01, v19;
	v22 =	vmul.f32 $1.666666720e-01, v22;
	v24 =	vld [tilespmem:s18+$0xFFFFFFE0]  }
0x136: {  	s11 =	sadd.s32 $0x2, s11;
	v11 =	vadd.f32 v18, v11;
	v18 =	vmul.f32 $5.000000000e-01, v20;
	v20 =	vmul.f32 $1.666666720e-01, v23;
	v28 =	vld [tilespmem:s18+$0x0]  }
0x137: {  	v17 =	vmul.f32 $1.428571490e-01, v17;
	v15 =	vmul.f32 $1.428571490e-01, v15;
	p4 =	slt.u32 s11, $0x4E;
	v19 =	vadd.f32 v22, v19;
	v23 =	vld [tilespmem:s20+$0xFFFFFFE0]  }
0x138: {  	v3 =	vmul.f32 v4, v3;
	v12 =	vmul.f32 $1.428571490e-01, v12;
	v4 =	vadd.f32 v20, v18;
	v22 =	vld [tilespmem:s18+$0xFFFFFFC0];
	[tilespmem:s10+$0xFFFFFF30] =	vst v11  }
0x139: {  	v5 =	vmul.f32 v5, v1;
	v2 =	vmul.f32 v6, v2;
	v11 =	vadd.f32 v17, v21;
	v18 =	vld [tilespmem:s20+$0x0];
	[tilespmem:s10+$0xFFFFFF40] =	vst v19  }
0x13a: {  	v3 =	vadd.f32 v13, v3;
	v13 =	vadd.f32 v15, v14;
	v6 =	vld [tilespmem:s18+$0xFFFFFFA0];
	v17 =	vmul.f32 v24, v25;
	[tilespmem:s10+$0xFFFFFFB0] =	vst v4  }
0x13b: {  	v5 =	vadd.f32 v10, v5;
	v14 =	vmul.f32 v24, v27;
	v1 =	vld [tilespmem:s20+$0xFFFFFF20];
	v4 =	vmul.f32 v28, v25;
	[tilespmem:s10+$0xFFFFFF50] =	vst v11  }
0x13c: {  	v2 =	vadd.f32 v16, v2;
	v10 =	vmul.f32 v28, v27;
	v11 =	vld [tilespmem:s20+$0xFFFFFF30];
	v15 =	vmul.f32 v24, v23;
	[tilespmem:s10+$0xFFFFFF10] =	vst v3  }
0x13d: {  	v16 =	vld [tilespmem:s20+$0xFFFFFF40];
	v3 =	vmul.f32 v22, v27;
	v4 =	vadd.f32 v4, v14;
	v14 =	vmul.f32 v22, v23;
	[tilespmem:s10+$0xFFFFFF20] =	vst v5  }
0x13e: {  	v20 =	vmul.f32 v28, v23;
	v5 =	vmul.f32 v22, v25;
	v19 =	vld [tilespmem:s20+$0xFFFFFF50];
	v15 =	vadd.f32 v10, v15;
	[tilespmem:s10+$0xFFFFFF60] =	vst v13  }
0x13f: {  	v13 =	vld [tilespmem:s20+$0xFFFFFF60];
	v3 =	vadd.f32 v17, v3;
	v4 =	vadd.f32 v4, v14;
	v10 =	vmul.f32 v6, v18;
	[tilespmem:s10+$0xFFFFFF90] =	vst v2  }
0x140: {  	v12 =	vadd.f32 v12, v26;
	v2 =	vmul.f32 v6, v27;
	v17 =	vmul.f32 v6, v23;
	v14 =	vld [tilespmem:s18+$0xFFFFFF30]  }
0x141: {  	v22 =	vmul.f32 v22, v18;
	v23 =	vmul.f32 v24, v18;
	v21 =	vld [tilespmem:s18+$0xFFFFFF40];
	v4 =	vadd.f32 v4, v10  }
0x142: {  	v5 =	vadd.f32 v5, v2;
	v3 =	vadd.f32 v3, v17;
	v17 =	vmul.f32 v28, v18;
	v10 =	vld [tilespmem:s20+$0xFFFFFFF0];
	[tilespmem:s10+$0xFFFFFFD0] =	vst v12  }
0x143: {  	v12 =	vadd.f32 v15, v22;
	v15 =	vadd.f32 v20, v23;
	v2 =	vld [tilespmem:s20+$0xFFFFFF90];
	v4 =	vmul.f32 $2.500000000e-01, v4  }
0x144: {  	v5 =	vmul.f32 $5.000000000e-01, v5;
	v3 =	vmul.f32 $3.333333430e-01, v3;
	v18 =	vld [tilespmem:s20+$0xFFFFFFB0]  }
0x145: {  	v20 =	vmul.f32 v14, v11;
	v22 =	vmul.f32 v14, v19;
	v23 =	vld [tilespmem:s20+$0xFFFFFFD0];
	[tilespmem:s18+$0x0] =	vst v4  }
0x146: {  	v24 =	vld [tilespmem:s18+$0xFFFFFF50];
	v26 =	vmul.f32 v21, v1;
	v4 =	vmul.f32 v21, v16  }
0x147: {  	v12 =	vmul.f32 $2.000000030e-01, v12;
	v28 =	vmul.f32 v21, v13;
	v27 =	vld [tilespmem:s18+$0xFFFFFF60]  }
0x148: {  	v17 =	vmul.f32 $1.428571490e-01, v17;
	v15 =	vmul.f32 $1.666666720e-01, v15;
	v29 =	vld [tilespmem:s18+$0xFFFFFF70]  }
0x149: {  	v8 =	vmul.f32 $2.500000000e-01, v8;
	v6 =	vmul.f32 v6, v25;
	v30 =	vld [tilespmem:s18+$0xFFFFFF80]  }
0x14a: {  	v17 =	vadd.f32 v17, v3;
	v3 =	vmul.f32 $2.500000000e-01, v7;
	v7 =	vmul.f32 $2.500000000e-01, v9;
	v25 =	vld [tilespmem:s18+$0xFFFFFFB0]  }
0x14b: {  	v6 =	vadd.f32 v12, v6;
	v9 =	vmul.f32 v24, v11;
	v31 =	vmul.f32 v24, v19;
	v32 =	vld [tilespmem:s18+$0xFFFFFFD0];
	[tilespmem:s10+$0xFFFFFF70] =	vst v8  }
0x14c: {  	v5 =	vadd.f32 v15, v5;
	v8 =	vmul.f32 v27, v1;
	v12 =	vmul.f32 v27, v16;
	v33 =	vld [tilespmem:s18+$0xFFFFFFF0];
	[tilespmem:s10+$0xFFFFFF80] =	vst v3  }
0x14d: {  	v34 =	vmul.f32 v27, v13;
	v3 =	vld [tilespmem:s20+$0xFFFFFF10];
	v15 =	vmul.f32 v29, v11;
	[tilespmem:s18+$0xFFFFFFA0] =	vst v6  }
0x14e: {  	v35 =	vld [tilespmem:s20+$0xFFFFFF70];
	v6 =	vmul.f32 v30, v1;
	v8 =	vadd.f32 v8, v4;
	v36 =	vmul.f32 v30, v16;
	[tilespmem:s18+$0xFFFFFFE0] =	vst v17  }
0x14f: {  	v17 =	vmul.f32 v29, v19;
	v37 =	vld [tilespmem:s20+$0xFFFFFF80];
	v15 =	vadd.f32 v15, v31;
	v31 =	vmul.f32 v25, v18;
	[tilespmem:s10+$0xFFFFFFF0] =	vst v7;
	s10 =	smov.u32 s18  }
0x150: {  	v4 =	vld [tilespmem:s18+$0xFFFFFF10];
	v7 =	vadd.f32 v6, v12;
	v12 =	vmul.f32 v32, v2;
	v38 =	vmul.f32 v32, v18;
	[tilespmem:s18+$0xFFFFFFC0] =	vst v5  }
0x151: {  	v34 =	vadd.f32 v36, v34;
	v5 =	vld [tilespmem:s18+$0xFFFFFF20];
	v36 =	vmul.f32 v33, v2;
	v39 =	vmul.f32 v33, v18  }
0x152: {  	v40 =	vmul.f32 v24, v3;
	v41 =	vmul.f32 v29, v3;
	v6 =	vld [tilespmem:s18+$0xFFFFFF90];
	v12 =	vadd.f32 v12, v31  }
0x153: {  	v31 =	vmul.f32 v14, v3;
	v36 =	vadd.f32 v36, v38;
	v38 =	vmul.f32 v32, v23  }
0x154: {  	v20 =	vadd.f32 v40, v20;
	v9 =	vadd.f32 v41, v9;
	v40 =	vmul.f32 v30, v13  }
0x155: {  	v41 =	vmul.f32 v4, v11;
	v11 =	vmul.f32 v4, v19;
	v19 =	vadd.f32 v39, v38  }
0x156: {  	v38 =	vmul.f32 v5, v16;
	v13 =	vmul.f32 v5, v13;
	v9 =	vadd.f32 v9, v22  }
0x157: {  	v39 =	vadd.f32 v20, v11;
	v11 =	vmul.f32 v14, v35;
	v14 =	vmul.f32 v21, v37  }
0x158: {  	v42 =	vadd.f32 v8, v13;
	v8 =	vmul.f32 v24, v35;
	v13 =	vmul.f32 v27, v37  }
0x159: {  	v7 =	vadd.f32 v7, v28;
	v20 =	vmul.f32 v25, v2;
	v21 =	vmul.f32 v6, v18  }
0x15a: {  	v27 =	vadd.f32 v15, v11;
	v11 =	vmul.f32 v6, v23;
	v15 =	vmul.f32 v25, v23  }
0x15b: {  	v16 =	vmul.f32 v25, v10;
	v14 =	vadd.f32 v34, v14;
	v23 =	vmul.f32 v33, v23  }
0x15c: {  	v11 =	vadd.f32 v12, v11;
	v25 =	vadd.f32 v36, v15;
	v12 =	vmul.f32 v32, v10  }
0x15d: {  	v28 =	vmul.f32 v4, v35;
	v18 =	vadd.f32 v31, v41;
	v16 =	vadd.f32 v19, v16  }
0x15e: {  	v19 =	vadd.f32 v26, v38;
	v26 =	vmul.f32 v5, v37;
	v24 =	vadd.f32 v17, v8  }
.Ltmp8:
0x15f: {  	v20 =	vadd.f32 v20, v21;
	v22 =	vadd.f32 v40, v13;
	v17 =	vmul.f32 v29, v35;
	(pc) =	sbr.rel @p4 .LBB2_12-.Ltmp8, $4  }
0x160: {  	v21 =	vmul.f32 v6, v10;
	v15 =	vmul.f32 v30, v37;
	v23 =	vadd.f32 v23, v12  }
0x161: {  	v8 =	vadd.f32 v9, v28;
	v7 =	vadd.f32 v7, v26;
	v12 =	vmul.f32 v33, v10  }
0x162: {  	v13 =	vmul.f32 $2.000000030e-01, v27;
	v10 =	vmul.f32 $2.000000030e-01, v14;
	v9 =	vadd.f32 v25, v21  }
0x163: {  	s20 =	sadd.s32 $0x100, s20;
	v21 =	vmul.f32 $3.333333430e-01, v39;
	v14 =	vmul.f32 $3.333333430e-01, v42  }
0x164: {  	v18 =	vmul.f32 $5.000000000e-01, v18;
	v24 =	vmul.f32 $1.666666720e-01, v24  }
0x165: {  	v19 =	vmul.f32 $5.000000000e-01, v19;
	v22 =	vmul.f32 $1.666666720e-01, v22  }
0x166: {  	v20 =	vmul.f32 $5.000000000e-01, v20;
	v23 =	vmul.f32 $1.666666720e-01, v23;
	v18 =	vadd.f32 v24, v18  }
0x167: {  	v17 =	vmul.f32 $1.428571490e-01, v17;
	v19 =	vadd.f32 v22, v19  }
0x168: {  	v3 =	vmul.f32 v4, v3;
	v58 =	vadd.f32 v23, v20;
	[tilespmem:s10+$0xFFFFFF30] =	vst v18  }
0x169: {  	v1 =	vmul.f32 v5, v1;
	v59 =	vadd.f32 v17, v21;
	[tilespmem:s10+$0xFFFFFF40] =	vst v19  }
0x16a: {  	v15 =	vmul.f32 $1.428571490e-01, v15;
	v3 =	vadd.f32 v13, v3;
	[tilespmem:s10+$0xFFFFFFB0] =	vst v58  }
0x16b: {  	v60 =	vmul.f32 $2.000000030e-01, v16;
	v2 =	vmul.f32 v6, v2;
	v1 =	vadd.f32 v10, v1;
	[tilespmem:s10+$0xFFFFFF50] =	vst v59  }
0x16c: {  	v61 =	vmul.f32 $3.333333430e-01, v11;
	v62 =	vmul.f32 $1.428571490e-01, v12;
	v63 =	vadd.f32 v15, v14;
	[tilespmem:s10+$0xFFFFFF10] =	vst v3  }
0x16d: {  	v2 =	vadd.f32 v60, v2;
	[tilespmem:s10+$0xFFFFFF20] =	vst v1  }
0x16e: {  	[tilespmem:s10+$0xFFFFFF60] =	vst v63;
	v1 =	vadd.f32 v62, v61  }
0x16f: {  	[tilespmem:s10+$0xFFFFFF90] =	vst v2;
	v2 =	vmul.f32 $2.500000000e-01, v8  }
0x170: {  	v3 =	vmul.f32 $2.500000000e-01, v9;
	[tilespmem:s10+$0xFFFFFFD0] =	vst v1  }
0x171: {  	v1 =	vmul.f32 $2.500000000e-01, v7;
	[tilespmem:s10+$0xFFFFFF70] =	vst v2  }
0x172: {  	[tilespmem:s10+$0xFFFFFFF0] =	vst v3  }
0x173: {  	[tilespmem:s10+$0xFFFFFF80] =	vst v1  }
0x174: {  	[spmem:s6] =	stream.indirect.scatter.add.f32 [tilespmem:s30], [sflag:$0xA], $0x80, s21, s24, $0xb8;
	[tilespmem:$0x1DC80] =	vst v63  }
.LBB2_14:
0x175: {  	s10 =	sadd.s32 $0x4, s16;
	p4 =	seq.s32 s13, $0x1F  }
0x176: {  	s10 =	smul.u32 @!p4 $0x50, s10;
	_ =	sdelay $0x1  }
0x177: {  	s18 =	sadd.s32 @!p4 s8, s10  }
0x178: {  	s10 =	sshrl.u32 @!p4 s18, $0x3  }
0x179: {  	s16 =	simm.s32 @!p4 $0x0;
	s11 =	sadd.s32 @!p4 s3, s10  }
0x17a: {  	[tilespmem:s16], [sflag:$0x1] =	stream.linear.gather @!p4 [hbm4b:s11+s16], $0x50, $0x38;
	[tilespmem:$0x1DC80] =	vst v63  }
0x17b: {  	s10 =	sadd.s32 @!p4 s4, s10;
	s11 =	simm.s32 @!p4 $0x200  }
0x17c: {  	[tilespmem:s11], [sflag:$0x1] =	stream.linear.gather @!p4 [hbm4b:s10+s16], $0x50, $0x38;
	[tilespmem:$0x1DC80] =	vst v63  }
0x17d: {  	s10 =	simm.s32 @p3 $0xA  }
0x17e: {  	_ =	swait.ge @p3 [sflag:s10], $0x2800  }
0x17f: {  	[sflag:s10] =	ssyncset.done @p3 $0x0  }
0x180: {  	[sflag:s10] =	ssyncadd.s32 @p3 $0xFFFFD800;
	s10 =	simm.s32 @!p2 $0x4  }
0x181: {  	_ =	swait.ge @!p2 [sflag:s10], $0x50  }
0x182: {  	[sflag:s10] =	ssyncset.done @!p2 $0x0  }
0x183: {  	[sflag:s10] =	ssyncadd.s32 @!p2 $0xFFFFFFB0  }
0x184: {  	_ =	swait.ge @!p2 [sflag:s10], $0x50  }
.Ltmp9:
0x185: {  	s11 =	sshll.u32 @!p2 s12, $0x4;
	[sflag:s10] =	ssyncset.done @!p2 $0x0;
	(pc) =	sbr.rel @p1 .LBB2_18-.Ltmp9, $4  }
0x186: {  	[sflag:s10] =	ssyncadd.s32 @!p2 $0xFFFFFFB0;
	s10 =	sadd.s32 @!p2 s2, s11;
	s11 =	simm.s32 @!p2 $0x2C00  }
0x187: {  	[tilespmem:s11], [sflag:$0x6] =	stream.linear.gather @!p2 [hbm4b:s10+s17], $0x2800, $0x38;
	[tilespmem:$0x1DC80] =	vst v63  }
0x188: {  	s10 =	simm.s32 @!p2 $0x50;
	s11 =	simm.s32 @!p2 $0x7C00  }
0x189: {  	[tilespmem:s11], [sflag:$0x8] =	stream.indirect.gather @!p2 [hbm4b:s0+s10], $0x80, s14, s10, $0xb8;
	[tilespmem:$0x1DC80] =	vst v63  }
0x18a: {  	_ =	swait.ge [sflag:s31], $0x2800  }
0x18b: {  	[sflag:s31] =	ssyncset.done $0x0  }
0x18c: {  	[sflag:s31] =	ssyncadd.s32 $0xFFFFD800  }
0x18d: {  	_ =	swait.ge [sflag:s1], $0x2800  }
0x18e: {  	[sflag:s1] =	ssyncset.done $0x0  }
0x18f: {  	s10 =	simm.s32 $0x5480;
	[sflag:s1] =	ssyncadd.s32 $0xFFFFD800  }
0x190: {  	v3 =	vld [tilespmem:s10+$0x10]  }
0x191: {  	s12 =	simm.s32 $0x480;
	v2 =	vld [tilespmem:s10+$0x30]  }
0x192: {  	v4 =	vld [tilespmem:s12+$0x50]  }
0x193: {  	v5 =	vld [tilespmem:s12+$0x70]  }
0x194: {  	v6 =	vld [tilespmem:s10+$0x50]  }
0x195: {  	v7 =	vld [tilespmem:s12+$0x30]  }
0x196: {  	v8 =	vld [tilespmem:s10+$0x70]  }
0x197: {  	v9 =	vld [tilespmem:s12+$0x10]  }
0x198: {  	v1 =	vld [tilespmem:s10+$0xFFFFFF90]  }
0x199: {  	v10 =	vld [tilespmem:s10+$0xFFFFFFA0]  }
0x19a: {  	v13 =	vld [tilespmem:s10+$0xFFFFFFB0]  }
0x19b: {  	v18 =	vld [tilespmem:s10+$0xFFFFFFD0];
	v11 =	vmul.f32 v5, v3  }
0x19c: {  	v21 =	vld [tilespmem:s12+$0xFFFFFFB0];
	v12 =	vmul.f32 v4, v2;
	v14 =	vmul.f32 v5, v2  }
0x19d: {  	v23 =	vld [tilespmem:s12+$0xFFFFFFD0];
	v15 =	vmul.f32 v4, v6;
	v17 =	vmul.f32 v4, v3  }
0x19e: {  	v27 =	vld [tilespmem:s12+$0xFFFFFFE0];
	v19 =	vmul.f32 v7, v2;
	v20 =	vmul.f32 v7, v3  }
0x19f: {  	v28 =	vld [tilespmem:s12+$0xFFFFFFF0];
	v2 =	vmul.f32 v9, v2;
	v22 =	vmul.f32 v5, v6  }
0x1a0: {  	v16 =	vld [tilespmem:s10+$0xFFFFFFC0];
	v4 =	vmul.f32 v4, v8;
	v5 =	vmul.f32 v5, v8  }
0x1a1: {  	v24 =	vmul.f32 v21, v13;
	v26 =	vmul.f32 v21, v18  }
0x1a2: {  	v3 =	vmul.f32 v9, v3;
	v31 =	vmul.f32 v23, v13  }
0x1a3: {  	v33 =	vmul.f32 v27, v10;
	v34 =	vmul.f32 v23, v18  }
0x1a4: {  	v35 =	vmul.f32 v28, v1;
	v36 =	vmul.f32 v28, v13  }
0x1a5: {  	v30 =	vld [tilespmem:s12+$0x40];
	v38 =	vmul.f32 v27, v16;
	v59 =	vmul.f32 v28, v18  }
0x1a6: {  	v32 =	vld [tilespmem:s12+$0x60];
	v11 =	vadd.f32 v11, v12;
	v12 =	vmul.f32 v7, v6;
	v14 =	vadd.f32 v14, v15  }
0x1a7: {  	v15 =	vld [tilespmem:s12+$0xFFFFFFA0];
	v17 =	vadd.f32 v17, v19;
	v6 =	vmul.f32 v9, v6;
	v7 =	vmul.f32 v7, v8  }
0x1a8: {  	v19 =	vld [tilespmem:s12+$0xFFFFFFC0];
	v4 =	vadd.f32 v22, v4;
	v22 =	vmul.f32 v21, v1;
	v11 =	vadd.f32 v11, v12  }
0x1a9: {  	v12 =	vmul.f32 v9, v8;
	v6 =	vadd.f32 v17, v6;
	v8 =	vld [tilespmem:s10+$0x20];
	v7 =	vadd.f32 v14, v7  }
0x1aa: {  	v5 =	vmul.f32 $1.428571490e-01, v5;
	v4 =	vmul.f32 $1.666666720e-01, v4;
	v9 =	vld [tilespmem:s12+$0x20]  }
0x1ab: {  	v17 =	vld [tilespmem:s10+$0x40];
	v11 =	vadd.f32 v11, v12;
	v6 =	vmul.f32 $3.333333430e-01, v6;
	v7 =	vmul.f32 $2.000000030e-01, v7  }
0x1ac: {  	v25 =	vld [tilespmem:s10+$0x60];
	v12 =	vadd.f32 v20, v2;
	v14 =	vmul.f32 v15, v10;
	v20 =	vmul.f32 v15, v16  }
0x1ad: {  	v34 =	vadd.f32 v36, v34;
	v2 =	vld [tilespmem:s10+$0x0];
	v29 =	vmul.f32 v19, v16;
	v11 =	vmul.f32 $2.500000000e-01, v11  }
0x1ae: {  	v37 =	vld [tilespmem:s10+$0xFFFFFFE0];
	v12 =	vmul.f32 $5.000000000e-01, v12;
	v6 =	vadd.f32 v5, v6;
	v5 =	vmul.f32 v23, v1  }
0x1af: {  	v7 =	vadd.f32 v7, v3;
	v3 =	vld [tilespmem:s10+$0xFFFFFF80];
	v39 =	vmul.f32 v9, v8;
	v40 =	vmul.f32 v30, v8  }
0x1b0: {  	v55 =	vmul.f32 v32, v8;
	v58 =	vmul.f32 v30, v17;
	[tilespmem:s12+$0x70] =	vst v11;
	v12 =	vadd.f32 v4, v12;
	v4 =	vld [tilespmem:s12+$0xFFFFFF80]  }
0x1b1: {  	v63 =	vmul.f32 v32, v17;
	v24 =	vadd.f32 v5, v24;
	[tilespmem:s12+$0x10] =	vst v7;
	v7 =	vadd.f32 v35, v31;
	v5 =	vld [tilespmem:s12+$0xFFFFFF90]  }
0x1b2: {  	v29 =	vadd.f32 v33, v29;
	v11 =	vmul.f32 v19, v10;
	[tilespmem:s12+$0x50] =	vst v6;
	v6 =	vld [tilespmem:s12+$0x0];
	v53 =	vmul.f32 v30, v2  }
0x1b3: {  	v41 =	vld [tilespmem:s10+$0xFFFFFFF0];
	v54 =	vmul.f32 v32, v2;
	v35 =	vadd.f32 v55, v58;
	v7 =	vadd.f32 v7, v26  }
0x1b4: {  	[tilespmem:s12+$0x30] =	vst v12;
	v56 =	vmul.f32 v19, v3;
	v42 =	vmul.f32 v27, v3;
	v12 =	vadd.f32 v53, v39  }
0x1b5: {  	v57 =	vmul.f32 v15, v3;
	v31 =	vadd.f32 v54, v40;
	v10 =	vmul.f32 v4, v10  }
0x1b6: {  	v11 =	vadd.f32 v42, v11;
	v16 =	vmul.f32 v4, v16;
	v13 =	vmul.f32 v5, v13  }
0x1b7: {  	v14 =	vadd.f32 v56, v14;
	v18 =	vmul.f32 v5, v18;
	v8 =	vmul.f32 v6, v8  }
0x1b8: {  	v60 =	vadd.f32 v11, v20;
	v11 =	vmul.f32 v15, v37;
	v15 =	vmul.f32 v21, v41  }
0x1b9: {  	v14 =	vadd.f32 v14, v16;
	v20 =	vmul.f32 v19, v37;
	v21 =	vmul.f32 v23, v41  }
0x1ba: {  	v61 =	vadd.f32 v24, v18;
	v23 =	vmul.f32 v9, v2;
	v16 =	vmul.f32 v6, v17  }
0x1bb: {  	v18 =	vmul.f32 v9, v17;
	v9 =	vmul.f32 v9, v25;
	v19 =	vadd.f32 v22, v13  }
0x1bc: {  	v17 =	vmul.f32 v27, v37;
	v26 =	vadd.f32 v29, v11;
	v62 =	vadd.f32 v34, v15  }
0x1bd: {  	v11 =	vadd.f32 v12, v16;
	v31 =	vadd.f32 v31, v18;
	v12 =	vmul.f32 v30, v25  }
0x1be: {  	v18 =	vadd.f32 v57, v10;
	v10 =	vmul.f32 v4, v37;
	v16 =	vadd.f32 v35, v9  }
0x1bf: {  	v9 =	vmul.f32 v5, v41;
	v24 =	vadd.f32 v38, v20;
	v22 =	vadd.f32 v59, v21  }
0x1c0: {  	v20 =	vadd.f32 v23, v8;
	v15 =	vmul.f32 v28, v41;
	v21 =	vmul.f32 v6, v25  }
0x1c1: {  	v23 =	vadd.f32 v63, v12;
	v8 =	vadd.f32 v60, v10;
	v12 =	vmul.f32 v32, v25  }
0x1c2: {  	v7 =	vadd.f32 v7, v9;
	v13 =	vmul.f32 $2.000000030e-01, v26;
	v10 =	vmul.f32 $2.000000030e-01, v62  }
0x1c3: {  	s11 =	simm.s32 $0x0;
	s14 =	simm.s32 $0x5580;
	s10 =	simm.s32 $0x480;
	v9 =	vadd.f32 v31, v21;
	v21 =	vmul.f32 $3.333333430e-01, v14;
	v14 =	vmul.f32 $3.333333430e-01, v61  }
.LBB2_16:
0x1c4: {  	v25 =	vld [tilespmem:s14+$0x10];
	v16 =	vmul.f32 $2.000000030e-01, v16;
	v26 =	vmul.f32 $3.333333430e-01, v11  }
0x1c5: {  	v11 =	vmul.f32 $5.000000000e-01, v18;
	v18 =	vmul.f32 $1.666666720e-01, v24;
	s12 =	sadd.s32 $0x100, s12;
	v27 =	vld [tilespmem:s14+$0x30]  }
0x1c6: {  	v19 =	vmul.f32 $5.000000000e-01, v19;
	v22 =	vmul.f32 $1.666666720e-01, v22;
	v24 =	vld [tilespmem:s12+$0x50]  }
0x1c7: {  	s11 =	sadd.s32 $0x2, s11;
	v11 =	vadd.f32 v18, v11;
	v18 =	vmul.f32 $5.000000000e-01, v20;
	v20 =	vmul.f32 $1.666666720e-01, v23;
	v28 =	vld [tilespmem:s12+$0x70]  }
0x1c8: {  	v17 =	vmul.f32 $1.428571490e-01, v17;
	v15 =	vmul.f32 $1.428571490e-01, v15;
	p3 =	slt.u32 s11, $0x4E;
	v19 =	vadd.f32 v22, v19;
	v23 =	vld [tilespmem:s14+$0x50]  }
0x1c9: {  	v3 =	vmul.f32 v4, v3;
	v12 =	vmul.f32 $1.428571490e-01, v12;
	v4 =	vadd.f32 v20, v18;
	v22 =	vld [tilespmem:s12+$0x30];
	[tilespmem:s10+$0xFFFFFFA0] =	vst v11  }
0x1ca: {  	v5 =	vmul.f32 v5, v1;
	v2 =	vmul.f32 v6, v2;
	v11 =	vadd.f32 v17, v21;
	v18 =	vld [tilespmem:s14+$0x70];
	[tilespmem:s10+$0xFFFFFFB0] =	vst v19  }
0x1cb: {  	v3 =	vadd.f32 v13, v3;
	v13 =	vadd.f32 v15, v14;
	v6 =	vld [tilespmem:s12+$0x10];
	v17 =	vmul.f32 v24, v25;
	[tilespmem:s10+$0x20] =	vst v4  }
0x1cc: {  	v5 =	vadd.f32 v10, v5;
	v14 =	vmul.f32 v24, v27;
	v1 =	vld [tilespmem:s14+$0xFFFFFF90];
	v4 =	vmul.f32 v28, v25;
	[tilespmem:s10+$0xFFFFFFC0] =	vst v11  }
0x1cd: {  	v2 =	vadd.f32 v16, v2;
	v10 =	vmul.f32 v28, v27;
	v11 =	vld [tilespmem:s14+$0xFFFFFFA0];
	v15 =	vmul.f32 v24, v23;
	[tilespmem:s10+$0xFFFFFF80] =	vst v3  }
0x1ce: {  	v16 =	vld [tilespmem:s14+$0xFFFFFFB0];
	v3 =	vmul.f32 v22, v27;
	v4 =	vadd.f32 v4, v14;
	v14 =	vmul.f32 v22, v23;
	[tilespmem:s10+$0xFFFFFF90] =	vst v5  }
0x1cf: {  	v20 =	vmul.f32 v28, v23;
	v5 =	vmul.f32 v22, v25;
	v19 =	vld [tilespmem:s14+$0xFFFFFFC0];
	v15 =	vadd.f32 v10, v15;
	[tilespmem:s10+$0xFFFFFFD0] =	vst v13  }
0x1d0: {  	v13 =	vld [tilespmem:s14+$0xFFFFFFD0];
	v3 =	vadd.f32 v17, v3;
	v4 =	vadd.f32 v4, v14;
	v10 =	vmul.f32 v6, v18;
	[tilespmem:s10+$0x0] =	vst v2  }
0x1d1: {  	v12 =	vadd.f32 v12, v26;
	v2 =	vmul.f32 v6, v27;
	v17 =	vmul.f32 v6, v23;
	v14 =	vld [tilespmem:s12+$0xFFFFFFA0]  }
0x1d2: {  	v22 =	vmul.f32 v22, v18;
	v23 =	vmul.f32 v24, v18;
	v21 =	vld [tilespmem:s12+$0xFFFFFFB0];
	v4 =	vadd.f32 v4, v10  }
0x1d3: {  	v5 =	vadd.f32 v5, v2;
	v3 =	vadd.f32 v3, v17;
	v17 =	vmul.f32 v28, v18;
	v10 =	vld [tilespmem:s14+$0x60];
	[tilespmem:s10+$0x40] =	vst v12  }
0x1d4: {  	v12 =	vadd.f32 v15, v22;
	v15 =	vadd.f32 v20, v23;
	v2 =	vld [tilespmem:s14+$0x0];
	v4 =	vmul.f32 $2.500000000e-01, v4  }
0x1d5: {  	v5 =	vmul.f32 $5.000000000e-01, v5;
	v3 =	vmul.f32 $3.333333430e-01, v3;
	v18 =	vld [tilespmem:s14+$0x20]  }
0x1d6: {  	v20 =	vmul.f32 v14, v11;
	v22 =	vmul.f32 v14, v19;
	v23 =	vld [tilespmem:s14+$0x40];
	[tilespmem:s12+$0x70] =	vst v4  }
0x1d7: {  	v24 =	vld [tilespmem:s12+$0xFFFFFFC0];
	v26 =	vmul.f32 v21, v1;
	v4 =	vmul.f32 v21, v16  }
0x1d8: {  	v12 =	vmul.f32 $2.000000030e-01, v12;
	v28 =	vmul.f32 v21, v13;
	v27 =	vld [tilespmem:s12+$0xFFFFFFD0]  }
0x1d9: {  	v17 =	vmul.f32 $1.428571490e-01, v17;
	v15 =	vmul.f32 $1.666666720e-01, v15;
	v29 =	vld [tilespmem:s12+$0xFFFFFFE0]  }
0x1da: {  	v8 =	vmul.f32 $2.500000000e-01, v8;
	v6 =	vmul.f32 v6, v25;
	v30 =	vld [tilespmem:s12+$0xFFFFFFF0]  }
0x1db: {  	v17 =	vadd.f32 v17, v3;
	v3 =	vmul.f32 $2.500000000e-01, v7;
	v7 =	vmul.f32 $2.500000000e-01, v9;
	v25 =	vld [tilespmem:s12+$0x20]  }
0x1dc: {  	v6 =	vadd.f32 v12, v6;
	v9 =	vmul.f32 v24, v11;
	v31 =	vmul.f32 v24, v19;
	v32 =	vld [tilespmem:s12+$0x40];
	[tilespmem:s10+$0xFFFFFFE0] =	vst v8  }
0x1dd: {  	v5 =	vadd.f32 v15, v5;
	v8 =	vmul.f32 v27, v1;
	v12 =	vmul.f32 v27, v16;
	v33 =	vld [tilespmem:s12+$0x60];
	[tilespmem:s10+$0xFFFFFFF0] =	vst v3  }
0x1de: {  	v34 =	vmul.f32 v27, v13;
	v3 =	vld [tilespmem:s14+$0xFFFFFF80];
	v15 =	vmul.f32 v29, v11;
	[tilespmem:s12+$0x10] =	vst v6  }
0x1df: {  	v35 =	vld [tilespmem:s14+$0xFFFFFFE0];
	v6 =	vmul.f32 v30, v1;
	v8 =	vadd.f32 v8, v4;
	v36 =	vmul.f32 v30, v16;
	[tilespmem:s12+$0x50] =	vst v17  }
0x1e0: {  	v17 =	vmul.f32 v29, v19;
	v37 =	vld [tilespmem:s14+$0xFFFFFFF0];
	v15 =	vadd.f32 v15, v31;
	v31 =	vmul.f32 v25, v18;
	[tilespmem:s10+$0x60] =	vst v7;
	s10 =	smov.u32 s12  }
0x1e1: {  	v4 =	vld [tilespmem:s12+$0xFFFFFF80];
	v7 =	vadd.f32 v6, v12;
	v12 =	vmul.f32 v32, v2;
	v38 =	vmul.f32 v32, v18;
	[tilespmem:s12+$0x30] =	vst v5  }
0x1e2: {  	v34 =	vadd.f32 v36, v34;
	v5 =	vld [tilespmem:s12+$0xFFFFFF90];
	v36 =	vmul.f32 v33, v2;
	v39 =	vmul.f32 v33, v18  }
0x1e3: {  	v40 =	vmul.f32 v24, v3;
	v41 =	vmul.f32 v29, v3;
	v6 =	vld [tilespmem:s12+$0x0];
	v12 =	vadd.f32 v12, v31  }
0x1e4: {  	v31 =	vmul.f32 v14, v3;
	v36 =	vadd.f32 v36, v38;
	v38 =	vmul.f32 v32, v23  }
0x1e5: {  	v20 =	vadd.f32 v40, v20;
	v9 =	vadd.f32 v41, v9;
	v40 =	vmul.f32 v30, v13  }
0x1e6: {  	v41 =	vmul.f32 v4, v11;
	v11 =	vmul.f32 v4, v19;
	v19 =	vadd.f32 v39, v38  }
0x1e7: {  	v38 =	vmul.f32 v5, v16;
	v13 =	vmul.f32 v5, v13;
	v9 =	vadd.f32 v9, v22  }
0x1e8: {  	v39 =	vadd.f32 v20, v11;
	v11 =	vmul.f32 v14, v35;
	v14 =	vmul.f32 v21, v37  }
0x1e9: {  	v42 =	vadd.f32 v8, v13;
	v8 =	vmul.f32 v24, v35;
	v13 =	vmul.f32 v27, v37  }
0x1ea: {  	v7 =	vadd.f32 v7, v28;
	v20 =	vmul.f32 v25, v2;
	v21 =	vmul.f32 v6, v18  }
0x1eb: {  	v27 =	vadd.f32 v15, v11;
	v11 =	vmul.f32 v6, v23;
	v15 =	vmul.f32 v25, v23  }
0x1ec: {  	v16 =	vmul.f32 v25, v10;
	v14 =	vadd.f32 v34, v14;
	v23 =	vmul.f32 v33, v23  }
0x1ed: {  	v11 =	vadd.f32 v12, v11;
	v25 =	vadd.f32 v36, v15;
	v12 =	vmul.f32 v32, v10  }
0x1ee: {  	v28 =	vmul.f32 v4, v35;
	v18 =	vadd.f32 v31, v41;
	v16 =	vadd.f32 v19, v16  }
0x1ef: {  	v19 =	vadd.f32 v26, v38;
	v26 =	vmul.f32 v5, v37;
	v24 =	vadd.f32 v17, v8  }
.Ltmp10:
0x1f0: {  	v20 =	vadd.f32 v20, v21;
	v22 =	vadd.f32 v40, v13;
	v17 =	vmul.f32 v29, v35;
	(pc) =	sbr.rel @p3 .LBB2_16-.Ltmp10, $4  }
0x1f1: {  	v21 =	vmul.f32 v6, v10;
	v15 =	vmul.f32 v30, v37;
	v23 =	vadd.f32 v23, v12  }
0x1f2: {  	v8 =	vadd.f32 v9, v28;
	v7 =	vadd.f32 v7, v26;
	v12 =	vmul.f32 v33, v10  }
0x1f3: {  	v13 =	vmul.f32 $2.000000030e-01, v27;
	v10 =	vmul.f32 $2.000000030e-01, v14;
	v9 =	vadd.f32 v25, v21  }
0x1f4: {  	s14 =	sadd.s32 $0x100, s14;
	v21 =	vmul.f32 $3.333333430e-01, v39;
	v14 =	vmul.f32 $3.333333430e-01, v42  }
0x1f5: {  	v18 =	vmul.f32 $5.000000000e-01, v18;
	v24 =	vmul.f32 $1.666666720e-01, v24  }
0x1f6: {  	v19 =	vmul.f32 $5.000000000e-01, v19;
	v22 =	vmul.f32 $1.666666720e-01, v22  }
0x1f7: {  	v20 =	vmul.f32 $5.000000000e-01, v20;
	v23 =	vmul.f32 $1.666666720e-01, v23;
	v18 =	vadd.f32 v24, v18  }
0x1f8: {  	v17 =	vmul.f32 $1.428571490e-01, v17;
	v19 =	vadd.f32 v22, v19  }
0x1f9: {  	v3 =	vmul.f32 v4, v3;
	v58 =	vadd.f32 v23, v20;
	[tilespmem:s10+$0xFFFFFFA0] =	vst v18  }
0x1fa: {  	v1 =	vmul.f32 v5, v1;
	v59 =	vadd.f32 v17, v21;
	[tilespmem:s10+$0xFFFFFFB0] =	vst v19  }
0x1fb: {  	v15 =	vmul.f32 $1.428571490e-01, v15;
	v3 =	vadd.f32 v13, v3;
	[tilespmem:s10+$0x20] =	vst v58  }
0x1fc: {  	v60 =	vmul.f32 $2.000000030e-01, v16;
	v2 =	vmul.f32 v6, v2;
	v1 =	vadd.f32 v10, v1;
	[tilespmem:s10+$0xFFFFFFC0] =	vst v59  }
0x1fd: {  	v61 =	vmul.f32 $3.333333430e-01, v11;
	v62 =	vmul.f32 $1.428571490e-01, v12;
	v63 =	vadd.f32 v15, v14;
	[tilespmem:s10+$0xFFFFFF80] =	vst v3  }
0x1fe: {  	v2 =	vadd.f32 v60, v2;
	[tilespmem:s10+$0xFFFFFF90] =	vst v1  }
0x1ff: {  	[tilespmem:s10+$0xFFFFFFD0] =	vst v63;
	v1 =	vadd.f32 v62, v61  }
0x200: {  	[tilespmem:s10+$0x0] =	vst v2;
	v2 =	vmul.f32 $2.500000000e-01, v8  }
0x201: {  	v3 =	vmul.f32 $2.500000000e-01, v9;
	[tilespmem:s10+$0x40] =	vst v1  }
0x202: {  	v1 =	vmul.f32 $2.500000000e-01, v7;
	[tilespmem:s10+$0xFFFFFFE0] =	vst v2  }
0x203: {  	[tilespmem:s10+$0x60] =	vst v3  }
0x204: {  	s20 =	simm.s32 $0x300;
	[tilespmem:s10+$0xFFFFFFF0] =	vst v1  }
0x205: {  	[spmem:s6] =	stream.indirect.scatter.add.f32 [tilespmem:s23], [sflag:$0x9], $0x80, s20, s24, $0xb8;
	[tilespmem:$0x1DC80] =	vst v63  }
.LBB2_18:
0x206: {  	p3 =	sgt.u32 s13, $0x1D  }
0x207: {  	s10 =	smul.u32 @!p3 $0x140, s13;
	_ =	sdelay $0x1  }
0x208: {  	s10 =	sadd.s32 @!p3 s10, s15  }
0x209: {  	s10 =	sshrl.u32 @!p3 s10, $0x3  }
0x20a: {  	s12 =	simm.s32 @!p3 $0x0;
	s14 =	simm.s32 @!p3 $0x80;
	s11 =	sadd.s32 @!p3 s3, s10  }
0x20b: {  	[tilespmem:s14], [sflag:$0x2] =	stream.linear.gather @!p3 [hbm4b:s11+s12], $0x50, $0x38;
	[tilespmem:$0x1DC80] =	vst v63  }
0x20c: {  	s10 =	sadd.s32 @!p3 s4, s10;
	s11 =	simm.s32 @!p3 $0x280  }
0x20d: {  	[tilespmem:s11], [sflag:$0x2] =	stream.linear.gather @!p3 [hbm4b:s10+s12], $0x50, $0x38;
	[tilespmem:$0x1DC80] =	vst v63  }
0x20e: {  	s10 =	simm.s32 @!p1 $0x9  }
0x20f: {  	_ =	swait.ge @!p1 [sflag:s10], $0x2800  }
0x210: {  	[sflag:s10] =	ssyncset.done @!p1 $0x0  }
0x211: {  	[sflag:s10] =	ssyncadd.s32 @!p1 $0xFFFFD800;
	s10 =	simm.s32 @!p4 $0x1  }
0x212: {  	_ =	swait.ge @!p4 [sflag:s10], $0x50  }
0x213: {  	[sflag:s10] =	ssyncset.done @!p4 $0x0  }
0x214: {  	[sflag:s10] =	ssyncadd.s32 @!p4 $0xFFFFFFB0  }
0x215: {  	_ =	swait.ge @!p4 [sflag:s10], $0x50  }
.Ltmp11:
0x216: {  	s11 =	sshll.u32 @!p4 s18, $0x4;
	[sflag:s10] =	ssyncset.done @!p4 $0x0;
	(pc) =	sbr.rel @p2 .LBB2_22-.Ltmp11, $4  }
0x217: {  	[sflag:s10] =	ssyncadd.s32 @!p4 $0xFFFFFFB0;
	s10 =	sadd.s32 @!p4 s2, s11;
	s11 =	simm.s32 @!p4 $0x400  }
0x218: {  	[tilespmem:s11], [sflag:$0x5] =	stream.linear.gather @!p4 [hbm4b:s10+s16], $0x2800, $0x38;
	[tilespmem:$0x1DC80] =	vst v63  }
0x219: {  	s10 =	simm.s32 @!p4 $0x50;
	s11 =	simm.s32 @!p4 $0x5400  }
0x21a: {  	[tilespmem:s11], [sflag:$0x7] =	stream.indirect.gather @!p4 [hbm4b:s0+s10], $0x80, s16, s10, $0xb8;
	[tilespmem:$0x1DC80] =	vst v63  }
0x21b: {  	_ =	swait.ge [sflag:s5], $0x2800  }
0x21c: {  	[sflag:s5] =	ssyncset.done $0x0  }
0x21d: {  	[sflag:s5] =	ssyncadd.s32 $0xFFFFD800  }
0x21e: {  	_ =	swait.ge [sflag:s9], $0x2800  }
0x21f: {  	[sflag:s9] =	ssyncset.done $0x0  }
0x220: {  	s10 =	simm.s32 $0x7CF0;
	[sflag:s9] =	ssyncadd.s32 $0xFFFFD800  }
0x221: {  	v3 =	vld [tilespmem:s10+$0xFFFFFFA0]  }
0x222: {  	s12 =	simm.s32 $0x2CF0;
	v2 =	vld [tilespmem:s10+$0xFFFFFFC0]  }
0x223: {  	v4 =	vld [tilespmem:s12+$0xFFFFFFE0]  }
0x224: {  	v5 =	vld [tilespmem:s12+$0x0]  }
0x225: {  	v6 =	vld [tilespmem:s10+$0xFFFFFFE0]  }
0x226: {  	v7 =	vld [tilespmem:s12+$0xFFFFFFC0]  }
0x227: {  	v8 =	vld [tilespmem:s10+$0x0]  }
0x228: {  	v9 =	vld [tilespmem:s12+$0xFFFFFFA0]  }
0x229: {  	v1 =	vld [tilespmem:s10+$0xFFFFFF20]  }
0x22a: {  	v10 =	vld [tilespmem:s10+$0xFFFFFF30]  }
0x22b: {  	v13 =	vld [tilespmem:s10+$0xFFFFFF40]  }
0x22c: {  	v18 =	vld [tilespmem:s10+$0xFFFFFF60];
	v11 =	vmul.f32 v5, v3  }
0x22d: {  	v21 =	vld [tilespmem:s12+$0xFFFFFF40];
	v12 =	vmul.f32 v4, v2;
	v14 =	vmul.f32 v5, v2  }
0x22e: {  	v23 =	vld [tilespmem:s12+$0xFFFFFF60];
	v15 =	vmul.f32 v4, v6;
	v17 =	vmul.f32 v4, v3  }
0x22f: {  	v27 =	vld [tilespmem:s12+$0xFFFFFF70];
	v19 =	vmul.f32 v7, v2;
	v20 =	vmul.f32 v7, v3  }
0x230: {  	v28 =	vld [tilespmem:s12+$0xFFFFFF80];
	v2 =	vmul.f32 v9, v2;
	v22 =	vmul.f32 v5, v6  }
0x231: {  	v16 =	vld [tilespmem:s10+$0xFFFFFF50];
	v4 =	vmul.f32 v4, v8;
	v5 =	vmul.f32 v5, v8  }
0x232: {  	v24 =	vmul.f32 v21, v13;
	v26 =	vmul.f32 v21, v18  }
0x233: {  	v3 =	vmul.f32 v9, v3;
	v31 =	vmul.f32 v23, v13  }
0x234: {  	v33 =	vmul.f32 v27, v10;
	v34 =	vmul.f32 v23, v18  }
0x235: {  	v35 =	vmul.f32 v28, v1;
	v36 =	vmul.f32 v28, v13  }
0x236: {  	v30 =	vld [tilespmem:s12+$0xFFFFFFD0];
	v38 =	vmul.f32 v27, v16;
	v59 =	vmul.f32 v28, v18  }
0x237: {  	v32 =	vld [tilespmem:s12+$0xFFFFFFF0];
	v11 =	vadd.f32 v11, v12;
	v12 =	vmul.f32 v7, v6;
	v14 =	vadd.f32 v14, v15  }
0x238: {  	v15 =	vld [tilespmem:s12+$0xFFFFFF30];
	v17 =	vadd.f32 v17, v19;
	v6 =	vmul.f32 v9, v6;
	v7 =	vmul.f32 v7, v8  }
0x239: {  	v19 =	vld [tilespmem:s12+$0xFFFFFF50];
	v4 =	vadd.f32 v22, v4;
	v22 =	vmul.f32 v21, v1;
	v11 =	vadd.f32 v11, v12  }
0x23a: {  	v12 =	vmul.f32 v9, v8;
	v6 =	vadd.f32 v17, v6;
	v8 =	vld [tilespmem:s10+$0xFFFFFFB0];
	v7 =	vadd.f32 v14, v7  }
0x23b: {  	v5 =	vmul.f32 $1.428571490e-01, v5;
	v4 =	vmul.f32 $1.666666720e-01, v4;
	v9 =	vld [tilespmem:s12+$0xFFFFFFB0]  }
0x23c: {  	v17 =	vld [tilespmem:s10+$0xFFFFFFD0];
	v11 =	vadd.f32 v11, v12;
	v6 =	vmul.f32 $3.333333430e-01, v6;
	v7 =	vmul.f32 $2.000000030e-01, v7  }
0x23d: {  	v25 =	vld [tilespmem:s10+$0xFFFFFFF0];
	v12 =	vadd.f32 v20, v2;
	v14 =	vmul.f32 v15, v10;
	v20 =	vmul.f32 v15, v16  }
0x23e: {  	v34 =	vadd.f32 v36, v34;
	v2 =	vld [tilespmem:s10+$0xFFFFFF90];
	v29 =	vmul.f32 v19, v16;
	v11 =	vmul.f32 $2.500000000e-01, v11  }
0x23f: {  	v37 =	vld [tilespmem:s10+$0xFFFFFF70];
	v12 =	vmul.f32 $5.000000000e-01, v12;
	v6 =	vadd.f32 v5, v6;
	v5 =	vmul.f32 v23, v1  }
0x240: {  	v7 =	vadd.f32 v7, v3;
	v3 =	vld [tilespmem:s10+$0xFFFFFF10];
	v39 =	vmul.f32 v9, v8;
	v40 =	vmul.f32 v30, v8  }
0x241: {  	v55 =	vmul.f32 v32, v8;
	v58 =	vmul.f32 v30, v17;
	[tilespmem:s12+$0x0] =	vst v11;
	v12 =	vadd.f32 v4, v12;
	v4 =	vld [tilespmem:s12+$0xFFFFFF10]  }
0x242: {  	v63 =	vmul.f32 v32, v17;
	v24 =	vadd.f32 v5, v24;
	[tilespmem:s12+$0xFFFFFFA0] =	vst v7;
	v7 =	vadd.f32 v35, v31;
	v5 =	vld [tilespmem:s12+$0xFFFFFF20]  }
0x243: {  	v29 =	vadd.f32 v33, v29;
	v11 =	vmul.f32 v19, v10;
	[tilespmem:s12+$0xFFFFFFE0] =	vst v6;
	v6 =	vld [tilespmem:s12+$0xFFFFFF90];
	v53 =	vmul.f32 v30, v2  }
0x244: {  	v41 =	vld [tilespmem:s10+$0xFFFFFF80];
	v54 =	vmul.f32 v32, v2;
	v35 =	vadd.f32 v55, v58;
	v7 =	vadd.f32 v7, v26  }
0x245: {  	[tilespmem:s12+$0xFFFFFFC0] =	vst v12;
	v56 =	vmul.f32 v19, v3;
	v42 =	vmul.f32 v27, v3;
	v12 =	vadd.f32 v53, v39  }
0x246: {  	v57 =	vmul.f32 v15, v3;
	v31 =	vadd.f32 v54, v40;
	v10 =	vmul.f32 v4, v10  }
0x247: {  	v11 =	vadd.f32 v42, v11;
	v16 =	vmul.f32 v4, v16;
	v13 =	vmul.f32 v5, v13  }
0x248: {  	v14 =	vadd.f32 v56, v14;
	v18 =	vmul.f32 v5, v18;
	v8 =	vmul.f32 v6, v8  }
0x249: {  	v60 =	vadd.f32 v11, v20;
	v11 =	vmul.f32 v15, v37;
	v15 =	vmul.f32 v21, v41  }
0x24a: {  	v14 =	vadd.f32 v14, v16;
	v20 =	vmul.f32 v19, v37;
	v21 =	vmul.f32 v23, v41  }
0x24b: {  	v61 =	vadd.f32 v24, v18;
	v23 =	vmul.f32 v9, v2;
	v16 =	vmul.f32 v6, v17  }
0x24c: {  	v18 =	vmul.f32 v9, v17;
	v9 =	vmul.f32 v9, v25;
	v19 =	vadd.f32 v22, v13  }
0x24d: {  	v17 =	vmul.f32 v27, v37;
	v26 =	vadd.f32 v29, v11;
	v62 =	vadd.f32 v34, v15  }
0x24e: {  	v11 =	vadd.f32 v12, v16;
	v31 =	vadd.f32 v31, v18;
	v12 =	vmul.f32 v30, v25  }
0x24f: {  	v18 =	vadd.f32 v57, v10;
	v10 =	vmul.f32 v4, v37;
	v16 =	vadd.f32 v35, v9  }
0x250: {  	v9 =	vmul.f32 v5, v41;
	v24 =	vadd.f32 v38, v20;
	v22 =	vadd.f32 v59, v21  }
0x251: {  	v20 =	vadd.f32 v23, v8;
	v15 =	vmul.f32 v28, v41;
	v21 =	vmul.f32 v6, v25  }
0x252: {  	v23 =	vadd.f32 v63, v12;
	v8 =	vadd.f32 v60, v10;
	v12 =	vmul.f32 v32, v25  }
0x253: {  	v7 =	vadd.f32 v7, v9;
	v13 =	vmul.f32 $2.000000030e-01, v26;
	v10 =	vmul.f32 $2.000000030e-01, v62  }
0x254: {  	s11 =	simm.s32 $0x0;
	s14 =	simm.s32 $0x7DF0;
	s10 =	simm.s32 $0x2CF0;
	v9 =	vadd.f32 v31, v21;
	v21 =	vmul.f32 $3.333333430e-01, v14;
	v14 =	vmul.f32 $3.333333430e-01, v61  }
.LBB2_20:
0x255: {  	v25 =	vld [tilespmem:s14+$0xFFFFFFA0];
	v16 =	vmul.f32 $2.000000030e-01, v16;
	v26 =	vmul.f32 $3.333333430e-01, v11  }
0x256: {  	v11 =	vmul.f32 $5.000000000e-01, v18;
	v18 =	vmul.f32 $1.666666720e-01, v24;
	s12 =	sadd.s32 $0x100, s12;
	v27 =	vld [tilespmem:s14+$0xFFFFFFC0]  }
0x257: {  	v19 =	vmul.f32 $5.000000000e-01, v19;
	v22 =	vmul.f32 $1.666666720e-01, v22;
	v24 =	vld [tilespmem:s12+$0xFFFFFFE0]  }
0x258: {  	s11 =	sadd.s32 $0x2, s11;
	v11 =	vadd.f32 v18, v11;
	v18 =	vmul.f32 $5.000000000e-01, v20;
	v20 =	vmul.f32 $1.666666720e-01, v23;
	v28 =	vld [tilespmem:s12+$0x0]  }
0x259: {  	v17 =	vmul.f32 $1.428571490e-01, v17;
	v15 =	vmul.f32 $1.428571490e-01, v15;
	p1 =	slt.u32 s11, $0x4E;
	v19 =	vadd.f32 v22, v19;
	v23 =	vld [tilespmem:s14+$0xFFFFFFE0]  }
0x25a: {  	v3 =	vmul.f32 v4, v3;
	v12 =	vmul.f32 $1.428571490e-01, v12;
	v4 =	vadd.f32 v20, v18;
	v22 =	vld [tilespmem:s12+$0xFFFFFFC0];
	[tilespmem:s10+$0xFFFFFF30] =	vst v11  }
0x25b: {  	v5 =	vmul.f32 v5, v1;
	v2 =	vmul.f32 v6, v2;
	v11 =	vadd.f32 v17, v21;
	v18 =	vld [tilespmem:s14+$0x0];
	[tilespmem:s10+$0xFFFFFF40] =	vst v19  }
0x25c: {  	v3 =	vadd.f32 v13, v3;
	v13 =	vadd.f32 v15, v14;
	v6 =	vld [tilespmem:s12+$0xFFFFFFA0];
	v17 =	vmul.f32 v24, v25;
	[tilespmem:s10+$0xFFFFFFB0] =	vst v4  }
0x25d: {  	v5 =	vadd.f32 v10, v5;
	v14 =	vmul.f32 v24, v27;
	v1 =	vld [tilespmem:s14+$0xFFFFFF20];
	v4 =	vmul.f32 v28, v25;
	[tilespmem:s10+$0xFFFFFF50] =	vst v11  }
0x25e: {  	v2 =	vadd.f32 v16, v2;
	v10 =	vmul.f32 v28, v27;
	v11 =	vld [tilespmem:s14+$0xFFFFFF30];
	v15 =	vmul.f32 v24, v23;
	[tilespmem:s10+$0xFFFFFF10] =	vst v3  }
0x25f: {  	v16 =	vld [tilespmem:s14+$0xFFFFFF40];
	v3 =	vmul.f32 v22, v27;
	v4 =	vadd.f32 v4, v14;
	v14 =	vmul.f32 v22, v23;
	[tilespmem:s10+$0xFFFFFF20] =	vst v5  }
0x260: {  	v20 =	vmul.f32 v28, v23;
	v5 =	vmul.f32 v22, v25;
	v19 =	vld [tilespmem:s14+$0xFFFFFF50];
	v15 =	vadd.f32 v10, v15;
	[tilespmem:s10+$0xFFFFFF60] =	vst v13  }
0x261: {  	v13 =	vld [tilespmem:s14+$0xFFFFFF60];
	v3 =	vadd.f32 v17, v3;
	v4 =	vadd.f32 v4, v14;
	v10 =	vmul.f32 v6, v18;
	[tilespmem:s10+$0xFFFFFF90] =	vst v2  }
0x262: {  	v12 =	vadd.f32 v12, v26;
	v2 =	vmul.f32 v6, v27;
	v17 =	vmul.f32 v6, v23;
	v14 =	vld [tilespmem:s12+$0xFFFFFF30]  }
0x263: {  	v22 =	vmul.f32 v22, v18;
	v23 =	vmul.f32 v24, v18;
	v21 =	vld [tilespmem:s12+$0xFFFFFF40];
	v4 =	vadd.f32 v4, v10  }
0x264: {  	v5 =	vadd.f32 v5, v2;
	v3 =	vadd.f32 v3, v17;
	v17 =	vmul.f32 v28, v18;
	v10 =	vld [tilespmem:s14+$0xFFFFFFF0];
	[tilespmem:s10+$0xFFFFFFD0] =	vst v12  }
0x265: {  	v12 =	vadd.f32 v15, v22;
	v15 =	vadd.f32 v20, v23;
	v2 =	vld [tilespmem:s14+$0xFFFFFF90];
	v4 =	vmul.f32 $2.500000000e-01, v4  }
0x266: {  	v5 =	vmul.f32 $5.000000000e-01, v5;
	v3 =	vmul.f32 $3.333333430e-01, v3;
	v18 =	vld [tilespmem:s14+$0xFFFFFFB0]  }
0x267: {  	v20 =	vmul.f32 v14, v11;
	v22 =	vmul.f32 v14, v19;
	v23 =	vld [tilespmem:s14+$0xFFFFFFD0];
	[tilespmem:s12+$0x0] =	vst v4  }
0x268: {  	v24 =	vld [tilespmem:s12+$0xFFFFFF50];
	v26 =	vmul.f32 v21, v1;
	v4 =	vmul.f32 v21, v16  }
0x269: {  	v12 =	vmul.f32 $2.000000030e-01, v12;
	v28 =	vmul.f32 v21, v13;
	v27 =	vld [tilespmem:s12+$0xFFFFFF60]  }
0x26a: {  	v17 =	vmul.f32 $1.428571490e-01, v17;
	v15 =	vmul.f32 $1.666666720e-01, v15;
	v29 =	vld [tilespmem:s12+$0xFFFFFF70]  }
0x26b: {  	v8 =	vmul.f32 $2.500000000e-01, v8;
	v6 =	vmul.f32 v6, v25;
	v30 =	vld [tilespmem:s12+$0xFFFFFF80]  }
0x26c: {  	v17 =	vadd.f32 v17, v3;
	v3 =	vmul.f32 $2.500000000e-01, v7;
	v7 =	vmul.f32 $2.500000000e-01, v9;
	v25 =	vld [tilespmem:s12+$0xFFFFFFB0]  }
0x26d: {  	v6 =	vadd.f32 v12, v6;
	v9 =	vmul.f32 v24, v11;
	v31 =	vmul.f32 v24, v19;
	v32 =	vld [tilespmem:s12+$0xFFFFFFD0];
	[tilespmem:s10+$0xFFFFFF70] =	vst v8  }
0x26e: {  	v5 =	vadd.f32 v15, v5;
	v8 =	vmul.f32 v27, v1;
	v12 =	vmul.f32 v27, v16;
	v33 =	vld [tilespmem:s12+$0xFFFFFFF0];
	[tilespmem:s10+$0xFFFFFF80] =	vst v3  }
0x26f: {  	v34 =	vmul.f32 v27, v13;
	v3 =	vld [tilespmem:s14+$0xFFFFFF10];
	v15 =	vmul.f32 v29, v11;
	[tilespmem:s12+$0xFFFFFFA0] =	vst v6  }
0x270: {  	v35 =	vld [tilespmem:s14+$0xFFFFFF70];
	v6 =	vmul.f32 v30, v1;
	v8 =	vadd.f32 v8, v4;
	v36 =	vmul.f32 v30, v16;
	[tilespmem:s12+$0xFFFFFFE0] =	vst v17  }
0x271: {  	v17 =	vmul.f32 v29, v19;
	v37 =	vld [tilespmem:s14+$0xFFFFFF80];
	v15 =	vadd.f32 v15, v31;
	v31 =	vmul.f32 v25, v18;
	[tilespmem:s10+$0xFFFFFFF0] =	vst v7;
	s10 =	smov.u32 s12  }
0x272: {  	v4 =	vld [tilespmem:s12+$0xFFFFFF10];
	v7 =	vadd.f32 v6, v12;
	v12 =	vmul.f32 v32, v2;
	v38 =	vmul.f32 v32, v18;
	[tilespmem:s12+$0xFFFFFFC0] =	vst v5  }
0x273: {  	v34 =	vadd.f32 v36, v34;
	v5 =	vld [tilespmem:s12+$0xFFFFFF20];
	v36 =	vmul.f32 v33, v2;
	v39 =	vmul.f32 v33, v18  }
0x274: {  	v40 =	vmul.f32 v24, v3;
	v41 =	vmul.f32 v29, v3;
	v6 =	vld [tilespmem:s12+$0xFFFFFF90];
	v12 =	vadd.f32 v12, v31  }
0x275: {  	v31 =	vmul.f32 v14, v3;
	v36 =	vadd.f32 v36, v38;
	v38 =	vmul.f32 v32, v23  }
0x276: {  	v20 =	vadd.f32 v40, v20;
	v9 =	vadd.f32 v41, v9;
	v40 =	vmul.f32 v30, v13  }
0x277: {  	v41 =	vmul.f32 v4, v11;
	v11 =	vmul.f32 v4, v19;
	v19 =	vadd.f32 v39, v38  }
0x278: {  	v38 =	vmul.f32 v5, v16;
	v13 =	vmul.f32 v5, v13;
	v9 =	vadd.f32 v9, v22  }
0x279: {  	v39 =	vadd.f32 v20, v11;
	v11 =	vmul.f32 v14, v35;
	v14 =	vmul.f32 v21, v37  }
0x27a: {  	v42 =	vadd.f32 v8, v13;
	v8 =	vmul.f32 v24, v35;
	v13 =	vmul.f32 v27, v37  }
0x27b: {  	v7 =	vadd.f32 v7, v28;
	v20 =	vmul.f32 v25, v2;
	v21 =	vmul.f32 v6, v18  }
0x27c: {  	v27 =	vadd.f32 v15, v11;
	v11 =	vmul.f32 v6, v23;
	v15 =	vmul.f32 v25, v23  }
0x27d: {  	v16 =	vmul.f32 v25, v10;
	v14 =	vadd.f32 v34, v14;
	v23 =	vmul.f32 v33, v23  }
0x27e: {  	v11 =	vadd.f32 v12, v11;
	v25 =	vadd.f32 v36, v15;
	v12 =	vmul.f32 v32, v10  }
0x27f: {  	v28 =	vmul.f32 v4, v35;
	v18 =	vadd.f32 v31, v41;
	v16 =	vadd.f32 v19, v16  }
0x280: {  	v19 =	vadd.f32 v26, v38;
	v26 =	vmul.f32 v5, v37;
	v24 =	vadd.f32 v17, v8  }
.Ltmp12:
0x281: {  	v20 =	vadd.f32 v20, v21;
	v22 =	vadd.f32 v40, v13;
	v17 =	vmul.f32 v29, v35;
	(pc) =	sbr.rel @p1 .LBB2_20-.Ltmp12, $4  }
0x282: {  	v21 =	vmul.f32 v6, v10;
	v15 =	vmul.f32 v30, v37;
	v23 =	vadd.f32 v23, v12  }
0x283: {  	v8 =	vadd.f32 v9, v28;
	v7 =	vadd.f32 v7, v26;
	v12 =	vmul.f32 v33, v10  }
0x284: {  	v13 =	vmul.f32 $2.000000030e-01, v27;
	v10 =	vmul.f32 $2.000000030e-01, v14;
	v9 =	vadd.f32 v25, v21  }
0x285: {  	s14 =	sadd.s32 $0x100, s14;
	v21 =	vmul.f32 $3.333333430e-01, v39;
	v14 =	vmul.f32 $3.333333430e-01, v42  }
0x286: {  	v18 =	vmul.f32 $5.000000000e-01, v18;
	v24 =	vmul.f32 $1.666666720e-01, v24  }
0x287: {  	v19 =	vmul.f32 $5.000000000e-01, v19;
	v22 =	vmul.f32 $1.666666720e-01, v22  }
0x288: {  	v20 =	vmul.f32 $5.000000000e-01, v20;
	v23 =	vmul.f32 $1.666666720e-01, v23;
	v18 =	vadd.f32 v24, v18  }
0x289: {  	v17 =	vmul.f32 $1.428571490e-01, v17;
	v19 =	vadd.f32 v22, v19  }
0x28a: {  	v3 =	vmul.f32 v4, v3;
	v58 =	vadd.f32 v23, v20;
	[tilespmem:s10+$0xFFFFFF30] =	vst v18  }
0x28b: {  	v1 =	vmul.f32 v5, v1;
	v59 =	vadd.f32 v17, v21;
	[tilespmem:s10+$0xFFFFFF40] =	vst v19  }
0x28c: {  	v15 =	vmul.f32 $1.428571490e-01, v15;
	v3 =	vadd.f32 v13, v3;
	[tilespmem:s10+$0xFFFFFFB0] =	vst v58  }
0x28d: {  	v60 =	vmul.f32 $2.000000030e-01, v16;
	v2 =	vmul.f32 v6, v2;
	v1 =	vadd.f32 v10, v1;
	[tilespmem:s10+$0xFFFFFF50] =	vst v59  }
0x28e: {  	v61 =	vmul.f32 $3.333333430e-01, v11;
	v62 =	vmul.f32 $1.428571490e-01, v12;
	v63 =	vadd.f32 v15, v14;
	[tilespmem:s10+$0xFFFFFF10] =	vst v3  }
0x28f: {  	v2 =	vadd.f32 v60, v2;
	[tilespmem:s10+$0xFFFFFF20] =	vst v1  }
0x290: {  	[tilespmem:s10+$0xFFFFFF60] =	vst v63;
	v1 =	vadd.f32 v62, v61  }
0x291: {  	[tilespmem:s10+$0xFFFFFF90] =	vst v2;
	v2 =	vmul.f32 $2.500000000e-01, v8  }
.Ltmp13:
0x292: {  	v3 =	vmul.f32 $2.500000000e-01, v9;
	[tilespmem:s10+$0xFFFFFFD0] =	vst v1;
	(pc) =	sbr.rel .LBB2_22-.Ltmp13, $4  }
0x293: {  	v1 =	vmul.f32 $2.500000000e-01, v7;
	[tilespmem:s10+$0xFFFFFF70] =	vst v2  }
0x294: {  	[tilespmem:s10+$0xFFFFFFF0] =	vst v3  }
0x295: {  	s20 =	simm.s32 $0x380;
	[tilespmem:s10+$0xFFFFFF80] =	vst v1  }
0x296: {  	[spmem:s6] =	stream.indirect.scatter.add.f32 [tilespmem:s30], [sflag:$0xA], $0x80, s20, s24, $0xb8;
	[tilespmem:$0x1DC80] =	vst v63  }
.LBB2_23:
0x297: {  	s10 =	stileid.u32;
	[bflag:$0x0] =	sbarrier.arrive $0xFFFF  }
.Ltmp14:
0x298: {  	s10 =	sshll.u32 s10, $0x6;
	s12 =	rddreg [dreg:$0xe];
	(pc) =	sbr.rel @!p0 .LBB2_25-.Ltmp14, $4  }
0x299: {  	s13 =	rddreg [dreg:$0xf];
	s10 =	sor.u32 $0x1C01, s10;
	s11 =	sshrl.u32 s12, $0x3  }
0x29a: {  	[hbm:s13], [sflag:s10] =	dma.local [spmem:s11], $0x500  }
0x29b: {  	s11 =	rddreg [dreg:$0xc]  }
0x29c: {  	s12 =	sadd.s32 $0x28000, s12;
	s11 =	sadd.s32 $0xFFFFFFFF, s11  }
.LBB2_24:
0x29d: {  	p1 =	sne.s32 s11, $0x1;
	s11 =	sadd.s32 $0xFFFFFFFF, s11  }
.Ltmp15:
0x29e: {  	s14 =	sshrl.u32 s12, $0x3;
	s13 =	sadd.s32 $0x5000, s13;
	(pc) =	sbr.rel @p1 .LBB2_24-.Ltmp15, $3  }
0x29f: {  	[hbm:s13], [sflag:s10] =	dma.local [spmem:s14], $0x500  }
0x2a0: {  	_ =	sdelay $0x1  }
0x2a1: {  	s12 =	sadd.s32 $0x28000, s12  }
.LBB2_25:
.Ltmp16:
0x2a2: {  	(pc) =	sbr.rel @!p0 .LBB2_27-.Ltmp16, $4  }
0x2a3: {  	_ = 	snop  }
0x2a4: {  	_ =	swait.ge [sflag:s22], $0x500  }
0x2a5: {  	s10 =	rddreg [dreg:$0xc]  }
0x2a6: {  	[sflag:s22] =	ssyncset.done $0x0;
	s10 =	sadd.s32 $0xFFFFFFFF, s10  }
.LBB2_26:
0x2a7: {  	p0 =	sne.s32 s10, $0x1;
	s10 =	sadd.s32 $0xFFFFFFFF, s10;
	[sflag:s22] =	ssyncadd.s32 $0xFFFFFB00  }
.Ltmp17:
0x2a8: {  	(pc) =	sbr.rel @p0 .LBB2_26-.Ltmp17, $3  }
0x2a9: {  	_ =	sdelay $0x1  }
0x2aa: {  	_ =	swait.ge [sflag:s22], $0x500  }
0x2ab: {  	[sflag:s22] =	ssyncset.done $0x0  }
.LBB2_27:
0x2ac: {  	s11 =	rddreg [dreg:$0x10]  }
0x2ad: {  	s10 =	rddreg [dreg:$0xd];
	s11 =	sadd.s32 $0x1, s11  }
0x2ae: {  	p0 =	sne.s32 s11, s10  }
.Ltmp18:
0x2af: {  	_ = 	snop;
	(pc) =	sbr.rel @p0 .LBB2_1-.Ltmp18, $2  }
0x2b0: {  	_ =	sdelay $0x2  }
0x2b1: {  	[sflag:s22] =	ssyncadd.s32 $0xFFFFFB00  }
0x2b2: {  	_ =	sfence.sel $0x180000  }
0x2b3: {  	[bflag:$0x0] =	sbarrier.arrive $0xFFFF  }
0x2b4: {  	_ =	strace $0x90000047  }
0x2b5: {  	s0 =	stileid.u32;
	[bflag:$0x2] =	sbarrier.arrive $0xFFFF  }
0x2b6: {  	p0 =	sne.s32 s0, $0x0;
	s0 =	rddreg [dreg:$0x6]  }
0x2b7: {  	s0 =	sadd.s32 @!p0 $0x100000, s0  }
0x2b8: {  	[sflag:s0] =	ssyncadd.tile.s32 @!p0 $0x1;
	_ =	shalt  }
.Lfunc_end2:
_tile_overlayer_lowered:
.L_overlay_start_2:
0x2b9: {  	(tag) =	ssettag $0x2  }
0x2ba: {  	s0 =	rddreg [dreg:$0x0];
	s2 =	stileid.u32  }
0x2bb: {  	s1 =	rddreg [dreg:$0x1];
	p0 =	sne.s32 s2, $0x0  }
0x2bc: {  	s3 =	rddreg [dreg:$0x2];
	[bflag:$0x3] =	sbarrier.arrive $0xFFFF;
	s2 =	simm.s32 @!p0 $0x1C0B  }
0x2bd: {  	[timem:s3], [sflag:s2] =	dma.local @!p0 [hbm:s0], s1  }
0x2be: {  	s0 =	simm.s32 @!p0 $0xB  }
0x2bf: {  	_ =	swait.ge @!p0 [sflag:s0], s1  }
0x2c0: {  	s1 =	ssub.s32 @!p0 $0x0, s1;
	[sflag:s0] =	ssyncset.done @!p0 $0x0  }
0x2c1: {  	[sflag:s0] =	ssyncadd.s32 @!p0 s1  }
0x2c2: {  	[bflag:$0x3] =	sbarrier.arrive $0xFFFF  }
0x2c3: {  	_ =	shalt  }

</sc_bundles>
